<compile_context>
chip_gen: v7x
topology: tpu7x:2x2x1
jax: 0.10.2.dev20260603
libtpu: 0.0.44.dev20260713+nightly
codegen_flags: <defaults>
</compile_context>

<pallas_src>
import functools

import jax
import jax.numpy as jnp
from jax import lax
from jax.experimental import pallas as pl
from jax.experimental.pallas import tpu as pltpu
from jax.experimental.pallas import tpu_sc as plsc

_NC, _NS = 2, 16
_NW = _NC * _NS
_ROWS, _COLS, _OUTC = 16384, 2048, 128
_STRIDE = _COLS // _OUTC
_R = 4
_ROWS_W = _ROWS // _NW
_CHUNKS = _ROWS_W // _R
_NBUF = 8
assert _CHUNKS % _NBUF == 0

_mesh = plsc.VectorSubcoreMesh(core_axis_name="c", subcore_axis_name="s")


@functools.partial(
    pl.kernel,
    out_type=jax.ShapeDtypeStruct((_ROWS, _OUTC), jnp.float32),
    mesh=_mesh,
    scratch_types=[
        [pltpu.VMEM((_R, _COLS), jnp.float32) for _ in range(_NBUF)],
        [pltpu.VMEM((_R, _OUTC), jnp.float32) for _ in range(_NBUF)],
        [pltpu.SemaphoreType.DMA for _ in range(_NBUF)],
        [pltpu.SemaphoreType.DMA for _ in range(_NBUF)],
    ],
    compiler_params=pltpu.CompilerParams(needs_layout_passes=False),
)
def _select_sc(x_hbm, out_hbm, xins, youts, sis, sos):
    wid = lax.axis_index("s") * _NC + lax.axis_index("c")
    row0 = wid * _ROWS_W
    lane = lax.iota(jnp.int32, 16)
    col_sel = lane * _STRIDE

    def in_slice(g):
        return x_hbm.at[pl.ds(row0 + g * _R, _R), :]

    def out_slice(g):
        return out_hbm.at[pl.ds(row0 + g * _R, _R), :]

    for b in range(_NBUF - 1):
        pltpu.async_copy(in_slice(b), xins[b], sis[b])

    def body(h, carry):
        for b in range(_NBUF):
            g = h * _NBUF + b
            pltpu.make_async_copy(in_slice(g), xins[b], sis[b]).wait()

            @pl.when(g + _NBUF - 1 < _CHUNKS)
            def _():
                nb = (b + _NBUF - 1) % _NBUF
                pltpu.async_copy(in_slice(g + _NBUF - 1), xins[nb], sis[nb])

            @pl.when(g >= _NBUF)
            def _():
                pltpu.make_async_copy(youts[b], out_slice(g - _NBUF), sos[b]).wait()

            for r in range(_R):
                rvec = jnp.full((16,), r, jnp.int32)
                for v in range(_OUTC // 16):
                    idx_col = col_sel + (v * 16 * _STRIDE)
                    youts[b][r, pl.ds(v * 16, 16)] = plsc.load_gather(
                        xins[b], [rvec, idx_col]
                    )

            pltpu.async_copy(youts[b], out_slice(g), sos[b])
        return carry

    lax.fori_loop(0, _CHUNKS // _NBUF, body, 0)

    for b in range(_NBUF):
        g = _CHUNKS - _NBUF + b
        pltpu.make_async_copy(youts[b], out_slice(g), sos[b]).wait()


def kernel(x):
    return _select_sc(x)

# --- scband reference (transcript-rebuilt; emitter-appended) ---
"""Pipeline reference for scband-select-features-2199023255628 (READ-ONLY COPY).

The authoritative reference and input builder live on the scoring server;
editing this copy changes nothing except your own understanding.
"""

import jax, jax.numpy as jnp
import numpy as np

INDICES = jnp.asarray(np.arange(0, 2048, 16), dtype=jnp.int32)  # 128 selected feature columns, matches init_kwargs


def setup_inputs(seed: int = 0) -> dict:
    key = jax.random.key(seed)
    x = jax.random.normal(key, (16384, 2048), dtype=jnp.float32)
    return {"x": x}


def reference(x):
    # SelectFeatures.call: tf.gather(x, self.indices, axis=-1)
    return jnp.take(x, INDICES, axis=-1)

if __name__ == "__main__":
    import jax
    _d = setup_inputs()
    print(jax.jit(kernel)(*tuple(_d.values())))

</pallas_src>

<mosaic_0001>
#map = affine_map<(d0, d1) -> (0, 0)>
module attributes {stable_mosaic.version = 14 : i64} {
  func.func @_select_sc(%arg0: i32, %arg1: i32, %arg2: memref<16384x2048xf32, #tpu.memory_space<hbm>>, %arg3: memref<16384x128xf32, #tpu.memory_space<hbm>>, %arg4: memref<4x2048xf32, #tpu.memory_space<vmem>>, %arg5: memref<4x2048xf32, #tpu.memory_space<vmem>>, %arg6: memref<4x2048xf32, #tpu.memory_space<vmem>>, %arg7: memref<4x2048xf32, #tpu.memory_space<vmem>>, %arg8: memref<4x2048xf32, #tpu.memory_space<vmem>>, %arg9: memref<4x2048xf32, #tpu.memory_space<vmem>>, %arg10: memref<4x2048xf32, #tpu.memory_space<vmem>>, %arg11: memref<4x2048xf32, #tpu.memory_space<vmem>>, %arg12: memref<4x128xf32, #tpu.memory_space<vmem>>, %arg13: memref<4x128xf32, #tpu.memory_space<vmem>>, %arg14: memref<4x128xf32, #tpu.memory_space<vmem>>, %arg15: memref<4x128xf32, #tpu.memory_space<vmem>>, %arg16: memref<4x128xf32, #tpu.memory_space<vmem>>, %arg17: memref<4x128xf32, #tpu.memory_space<vmem>>, %arg18: memref<4x128xf32, #tpu.memory_space<vmem>>, %arg19: memref<4x128xf32, #tpu.memory_space<vmem>>, %arg20: memref<!tpu.dma_semaphore, #tpu.memory_space<semaphore_mem>>, %arg21: memref<!tpu.dma_semaphore, #tpu.memory_space<semaphore_mem>>, %arg22: memref<!tpu.dma_semaphore, #tpu.memory_space<semaphore_mem>>, %arg23: memref<!tpu.dma_semaphore, #tpu.memory_space<semaphore_mem>>, %arg24: memref<!tpu.dma_semaphore, #tpu.memory_space<semaphore_mem>>, %arg25: memref<!tpu.dma_semaphore, #tpu.memory_space<semaphore_mem>>, %arg26: memref<!tpu.dma_semaphore, #tpu.memory_space<semaphore_mem>>, %arg27: memref<!tpu.dma_semaphore, #tpu.memory_space<semaphore_mem>>, %arg28: memref<!tpu.dma_semaphore, #tpu.memory_space<semaphore_mem>>, %arg29: memref<!tpu.dma_semaphore, #tpu.memory_space<semaphore_mem>>, %arg30: memref<!tpu.dma_semaphore, #tpu.memory_space<semaphore_mem>>, %arg31: memref<!tpu.dma_semaphore, #tpu.memory_space<semaphore_mem>>, %arg32: memref<!tpu.dma_semaphore, #tpu.memory_space<semaphore_mem>>, %arg33: memref<!tpu.dma_semaphore, #tpu.memory_space<semaphore_mem>>, %arg34: memref<!tpu.dma_semaphore, #tpu.memory_space<semaphore_mem>>, %arg35: memref<!tpu.dma_semaphore, #tpu.memory_space<semaphore_mem>>) attributes {dimension_semantics = [#tpu.dimension_semantics<core_parallel>, #tpu.dimension_semantics<subcore_parallel>], iteration_bounds = array<i64: 2, 16>, scalar_prefetch = 0 : i64, scratch_operands = 32 : i64, tpu.core_type = #tpu.core_type<sc_vector_subcore>, window_params = [{transform_indices = #map}, {transform_indices = #map}]} {
    %mul3A = arith.constant 2 : i32
    %mul3A_0 = arith.muli %arg1, %mul3A : i32
    %add3A = arith.addi %mul3A_0, %arg0 : i32
    %mul3A_1 = arith.constant 512 : i32
    %mul3A_2 = arith.muli %add3A, %mul3A_1 : i32
    %iota3A = tpu.iota {dimensions = array<i32: 0>} : vector<16xi32>
    %mul3A_3 = arith.constant 16 : i32
    %mul3A_4 = vector.broadcast %mul3A_3 : i32 to vector<16xi32>
    %mul3A_5 = arith.muli %iota3A, %mul3A_4 : vector<16xi32>
    %add3A_6 = arith.constant 0 : i32
    %add3A_7 = arith.addi %mul3A_2, %add3A_6 : i32
    %dma_start3A = arith.constant 0 : i32
    %dma_start3A_8 = tpu.memref_slice %arg2[%add3A_7, %dma_start3A] : memref<16384x2048xf32, #tpu.memory_space<hbm>> -> memref<4x2048xf32, #tpu.memory_space<hbm>>
    %dma_start3A_9 = arith.constant 0 : i32
    %dma_start3A_10 = tpu.memref_slice %arg2[%add3A_7, %dma_start3A_9] : memref<16384x2048xf32, #tpu.memory_space<hbm>> -> memref<4x2048xf32, #tpu.memory_space<hbm>>
    tpu.enqueue_dma source(%dma_start3A_10 : memref<4x2048xf32, #tpu.memory_space<hbm>>) target(%arg4 : memref<4x2048xf32, #tpu.memory_space<vmem>>) target_semaphore(%arg20 : memref<!tpu.dma_semaphore, #tpu.memory_space<semaphore_mem>>)
    %add3A_11 = arith.constant 4 : i32
    %add3A_12 = arith.addi %mul3A_2, %add3A_11 : i32
    %dma_start3A_13 = arith.constant 0 : i32
    %dma_start3A_14 = tpu.memref_slice %arg2[%add3A_12, %dma_start3A_13] : memref<16384x2048xf32, #tpu.memory_space<hbm>> -> memref<4x2048xf32, #tpu.memory_space<hbm>>
    %dma_start3A_15 = arith.constant 0 : i32
    %dma_start3A_16 = tpu.memref_slice %arg2[%add3A_12, %dma_start3A_15] : memref<16384x2048xf32, #tpu.memory_space<hbm>> -> memref<4x2048xf32, #tpu.memory_space<hbm>>
    tpu.enqueue_dma source(%dma_start3A_16 : memref<4x2048xf32, #tpu.memory_space<hbm>>) target(%arg5 : memref<4x2048xf32, #tpu.memory_space<vmem>>) target_semaphore(%arg21 : memref<!tpu.dma_semaphore, #tpu.memory_space<semaphore_mem>>)
    %add3A_17 = arith.constant 8 : i32
    %add3A_18 = arith.addi %mul3A_2, %add3A_17 : i32
    %dma_start3A_19 = arith.constant 0 : i32
    %dma_start3A_20 = tpu.memref_slice %arg2[%add3A_18, %dma_start3A_19] : memref<16384x2048xf32, #tpu.memory_space<hbm>> -> memref<4x2048xf32, #tpu.memory_space<hbm>>
    %dma_start3A_21 = arith.constant 0 : i32
    %dma_start3A_22 = tpu.memref_slice %arg2[%add3A_18, %dma_start3A_21] : memref<16384x2048xf32, #tpu.memory_space<hbm>> -> memref<4x2048xf32, #tpu.memory_space<hbm>>
    tpu.enqueue_dma source(%dma_start3A_22 : memref<4x2048xf32, #tpu.memory_space<hbm>>) target(%arg6 : memref<4x2048xf32, #tpu.memory_space<vmem>>) target_semaphore(%arg22 : memref<!tpu.dma_semaphore, #tpu.memory_space<semaphore_mem>>)
    %add3A_23 = arith.constant 12 : i32
    %add3A_24 = arith.addi %mul3A_2, %add3A_23 : i32
    %dma_start3A_25 = arith.constant 0 : i32
    %dma_start3A_26 = tpu.memref_slice %arg2[%add3A_24, %dma_start3A_25] : memref<16384x2048xf32, #tpu.memory_space<hbm>> -> memref<4x2048xf32, #tpu.memory_space<hbm>>
    %dma_start3A_27 = arith.constant 0 : i32
    %dma_start3A_28 = tpu.memref_slice %arg2[%add3A_24, %dma_start3A_27] : memref<16384x2048xf32, #tpu.memory_space<hbm>> -> memref<4x2048xf32, #tpu.memory_space<hbm>>
    tpu.enqueue_dma source(%dma_start3A_28 : memref<4x2048xf32, #tpu.memory_space<hbm>>) target(%arg7 : memref<4x2048xf32, #tpu.memory_space<vmem>>) target_semaphore(%arg23 : memref<!tpu.dma_semaphore, #tpu.memory_space<semaphore_mem>>)
    %add3A_29 = arith.constant 16 : i32
    %add3A_30 = arith.addi %mul3A_2, %add3A_29 : i32
    %dma_start3A_31 = arith.constant 0 : i32
    %dma_start3A_32 = tpu.memref_slice %arg2[%add3A_30, %dma_start3A_31] : memref<16384x2048xf32, #tpu.memory_space<hbm>> -> memref<4x2048xf32, #tpu.memory_space<hbm>>
    %dma_start3A_33 = arith.constant 0 : i32
    %dma_start3A_34 = tpu.memref_slice %arg2[%add3A_30, %dma_start3A_33] : memref<16384x2048xf32, #tpu.memory_space<hbm>> -> memref<4x2048xf32, #tpu.memory_space<hbm>>
    tpu.enqueue_dma source(%dma_start3A_34 : memref<4x2048xf32, #tpu.memory_space<hbm>>) target(%arg8 : memref<4x2048xf32, #tpu.memory_space<vmem>>) target_semaphore(%arg24 : memref<!tpu.dma_semaphore, #tpu.memory_space<semaphore_mem>>)
    %add3A_35 = arith.constant 20 : i32
    %add3A_36 = arith.addi %mul3A_2, %add3A_35 : i32
    %dma_start3A_37 = arith.constant 0 : i32
    %dma_start3A_38 = tpu.memref_slice %arg2[%add3A_36, %dma_start3A_37] : memref<16384x2048xf32, #tpu.memory_space<hbm>> -> memref<4x2048xf32, #tpu.memory_space<hbm>>
    %dma_start3A_39 = arith.constant 0 : i32
    %dma_start3A_40 = tpu.memref_slice %arg2[%add3A_36, %dma_start3A_39] : memref<16384x2048xf32, #tpu.memory_space<hbm>> -> memref<4x2048xf32, #tpu.memory_space<hbm>>
    tpu.enqueue_dma source(%dma_start3A_40 : memref<4x2048xf32, #tpu.memory_space<hbm>>) target(%arg9 : memref<4x2048xf32, #tpu.memory_space<vmem>>) target_semaphore(%arg25 : memref<!tpu.dma_semaphore, #tpu.memory_space<semaphore_mem>>)
    %add3A_41 = arith.constant 24 : i32
    %add3A_42 = arith.addi %mul3A_2, %add3A_41 : i32
    %dma_start3A_43 = arith.constant 0 : i32
    %dma_start3A_44 = tpu.memref_slice %arg2[%add3A_42, %dma_start3A_43] : memref<16384x2048xf32, #tpu.memory_space<hbm>> -> memref<4x2048xf32, #tpu.memory_space<hbm>>
    %dma_start3A_45 = arith.constant 0 : i32
    %dma_start3A_46 = tpu.memref_slice %arg2[%add3A_42, %dma_start3A_45] : memref<16384x2048xf32, #tpu.memory_space<hbm>> -> memref<4x2048xf32, #tpu.memory_space<hbm>>
    tpu.enqueue_dma source(%dma_start3A_46 : memref<4x2048xf32, #tpu.memory_space<hbm>>) target(%arg10 : memref<4x2048xf32, #tpu.memory_space<vmem>>) target_semaphore(%arg26 : memref<!tpu.dma_semaphore, #tpu.memory_space<semaphore_mem>>)
    %scan3A = arith.constant 0 : i32
    %scan3A_47 = arith.constant 0 : i32
    %scan3A_48 = arith.constant 16 : i32
    %scan3A_49 = arith.addi %scan3A_47, %scan3A_48 : i32
    %scan3A_50 = arith.constant 1 : i32
    scf.for %scan3A_99 = %scan3A_47 to %scan3A_49 step %scan3A_50  : i32 {
      %mul3A_100 = arith.constant 8 : i32
      %mul3A_101 = arith.muli %scan3A_99, %mul3A_100 : i32
      %add3A_102 = arith.constant 0 : i32
      %add3A_103 = arith.addi %mul3A_101, %add3A_102 : i32
      %mul3A_104 = arith.constant 4 : i32
      %mul3A_105 = arith.muli %add3A_103, %mul3A_104 : i32
      %add3A_106 = arith.addi %mul3A_2, %mul3A_105 : i32
      %dma_wait3A_107 = arith.constant 0 : i32
      %dma_wait3A_108 = tpu.memref_slice %arg2[%add3A_106, %dma_wait3A_107] : memref<16384x2048xf32, #tpu.memory_space<hbm>> -> memref<4x2048xf32, #tpu.memory_space<hbm>>
      %dma_wait3A_109 = arith.constant 0 : i32
      %dma_wait3A_110 = tpu.memref_slice %arg2[%add3A_106, %dma_wait3A_109] : memref<16384x2048xf32, #tpu.memory_space<hbm>> -> memref<4x2048xf32, #tpu.memory_space<hbm>>
      tpu.wait_dma2 semaphore(%arg20 : memref<!tpu.dma_semaphore, #tpu.memory_space<semaphore_mem>>) src(%dma_wait3A_110 : memref<4x2048xf32, #tpu.memory_space<hbm>>) dst(%arg4 : memref<4x2048xf32, #tpu.memory_space<vmem>>)
      %add3A_111 = arith.constant 8 : i32
      %add3A_112 = arith.addi %add3A_103, %add3A_111 : i32
      %sub3A = arith.constant 1 : i32
      %sub3A_113 = arith.subi %add3A_112, %sub3A : i32
      %lt3A = arith.constant 128 : i32
      %lt3A_114 = arith.cmpi slt, %sub3A_113, %lt3A : i32
      %convert_element_type3A = arith.extui %lt3A_114 : i1 to i32
      %cond3A = arith.constant 0 : i32
      %cond3A_115 = arith.cmpi ne, %convert_element_type3A, %cond3A : i32
      scf.if %cond3A_115 {
        %add3A_2460 = arith.constant 8 : i32
        %add3A_2461 = arith.addi %add3A_103, %add3A_2460 : i32
        %sub3A_2462 = arith.constant 1 : i32
        %sub3A_2463 = arith.subi %add3A_2461, %sub3A_2462 : i32
        %mul3A_2464 = arith.constant 4 : i32
        %mul3A_2465 = arith.muli %sub3A_2463, %mul3A_2464 : i32
        %add3A_2466 = arith.addi %mul3A_2, %mul3A_2465 : i32
        %dma_start3A_2467 = arith.constant 0 : i32
        %dma_start3A_2468 = tpu.memref_slice %arg2[%add3A_2466, %dma_start3A_2467] : memref<16384x2048xf32, #tpu.memory_space<hbm>> -> memref<4x2048xf32, #tpu.memory_space<hbm>>
        %dma_start3A_2469 = arith.constant 0 : i32
        %dma_start3A_2470 = tpu.memref_slice %arg2[%add3A_2466, %dma_start3A_2469] : memref<16384x2048xf32, #tpu.memory_space<hbm>> -> memref<4x2048xf32, #tpu.memory_space<hbm>>
        tpu.enqueue_dma source(%dma_start3A_2470 : memref<4x2048xf32, #tpu.memory_space<hbm>>) target(%arg11 : memref<4x2048xf32, #tpu.memory_space<vmem>>) target_semaphore(%arg27 : memref<!tpu.dma_semaphore, #tpu.memory_space<semaphore_mem>>)
      } else {
      }
      %ge3A = arith.constant 8 : i32
      %ge3A_116 = arith.cmpi sge, %add3A_103, %ge3A : i32
      %convert_element_type3A_117 = arith.extui %ge3A_116 : i1 to i32
      %cond3A_118 = arith.constant 0 : i32
      %cond3A_119 = arith.cmpi ne, %convert_element_type3A_117, %cond3A_118 : i32
      scf.if %cond3A_119 {
        %sub3A_2460 = arith.constant 8 : i32
        %sub3A_2461 = arith.subi %add3A_103, %sub3A_2460 : i32
        %mul3A_2462 = arith.constant 4 : i32
        %mul3A_2463 = arith.muli %sub3A_2461, %mul3A_2462 : i32
        %add3A_2464 = arith.addi %mul3A_2, %mul3A_2463 : i32
        %dma_wait3A_2465 = arith.constant 0 : i32
        %dma_wait3A_2466 = tpu.memref_slice %arg3[%add3A_2464, %dma_wait3A_2465] : memref<16384x128xf32, #tpu.memory_space<hbm>> -> memref<4x128xf32, #tpu.memory_space<hbm>>
        %dma_wait3A_2467 = arith.constant 0 : i32
        %dma_wait3A_2468 = tpu.memref_slice %arg3[%add3A_2464, %dma_wait3A_2467] : memref<16384x128xf32, #tpu.memory_space<hbm>> -> memref<4x128xf32, #tpu.memory_space<hbm>>
        tpu.wait_dma2 semaphore(%arg28 : memref<!tpu.dma_semaphore, #tpu.memory_space<semaphore_mem>>) src(%arg12 : memref<4x128xf32, #tpu.memory_space<vmem>>) dst(%dma_wait3A_2468 : memref<4x128xf32, #tpu.memory_space<hbm>>)
      } else {
      }
      %broadcast_in_dim3A = arith.constant 0 : i32
      %broadcast_in_dim3A_120 = vector.broadcast %broadcast_in_dim3A : i32 to vector<16xi32>
      %add3A_121 = arith.constant 0 : i32
      %add3A_122 = vector.broadcast %add3A_121 : i32 to vector<16xi32>
      %add3A_123 = arith.addi %mul3A_5, %add3A_122 : vector<16xi32>
      %gather3A = tpu.vector_load_idx %arg4[%broadcast_in_dim3A_120, %add3A_123] : memref<4x2048xf32, #tpu.memory_space<vmem>>[vector<16xi32>, vector<16xi32>], vector<16xf32>,
      %swap3A = arith.constant 0 : i32
      %swap3A_124 = arith.index_cast %swap3A : i32 to index
      %swap3A_125 = arith.constant 0 : index
      %swap3A_126 = tpu.vector_load %arg12[%swap3A_124, %swap3A_125] {strides = array<i32>} : memref<4x128xf32, #tpu.memory_space<vmem>>, vector<16xf32>,
      tpu.vector_store %arg12[%swap3A_124, %swap3A_125], %gather3A {strides = array<i32>} : memref<4x128xf32, #tpu.memory_space<vmem>>, vector<16xf32>,
      %add3A_127 = arith.constant 256 : i32
      %add3A_128 = vector.broadcast %add3A_127 : i32 to vector<16xi32>
      %add3A_129 = arith.addi %mul3A_5, %add3A_128 : vector<16xi32>
      %gather3A_130 = tpu.vector_load_idx %arg4[%broadcast_in_dim3A_120, %add3A_129] : memref<4x2048xf32, #tpu.memory_space<vmem>>[vector<16xi32>, vector<16xi32>], vector<16xf32>,
      %swap3A_131 = arith.constant 0 : i32
      %swap3A_132 = arith.index_cast %swap3A_131 : i32 to index
      %swap3A_133 = arith.constant 16 : index
      %swap3A_134 = tpu.vector_load %arg12[%swap3A_132, %swap3A_133] {strides = array<i32>} : memref<4x128xf32, #tpu.memory_space<vmem>>, vector<16xf32>,
      tpu.vector_store %arg12[%swap3A_132, %swap3A_133], %gather3A_130 {strides = array<i32>} : memref<4x128xf32, #tpu.memory_space<vmem>>, vector<16xf32>,
      %add3A_135 = arith.constant 512 : i32
      %add3A_136 = vector.broadcast %add3A_135 : i32 to vector<16xi32>
      %add3A_137 = arith.addi %mul3A_5, %add3A_136 : vector<16xi32>
      %gather3A_138 = tpu.vector_load_idx %arg4[%broadcast_in_dim3A_120, %add3A_137] : memref<4x2048xf32, #tpu.memory_space<vmem>>[vector<16xi32>, vector<16xi32>], vector<16xf32>,
      %swap3A_139 = arith.constant 0 : i32
      %swap3A_140 = arith.index_cast %swap3A_139 : i32 to index
      %swap3A_141 = arith.constant 32 : index
      %swap3A_142 = tpu.vector_load %arg12[%swap3A_140, %swap3A_141] {strides = array<i32>} : memref<4x128xf32, #tpu.memory_space<vmem>>, vector<16xf32>,
      tpu.vector_store %arg12[%swap3A_140, %swap3A_141], %gather3A_138 {strides = array<i32>} : memref<4x128xf32, #tpu.memory_space<vmem>>, vector<16xf32>,
      %add3A_143 = arith.constant 768 : i32
      %add3A_144 = vector.broadcast %add3A_143 : i32 to vector<16xi32>
      %add3A_145 = arith.addi %mul3A_5, %add3A_144 : vector<16xi32>
      %gather3A_146 = tpu.vector_load_idx %arg4[%broadcast_in_dim3A_120, %add3A_145] : memref<4x2048xf32, #tpu.memory_space<vmem>>[vector<16xi32>, vector<16xi32>], vector<16xf32>,
      %swap3A_147 = arith.constant 0 : i32
      %swap3A_148 = arith.index_cast %swap3A_147 : i32 to index
      %swap3A_149 = arith.constant 48 : index
      %swap3A_150 = tpu.vector_load %arg12[%swap3A_148, %swap3A_149] {strides = array<i32>} : memref<4x128xf32, #tpu.memory_space<vmem>>, vector<16xf32>,
      tpu.vector_store %arg12[%swap3A_148, %swap3A_149], %gather3A_146 {strides = array<i32>} : memref<4x128xf32, #tpu.memory_space<vmem>>, vector<16xf32>,
      %add3A_151 = arith.constant 1024 : i32
      %add3A_152 = vector.broadcast %add3A_151 : i32 to vector<16xi32>
      %add3A_153 = arith.addi %mul3A_5, %add3A_152 : vector<16xi32>
      %gather3A_154 = tpu.vector_load_idx %arg4[%broadcast_in_dim3A_120, %add3A_153] : memref<4x2048xf32, #tpu.memory_space<vmem>>[vector<16xi32>, vector<16xi32>], vector<16xf32>,
      %swap3A_155 = arith.constant 0 : i32
      %swap3A_156 = arith.index_cast %swap3A_155 : i32 to index
      %swap3A_157 = arith.constant 64 : index
      %swap3A_158 = tpu.vector_load %arg12[%swap3A_156, %swap3A_157] {strides = array<i32>} : memref<4x128xf32, #tpu.memory_space<vmem>>, vector<16xf32>,
      tpu.vector_store %arg12[%swap3A_156, %swap3A_157], %gather3A_154 {strides = array<i32>} : memref<4x128xf32, #tpu.memory_space<vmem>>, vector<16xf32>,
      %add3A_159 = arith.constant 1280 : i32
      %add3A_160 = vector.broadcast %add3A_159 : i32 to vector<16xi32>
      %add3A_161 = arith.addi %mul3A_5, %add3A_160 : vector<16xi32>
      %gather3A_162 = tpu.vector_load_idx %arg4[%broadcast_in_dim3A_120, %add3A_161] : memref<4x2048xf32, #tpu.memory_space<vmem>>[vector<16xi32>, vector<16xi32>], vector<16xf32>,
      %swap3A_163 = arith.constant 0 : i32
      %swap3A_164 = arith.index_cast %swap3A_163 : i32 to index
      %swap3A_165 = arith.constant 80 : index
      %swap3A_166 = tpu.vector_load %arg12[%swap3A_164, %swap3A_165] {strides = array<i32>} : memref<4x128xf32, #tpu.memory_space<vmem>>, vector<16xf32>,
      tpu.vector_store %arg12[%swap3A_164, %swap3A_165], %gather3A_162 {strides = array<i32>} : memref<4x128xf32, #tpu.memory_space<vmem>>, vector<16xf32>,
      %add3A_167 = arith.constant 1536 : i32
      %add3A_168 = vector.broadcast %add3A_167 : i32 to vector<16xi32>
      %add3A_169 = arith.addi %mul3A_5, %add3A_168 : vector<16xi32>
      %gather3A_170 = tpu.vector_load_idx %arg4[%broadcast_in_dim3A_120, %add3A_169] : memref<4x2048xf32, #tpu.memory_space<vmem>>[vector<16xi32>, vector<16xi32>], vector<16xf32>,
      %swap3A_171 = arith.constant 0 : i32
      %swap3A_172 = arith.index_cast %swap3A_171 : i32 to index
      %swap3A_173 = arith.constant 96 : index
      %swap3A_174 = tpu.vector_load %arg12[%swap3A_172, %swap3A_173] {strides = array<i32>} : memref<4x128xf32, #tpu.memory_space<vmem>>, vector<16xf32>,
      tpu.vector_store %arg12[%swap3A_172, %swap3A_173], %gather3A_170 {strides = array<i32>} : memref<4x128xf32, #tpu.memory_space<vmem>>, vector<16xf32>,
      %add3A_175 = arith.constant 1792 : i32
      %add3A_176 = vector.broadcast %add3A_175 : i32 to vector<16xi32>
      %add3A_177 = arith.addi %mul3A_5, %add3A_176 : vector<16xi32>
      %gather3A_178 = tpu.vector_load_idx %arg4[%broadcast_in_dim3A_120, %add3A_177] : memref<4x2048xf32, #tpu.memory_space<vmem>>[vector<16xi32>, vector<16xi32>], vector<16xf32>,
      %swap3A_179 = arith.constant 0 : i32
      %swap3A_180 = arith.index_cast %swap3A_179 : i32 to index
      %swap3A_181 = arith.constant 112 : index
      %swap3A_182 = tpu.vector_load %arg12[%swap3A_180, %swap3A_181] {strides = array<i32>} : memref<4x128xf32, #tpu.memory_space<vmem>>, vector<16xf32>,
      tpu.vector_store %arg12[%swap3A_180, %swap3A_181], %gather3A_178 {strides = array<i32>} : memref<4x128xf32, #tpu.memory_space<vmem>>, vector<16xf32>,
      %broadcast_in_dim3A_183 = arith.constant 1 : i32
      %broadcast_in_dim3A_184 = vector.broadcast %broadcast_in_dim3A_183 : i32 to vector<16xi32>
      %add3A_185 = arith.constant 0 : i32
      %add3A_186 = vector.broadcast %add3A_185 : i32 to vector<16xi32>
      %add3A_187 = arith.addi %mul3A_5, %add3A_186 : vector<16xi32>
      %gather3A_188 = tpu.vector_load_idx %arg4[%broadcast_in_dim3A_184, %add3A_187] : memref<4x2048xf32, #tpu.memory_space<vmem>>[vector<16xi32>, vector<16xi32>], vector<16xf32>,
      %swap3A_189 = arith.constant 1 : i32
      %swap3A_190 = arith.index_cast %swap3A_189 : i32 to index
      %swap3A_191 = arith.constant 0 : index
      %swap3A_192 = tpu.vector_load %arg12[%swap3A_190, %swap3A_191] {strides = array<i32>} : memref<4x128xf32, #tpu.memory_space<vmem>>, vector<16xf32>,
      tpu.vector_store %arg12[%swap3A_190, %swap3A_191], %gather3A_188 {strides = array<i32>} : memref<4x128xf32, #tpu.memory_space<vmem>>, vector<16xf32>,
      %add3A_193 = arith.constant 256 : i32
      %add3A_194 = vector.broadcast %add3A_193 : i32 to vector<16xi32>
      %add3A_195 = arith.addi %mul3A_5, %add3A_194 : vector<16xi32>
      %gather3A_196 = tpu.vector_load_idx %arg4[%broadcast_in_dim3A_184, %add3A_195] : memref<4x2048xf32, #tpu.memory_space<vmem>>[vector<16xi32>, vector<16xi32>], vector<16xf32>,
      %swap3A_197 = arith.constant 1 : i32
      %swap3A_198 = arith.index_cast %swap3A_197 : i32 to index
      %swap3A_199 = arith.constant 16 : index
      %swap3A_200 = tpu.vector_load %arg12[%swap3A_198, %swap3A_199] {strides = array<i32>} : memref<4x128xf32, #tpu.memory_space<vmem>>, vector<16xf32>,
      tpu.vector_store %arg12[%swap3A_198, %swap3A_199], %gather3A_196 {strides = array<i32>} : memref<4x128xf32, #tpu.memory_space<vmem>>, vector<16xf32>,
      %add3A_201 = arith.constant 512 : i32
      %add3A_202 = vector.broadcast %add3A_201 : i32 to vector<16xi32>
      %add3A_203 = arith.addi %mul3A_5, %add3A_202 : vector<16xi32>
      %gather3A_204 = tpu.vector_load_idx %arg4[%broadcast_in_dim3A_184, %add3A_203] : memref<4x2048xf32, #tpu.memory_space<vmem>>[vector<16xi32>, vector<16xi32>], vector<16xf32>,
      %swap3A_205 = arith.constant 1 : i32
      %swap3A_206 = arith.index_cast %swap3A_205 : i32 to index
      %swap3A_207 = arith.constant 32 : index
      %swap3A_208 = tpu.vector_load %arg12[%swap3A_206, %swap3A_207] {strides = array<i32>} : memref<4x128xf32, #tpu.memory_space<vmem>>, vector<16xf32>,
      tpu.vector_store %arg12[%swap3A_206, %swap3A_207], %gather3A_204 {strides = array<i32>} : memref<4x128xf32, #tpu.memory_space<vmem>>, vector<16xf32>,
      %add3A_209 = arith.constant 768 : i32
      %add3A_210 = vector.broadcast %add3A_209 : i32 to vector<16xi32>
      %add3A_211 = arith.addi %mul3A_5, %add3A_210 : vector<16xi32>
      %gather3A_212 = tpu.vector_load_idx %arg4[%broadcast_in_dim3A_184, %add3A_211] : memref<4x2048xf32, #tpu.memory_space<vmem>>[vector<16xi32>, vector<16xi32>], vector<16xf32>,
      %swap3A_213 = arith.constant 1 : i32
      %swap3A_214 = arith.index_cast %swap3A_213 : i32 to index
      %swap3A_215 = arith.constant 48 : index
      %swap3A_216 = tpu.vector_load %arg12[%swap3A_214, %swap3A_215] {strides = array<i32>} : memref<4x128xf32, #tpu.memory_space<vmem>>, vector<16xf32>,
      tpu.vector_store %arg12[%swap3A_214, %swap3A_215], %gather3A_212 {strides = array<i32>} : memref<4x128xf32, #tpu.memory_space<vmem>>, vector<16xf32>,
      %add3A_217 = arith.constant 1024 : i32
      %add3A_218 = vector.broadcast %add3A_217 : i32 to vector<16xi32>
      %add3A_219 = arith.addi %mul3A_5, %add3A_218 : vector<16xi32>
      %gather3A_220 = tpu.vector_load_idx %arg4[%broadcast_in_dim3A_184, %add3A_219] : memref<4x2048xf32, #tpu.memory_space<vmem>>[vector<16xi32>, vector<16xi32>], vector<16xf32>,
      %swap3A_221 = arith.constant 1 : i32
      %swap3A_222 = arith.index_cast %swap3A_221 : i32 to index
      %swap3A_223 = arith.constant 64 : index
      %swap3A_224 = tpu.vector_load %arg12[%swap3A_222, %swap3A_223] {strides = array<i32>} : memref<4x128xf32, #tpu.memory_space<vmem>>, vector<16xf32>,
      tpu.vector_store %arg12[%swap3A_222, %swap3A_223], %gather3A_220 {strides = array<i32>} : memref<4x128xf32, #tpu.memory_space<vmem>>, vector<16xf32>,
      %add3A_225 = arith.constant 1280 : i32
      %add3A_226 = vector.broadcast %add3A_225 : i32 to vector<16xi32>
      %add3A_227 = arith.addi %mul3A_5, %add3A_226 : vector<16xi32>
      %gather3A_228 = tpu.vector_load_idx %arg4[%broadcast_in_dim3A_184, %add3A_227] : memref<4x2048xf32, #tpu.memory_space<vmem>>[vector<16xi32>, vector<16xi32>], vector<16xf32>,
      %swap3A_229 = arith.constant 1 : i32
      %swap3A_230 = arith.index_cast %swap3A_229 : i32 to index
      %swap3A_231 = arith.constant 80 : index
      %swap3A_232 = tpu.vector_load %arg12[%swap3A_230, %swap3A_231] {strides = array<i32>} : memref<4x128xf32, #tpu.memory_space<vmem>>, vector<16xf32>,
      tpu.vector_store %arg12[%swap3A_230, %swap3A_231], %gather3A_228 {strides = array<i32>} : memref<4x128xf32, #tpu.memory_space<vmem>>, vector<16xf32>,
      %add3A_233 = arith.constant 1536 : i32
      %add3A_234 = vector.broadcast %add3A_233 : i32 to vector<16xi32>
      %add3A_235 = arith.addi %mul3A_5, %add3A_234 : vector<16xi32>
      %gather3A_236 = tpu.vector_load_idx %arg4[%broadcast_in_dim3A_184, %add3A_235] : memref<4x2048xf32, #tpu.memory_space<vmem>>[vector<16xi32>, vector<16xi32>], vector<16xf32>,
      %swap3A_237 = arith.constant 1 : i32
      %swap3A_238 = arith.index_cast %swap3A_237 : i32 to index
      %swap3A_239 = arith.constant 96 : index
      %swap3A_240 = tpu.vector_load %arg12[%swap3A_238, %swap3A_239] {strides = array<i32>} : memref<4x128xf32, #tpu.memory_space<vmem>>, vector<16xf32>,
      tpu.vector_store %arg12[%swap3A_238, %swap3A_239], %gather3A_236 {strides = array<i32>} : memref<4x128xf32, #tpu.memory_space<vmem>>, vector<16xf32>,
      %add3A_241 = arith.constant 1792 : i32
      %add3A_242 = vector.broadcast %add3A_241 : i32 to vector<16xi32>
      %add3A_243 = arith.addi %mul3A_5, %add3A_242 : vector<16xi32>
      %gather3A_244 = tpu.vector_load_idx %arg4[%broadcast_in_dim3A_184, %add3A_243] : memref<4x2048xf32, #tpu.memory_space<vmem>>[vector<16xi32>, vector<16xi32>], vector<16xf32>,
      %swap3A_245 = arith.constant 1 : i32
      %swap3A_246 = arith.index_cast %swap3A_245 : i32 to index
      %swap3A_247 = arith.constant 112 : index
      %swap3A_248 = tpu.vector_load %arg12[%swap3A_246, %swap3A_247] {strides = array<i32>} : memref<4x128xf32, #tpu.memory_space<vmem>>, vector<16xf32>,
      tpu.vector_store %arg12[%swap3A_246, %swap3A_247], %gather3A_244 {strides = array<i32>} : memref<4x128xf32, #tpu.memory_space<vmem>>, vector<16xf32>,
      %broadcast_in_dim3A_249 = arith.constant 2 : i32
      %broadcast_in_dim3A_250 = vector.broadcast %broadcast_in_dim3A_249 : i32 to vector<16xi32>
      %add3A_251 = arith.constant 0 : i32
      %add3A_252 = vector.broadcast %add3A_251 : i32 to vector<16xi32>
      %add3A_253 = arith.addi %mul3A_5, %add3A_252 : vector<16xi32>
      %gather3A_254 = tpu.vector_load_idx %arg4[%broadcast_in_dim3A_250, %add3A_253] : memref<4x2048xf32, #tpu.memory_space<vmem>>[vector<16xi32>, vector<16xi32>], vector<16xf32>,
      %swap3A_255 = arith.constant 2 : i32
      %swap3A_256 = arith.index_cast %swap3A_255 : i32 to index
      %swap3A_257 = arith.constant 0 : index
      %swap3A_258 = tpu.vector_load %arg12[%swap3A_256, %swap3A_257] {strides = array<i32>} : memref<4x128xf32, #tpu.memory_space<vmem>>, vector<16xf32>,
      tpu.vector_store %arg12[%swap3A_256, %swap3A_257], %gather3A_254 {strides = array<i32>} : memref<4x128xf32, #tpu.memory_space<vmem>>, vector<16xf32>,
      %add3A_259 = arith.constant 256 : i32
      %add3A_260 = vector.broadcast %add3A_259 : i32 to vector<16xi32>
      %add3A_261 = arith.addi %mul3A_5, %add3A_260 : vector<16xi32>
      %gather3A_262 = tpu.vector_load_idx %arg4[%broadcast_in_dim3A_250, %add3A_261] : memref<4x2048xf32, #tpu.memory_space<vmem>>[vector<16xi32>, vector<16xi32>], vector<16xf32>,
      %swap3A_263 = arith.constant 2 : i32
      %swap3A_264 = arith.index_cast %swap3A_263 : i32 to index
      %swap3A_265 = arith.constant 16 : index
      %swap3A_266 = tpu.vector_load %arg12[%swap3A_264, %swap3A_265] {strides = array<i32>} : memref<4x128xf32, #tpu.memory_space<vmem>>, vector<16xf32>,
      tpu.vector_store %arg12[%swap3A_264, %swap3A_265], %gather3A_262 {strides = array<i32>} : memref<4x128xf32, #tpu.memory_space<vmem>>, vector<16xf32>,
      %add3A_267 = arith.constant 512 : i32
      %add3A_268 = vector.broadcast %add3A_267 : i32 to vector<16xi32>
      %add3A_269 = arith.addi %mul3A_5, %add3A_268 : vector<16xi32>
      %gather3A_270 = tpu.vector_load_idx %arg4[%broadcast_in_dim3A_250, %add3A_269] : memref<4x2048xf32, #tpu.memory_space<vmem>>[vector<16xi32>, vector<16xi32>], vector<16xf32>,
      %swap3A_271 = arith.constant 2 : i32
      %swap3A_272 = arith.index_cast %swap3A_271 : i32 to index
      %swap3A_273 = arith.constant 32 : index
      %swap3A_274 = tpu.vector_load %arg12[%swap3A_272, %swap3A_273] {strides = array<i32>} : memref<4x128xf32, #tpu.memory_space<vmem>>, vector<16xf32>,
      tpu.vector_store %arg12[%swap3A_272, %swap3A_273], %gather3A_270 {strides = array<i32>} : memref<4x128xf32, #tpu.memory_space<vmem>>, vector<16xf32>,
      %add3A_275 = arith.constant 768 : i32
      %add3A_276 = vector.broadcast %add3A_275 : i32 to vector<16xi32>
      %add3A_277 = arith.addi %mul3A_5, %add3A_276 : vector<16xi32>
      %gather3A_278 = tpu.vector_load_idx %arg4[%broadcast_in_dim3A_250, %add3A_277] : memref<4x2048xf32, #tpu.memory_space<vmem>>[vector<16xi32>, vector<16xi32>], vector<16xf32>,
      %swap3A_279 = arith.constant 2 : i32
      %swap3A_280 = arith.index_cast %swap3A_279 : i32 to index
      %swap3A_281 = arith.constant 48 : index
      %swap3A_282 = tpu.vector_load %arg12[%swap3A_280, %swap3A_281] {strides = array<i32>} : memref<4x128xf32, #tpu.memory_space<vmem>>, vector<16xf32>,
      tpu.vector_store %arg12[%swap3A_280, %swap3A_281], %gather3A_278 {strides = array<i32>} : memref<4x128xf32, #tpu.memory_space<vmem>>, vector<16xf32>,
      %add3A_283 = arith.constant 1024 : i32
      %add3A_284 = vector.broadcast %add3A_283 : i32 to vector<16xi32>
      %add3A_285 = arith.addi %mul3A_5, %add3A_284 : vector<16xi32>
      %gather3A_286 = tpu.vector_load_idx %arg4[%broadcast_in_dim3A_250, %add3A_285] : memref<4x2048xf32, #tpu.memory_space<vmem>>[vector<16xi32>, vector<16xi32>], vector<16xf32>,
      %swap3A_287 = arith.constant 2 : i32
      %swap3A_288 = arith.index_cast %swap3A_287 : i32 to index
      %swap3A_289 = arith.constant 64 : index
      %swap3A_290 = tpu.vector_load %arg12[%swap3A_288, %swap3A_289] {strides = array<i32>} : memref<4x128xf32, #tpu.memory_space<vmem>>, vector<16xf32>,
      tpu.vector_store %arg12[%swap3A_288, %swap3A_289], %gather3A_286 {strides = array<i32>} : memref<4x128xf32, #tpu.memory_space<vmem>>, vector<16xf32>,
      %add3A_291 = arith.constant 1280 : i32
      %add3A_292 = vector.broadcast %add3A_291 : i32 to vector<16xi32>
      %add3A_293 = arith.addi %mul3A_5, %add3A_292 : vector<16xi32>
      %gather3A_294 = tpu.vector_load_idx %arg4[%broadcast_in_dim3A_250, %add3A_293] : memref<4x2048xf32, #tpu.memory_space<vmem>>[vector<16xi32>, vector<16xi32>], vector<16xf32>,
      %swap3A_295 = arith.constant 2 : i32
      %swap3A_296 = arith.index_cast %swap3A_295 : i32 to index
      %swap3A_297 = arith.constant 80 : index
      %swap3A_298 = tpu.vector_load %arg12[%swap3A_296, %swap3A_297] {strides = array<i32>} : memref<4x128xf32, #tpu.memory_space<vmem>>, vector<16xf32>,
      tpu.vector_store %arg12[%swap3A_296, %swap3A_297], %gather3A_294 {strides = array<i32>} : memref<4x128xf32, #tpu.memory_space<vmem>>, vector<16xf32>,
      %add3A_299 = arith.constant 1536 : i32
      %add3A_300 = vector.broadcast %add3A_299 : i32 to vector<16xi32>
      %add3A_301 = arith.addi %mul3A_5, %add3A_300 : vector<16xi32>
      %gather3A_302 = tpu.vector_load_idx %arg4[%broadcast_in_dim3A_250, %add3A_301] : memref<4x2048xf32, #tpu.memory_space<vmem>>[vector<16xi32>, vector<16xi32>], vector<16xf32>,
      %swap3A_303 = arith.constant 2 : i32
      %swap3A_304 = arith.index_cast %swap3A_303 : i32 to index
      %swap3A_305 = arith.constant 96 : index
      %swap3A_306 = tpu.vector_load %arg12[%swap3A_304, %swap3A_305] {strides = array<i32>} : memref<4x128xf32, #tpu.memory_space<vmem>>, vector<16xf32>,
      tpu.vector_store %arg12[%swap3A_304, %swap3A_305], %gather3A_302 {strides = array<i32>} : memref<4x128xf32, #tpu.memory_space<vmem>>, vector<16xf32>,
      %add3A_307 = arith.constant 1792 : i32
      %add3A_308 = vector.broadcast %add3A_307 : i32 to vector<16xi32>
      %add3A_309 = arith.addi %mul3A_5, %add3A_308 : vector<16xi32>
      %gather3A_310 = tpu.vector_load_idx %arg4[%broadcast_in_dim3A_250, %add3A_309] : memref<4x2048xf32, #tpu.memory_space<vmem>>[vector<16xi32>, vector<16xi32>], vector<16xf32>,
      %swap3A_311 = arith.constant 2 : i32
      %swap3A_312 = arith.index_cast %swap3A_311 : i32 to index
      %swap3A_313 = arith.constant 112 : index
      %swap3A_314 = tpu.vector_load %arg12[%swap3A_312, %swap3A_313] {strides = array<i32>} : memref<4x128xf32, #tpu.memory_space<vmem>>, vector<16xf32>,
      tpu.vector_store %arg12[%swap3A_312, %swap3A_313], %gather3A_310 {strides = array<i32>} : memref<4x128xf32, #tpu.memory_space<vmem>>, vector<16xf32>,
      %broadcast_in_dim3A_315 = arith.constant 3 : i32
      %broadcast_in_dim3A_316 = vector.broadcast %broadcast_in_dim3A_315 : i32 to vector<16xi32>
      %add3A_317 = arith.constant 0 : i32
      %add3A_318 = vector.broadcast %add3A_317 : i32 to vector<16xi32>
      %add3A_319 = arith.addi %mul3A_5, %add3A_318 : vector<16xi32>
      %gather3A_320 = tpu.vector_load_idx %arg4[%broadcast_in_dim3A_316, %add3A_319] : memref<4x2048xf32, #tpu.memory_space<vmem>>[vector<16xi32>, vector<16xi32>], vector<16xf32>,
      %swap3A_321 = arith.constant 3 : i32
      %swap3A_322 = arith.index_cast %swap3A_321 : i32 to index
      %swap3A_323 = arith.constant 0 : index
      %swap3A_324 = tpu.vector_load %arg12[%swap3A_322, %swap3A_323] {strides = array<i32>} : memref<4x128xf32, #tpu.memory_space<vmem>>, vector<16xf32>,
      tpu.vector_store %arg12[%swap3A_322, %swap3A_323], %gather3A_320 {strides = array<i32>} : memref<4x128xf32, #tpu.memory_space<vmem>>, vector<16xf32>,
      %add3A_325 = arith.constant 256 : i32
      %add3A_326 = vector.broadcast %add3A_325 : i32 to vector<16xi32>
      %add3A_327 = arith.addi %mul3A_5, %add3A_326 : vector<16xi32>
      %gather3A_328 = tpu.vector_load_idx %arg4[%broadcast_in_dim3A_316, %add3A_327] : memref<4x2048xf32, #tpu.memory_space<vmem>>[vector<16xi32>, vector<16xi32>], vector<16xf32>,
      %swap3A_329 = arith.constant 3 : i32
      %swap3A_330 = arith.index_cast %swap3A_329 : i32 to index
      %swap3A_331 = arith.constant 16 : index
      %swap3A_332 = tpu.vector_load %arg12[%swap3A_330, %swap3A_331] {strides = array<i32>} : memref<4x128xf32, #tpu.memory_space<vmem>>, vector<16xf32>,
      tpu.vector_store %arg12[%swap3A_330, %swap3A_331], %gather3A_328 {strides = array<i32>} : memref<4x128xf32, #tpu.memory_space<vmem>>, vector<16xf32>,
      %add3A_333 = arith.constant 512 : i32
      %add3A_334 = vector.broadcast %add3A_333 : i32 to vector<16xi32>
      %add3A_335 = arith.addi %mul3A_5, %add3A_334 : vector<16xi32>
      %gather3A_336 = tpu.vector_load_idx %arg4[%broadcast_in_dim3A_316, %add3A_335] : memref<4x2048xf32, #tpu.memory_space<vmem>>[vector<16xi32>, vector<16xi32>], vector<16xf32>,
      %swap3A_337 = arith.constant 3 : i32
      %swap3A_338 = arith.index_cast %swap3A_337 : i32 to index
      %swap3A_339 = arith.constant 32 : index
      %swap3A_340 = tpu.vector_load %arg12[%swap3A_338, %swap3A_339] {strides = array<i32>} : memref<4x128xf32, #tpu.memory_space<vmem>>, vector<16xf32>,
      tpu.vector_store %arg12[%swap3A_338, %swap3A_339], %gather3A_336 {strides = array<i32>} : memref<4x128xf32, #tpu.memory_space<vmem>>, vector<16xf32>,
      %add3A_341 = arith.constant 768 : i32
      %add3A_342 = vector.broadcast %add3A_341 : i32 to vector<16xi32>
      %add3A_343 = arith.addi %mul3A_5, %add3A_342 : vector<16xi32>
      %gather3A_344 = tpu.vector_load_idx %arg4[%broadcast_in_dim3A_316, %add3A_343] : memref<4x2048xf32, #tpu.memory_space<vmem>>[vector<16xi32>, vector<16xi32>], vector<16xf32>,
      %swap3A_345 = arith.constant 3 : i32
      %swap3A_346 = arith.index_cast %swap3A_345 : i32 to index
      %swap3A_347 = arith.constant 48 : index
      %swap3A_348 = tpu.vector_load %arg12[%swap3A_346, %swap3A_347] {strides = array<i32>} : memref<4x128xf32, #tpu.memory_space<vmem>>, vector<16xf32>,
      tpu.vector_store %arg12[%swap3A_346, %swap3A_347], %gather3A_344 {strides = array<i32>} : memref<4x128xf32, #tpu.memory_space<vmem>>, vector<16xf32>,
      %add3A_349 = arith.constant 1024 : i32
      %add3A_350 = vector.broadcast %add3A_349 : i32 to vector<16xi32>
      %add3A_351 = arith.addi %mul3A_5, %add3A_350 : vector<16xi32>
      %gather3A_352 = tpu.vector_load_idx %arg4[%broadcast_in_dim3A_316, %add3A_351] : memref<4x2048xf32, #tpu.memory_space<vmem>>[vector<16xi32>, vector<16xi32>], vector<16xf32>,
      %swap3A_353 = arith.constant 3 : i32
      %swap3A_354 = arith.index_cast %swap3A_353 : i32 to index
      %swap3A_355 = arith.constant 64 : index
      %swap3A_356 = tpu.vector_load %arg12[%swap3A_354, %swap3A_355] {strides = array<i32>} : memref<4x128xf32, #tpu.memory_space<vmem>>, vector<16xf32>,
      tpu.vector_store %arg12[%swap3A_354, %swap3A_355], %gather3A_352 {strides = array<i32>} : memref<4x128xf32, #tpu.memory_space<vmem>>, vector<16xf32>,
      %add3A_357 = arith.constant 1280 : i32
      %add3A_358 = vector.broadcast %add3A_357 : i32 to vector<16xi32>
      %add3A_359 = arith.addi %mul3A_5, %add3A_358 : vector<16xi32>
      %gather3A_360 = tpu.vector_load_idx %arg4[%broadcast_in_dim3A_316, %add3A_359] : memref<4x2048xf32, #tpu.memory_space<vmem>>[vector<16xi32>, vector<16xi32>], vector<16xf32>,
      %swap3A_361 = arith.constant 3 : i32
      %swap3A_362 = arith.index_cast %swap3A_361 : i32 to index
      %swap3A_363 = arith.constant 80 : index
      %swap3A_364 = tpu.vector_load %arg12[%swap3A_362, %swap3A_363] {strides = array<i32>} : memref<4x128xf32, #tpu.memory_space<vmem>>, vector<16xf32>,
      tpu.vector_store %arg12[%swap3A_362, %swap3A_363], %gather3A_360 {strides = array<i32>} : memref<4x128xf32, #tpu.memory_space<vmem>>, vector<16xf32>,
      %add3A_365 = arith.constant 1536 : i32
      %add3A_366 = vector.broadcast %add3A_365 : i32 to vector<16xi32>
      %add3A_367 = arith.addi %mul3A_5, %add3A_366 : vector<16xi32>
      %gather3A_368 = tpu.vector_load_idx %arg4[%broadcast_in_dim3A_316, %add3A_367] : memref<4x2048xf32, #tpu.memory_space<vmem>>[vector<16xi32>, vector<16xi32>], vector<16xf32>,
      %swap3A_369 = arith.constant 3 : i32
      %swap3A_370 = arith.index_cast %swap3A_369 : i32 to index
      %swap3A_371 = arith.constant 96 : index
      %swap3A_372 = tpu.vector_load %arg12[%swap3A_370, %swap3A_371] {strides = array<i32>} : memref<4x128xf32, #tpu.memory_space<vmem>>, vector<16xf32>,
      tpu.vector_store %arg12[%swap3A_370, %swap3A_371], %gather3A_368 {strides = array<i32>} : memref<4x128xf32, #tpu.memory_space<vmem>>, vector<16xf32>,
      %add3A_373 = arith.constant 1792 : i32
      %add3A_374 = vector.broadcast %add3A_373 : i32 to vector<16xi32>
      %add3A_375 = arith.addi %mul3A_5, %add3A_374 : vector<16xi32>
      %gather3A_376 = tpu.vector_load_idx %arg4[%broadcast_in_dim3A_316, %add3A_375] : memref<4x2048xf32, #tpu.memory_space<vmem>>[vector<16xi32>, vector<16xi32>], vector<16xf32>,
      %swap3A_377 = arith.constant 3 : i32
      %swap3A_378 = arith.index_cast %swap3A_377 : i32 to index
      %swap3A_379 = arith.constant 112 : index
      %swap3A_380 = tpu.vector_load %arg12[%swap3A_378, %swap3A_379] {strides = array<i32>} : memref<4x128xf32, #tpu.memory_space<vmem>>, vector<16xf32>,
      tpu.vector_store %arg12[%swap3A_378, %swap3A_379], %gather3A_376 {strides = array<i32>} : memref<4x128xf32, #tpu.memory_space<vmem>>, vector<16xf32>,
      %mul3A_381 = arith.constant 4 : i32
      %mul3A_382 = arith.muli %add3A_103, %mul3A_381 : i32
      %add3A_383 = arith.addi %mul3A_2, %mul3A_382 : i32
      %dma_start3A_384 = arith.constant 0 : i32
      %dma_start3A_385 = tpu.memref_slice %arg3[%add3A_383, %dma_start3A_384] : memref<16384x128xf32, #tpu.memory_space<hbm>> -> memref<4x128xf32, #tpu.memory_space<hbm>>
      %dma_start3A_386 = arith.constant 0 : i32
      %dma_start3A_387 = tpu.memref_slice %arg3[%add3A_383, %dma_start3A_386] : memref<16384x128xf32, #tpu.memory_space<hbm>> -> memref<4x128xf32, #tpu.memory_space<hbm>>
      tpu.enqueue_dma source(%arg12 : memref<4x128xf32, #tpu.memory_space<vmem>>) target(%dma_start3A_387 : memref<4x128xf32, #tpu.memory_space<hbm>>) target_semaphore(%arg28 : memref<!tpu.dma_semaphore, #tpu.memory_space<semaphore_mem>>)
      %mul3A_388 = arith.constant 8 : i32
      %mul3A_389 = arith.muli %scan3A_99, %mul3A_388 : i32
      %add3A_390 = arith.constant 1 : i32
      %add3A_391 = arith.addi %mul3A_389, %add3A_390 : i32
      %mul3A_392 = arith.constant 4 : i32
      %mul3A_393 = arith.muli %add3A_391, %mul3A_392 : i32
      %add3A_394 = arith.addi %mul3A_2, %mul3A_393 : i32
      %dma_wait3A_395 = arith.constant 0 : i32
      %dma_wait3A_396 = tpu.memref_slice %arg2[%add3A_394, %dma_wait3A_395] : memref<16384x2048xf32, #tpu.memory_space<hbm>> -> memref<4x2048xf32, #tpu.memory_space<hbm>>
      %dma_wait3A_397 = arith.constant 0 : i32
      %dma_wait3A_398 = tpu.memref_slice %arg2[%add3A_394, %dma_wait3A_397] : memref<16384x2048xf32, #tpu.memory_space<hbm>> -> memref<4x2048xf32, #tpu.memory_space<hbm>>
      tpu.wait_dma2 semaphore(%arg21 : memref<!tpu.dma_semaphore, #tpu.memory_space<semaphore_mem>>) src(%dma_wait3A_398 : memref<4x2048xf32, #tpu.memory_space<hbm>>) dst(%arg5 : memref<4x2048xf32, #tpu.memory_space<vmem>>)
      %add3A_399 = arith.constant 8 : i32
      %add3A_400 = arith.addi %add3A_391, %add3A_399 : i32
      %sub3A_401 = arith.constant 1 : i32
      %sub3A_402 = arith.subi %add3A_400, %sub3A_401 : i32
      %lt3A_403 = arith.constant 128 : i32
      %lt3A_404 = arith.cmpi slt, %sub3A_402, %lt3A_403 : i32
      %convert_element_type3A_405 = arith.extui %lt3A_404 : i1 to i32
      %cond3A_406 = arith.constant 0 : i32
      %cond3A_407 = arith.cmpi ne, %convert_element_type3A_405, %cond3A_406 : i32
      scf.if %cond3A_407 {
        %add3A_2460 = arith.constant 8 : i32
        %add3A_2461 = arith.addi %add3A_391, %add3A_2460 : i32
        %sub3A_2462 = arith.constant 1 : i32
        %sub3A_2463 = arith.subi %add3A_2461, %sub3A_2462 : i32
        %mul3A_2464 = arith.constant 4 : i32
        %mul3A_2465 = arith.muli %sub3A_2463, %mul3A_2464 : i32
        %add3A_2466 = arith.addi %mul3A_2, %mul3A_2465 : i32
        %dma_start3A_2467 = arith.constant 0 : i32
        %dma_start3A_2468 = tpu.memref_slice %arg2[%add3A_2466, %dma_start3A_2467] : memref<16384x2048xf32, #tpu.memory_space<hbm>> -> memref<4x2048xf32, #tpu.memory_space<hbm>>
        %dma_start3A_2469 = arith.constant 0 : i32
        %dma_start3A_2470 = tpu.memref_slice %arg2[%add3A_2466, %dma_start3A_2469] : memref<16384x2048xf32, #tpu.memory_space<hbm>> -> memref<4x2048xf32, #tpu.memory_space<hbm>>
        tpu.enqueue_dma source(%dma_start3A_2470 : memref<4x2048xf32, #tpu.memory_space<hbm>>) target(%arg4 : memref<4x2048xf32, #tpu.memory_space<vmem>>) target_semaphore(%arg20 : memref<!tpu.dma_semaphore, #tpu.memory_space<semaphore_mem>>)
      } else {
      }
      %ge3A_408 = arith.constant 8 : i32
      %ge3A_409 = arith.cmpi sge, %add3A_391, %ge3A_408 : i32
      %convert_element_type3A_410 = arith.extui %ge3A_409 : i1 to i32
      %cond3A_411 = arith.constant 0 : i32
      %cond3A_412 = arith.cmpi ne, %convert_element_type3A_410, %cond3A_411 : i32
      scf.if %cond3A_412 {
        %sub3A_2460 = arith.constant 8 : i32
        %sub3A_2461 = arith.subi %add3A_391, %sub3A_2460 : i32
        %mul3A_2462 = arith.constant 4 : i32
        %mul3A_2463 = arith.muli %sub3A_2461, %mul3A_2462 : i32
        %add3A_2464 = arith.addi %mul3A_2, %mul3A_2463 : i32
        %dma_wait3A_2465 = arith.constant 0 : i32
        %dma_wait3A_2466 = tpu.memref_slice %arg3[%add3A_2464, %dma_wait3A_2465] : memref<16384x128xf32, #tpu.memory_space<hbm>> -> memref<4x128xf32, #tpu.memory_space<hbm>>
        %dma_wait3A_2467 = arith.constant 0 : i32
        %dma_wait3A_2468 = tpu.memref_slice %arg3[%add3A_2464, %dma_wait3A_2467] : memref<16384x128xf32, #tpu.memory_space<hbm>> -> memref<4x128xf32, #tpu.memory_space<hbm>>
        tpu.wait_dma2 semaphore(%arg29 : memref<!tpu.dma_semaphore, #tpu.memory_space<semaphore_mem>>) src(%arg13 : memref<4x128xf32, #tpu.memory_space<vmem>>) dst(%dma_wait3A_2468 : memref<4x128xf32, #tpu.memory_space<hbm>>)
      } else {
      }
      %broadcast_in_dim3A_413 = arith.constant 0 : i32
      %broadcast_in_dim3A_414 = vector.broadcast %broadcast_in_dim3A_413 : i32 to vector<16xi32>
      %add3A_415 = arith.constant 0 : i32
      %add3A_416 = vector.broadcast %add3A_415 : i32 to vector<16xi32>
      %add3A_417 = arith.addi %mul3A_5, %add3A_416 : vector<16xi32>
      %gather3A_418 = tpu.vector_load_idx %arg5[%broadcast_in_dim3A_414, %add3A_417] : memref<4x2048xf32, #tpu.memory_space<vmem>>[vector<16xi32>, vector<16xi32>], vector<16xf32>,
      %swap3A_419 = arith.constant 0 : i32
      %swap3A_420 = arith.index_cast %swap3A_419 : i32 to index
      %swap3A_421 = arith.constant 0 : index
      %swap3A_422 = tpu.vector_load %arg13[%swap3A_420, %swap3A_421] {strides = array<i32>} : memref<4x128xf32, #tpu.memory_space<vmem>>, vector<16xf32>,
      tpu.vector_store %arg13[%swap3A_420, %swap3A_421], %gather3A_418 {strides = array<i32>} : memref<4x128xf32, #tpu.memory_space<vmem>>, vector<16xf32>,
      %add3A_423 = arith.constant 256 : i32
      %add3A_424 = vector.broadcast %add3A_423 : i32 to vector<16xi32>
      %add3A_425 = arith.addi %mul3A_5, %add3A_424 : vector<16xi32>
      %gather3A_426 = tpu.vector_load_idx %arg5[%broadcast_in_dim3A_414, %add3A_425] : memref<4x2048xf32, #tpu.memory_space<vmem>>[vector<16xi32>, vector<16xi32>], vector<16xf32>,
      %swap3A_427 = arith.constant 0 : i32
      %swap3A_428 = arith.index_cast %swap3A_427 : i32 to index
      %swap3A_429 = arith.constant 16 : index
      %swap3A_430 = tpu.vector_load %arg13[%swap3A_428, %swap3A_429] {strides = array<i32>} : memref<4x128xf32, #tpu.memory_space<vmem>>, vector<16xf32>,
      tpu.vector_store %arg13[%swap3A_428, %swap3A_429], %gather3A_426 {strides = array<i32>} : memref<4x128xf32, #tpu.memory_space<vmem>>, vector<16xf32>,
      %add3A_431 = arith.constant 512 : i32
      %add3A_432 = vector.broadcast %add3A_431 : i32 to vector<16xi32>
      %add3A_433 = arith.addi %mul3A_5, %add3A_432 : vector<16xi32>
      %gather3A_434 = tpu.vector_load_idx %arg5[%broadcast_in_dim3A_414, %add3A_433] : memref<4x2048xf32, #tpu.memory_space<vmem>>[vector<16xi32>, vector<16xi32>], vector<16xf32>,
      %swap3A_435 = arith.constant 0 : i32
      %swap3A_436 = arith.index_cast %swap3A_435 : i32 to index
      %swap3A_437 = arith.constant 32 : index
      %swap3A_438 = tpu.vector_load %arg13[%swap3A_436, %swap3A_437] {strides = array<i32>} : memref<4x128xf32, #tpu.memory_space<vmem>>, vector<16xf32>,
      tpu.vector_store %arg13[%swap3A_436, %swap3A_437], %gather3A_434 {strides = array<i32>} : memref<4x128xf32, #tpu.memory_space<vmem>>, vector<16xf32>,
      %add3A_439 = arith.constant 768 : i32
      %add3A_440 = vector.broadcast %add3A_439 : i32 to vector<16xi32>
      %add3A_441 = arith.addi %mul3A_5, %add3A_440 : vector<16xi32>
      %gather3A_442 = tpu.vector_load_idx %arg5[%broadcast_in_dim3A_414, %add3A_441] : memref<4x2048xf32, #tpu.memory_space<vmem>>[vector<16xi32>, vector<16xi32>], vector<16xf32>,
      %swap3A_443 = arith.constant 0 : i32
      %swap3A_444 = arith.index_cast %swap3A_443 : i32 to index
      %swap3A_445 = arith.constant 48 : index
      %swap3A_446 = tpu.vector_load %arg13[%swap3A_444, %swap3A_445] {strides = array<i32>} : memref<4x128xf32, #tpu.memory_space<vmem>>, vector<16xf32>,
      tpu.vector_store %arg13[%swap3A_444, %swap3A_445], %gather3A_442 {strides = array<i32>} : memref<4x128xf32, #tpu.memory_space<vmem>>, vector<16xf32>,
      %add3A_447 = arith.constant 1024 : i32
      %add3A_448 = vector.broadcast %add3A_447 : i32 to vector<16xi32>
      %add3A_449 = arith.addi %mul3A_5, %add3A_448 : vector<16xi32>
      %gather3A_450 = tpu.vector_load_idx %arg5[%broadcast_in_dim3A_414, %add3A_449] : memref<4x2048xf32, #tpu.memory_space<vmem>>[vector<16xi32>, vector<16xi32>], vector<16xf32>,
      %swap3A_451 = arith.constant 0 : i32
      %swap3A_452 = arith.index_cast %swap3A_451 : i32 to index
      %swap3A_453 = arith.constant 64 : index
      %swap3A_454 = tpu.vector_load %arg13[%swap3A_452, %swap3A_453] {strides = array<i32>} : memref<4x128xf32, #tpu.memory_space<vmem>>, vector<16xf32>,
      tpu.vector_store %arg13[%swap3A_452, %swap3A_453], %gather3A_450 {strides = array<i32>} : memref<4x128xf32, #tpu.memory_space<vmem>>, vector<16xf32>,
      %add3A_455 = arith.constant 1280 : i32
      %add3A_456 = vector.broadcast %add3A_455 : i32 to vector<16xi32>
      %add3A_457 = arith.addi %mul3A_5, %add3A_456 : vector<16xi32>
      %gather3A_458 = tpu.vector_load_idx %arg5[%broadcast_in_dim3A_414, %add3A_457] : memref<4x2048xf32, #tpu.memory_space<vmem>>[vector<16xi32>, vector<16xi32>], vector<16xf32>,
      %swap3A_459 = arith.constant 0 : i32
      %swap3A_460 = arith.index_cast %swap3A_459 : i32 to index
      %swap3A_461 = arith.constant 80 : index
      %swap3A_462 = tpu.vector_load %arg13[%swap3A_460, %swap3A_461] {strides = array<i32>} : memref<4x128xf32, #tpu.memory_space<vmem>>, vector<16xf32>,
      tpu.vector_store %arg13[%swap3A_460, %swap3A_461], %gather3A_458 {strides = array<i32>} : memref<4x128xf32, #tpu.memory_space<vmem>>, vector<16xf32>,
      %add3A_463 = arith.constant 1536 : i32
      %add3A_464 = vector.broadcast %add3A_463 : i32 to vector<16xi32>
      %add3A_465 = arith.addi %mul3A_5, %add3A_464 : vector<16xi32>
      %gather3A_466 = tpu.vector_load_idx %arg5[%broadcast_in_dim3A_414, %add3A_465] : memref<4x2048xf32, #tpu.memory_space<vmem>>[vector<16xi32>, vector<16xi32>], vector<16xf32>,
      %swap3A_467 = arith.constant 0 : i32
      %swap3A_468 = arith.index_cast %swap3A_467 : i32 to index
      %swap3A_469 = arith.constant 96 : index
      %swap3A_470 = tpu.vector_load %arg13[%swap3A_468, %swap3A_469] {strides = array<i32>} : memref<4x128xf32, #tpu.memory_space<vmem>>, vector<16xf32>,
      tpu.vector_store %arg13[%swap3A_468, %swap3A_469], %gather3A_466 {strides = array<i32>} : memref<4x128xf32, #tpu.memory_space<vmem>>, vector<16xf32>,
      %add3A_471 = arith.constant 1792 : i32
      %add3A_472 = vector.broadcast %add3A_471 : i32 to vector<16xi32>
      %add3A_473 = arith.addi %mul3A_5, %add3A_472 : vector<16xi32>
      %gather3A_474 = tpu.vector_load_idx %arg5[%broadcast_in_dim3A_414, %add3A_473] : memref<4x2048xf32, #tpu.memory_space<vmem>>[vector<16xi32>, vector<16xi32>], vector<16xf32>,
      %swap3A_475 = arith.constant 0 : i32
      %swap3A_476 = arith.index_cast %swap3A_475 : i32 to index
      %swap3A_477 = arith.constant 112 : index
      %swap3A_478 = tpu.vector_load %arg13[%swap3A_476, %swap3A_477] {strides = array<i32>} : memref<4x128xf32, #tpu.memory_space<vmem>>, vector<16xf32>,
      tpu.vector_store %arg13[%swap3A_476, %swap3A_477], %gather3A_474 {strides = array<i32>} : memref<4x128xf32, #tpu.memory_space<vmem>>, vector<16xf32>,
      %broadcast_in_dim3A_479 = arith.constant 1 : i32
      %broadcast_in_dim3A_480 = vector.broadcast %broadcast_in_dim3A_479 : i32 to vector<16xi32>
      %add3A_481 = arith.constant 0 : i32
      %add3A_482 = vector.broadcast %add3A_481 : i32 to vector<16xi32>
      %add3A_483 = arith.addi %mul3A_5, %add3A_482 : vector<16xi32>
      %gather3A_484 = tpu.vector_load_idx %arg5[%broadcast_in_dim3A_480, %add3A_483] : memref<4x2048xf32, #tpu.memory_space<vmem>>[vector<16xi32>, vector<16xi32>], vector<16xf32>,
      %swap3A_485 = arith.constant 1 : i32
      %swap3A_486 = arith.index_cast %swap3A_485 : i32 to index
      %swap3A_487 = arith.constant 0 : index
      %swap3A_488 = tpu.vector_load %arg13[%swap3A_486, %swap3A_487] {strides = array<i32>} : memref<4x128xf32, #tpu.memory_space<vmem>>, vector<16xf32>,
      tpu.vector_store %arg13[%swap3A_486, %swap3A_487], %gather3A_484 {strides = array<i32>} : memref<4x128xf32, #tpu.memory_space<vmem>>, vector<16xf32>,
      %add3A_489 = arith.constant 256 : i32
      %add3A_490 = vector.broadcast %add3A_489 : i32 to vector<16xi32>
      %add3A_491 = arith.addi %mul3A_5, %add3A_490 : vector<16xi32>
      %gather3A_492 = tpu.vector_load_idx %arg5[%broadcast_in_dim3A_480, %add3A_491] : memref<4x2048xf32, #tpu.memory_space<vmem>>[vector<16xi32>, vector<16xi32>], vector<16xf32>,
      %swap3A_493 = arith.constant 1 : i32
      %swap3A_494 = arith.index_cast %swap3A_493 : i32 to index
      %swap3A_495 = arith.constant 16 : index
      %swap3A_496 = tpu.vector_load %arg13[%swap3A_494, %swap3A_495] {strides = array<i32>} : memref<4x128xf32, #tpu.memory_space<vmem>>, vector<16xf32>,
      tpu.vector_store %arg13[%swap3A_494, %swap3A_495], %gather3A_492 {strides = array<i32>} : memref<4x128xf32, #tpu.memory_space<vmem>>, vector<16xf32>,
      %add3A_497 = arith.constant 512 : i32
      %add3A_498 = vector.broadcast %add3A_497 : i32 to vector<16xi32>
      %add3A_499 = arith.addi %mul3A_5, %add3A_498 : vector<16xi32>
      %gather3A_500 = tpu.vector_load_idx %arg5[%broadcast_in_dim3A_480, %add3A_499] : memref<4x2048xf32, #tpu.memory_space<vmem>>[vector<16xi32>, vector<16xi32>], vector<16xf32>,
      %swap3A_501 = arith.constant 1 : i32
      %swap3A_502 = arith.index_cast %swap3A_501 : i32 to index
      %swap3A_503 = arith.constant 32 : index
      %swap3A_504 = tpu.vector_load %arg13[%swap3A_502, %swap3A_503] {strides = array<i32>} : memref<4x128xf32, #tpu.memory_space<vmem>>, vector<16xf32>,
      tpu.vector_store %arg13[%swap3A_502, %swap3A_503], %gather3A_500 {strides = array<i32>} : memref<4x128xf32, #tpu.memory_space<vmem>>, vector<16xf32>,
      %add3A_505 = arith.constant 768 : i32
      %add3A_506 = vector.broadcast %add3A_505 : i32 to vector<16xi32>
      %add3A_507 = arith.addi %mul3A_5, %add3A_506 : vector<16xi32>
      %gather3A_508 = tpu.vector_load_idx %arg5[%broadcast_in_dim3A_480, %add3A_507] : memref<4x2048xf32, #tpu.memory_space<vmem>>[vector<16xi32>, vector<16xi32>], vector<16xf32>,
      %swap3A_509 = arith.constant 1 : i32
      %swap3A_510 = arith.index_cast %swap3A_509 : i32 to index
      %swap3A_511 = arith.constant 48 : index
      %swap3A_512 = tpu.vector_load %arg13[%swap3A_510, %swap3A_511] {strides = array<i32>} : memref<4x128xf32, #tpu.memory_space<vmem>>, vector<16xf32>,
      tpu.vector_store %arg13[%swap3A_510, %swap3A_511], %gather3A_508 {strides = array<i32>} : memref<4x128xf32, #tpu.memory_space<vmem>>, vector<16xf32>,
      %add3A_513 = arith.constant 1024 : i32
      %add3A_514 = vector.broadcast %add3A_513 : i32 to vector<16xi32>
      %add3A_515 = arith.addi %mul3A_5, %add3A_514 : vector<16xi32>
      %gather3A_516 = tpu.vector_load_idx %arg5[%broadcast_in_dim3A_480, %add3A_515] : memref<4x2048xf32, #tpu.memory_space<vmem>>[vector<16xi32>, vector<16xi32>], vector<16xf32>,
      %swap3A_517 = arith.constant 1 : i32
      %swap3A_518 = arith.index_cast %swap3A_517 : i32 to index
      %swap3A_519 = arith.constant 64 : index
      %swap3A_520 = tpu.vector_load %arg13[%swap3A_518, %swap3A_519] {strides = array<i32>} : memref<4x128xf32, #tpu.memory_space<vmem>>, vector<16xf32>,
      tpu.vector_store %arg13[%swap3A_518, %swap3A_519], %gather3A_516 {strides = array<i32>} : memref<4x128xf32, #tpu.memory_space<vmem>>, vector<16xf32>,
      %add3A_521 = arith.constant 1280 : i32
      %add3A_522 = vector.broadcast %add3A_521 : i32 to vector<16xi32>
      %add3A_523 = arith.addi %mul3A_5, %add3A_522 : vector<16xi32>
      %gather3A_524 = tpu.vector_load_idx %arg5[%broadcast_in_dim3A_480, %add3A_523] : memref<4x2048xf32, #tpu.memory_space<vmem>>[vector<16xi32>, vector<16xi32>], vector<16xf32>,
      %swap3A_525 = arith.constant 1 : i32
      %swap3A_526 = arith.index_cast %swap3A_525 : i32 to index
      %swap3A_527 = arith.constant 80 : index
      %swap3A_528 = tpu.vector_load %arg13[%swap3A_526, %swap3A_527] {strides = array<i32>} : memref<4x128xf32, #tpu.memory_space<vmem>>, vector<16xf32>,
      tpu.vector_store %arg13[%swap3A_526, %swap3A_527], %gather3A_524 {strides = array<i32>} : memref<4x128xf32, #tpu.memory_space<vmem>>, vector<16xf32>,
      %add3A_529 = arith.constant 1536 : i32
      %add3A_530 = vector.broadcast %add3A_529 : i32 to vector<16xi32>
      %add3A_531 = arith.addi %mul3A_5, %add3A_530 : vector<16xi32>
      %gather3A_532 = tpu.vector_load_idx %arg5[%broadcast_in_dim3A_480, %add3A_531] : memref<4x2048xf32, #tpu.memory_space<vmem>>[vector<16xi32>, vector<16xi32>], vector<16xf32>,
      %swap3A_533 = arith.constant 1 : i32
      %swap3A_534 = arith.index_cast %swap3A_533 : i32 to index
      %swap3A_535 = arith.constant 96 : index
      %swap3A_536 = tpu.vector_load %arg13[%swap3A_534, %swap3A_535] {strides = array<i32>} : memref<4x128xf32, #tpu.memory_space<vmem>>, vector<16xf32>,
      tpu.vector_store %arg13[%swap3A_534, %swap3A_535], %gather3A_532 {strides = array<i32>} : memref<4x128xf32, #tpu.memory_space<vmem>>, vector<16xf32>,
      %add3A_537 = arith.constant 1792 : i32
      %add3A_538 = vector.broadcast %add3A_537 : i32 to vector<16xi32>
      %add3A_539 = arith.addi %mul3A_5, %add3A_538 : vector<16xi32>
      %gather3A_540 = tpu.vector_load_idx %arg5[%broadcast_in_dim3A_480, %add3A_539] : memref<4x2048xf32, #tpu.memory_space<vmem>>[vector<16xi32>, vector<16xi32>], vector<16xf32>,
      %swap3A_541 = arith.constant 1 : i32
      %swap3A_542 = arith.index_cast %swap3A_541 : i32 to index
      %swap3A_543 = arith.constant 112 : index
      %swap3A_544 = tpu.vector_load %arg13[%swap3A_542, %swap3A_543] {strides = array<i32>} : memref<4x128xf32, #tpu.memory_space<vmem>>, vector<16xf32>,
      tpu.vector_store %arg13[%swap3A_542, %swap3A_543], %gather3A_540 {strides = array<i32>} : memref<4x128xf32, #tpu.memory_space<vmem>>, vector<16xf32>,
      %broadcast_in_dim3A_545 = arith.constant 2 : i32
      %broadcast_in_dim3A_546 = vector.broadcast %broadcast_in_dim3A_545 : i32 to vector<16xi32>
      %add3A_547 = arith.constant 0 : i32
      %add3A_548 = vector.broadcast %add3A_547 : i32 to vector<16xi32>
      %add3A_549 = arith.addi %mul3A_5, %add3A_548 : vector<16xi32>
      %gather3A_550 = tpu.vector_load_idx %arg5[%broadcast_in_dim3A_546, %add3A_549] : memref<4x2048xf32, #tpu.memory_space<vmem>>[vector<16xi32>, vector<16xi32>], vector<16xf32>,
      %swap3A_551 = arith.constant 2 : i32
      %swap3A_552 = arith.index_cast %swap3A_551 : i32 to index
      %swap3A_553 = arith.constant 0 : index
      %swap3A_554 = tpu.vector_load %arg13[%swap3A_552, %swap3A_553] {strides = array<i32>} : memref<4x128xf32, #tpu.memory_space<vmem>>, vector<16xf32>,
      tpu.vector_store %arg13[%swap3A_552, %swap3A_553], %gather3A_550 {strides = array<i32>} : memref<4x128xf32, #tpu.memory_space<vmem>>, vector<16xf32>,
      %add3A_555 = arith.constant 256 : i32
      %add3A_556 = vector.broadcast %add3A_555 : i32 to vector<16xi32>
      %add3A_557 = arith.addi %mul3A_5, %add3A_556 : vector<16xi32>
      %gather3A_558 = tpu.vector_load_idx %arg5[%broadcast_in_dim3A_546, %add3A_557] : memref<4x2048xf32, #tpu.memory_space<vmem>>[vector<16xi32>, vector<16xi32>], vector<16xf32>,
      %swap3A_559 = arith.constant 2 : i32
      %swap3A_560 = arith.index_cast %swap3A_559 : i32 to index
      %swap3A_561 = arith.constant 16 : index
      %swap3A_562 = tpu.vector_load %arg13[%swap3A_560, %swap3A_561] {strides = array<i32>} : memref<4x128xf32, #tpu.memory_space<vmem>>, vector<16xf32>,
      tpu.vector_store %arg13[%swap3A_560, %swap3A_561], %gather3A_558 {strides = array<i32>} : memref<4x128xf32, #tpu.memory_space<vmem>>, vector<16xf32>,
      %add3A_563 = arith.constant 512 : i32
      %add3A_564 = vector.broadcast %add3A_563 : i32 to vector<16xi32>
      %add3A_565 = arith.addi %mul3A_5, %add3A_564 : vector<16xi32>
      %gather3A_566 = tpu.vector_load_idx %arg5[%broadcast_in_dim3A_546, %add3A_565] : memref<4x2048xf32, #tpu.memory_space<vmem>>[vector<16xi32>, vector<16xi32>], vector<16xf32>,
      %swap3A_567 = arith.constant 2 : i32
      %swap3A_568 = arith.index_cast %swap3A_567 : i32 to index
      %swap3A_569 = arith.constant 32 : index
      %swap3A_570 = tpu.vector_load %arg13[%swap3A_568, %swap3A_569] {strides = array<i32>} : memref<4x128xf32, #tpu.memory_space<vmem>>, vector<16xf32>,
      tpu.vector_store %arg13[%swap3A_568, %swap3A_569], %gather3A_566 {strides = array<i32>} : memref<4x128xf32, #tpu.memory_space<vmem>>, vector<16xf32>,
      %add3A_571 = arith.constant 768 : i32
      %add3A_572 = vector.broadcast %add3A_571 : i32 to vector<16xi32>
      %add3A_573 = arith.addi %mul3A_5, %add3A_572 : vector<16xi32>
      %gather3A_574 = tpu.vector_load_idx %arg5[%broadcast_in_dim3A_546, %add3A_573] : memref<4x2048xf32, #tpu.memory_space<vmem>>[vector<16xi32>, vector<16xi32>], vector<16xf32>,
      %swap3A_575 = arith.constant 2 : i32
      %swap3A_576 = arith.index_cast %swap3A_575 : i32 to index
      %swap3A_577 = arith.constant 48 : index
      %swap3A_578 = tpu.vector_load %arg13[%swap3A_576, %swap3A_577] {strides = array<i32>} : memref<4x128xf32, #tpu.memory_space<vmem>>, vector<16xf32>,
      tpu.vector_store %arg13[%swap3A_576, %swap3A_577], %gather3A_574 {strides = array<i32>} : memref<4x128xf32, #tpu.memory_space<vmem>>, vector<16xf32>,
      %add3A_579 = arith.constant 1024 : i32
      %add3A_580 = vector.broadcast %add3A_579 : i32 to vector<16xi32>
      %add3A_581 = arith.addi %mul3A_5, %add3A_580 : vector<16xi32>
      %gather3A_582 = tpu.vector_load_idx %arg5[%broadcast_in_dim3A_546, %add3A_581] : memref<4x2048xf32, #tpu.memory_space<vmem>>[vector<16xi32>, vector<16xi32>], vector<16xf32>,
      %swap3A_583 = arith.constant 2 : i32
      %swap3A_584 = arith.index_cast %swap3A_583 : i32 to index
      %swap3A_585 = arith.constant 64 : index
      %swap3A_586 = tpu.vector_load %arg13[%swap3A_584, %swap3A_585] {strides = array<i32>} : memref<4x128xf32, #tpu.memory_space<vmem>>, vector<16xf32>,
      tpu.vector_store %arg13[%swap3A_584, %swap3A_585], %gather3A_582 {strides = array<i32>} : memref<4x128xf32, #tpu.memory_space<vmem>>, vector<16xf32>,
      %add3A_587 = arith.constant 1280 : i32
      %add3A_588 = vector.broadcast %add3A_587 : i32 to vector<16xi32>
      %add3A_589 = arith.addi %mul3A_5, %add3A_588 : vector<16xi32>
      %gather3A_590 = tpu.vector_load_idx %arg5[%broadcast_in_dim3A_546, %add3A_589] : memref<4x2048xf32, #tpu.memory_space<vmem>>[vector<16xi32>, vector<16xi32>], vector<16xf32>,
      %swap3A_591 = arith.constant 2 : i32
      %swap3A_592 = arith.index_cast %swap3A_591 : i32 to index
      %swap3A_593 = arith.constant 80 : index
      %swap3A_594 = tpu.vector_load %arg13[%swap3A_592, %swap3A_593] {strides = array<i32>} : memref<4x128xf32, #tpu.memory_space<vmem>>, vector<16xf32>,
      tpu.vector_store %arg13[%swap3A_592, %swap3A_593], %gather3A_590 {strides = array<i32>} : memref<4x128xf32, #tpu.memory_space<vmem>>, vector<16xf32>,
      %add3A_595 = arith.constant 1536 : i32
      %add3A_596 = vector.broadcast %add3A_595 : i32 to vector<16xi32>
      %add3A_597 = arith.addi %mul3A_5, %add3A_596 : vector<16xi32>
      %gather3A_598 = tpu.vector_load_idx %arg5[%broadcast_in_dim3A_546, %add3A_597] : memref<4x2048xf32, #tpu.memory_space<vmem>>[vector<16xi32>, vector<16xi32>], vector<16xf32>,
      %swap3A_599 = arith.constant 2 : i32
      %swap3A_600 = arith.index_cast %swap3A_599 : i32 to index
      %swap3A_601 = arith.constant 96 : index
      %swap3A_602 = tpu.vector_load %arg13[%swap3A_600, %swap3A_601] {strides = array<i32>} : memref<4x128xf32, #tpu.memory_space<vmem>>, vector<16xf32>,
      tpu.vector_store %arg13[%swap3A_600, %swap3A_601], %gather3A_598 {strides = array<i32>} : memref<4x128xf32, #tpu.memory_space<vmem>>, vector<16xf32>,
      %add3A_603 = arith.constant 1792 : i32
      %add3A_604 = vector.broadcast %add3A_603 : i32 to vector<16xi32>
      %add3A_605 = arith.addi %mul3A_5, %add3A_604 : vector<16xi32>
      %gather3A_606 = tpu.vector_load_idx %arg5[%broadcast_in_dim3A_546, %add3A_605] : memref<4x2048xf32, #tpu.memory_space<vmem>>[vector<16xi32>, vector<16xi32>], vector<16xf32>,
      %swap3A_607 = arith.constant 2 : i32
      %swap3A_608 = arith.index_cast %swap3A_607 : i32 to index
      %swap3A_609 = arith.constant 112 : index
      %swap3A_610 = tpu.vector_load %arg13[%swap3A_608, %swap3A_609] {strides = array<i32>} : memref<4x128xf32, #tpu.memory_space<vmem>>, vector<16xf32>,
      tpu.vector_store %arg13[%swap3A_608, %swap3A_609], %gather3A_606 {strides = array<i32>} : memref<4x128xf32, #tpu.memory_space<vmem>>, vector<16xf32>,
      %broadcast_in_dim3A_611 = arith.constant 3 : i32
      %broadcast_in_dim3A_612 = vector.broadcast %broadcast_in_dim3A_611 : i32 to vector<16xi32>
      %add3A_613 = arith.constant 0 : i32
      %add3A_614 = vector.broadcast %add3A_613 : i32 to vector<16xi32>
      %add3A_615 = arith.addi %mul3A_5, %add3A_614 : vector<16xi32>
      %gather3A_616 = tpu.vector_load_idx %arg5[%broadcast_in_dim3A_612, %add3A_615] : memref<4x2048xf32, #tpu.memory_space<vmem>>[vector<16xi32>, vector<16xi32>], vector<16xf32>,
      %swap3A_617 = arith.constant 3 : i32
      %swap3A_618 = arith.index_cast %swap3A_617 : i32 to index
      %swap3A_619 = arith.constant 0 : index
      %swap3A_620 = tpu.vector_load %arg13[%swap3A_618, %swap3A_619] {strides = array<i32>} : memref<4x128xf32, #tpu.memory_space<vmem>>, vector<16xf32>,
      tpu.vector_store %arg13[%swap3A_618, %swap3A_619], %gather3A_616 {strides = array<i32>} : memref<4x128xf32, #tpu.memory_space<vmem>>, vector<16xf32>,
      %add3A_621 = arith.constant 256 : i32
      %add3A_622 = vector.broadcast %add3A_621 : i32 to vector<16xi32>
      %add3A_623 = arith.addi %mul3A_5, %add3A_622 : vector<16xi32>
      %gather3A_624 = tpu.vector_load_idx %arg5[%broadcast_in_dim3A_612, %add3A_623] : memref<4x2048xf32, #tpu.memory_space<vmem>>[vector<16xi32>, vector<16xi32>], vector<16xf32>,
      %swap3A_625 = arith.constant 3 : i32
      %swap3A_626 = arith.index_cast %swap3A_625 : i32 to index
      %swap3A_627 = arith.constant 16 : index
      %swap3A_628 = tpu.vector_load %arg13[%swap3A_626, %swap3A_627] {strides = array<i32>} : memref<4x128xf32, #tpu.memory_space<vmem>>, vector<16xf32>,
      tpu.vector_store %arg13[%swap3A_626, %swap3A_627], %gather3A_624 {strides = array<i32>} : memref<4x128xf32, #tpu.memory_space<vmem>>, vector<16xf32>,
      %add3A_629 = arith.constant 512 : i32
      %add3A_630 = vector.broadcast %add3A_629 : i32 to vector<16xi32>
      %add3A_631 = arith.addi %mul3A_5, %add3A_630 : vector<16xi32>
      %gather3A_632 = tpu.vector_load_idx %arg5[%broadcast_in_dim3A_612, %add3A_631] : memref<4x2048xf32, #tpu.memory_space<vmem>>[vector<16xi32>, vector<16xi32>], vector<16xf32>,
      %swap3A_633 = arith.constant 3 : i32
      %swap3A_634 = arith.index_cast %swap3A_633 : i32 to index
      %swap3A_635 = arith.constant 32 : index
      %swap3A_636 = tpu.vector_load %arg13[%swap3A_634, %swap3A_635] {strides = array<i32>} : memref<4x128xf32, #tpu.memory_space<vmem>>, vector<16xf32>,
      tpu.vector_store %arg13[%swap3A_634, %swap3A_635], %gather3A_632 {strides = array<i32>} : memref<4x128xf32, #tpu.memory_space<vmem>>, vector<16xf32>,
      %add3A_637 = arith.constant 768 : i32
      %add3A_638 = vector.broadcast %add3A_637 : i32 to vector<16xi32>
      %add3A_639 = arith.addi %mul3A_5, %add3A_638 : vector<16xi32>
      %gather3A_640 = tpu.vector_load_idx %arg5[%broadcast_in_dim3A_612, %add3A_639] : memref<4x2048xf32, #tpu.memory_space<vmem>>[vector<16xi32>, vector<16xi32>], vector<16xf32>,
      %swap3A_641 = arith.constant 3 : i32
      %swap3A_642 = arith.index_cast %swap3A_641 : i32 to index
      %swap3A_643 = arith.constant 48 : index
      %swap3A_644 = tpu.vector_load %arg13[%swap3A_642, %swap3A_643] {strides = array<i32>} : memref<4x128xf32, #tpu.memory_space<vmem>>, vector<16xf32>,
      tpu.vector_store %arg13[%swap3A_642, %swap3A_643], %gather3A_640 {strides = array<i32>} : memref<4x128xf32, #tpu.memory_space<vmem>>, vector<16xf32>,
      %add3A_645 = arith.constant 1024 : i32
      %add3A_646 = vector.broadcast %add3A_645 : i32 to vector<16xi32>
      %add3A_647 = arith.addi %mul3A_5, %add3A_646 : vector<16xi32>
      %gather3A_648 = tpu.vector_load_idx %arg5[%broadcast_in_dim3A_612, %add3A_647] : memref<4x2048xf32, #tpu.memory_space<vmem>>[vector<16xi32>, vector<16xi32>], vector<16xf32>,
      %swap3A_649 = arith.constant 3 : i32
      %swap3A_650 = arith.index_cast %swap3A_649 : i32 to index
      %swap3A_651 = arith.constant 64 : index
      %swap3A_652 = tpu.vector_load %arg13[%swap3A_650, %swap3A_651] {strides = array<i32>} : memref<4x128xf32, #tpu.memory_space<vmem>>, vector<16xf32>,
      tpu.vector_store %arg13[%swap3A_650, %swap3A_651], %gather3A_648 {strides = array<i32>} : memref<4x128xf32, #tpu.memory_space<vmem>>, vector<16xf32>,
      %add3A_653 = arith.constant 1280 : i32
      %add3A_654 = vector.broadcast %add3A_653 : i32 to vector<16xi32>
      %add3A_655 = arith.addi %mul3A_5, %add3A_654 : vector<16xi32>
      %gather3A_656 = tpu.vector_load_idx %arg5[%broadcast_in_dim3A_612, %add3A_655] : memref<4x2048xf32, #tpu.memory_space<vmem>>[vector<16xi32>, vector<16xi32>], vector<16xf32>,
      %swap3A_657 = arith.constant 3 : i32
      %swap3A_658 = arith.index_cast %swap3A_657 : i32 to index
      %swap3A_659 = arith.constant 80 : index
      %swap3A_660 = tpu.vector_load %arg13[%swap3A_658, %swap3A_659] {strides = array<i32>} : memref<4x128xf32, #tpu.memory_space<vmem>>, vector<16xf32>,
      tpu.vector_store %arg13[%swap3A_658, %swap3A_659], %gather3A_656 {strides = array<i32>} : memref<4x128xf32, #tpu.memory_space<vmem>>, vector<16xf32>,
      %add3A_661 = arith.constant 1536 : i32
      %add3A_662 = vector.broadcast %add3A_661 : i32 to vector<16xi32>
      %add3A_663 = arith.addi %mul3A_5, %add3A_662 : vector<16xi32>
      %gather3A_664 = tpu.vector_load_idx %arg5[%broadcast_in_dim3A_612, %add3A_663] : memref<4x2048xf32, #tpu.memory_space<vmem>>[vector<16xi32>, vector<16xi32>], vector<16xf32>,
      %swap3A_665 = arith.constant 3 : i32
      %swap3A_666 = arith.index_cast %swap3A_665 : i32 to index
      %swap3A_667 = arith.constant 96 : index
      %swap3A_668 = tpu.vector_load %arg13[%swap3A_666, %swap3A_667] {strides = array<i32>} : memref<4x128xf32, #tpu.memory_space<vmem>>, vector<16xf32>,
      tpu.vector_store %arg13[%swap3A_666, %swap3A_667], %gather3A_664 {strides = array<i32>} : memref<4x128xf32, #tpu.memory_space<vmem>>, vector<16xf32>,
      %add3A_669 = arith.constant 1792 : i32
      %add3A_670 = vector.broadcast %add3A_669 : i32 to vector<16xi32>
      %add3A_671 = arith.addi %mul3A_5, %add3A_670 : vector<16xi32>
      %gather3A_672 = tpu.vector_load_idx %arg5[%broadcast_in_dim3A_612, %add3A_671] : memref<4x2048xf32, #tpu.memory_space<vmem>>[vector<16xi32>, vector<16xi32>], vector<16xf32>,
      %swap3A_673 = arith.constant 3 : i32
      %swap3A_674 = arith.index_cast %swap3A_673 : i32 to index
      %swap3A_675 = arith.constant 112 : index
      %swap3A_676 = tpu.vector_load %arg13[%swap3A_674, %swap3A_675] {strides = array<i32>} : memref<4x128xf32, #tpu.memory_space<vmem>>, vector<16xf32>,
      tpu.vector_store %arg13[%swap3A_674, %swap3A_675], %gather3A_672 {strides = array<i32>} : memref<4x128xf32, #tpu.memory_space<vmem>>, vector<16xf32>,
      %mul3A_677 = arith.constant 4 : i32
      %mul3A_678 = arith.muli %add3A_391, %mul3A_677 : i32
      %add3A_679 = arith.addi %mul3A_2, %mul3A_678 : i32
      %dma_start3A_680 = arith.constant 0 : i32
      %dma_start3A_681 = tpu.memref_slice %arg3[%add3A_679, %dma_start3A_680] : memref<16384x128xf32, #tpu.memory_space<hbm>> -> memref<4x128xf32, #tpu.memory_space<hbm>>
      %dma_start3A_682 = arith.constant 0 : i32
      %dma_start3A_683 = tpu.memref_slice %arg3[%add3A_679, %dma_start3A_682] : memref<16384x128xf32, #tpu.memory_space<hbm>> -> memref<4x128xf32, #tpu.memory_space<hbm>>
      tpu.enqueue_dma source(%arg13 : memref<4x128xf32, #tpu.memory_space<vmem>>) target(%dma_start3A_683 : memref<4x128xf32, #tpu.memory_space<hbm>>) target_semaphore(%arg29 : memref<!tpu.dma_semaphore, #tpu.memory_space<semaphore_mem>>)
      %mul3A_684 = arith.constant 8 : i32
      %mul3A_685 = arith.muli %scan3A_99, %mul3A_684 : i32
      %add3A_686 = arith.constant 2 : i32
      %add3A_687 = arith.addi %mul3A_685, %add3A_686 : i32
      %mul3A_688 = arith.constant 4 : i32
      %mul3A_689 = arith.muli %add3A_687, %mul3A_688 : i32
      %add3A_690 = arith.addi %mul3A_2, %mul3A_689 : i32
      %dma_wait3A_691 = arith.constant 0 : i32
      %dma_wait3A_692 = tpu.memref_slice %arg2[%add3A_690, %dma_wait3A_691] : memref<16384x2048xf32, #tpu.memory_space<hbm>> -> memref<4x2048xf32, #tpu.memory_space<hbm>>
      %dma_wait3A_693 = arith.constant 0 : i32
      %dma_wait3A_694 = tpu.memref_slice %arg2[%add3A_690, %dma_wait3A_693] : memref<16384x2048xf32, #tpu.memory_space<hbm>> -> memref<4x2048xf32, #tpu.memory_space<hbm>>
      tpu.wait_dma2 semaphore(%arg22 : memref<!tpu.dma_semaphore, #tpu.memory_space<semaphore_mem>>) src(%dma_wait3A_694 : memref<4x2048xf32, #tpu.memory_space<hbm>>) dst(%arg6 : memref<4x2048xf32, #tpu.memory_space<vmem>>)
      %add3A_695 = arith.constant 8 : i32
      %add3A_696 = arith.addi %add3A_687, %add3A_695 : i32
      %sub3A_697 = arith.constant 1 : i32
      %sub3A_698 = arith.subi %add3A_696, %sub3A_697 : i32
      %lt3A_699 = arith.constant 128 : i32
      %lt3A_700 = arith.cmpi slt, %sub3A_698, %lt3A_699 : i32
      %convert_element_type3A_701 = arith.extui %lt3A_700 : i1 to i32
      %cond3A_702 = arith.constant 0 : i32
      %cond3A_703 = arith.cmpi ne, %convert_element_type3A_701, %cond3A_702 : i32
      scf.if %cond3A_703 {
        %add3A_2460 = arith.constant 8 : i32
        %add3A_2461 = arith.addi %add3A_687, %add3A_2460 : i32
        %sub3A_2462 = arith.constant 1 : i32
        %sub3A_2463 = arith.subi %add3A_2461, %sub3A_2462 : i32
        %mul3A_2464 = arith.constant 4 : i32
        %mul3A_2465 = arith.muli %sub3A_2463, %mul3A_2464 : i32
        %add3A_2466 = arith.addi %mul3A_2, %mul3A_2465 : i32
        %dma_start3A_2467 = arith.constant 0 : i32
        %dma_start3A_2468 = tpu.memref_slice %arg2[%add3A_2466, %dma_start3A_2467] : memref<16384x2048xf32, #tpu.memory_space<hbm>> -> memref<4x2048xf32, #tpu.memory_space<hbm>>
        %dma_start3A_2469 = arith.constant 0 : i32
        %dma_start3A_2470 = tpu.memref_slice %arg2[%add3A_2466, %dma_start3A_2469] : memref<16384x2048xf32, #tpu.memory_space<hbm>> -> memref<4x2048xf32, #tpu.memory_space<hbm>>
        tpu.enqueue_dma source(%dma_start3A_2470 : memref<4x2048xf32, #tpu.memory_space<hbm>>) target(%arg5 : memref<4x2048xf32, #tpu.memory_space<vmem>>) target_semaphore(%arg21 : memref<!tpu.dma_semaphore, #tpu.memory_space<semaphore_mem>>)
      } else {
      }
      %ge3A_704 = arith.constant 8 : i32
      %ge3A_705 = arith.cmpi sge, %add3A_687, %ge3A_704 : i32
      %convert_element_type3A_706 = arith.extui %ge3A_705 : i1 to i32
      %cond3A_707 = arith.constant 0 : i32
      %cond3A_708 = arith.cmpi ne, %convert_element_type3A_706, %cond3A_707 : i32
      scf.if %cond3A_708 {
        %sub3A_2460 = arith.constant 8 : i32
        %sub3A_2461 = arith.subi %add3A_687, %sub3A_2460 : i32
        %mul3A_2462 = arith.constant 4 : i32
        %mul3A_2463 = arith.muli %sub3A_2461, %mul3A_2462 : i32
        %add3A_2464 = arith.addi %mul3A_2, %mul3A_2463 : i32
        %dma_wait3A_2465 = arith.constant 0 : i32
        %dma_wait3A_2466 = tpu.memref_slice %arg3[%add3A_2464, %dma_wait3A_2465] : memref<16384x128xf32, #tpu.memory_space<hbm>> -> memref<4x128xf32, #tpu.memory_space<hbm>>
        %dma_wait3A_2467 = arith.constant 0 : i32
        %dma_wait3A_2468 = tpu.memref_slice %arg3[%add3A_2464, %dma_wait3A_2467] : memref<16384x128xf32, #tpu.memory_space<hbm>> -> memref<4x128xf32, #tpu.memory_space<hbm>>
        tpu.wait_dma2 semaphore(%arg30 : memref<!tpu.dma_semaphore, #tpu.memory_space<semaphore_mem>>) src(%arg14 : memref<4x128xf32, #tpu.memory_space<vmem>>) dst(%dma_wait3A_2468 : memref<4x128xf32, #tpu.memory_space<hbm>>)
      } else {
      }
      %broadcast_in_dim3A_709 = arith.constant 0 : i32
      %broadcast_in_dim3A_710 = vector.broadcast %broadcast_in_dim3A_709 : i32 to vector<16xi32>
      %add3A_711 = arith.constant 0 : i32
      %add3A_712 = vector.broadcast %add3A_711 : i32 to vector<16xi32>
      %add3A_713 = arith.addi %mul3A_5, %add3A_712 : vector<16xi32>
      %gather3A_714 = tpu.vector_load_idx %arg6[%broadcast_in_dim3A_710, %add3A_713] : memref<4x2048xf32, #tpu.memory_space<vmem>>[vector<16xi32>, vector<16xi32>], vector<16xf32>,
      %swap3A_715 = arith.constant 0 : i32
      %swap3A_716 = arith.index_cast %swap3A_715 : i32 to index
      %swap3A_717 = arith.constant 0 : index
      %swap3A_718 = tpu.vector_load %arg14[%swap3A_716, %swap3A_717] {strides = array<i32>} : memref<4x128xf32, #tpu.memory_space<vmem>>, vector<16xf32>,
      tpu.vector_store %arg14[%swap3A_716, %swap3A_717], %gather3A_714 {strides = array<i32>} : memref<4x128xf32, #tpu.memory_space<vmem>>, vector<16xf32>,
      %add3A_719 = arith.constant 256 : i32
      %add3A_720 = vector.broadcast %add3A_719 : i32 to vector<16xi32>
      %add3A_721 = arith.addi %mul3A_5, %add3A_720 : vector<16xi32>
      %gather3A_722 = tpu.vector_load_idx %arg6[%broadcast_in_dim3A_710, %add3A_721] : memref<4x2048xf32, #tpu.memory_space<vmem>>[vector<16xi32>, vector<16xi32>], vector<16xf32>,
      %swap3A_723 = arith.constant 0 : i32
      %swap3A_724 = arith.index_cast %swap3A_723 : i32 to index
      %swap3A_725 = arith.constant 16 : index
      %swap3A_726 = tpu.vector_load %arg14[%swap3A_724, %swap3A_725] {strides = array<i32>} : memref<4x128xf32, #tpu.memory_space<vmem>>, vector<16xf32>,
      tpu.vector_store %arg14[%swap3A_724, %swap3A_725], %gather3A_722 {strides = array<i32>} : memref<4x128xf32, #tpu.memory_space<vmem>>, vector<16xf32>,
      %add3A_727 = arith.constant 512 : i32
      %add3A_728 = vector.broadcast %add3A_727 : i32 to vector<16xi32>
      %add3A_729 = arith.addi %mul3A_5, %add3A_728 : vector<16xi32>
      %gather3A_730 = tpu.vector_load_idx %arg6[%broadcast_in_dim3A_710, %add3A_729] : memref<4x2048xf32, #tpu.memory_space<vmem>>[vector<16xi32>, vector<16xi32>], vector<16xf32>,
      %swap3A_731 = arith.constant 0 : i32
      %swap3A_732 = arith.index_cast %swap3A_731 : i32 to index
      %swap3A_733 = arith.constant 32 : index
      %swap3A_734 = tpu.vector_load %arg14[%swap3A_732, %swap3A_733] {strides = array<i32>} : memref<4x128xf32, #tpu.memory_space<vmem>>, vector<16xf32>,
      tpu.vector_store %arg14[%swap3A_732, %swap3A_733], %gather3A_730 {strides = array<i32>} : memref<4x128xf32, #tpu.memory_space<vmem>>, vector<16xf32>,
      %add3A_735 = arith.constant 768 : i32
      %add3A_736 = vector.broadcast %add3A_735 : i32 to vector<16xi32>
      %add3A_737 = arith.addi %mul3A_5, %add3A_736 : vector<16xi32>
      %gather3A_738 = tpu.vector_load_idx %arg6[%broadcast_in_dim3A_710, %add3A_737] : memref<4x2048xf32, #tpu.memory_space<vmem>>[vector<16xi32>, vector<16xi32>], vector<16xf32>,
      %swap3A_739 = arith.constant 0 : i32
      %swap3A_740 = arith.index_cast %swap3A_739 : i32 to index
      %swap3A_741 = arith.constant 48 : index
      %swap3A_742 = tpu.vector_load %arg14[%swap3A_740, %swap3A_741] {strides = array<i32>} : memref<4x128xf32, #tpu.memory_space<vmem>>, vector<16xf32>,
      tpu.vector_store %arg14[%swap3A_740, %swap3A_741], %gather3A_738 {strides = array<i32>} : memref<4x128xf32, #tpu.memory_space<vmem>>, vector<16xf32>,
      %add3A_743 = arith.constant 1024 : i32
      %add3A_744 = vector.broadcast %add3A_743 : i32 to vector<16xi32>
      %add3A_745 = arith.addi %mul3A_5, %add3A_744 : vector<16xi32>
      %gather3A_746 = tpu.vector_load_idx %arg6[%broadcast_in_dim3A_710, %add3A_745] : memref<4x2048xf32, #tpu.memory_space<vmem>>[vector<16xi32>, vector<16xi32>], vector<16xf32>,
      %swap3A_747 = arith.constant 0 : i32
      %swap3A_748 = arith.index_cast %swap3A_747 : i32 to index
      %swap3A_749 = arith.constant 64 : index
      %swap3A_750 = tpu.vector_load %arg14[%swap3A_748, %swap3A_749] {strides = array<i32>} : memref<4x128xf32, #tpu.memory_space<vmem>>, vector<16xf32>,
      tpu.vector_store %arg14[%swap3A_748, %swap3A_749], %gather3A_746 {strides = array<i32>} : memref<4x128xf32, #tpu.memory_space<vmem>>, vector<16xf32>,
      %add3A_751 = arith.constant 1280 : i32
      %add3A_752 = vector.broadcast %add3A_751 : i32 to vector<16xi32>
      %add3A_753 = arith.addi %mul3A_5, %add3A_752 : vector<16xi32>
      %gather3A_754 = tpu.vector_load_idx %arg6[%broadcast_in_dim3A_710, %add3A_753] : memref<4x2048xf32, #tpu.memory_space<vmem>>[vector<16xi32>, vector<16xi32>], vector<16xf32>,
      %swap3A_755 = arith.constant 0 : i32
      %swap3A_756 = arith.index_cast %swap3A_755 : i32 to index
      %swap3A_757 = arith.constant 80 : index
      %swap3A_758 = tpu.vector_load %arg14[%swap3A_756, %swap3A_757] {strides = array<i32>} : memref<4x128xf32, #tpu.memory_space<vmem>>, vector<16xf32>,
      tpu.vector_store %arg14[%swap3A_756, %swap3A_757], %gather3A_754 {strides = array<i32>} : memref<4x128xf32, #tpu.memory_space<vmem>>, vector<16xf32>,
      %add3A_759 = arith.constant 1536 : i32
      %add3A_760 = vector.broadcast %add3A_759 : i32 to vector<16xi32>
      %add3A_761 = arith.addi %mul3A_5, %add3A_760 : vector<16xi32>
      %gather3A_762 = tpu.vector_load_idx %arg6[%broadcast_in_dim3A_710, %add3A_761] : memref<4x2048xf32, #tpu.memory_space<vmem>>[vector<16xi32>, vector<16xi32>], vector<16xf32>,
      %swap3A_763 = arith.constant 0 : i32
      %swap3A_764 = arith.index_cast %swap3A_763 : i32 to index
      %swap3A_765 = arith.constant 96 : index
      %swap3A_766 = tpu.vector_load %arg14[%swap3A_764, %swap3A_765] {strides = array<i32>} : memref<4x128xf32, #tpu.memory_space<vmem>>, vector<16xf32>,
      tpu.vector_store %arg14[%swap3A_764, %swap3A_765], %gather3A_762 {strides = array<i32>} : memref<4x128xf32, #tpu.memory_space<vmem>>, vector<16xf32>,
      %add3A_767 = arith.constant 1792 : i32
      %add3A_768 = vector.broadcast %add3A_767 : i32 to vector<16xi32>
      %add3A_769 = arith.addi %mul3A_5, %add3A_768 : vector<16xi32>
      %gather3A_770 = tpu.vector_load_idx %arg6[%broadcast_in_dim3A_710, %add3A_769] : memref<4x2048xf32, #tpu.memory_space<vmem>>[vector<16xi32>, vector<16xi32>], vector<16xf32>,
      %swap3A_771 = arith.constant 0 : i32
      %swap3A_772 = arith.index_cast %swap3A_771 : i32 to index
      %swap3A_773 = arith.constant 112 : index
      %swap3A_774 = tpu.vector_load %arg14[%swap3A_772, %swap3A_773] {strides = array<i32>} : memref<4x128xf32, #tpu.memory_space<vmem>>, vector<16xf32>,
      tpu.vector_store %arg14[%swap3A_772, %swap3A_773], %gather3A_770 {strides = array<i32>} : memref<4x128xf32, #tpu.memory_space<vmem>>, vector<16xf32>,
      %broadcast_in_dim3A_775 = arith.constant 1 : i32
      %broadcast_in_dim3A_776 = vector.broadcast %broadcast_in_dim3A_775 : i32 to vector<16xi32>
      %add3A_777 = arith.constant 0 : i32
      %add3A_778 = vector.broadcast %add3A_777 : i32 to vector<16xi32>
      %add3A_779 = arith.addi %mul3A_5, %add3A_778 : vector<16xi32>
      %gather3A_780 = tpu.vector_load_idx %arg6[%broadcast_in_dim3A_776, %add3A_779] : memref<4x2048xf32, #tpu.memory_space<vmem>>[vector<16xi32>, vector<16xi32>], vector<16xf32>,
      %swap3A_781 = arith.constant 1 : i32
      %swap3A_782 = arith.index_cast %swap3A_781 : i32 to index
      %swap3A_783 = arith.constant 0 : index
      %swap3A_784 = tpu.vector_load %arg14[%swap3A_782, %swap3A_783] {strides = array<i32>} : memref<4x128xf32, #tpu.memory_space<vmem>>, vector<16xf32>,
      tpu.vector_store %arg14[%swap3A_782, %swap3A_783], %gather3A_780 {strides = array<i32>} : memref<4x128xf32, #tpu.memory_space<vmem>>, vector<16xf32>,
      %add3A_785 = arith.constant 256 : i32
      %add3A_786 = vector.broadcast %add3A_785 : i32 to vector<16xi32>
      %add3A_787 = arith.addi %mul3A_5, %add3A_786 : vector<16xi32>
      %gather3A_788 = tpu.vector_load_idx %arg6[%broadcast_in_dim3A_776, %add3A_787] : memref<4x2048xf32, #tpu.memory_space<vmem>>[vector<16xi32>, vector<16xi32>], vector<16xf32>,
      %swap3A_789 = arith.constant 1 : i32
      %swap3A_790 = arith.index_cast %swap3A_789 : i32 to index
      %swap3A_791 = arith.constant 16 : index
      %swap3A_792 = tpu.vector_load %arg14[%swap3A_790, %swap3A_791] {strides = array<i32>} : memref<4x128xf32, #tpu.memory_space<vmem>>, vector<16xf32>,
      tpu.vector_store %arg14[%swap3A_790, %swap3A_791], %gather3A_788 {strides = array<i32>} : memref<4x128xf32, #tpu.memory_space<vmem>>, vector<16xf32>,
      %add3A_793 = arith.constant 512 : i32
      %add3A_794 = vector.broadcast %add3A_793 : i32 to vector<16xi32>
      %add3A_795 = arith.addi %mul3A_5, %add3A_794 : vector<16xi32>
      %gather3A_796 = tpu.vector_load_idx %arg6[%broadcast_in_dim3A_776, %add3A_795] : memref<4x2048xf32, #tpu.memory_space<vmem>>[vector<16xi32>, vector<16xi32>], vector<16xf32>,
      %swap3A_797 = arith.constant 1 : i32
      %swap3A_798 = arith.index_cast %swap3A_797 : i32 to index
      %swap3A_799 = arith.constant 32 : index
      %swap3A_800 = tpu.vector_load %arg14[%swap3A_798, %swap3A_799] {strides = array<i32>} : memref<4x128xf32, #tpu.memory_space<vmem>>, vector<16xf32>,
      tpu.vector_store %arg14[%swap3A_798, %swap3A_799], %gather3A_796 {strides = array<i32>} : memref<4x128xf32, #tpu.memory_space<vmem>>, vector<16xf32>,
      %add3A_801 = arith.constant 768 : i32
      %add3A_802 = vector.broadcast %add3A_801 : i32 to vector<16xi32>
      %add3A_803 = arith.addi %mul3A_5, %add3A_802 : vector<16xi32>
      %gather3A_804 = tpu.vector_load_idx %arg6[%broadcast_in_dim3A_776, %add3A_803] : memref<4x2048xf32, #tpu.memory_space<vmem>>[vector<16xi32>, vector<16xi32>], vector<16xf32>,
      %swap3A_805 = arith.constant 1 : i32
      %swap3A_806 = arith.index_cast %swap3A_805 : i32 to index
      %swap3A_807 = arith.constant 48 : index
      %swap3A_808 = tpu.vector_load %arg14[%swap3A_806, %swap3A_807] {strides = array<i32>} : memref<4x128xf32, #tpu.memory_space<vmem>>, vector<16xf32>,
      tpu.vector_store %arg14[%swap3A_806, %swap3A_807], %gather3A_804 {strides = array<i32>} : memref<4x128xf32, #tpu.memory_space<vmem>>, vector<16xf32>,
      %add3A_809 = arith.constant 1024 : i32
      %add3A_810 = vector.broadcast %add3A_809 : i32 to vector<16xi32>
      %add3A_811 = arith.addi %mul3A_5, %add3A_810 : vector<16xi32>
      %gather3A_812 = tpu.vector_load_idx %arg6[%broadcast_in_dim3A_776, %add3A_811] : memref<4x2048xf32, #tpu.memory_space<vmem>>[vector<16xi32>, vector<16xi32>], vector<16xf32>,
      %swap3A_813 = arith.constant 1 : i32
      %swap3A_814 = arith.index_cast %swap3A_813 : i32 to index
      %swap3A_815 = arith.constant 64 : index
      %swap3A_816 = tpu.vector_load %arg14[%swap3A_814, %swap3A_815] {strides = array<i32>} : memref<4x128xf32, #tpu.memory_space<vmem>>, vector<16xf32>,
      tpu.vector_store %arg14[%swap3A_814, %swap3A_815], %gather3A_812 {strides = array<i32>} : memref<4x128xf32, #tpu.memory_space<vmem>>, vector<16xf32>,
      %add3A_817 = arith.constant 1280 : i32
      %add3A_818 = vector.broadcast %add3A_817 : i32 to vector<16xi32>
      %add3A_819 = arith.addi %mul3A_5, %add3A_818 : vector<16xi32>
      %gather3A_820 = tpu.vector_load_idx %arg6[%broadcast_in_dim3A_776, %add3A_819] : memref<4x2048xf32, #tpu.memory_space<vmem>>[vector<16xi32>, vector<16xi32>], vector<16xf32>,
      %swap3A_821 = arith.constant 1 : i32
      %swap3A_822 = arith.index_cast %swap3A_821 : i32 to index
      %swap3A_823 = arith.constant 80 : index
      %swap3A_824 = tpu.vector_load %arg14[%swap3A_822, %swap3A_823] {strides = array<i32>} : memref<4x128xf32, #tpu.memory_space<vmem>>, vector<16xf32>,
      tpu.vector_store %arg14[%swap3A_822, %swap3A_823], %gather3A_820 {strides = array<i32>} : memref<4x128xf32, #tpu.memory_space<vmem>>, vector<16xf32>,
      %add3A_825 = arith.constant 1536 : i32
      %add3A_826 = vector.broadcast %add3A_825 : i32 to vector<16xi32>
      %add3A_827 = arith.addi %mul3A_5, %add3A_826 : vector<16xi32>
      %gather3A_828 = tpu.vector_load_idx %arg6[%broadcast_in_dim3A_776, %add3A_827] : memref<4x2048xf32, #tpu.memory_space<vmem>>[vector<16xi32>, vector<16xi32>], vector<16xf32>,
      %swap3A_829 = arith.constant 1 : i32
      %swap3A_830 = arith.index_cast %swap3A_829 : i32 to index
      %swap3A_831 = arith.constant 96 : index
      %swap3A_832 = tpu.vector_load %arg14[%swap3A_830, %swap3A_831] {strides = array<i32>} : memref<4x128xf32, #tpu.memory_space<vmem>>, vector<16xf32>,
      tpu.vector_store %arg14[%swap3A_830, %swap3A_831], %gather3A_828 {strides = array<i32>} : memref<4x128xf32, #tpu.memory_space<vmem>>, vector<16xf32>,
      %add3A_833 = arith.constant 1792 : i32
      %add3A_834 = vector.broadcast %add3A_833 : i32 to vector<16xi32>
      %add3A_835 = arith.addi %mul3A_5, %add3A_834 : vector<16xi32>
      %gather3A_836 = tpu.vector_load_idx %arg6[%broadcast_in_dim3A_776, %add3A_835] : memref<4x2048xf32, #tpu.memory_space<vmem>>[vector<16xi32>, vector<16xi32>], vector<16xf32>,
      %swap3A_837 = arith.constant 1 : i32
      %swap3A_838 = arith.index_cast %swap3A_837 : i32 to index
      %swap3A_839 = arith.constant 112 : index
      %swap3A_840 = tpu.vector_load %arg14[%swap3A_838, %swap3A_839] {strides = array<i32>} : memref<4x128xf32, #tpu.memory_space<vmem>>, vector<16xf32>,
      tpu.vector_store %arg14[%swap3A_838, %swap3A_839], %gather3A_836 {strides = array<i32>} : memref<4x128xf32, #tpu.memory_space<vmem>>, vector<16xf32>,
      %broadcast_in_dim3A_841 = arith.constant 2 : i32
      %broadcast_in_dim3A_842 = vector.broadcast %broadcast_in_dim3A_841 : i32 to vector<16xi32>
      %add3A_843 = arith.constant 0 : i32
      %add3A_844 = vector.broadcast %add3A_843 : i32 to vector<16xi32>
      %add3A_845 = arith.addi %mul3A_5, %add3A_844 : vector<16xi32>
      %gather3A_846 = tpu.vector_load_idx %arg6[%broadcast_in_dim3A_842, %add3A_845] : memref<4x2048xf32, #tpu.memory_space<vmem>>[vector<16xi32>, vector<16xi32>], vector<16xf32>,
      %swap3A_847 = arith.constant 2 : i32
      %swap3A_848 = arith.index_cast %swap3A_847 : i32 to index
      %swap3A_849 = arith.constant 0 : index
      %swap3A_850 = tpu.vector_load %arg14[%swap3A_848, %swap3A_849] {strides = array<i32>} : memref<4x128xf32, #tpu.memory_space<vmem>>, vector<16xf32>,
      tpu.vector_store %arg14[%swap3A_848, %swap3A_849], %gather3A_846 {strides = array<i32>} : memref<4x128xf32, #tpu.memory_space<vmem>>, vector<16xf32>,
      %add3A_851 = arith.constant 256 : i32
      %add3A_852 = vector.broadcast %add3A_851 : i32 to vector<16xi32>
      %add3A_853 = arith.addi %mul3A_5, %add3A_852 : vector<16xi32>
      %gather3A_854 = tpu.vector_load_idx %arg6[%broadcast_in_dim3A_842, %add3A_853] : memref<4x2048xf32, #tpu.memory_space<vmem>>[vector<16xi32>, vector<16xi32>], vector<16xf32>,
      %swap3A_855 = arith.constant 2 : i32
      %swap3A_856 = arith.index_cast %swap3A_855 : i32 to index
      %swap3A_857 = arith.constant 16 : index
      %swap3A_858 = tpu.vector_load %arg14[%swap3A_856, %swap3A_857] {strides = array<i32>} : memref<4x128xf32, #tpu.memory_space<vmem>>, vector<16xf32>,
      tpu.vector_store %arg14[%swap3A_856, %swap3A_857], %gather3A_854 {strides = array<i32>} : memref<4x128xf32, #tpu.memory_space<vmem>>, vector<16xf32>,
      %add3A_859 = arith.constant 512 : i32
      %add3A_860 = vector.broadcast %add3A_859 : i32 to vector<16xi32>
      %add3A_861 = arith.addi %mul3A_5, %add3A_860 : vector<16xi32>
      %gather3A_862 = tpu.vector_load_idx %arg6[%broadcast_in_dim3A_842, %add3A_861] : memref<4x2048xf32, #tpu.memory_space<vmem>>[vector<16xi32>, vector<16xi32>], vector<16xf32>,
      %swap3A_863 = arith.constant 2 : i32
      %swap3A_864 = arith.index_cast %swap3A_863 : i32 to index
      %swap3A_865 = arith.constant 32 : index
      %swap3A_866 = tpu.vector_load %arg14[%swap3A_864, %swap3A_865] {strides = array<i32>} : memref<4x128xf32, #tpu.memory_space<vmem>>, vector<16xf32>,
      tpu.vector_store %arg14[%swap3A_864, %swap3A_865], %gather3A_862 {strides = array<i32>} : memref<4x128xf32, #tpu.memory_space<vmem>>, vector<16xf32>,
      %add3A_867 = arith.constant 768 : i32
      %add3A_868 = vector.broadcast %add3A_867 : i32 to vector<16xi32>
      %add3A_869 = arith.addi %mul3A_5, %add3A_868 : vector<16xi32>
      %gather3A_870 = tpu.vector_load_idx %arg6[%broadcast_in_dim3A_842, %add3A_869] : memref<4x2048xf32, #tpu.memory_space<vmem>>[vector<16xi32>, vector<16xi32>], vector<16xf32>,
      %swap3A_871 = arith.constant 2 : i32
      %swap3A_872 = arith.index_cast %swap3A_871 : i32 to index
      %swap3A_873 = arith.constant 48 : index
      %swap3A_874 = tpu.vector_load %arg14[%swap3A_872, %swap3A_873] {strides = array<i32>} : memref<4x128xf32, #tpu.memory_space<vmem>>, vector<16xf32>,
      tpu.vector_store %arg14[%swap3A_872, %swap3A_873], %gather3A_870 {strides = array<i32>} : memref<4x128xf32, #tpu.memory_space<vmem>>, vector<16xf32>,
      %add3A_875 = arith.constant 1024 : i32
      %add3A_876 = vector.broadcast %add3A_875 : i32 to vector<16xi32>
      %add3A_877 = arith.addi %mul3A_5, %add3A_876 : vector<16xi32>
      %gather3A_878 = tpu.vector_load_idx %arg6[%broadcast_in_dim3A_842, %add3A_877] : memref<4x2048xf32, #tpu.memory_space<vmem>>[vector<16xi32>, vector<16xi32>], vector<16xf32>,
      %swap3A_879 = arith.constant 2 : i32
      %swap3A_880 = arith.index_cast %swap3A_879 : i32 to index
      %swap3A_881 = arith.constant 64 : index
      %swap3A_882 = tpu.vector_load %arg14[%swap3A_880, %swap3A_881] {strides = array<i32>} : memref<4x128xf32, #tpu.memory_space<vmem>>, vector<16xf32>,
      tpu.vector_store %arg14[%swap3A_880, %swap3A_881], %gather3A_878 {strides = array<i32>} : memref<4x128xf32, #tpu.memory_space<vmem>>, vector<16xf32>,
      %add3A_883 = arith.constant 1280 : i32
      %add3A_884 = vector.broadcast %add3A_883 : i32 to vector<16xi32>
      %add3A_885 = arith.addi %mul3A_5, %add3A_884 : vector<16xi32>
      %gather3A_886 = tpu.vector_load_idx %arg6[%broadcast_in_dim3A_842, %add3A_885] : memref<4x2048xf32, #tpu.memory_space<vmem>>[vector<16xi32>, vector<16xi32>], vector<16xf32>,
      %swap3A_887 = arith.constant 2 : i32
      %swap3A_888 = arith.index_cast %swap3A_887 : i32 to index
      %swap3A_889 = arith.constant 80 : index
      %swap3A_890 = tpu.vector_load %arg14[%swap3A_888, %swap3A_889] {strides = array<i32>} : memref<4x128xf32, #tpu.memory_space<vmem>>, vector<16xf32>,
      tpu.vector_store %arg14[%swap3A_888, %swap3A_889], %gather3A_886 {strides = array<i32>} : memref<4x128xf32, #tpu.memory_space<vmem>>, vector<16xf32>,
      %add3A_891 = arith.constant 1536 : i32
      %add3A_892 = vector.broadcast %add3A_891 : i32 to vector<16xi32>
      %add3A_893 = arith.addi %mul3A_5, %add3A_892 : vector<16xi32>
      %gather3A_894 = tpu.vector_load_idx %arg6[%broadcast_in_dim3A_842, %add3A_893] : memref<4x2048xf32, #tpu.memory_space<vmem>>[vector<16xi32>, vector<16xi32>], vector<16xf32>,
      %swap3A_895 = arith.constant 2 : i32
      %swap3A_896 = arith.index_cast %swap3A_895 : i32 to index
      %swap3A_897 = arith.constant 96 : index
      %swap3A_898 = tpu.vector_load %arg14[%swap3A_896, %swap3A_897] {strides = array<i32>} : memref<4x128xf32, #tpu.memory_space<vmem>>, vector<16xf32>,
      tpu.vector_store %arg14[%swap3A_896, %swap3A_897], %gather3A_894 {strides = array<i32>} : memref<4x128xf32, #tpu.memory_space<vmem>>, vector<16xf32>,
      %add3A_899 = arith.constant 1792 : i32
      %add3A_900 = vector.broadcast %add3A_899 : i32 to vector<16xi32>
      %add3A_901 = arith.addi %mul3A_5, %add3A_900 : vector<16xi32>
      %gather3A_902 = tpu.vector_load_idx %arg6[%broadcast_in_dim3A_842, %add3A_901] : memref<4x2048xf32, #tpu.memory_space<vmem>>[vector<16xi32>, vector<16xi32>], vector<16xf32>,
      %swap3A_903 = arith.constant 2 : i32
      %swap3A_904 = arith.index_cast %swap3A_903 : i32 to index
      %swap3A_905 = arith.constant 112 : index
      %swap3A_906 = tpu.vector_load %arg14[%swap3A_904, %swap3A_905] {strides = array<i32>} : memref<4x128xf32, #tpu.memory_space<vmem>>, vector<16xf32>,
      tpu.vector_store %arg14[%swap3A_904, %swap3A_905], %gather3A_902 {strides = array<i32>} : memref<4x128xf32, #tpu.memory_space<vmem>>, vector<16xf32>,
      %broadcast_in_dim3A_907 = arith.constant 3 : i32
      %broadcast_in_dim3A_908 = vector.broadcast %broadcast_in_dim3A_907 : i32 to vector<16xi32>
      %add3A_909 = arith.constant 0 : i32
      %add3A_910 = vector.broadcast %add3A_909 : i32 to vector<16xi32>
      %add3A_911 = arith.addi %mul3A_5, %add3A_910 : vector<16xi32>
      %gather3A_912 = tpu.vector_load_idx %arg6[%broadcast_in_dim3A_908, %add3A_911] : memref<4x2048xf32, #tpu.memory_space<vmem>>[vector<16xi32>, vector<16xi32>], vector<16xf32>,
      %swap3A_913 = arith.constant 3 : i32
      %swap3A_914 = arith.index_cast %swap3A_913 : i32 to index
      %swap3A_915 = arith.constant 0 : index
      %swap3A_916 = tpu.vector_load %arg14[%swap3A_914, %swap3A_915] {strides = array<i32>} : memref<4x128xf32, #tpu.memory_space<vmem>>, vector<16xf32>,
      tpu.vector_store %arg14[%swap3A_914, %swap3A_915], %gather3A_912 {strides = array<i32>} : memref<4x128xf32, #tpu.memory_space<vmem>>, vector<16xf32>,
      %add3A_917 = arith.constant 256 : i32
      %add3A_918 = vector.broadcast %add3A_917 : i32 to vector<16xi32>
      %add3A_919 = arith.addi %mul3A_5, %add3A_918 : vector<16xi32>
      %gather3A_920 = tpu.vector_load_idx %arg6[%broadcast_in_dim3A_908, %add3A_919] : memref<4x2048xf32, #tpu.memory_space<vmem>>[vector<16xi32>, vector<16xi32>], vector<16xf32>,
      %swap3A_921 = arith.constant 3 : i32
      %swap3A_922 = arith.index_cast %swap3A_921 : i32 to index
      %swap3A_923 = arith.constant 16 : index
      %swap3A_924 = tpu.vector_load %arg14[%swap3A_922, %swap3A_923] {strides = array<i32>} : memref<4x128xf32, #tpu.memory_space<vmem>>, vector<16xf32>,
      tpu.vector_store %arg14[%swap3A_922, %swap3A_923], %gather3A_920 {strides = array<i32>} : memref<4x128xf32, #tpu.memory_space<vmem>>, vector<16xf32>,
      %add3A_925 = arith.constant 512 : i32
      %add3A_926 = vector.broadcast %add3A_925 : i32 to vector<16xi32>
      %add3A_927 = arith.addi %mul3A_5, %add3A_926 : vector<16xi32>
      %gather3A_928 = tpu.vector_load_idx %arg6[%broadcast_in_dim3A_908, %add3A_927] : memref<4x2048xf32, #tpu.memory_space<vmem>>[vector<16xi32>, vector<16xi32>], vector<16xf32>,
      %swap3A_929 = arith.constant 3 : i32
      %swap3A_930 = arith.index_cast %swap3A_929 : i32 to index
      %swap3A_931 = arith.constant 32 : index
      %swap3A_932 = tpu.vector_load %arg14[%swap3A_930, %swap3A_931] {strides = array<i32>} : memref<4x128xf32, #tpu.memory_space<vmem>>, vector<16xf32>,
      tpu.vector_store %arg14[%swap3A_930, %swap3A_931], %gather3A_928 {strides = array<i32>} : memref<4x128xf32, #tpu.memory_space<vmem>>, vector<16xf32>,
      %add3A_933 = arith.constant 768 : i32
      %add3A_934 = vector.broadcast %add3A_933 : i32 to vector<16xi32>
      %add3A_935 = arith.addi %mul3A_5, %add3A_934 : vector<16xi32>
      %gather3A_936 = tpu.vector_load_idx %arg6[%broadcast_in_dim3A_908, %add3A_935] : memref<4x2048xf32, #tpu.memory_space<vmem>>[vector<16xi32>, vector<16xi32>], vector<16xf32>,
      %swap3A_937 = arith.constant 3 : i32
      %swap3A_938 = arith.index_cast %swap3A_937 : i32 to index
      %swap3A_939 = arith.constant 48 : index
      %swap3A_940 = tpu.vector_load %arg14[%swap3A_938, %swap3A_939] {strides = array<i32>} : memref<4x128xf32, #tpu.memory_space<vmem>>, vector<16xf32>,
      tpu.vector_store %arg14[%swap3A_938, %swap3A_939], %gather3A_936 {strides = array<i32>} : memref<4x128xf32, #tpu.memory_space<vmem>>, vector<16xf32>,
      %add3A_941 = arith.constant 1024 : i32
      %add3A_942 = vector.broadcast %add3A_941 : i32 to vector<16xi32>
      %add3A_943 = arith.addi %mul3A_5, %add3A_942 : vector<16xi32>
      %gather3A_944 = tpu.vector_load_idx %arg6[%broadcast_in_dim3A_908, %add3A_943] : memref<4x2048xf32, #tpu.memory_space<vmem>>[vector<16xi32>, vector<16xi32>], vector<16xf32>,
      %swap3A_945 = arith.constant 3 : i32
      %swap3A_946 = arith.index_cast %swap3A_945 : i32 to index
      %swap3A_947 = arith.constant 64 : index
      %swap3A_948 = tpu.vector_load %arg14[%swap3A_946, %swap3A_947] {strides = array<i32>} : memref<4x128xf32, #tpu.memory_space<vmem>>, vector<16xf32>,
      tpu.vector_store %arg14[%swap3A_946, %swap3A_947], %gather3A_944 {strides = array<i32>} : memref<4x128xf32, #tpu.memory_space<vmem>>, vector<16xf32>,
      %add3A_949 = arith.constant 1280 : i32
      %add3A_950 = vector.broadcast %add3A_949 : i32 to vector<16xi32>
      %add3A_951 = arith.addi %mul3A_5, %add3A_950 : vector<16xi32>
      %gather3A_952 = tpu.vector_load_idx %arg6[%broadcast_in_dim3A_908, %add3A_951] : memref<4x2048xf32, #tpu.memory_space<vmem>>[vector<16xi32>, vector<16xi32>], vector<16xf32>,
      %swap3A_953 = arith.constant 3 : i32
      %swap3A_954 = arith.index_cast %swap3A_953 : i32 to index
      %swap3A_955 = arith.constant 80 : index
      %swap3A_956 = tpu.vector_load %arg14[%swap3A_954, %swap3A_955] {strides = array<i32>} : memref<4x128xf32, #tpu.memory_space<vmem>>, vector<16xf32>,
      tpu.vector_store %arg14[%swap3A_954, %swap3A_955], %gather3A_952 {strides = array<i32>} : memref<4x128xf32, #tpu.memory_space<vmem>>, vector<16xf32>,
      %add3A_957 = arith.constant 1536 : i32
      %add3A_958 = vector.broadcast %add3A_957 : i32 to vector<16xi32>
      %add3A_959 = arith.addi %mul3A_5, %add3A_958 : vector<16xi32>
      %gather3A_960 = tpu.vector_load_idx %arg6[%broadcast_in_dim3A_908, %add3A_959] : memref<4x2048xf32, #tpu.memory_space<vmem>>[vector<16xi32>, vector<16xi32>], vector<16xf32>,
      %swap3A_961 = arith.constant 3 : i32
      %swap3A_962 = arith.index_cast %swap3A_961 : i32 to index
      %swap3A_963 = arith.constant 96 : index
      %swap3A_964 = tpu.vector_load %arg14[%swap3A_962, %swap3A_963] {strides = array<i32>} : memref<4x128xf32, #tpu.memory_space<vmem>>, vector<16xf32>,
      tpu.vector_store %arg14[%swap3A_962, %swap3A_963], %gather3A_960 {strides = array<i32>} : memref<4x128xf32, #tpu.memory_space<vmem>>, vector<16xf32>,
      %add3A_965 = arith.constant 1792 : i32
      %add3A_966 = vector.broadcast %add3A_965 : i32 to vector<16xi32>
      %add3A_967 = arith.addi %mul3A_5, %add3A_966 : vector<16xi32>
      %gather3A_968 = tpu.vector_load_idx %arg6[%broadcast_in_dim3A_908, %add3A_967] : memref<4x2048xf32, #tpu.memory_space<vmem>>[vector<16xi32>, vector<16xi32>], vector<16xf32>,
      %swap3A_969 = arith.constant 3 : i32
      %swap3A_970 = arith.index_cast %swap3A_969 : i32 to index
      %swap3A_971 = arith.constant 112 : index
      %swap3A_972 = tpu.vector_load %arg14[%swap3A_970, %swap3A_971] {strides = array<i32>} : memref<4x128xf32, #tpu.memory_space<vmem>>, vector<16xf32>,
      tpu.vector_store %arg14[%swap3A_970, %swap3A_971], %gather3A_968 {strides = array<i32>} : memref<4x128xf32, #tpu.memory_space<vmem>>, vector<16xf32>,
      %mul3A_973 = arith.constant 4 : i32
      %mul3A_974 = arith.muli %add3A_687, %mul3A_973 : i32
      %add3A_975 = arith.addi %mul3A_2, %mul3A_974 : i32
      %dma_start3A_976 = arith.constant 0 : i32
      %dma_start3A_977 = tpu.memref_slice %arg3[%add3A_975, %dma_start3A_976] : memref<16384x128xf32, #tpu.memory_space<hbm>> -> memref<4x128xf32, #tpu.memory_space<hbm>>
      %dma_start3A_978 = arith.constant 0 : i32
      %dma_start3A_979 = tpu.memref_slice %arg3[%add3A_975, %dma_start3A_978] : memref<16384x128xf32, #tpu.memory_space<hbm>> -> memref<4x128xf32, #tpu.memory_space<hbm>>
      tpu.enqueue_dma source(%arg14 : memref<4x128xf32, #tpu.memory_space<vmem>>) target(%dma_start3A_979 : memref<4x128xf32, #tpu.memory_space<hbm>>) target_semaphore(%arg30 : memref<!tpu.dma_semaphore, #tpu.memory_space<semaphore_mem>>)
      %mul3A_980 = arith.constant 8 : i32
      %mul3A_981 = arith.muli %scan3A_99, %mul3A_980 : i32
      %add3A_982 = arith.constant 3 : i32
      %add3A_983 = arith.addi %mul3A_981, %add3A_982 : i32
      %mul3A_984 = arith.constant 4 : i32
      %mul3A_985 = arith.muli %add3A_983, %mul3A_984 : i32
      %add3A_986 = arith.addi %mul3A_2, %mul3A_985 : i32
      %dma_wait3A_987 = arith.constant 0 : i32
      %dma_wait3A_988 = tpu.memref_slice %arg2[%add3A_986, %dma_wait3A_987] : memref<16384x2048xf32, #tpu.memory_space<hbm>> -> memref<4x2048xf32, #tpu.memory_space<hbm>>
      %dma_wait3A_989 = arith.constant 0 : i32
      %dma_wait3A_990 = tpu.memref_slice %arg2[%add3A_986, %dma_wait3A_989] : memref<16384x2048xf32, #tpu.memory_space<hbm>> -> memref<4x2048xf32, #tpu.memory_space<hbm>>
      tpu.wait_dma2 semaphore(%arg23 : memref<!tpu.dma_semaphore, #tpu.memory_space<semaphore_mem>>) src(%dma_wait3A_990 : memref<4x2048xf32, #tpu.memory_space<hbm>>) dst(%arg7 : memref<4x2048xf32, #tpu.memory_space<vmem>>)
      %add3A_991 = arith.constant 8 : i32
      %add3A_992 = arith.addi %add3A_983, %add3A_991 : i32
      %sub3A_993 = arith.constant 1 : i32
      %sub3A_994 = arith.subi %add3A_992, %sub3A_993 : i32
      %lt3A_995 = arith.constant 128 : i32
      %lt3A_996 = arith.cmpi slt, %sub3A_994, %lt3A_995 : i32
      %convert_element_type3A_997 = arith.extui %lt3A_996 : i1 to i32
      %cond3A_998 = arith.constant 0 : i32
      %cond3A_999 = arith.cmpi ne, %convert_element_type3A_997, %cond3A_998 : i32
      scf.if %cond3A_999 {
        %add3A_2460 = arith.constant 8 : i32
        %add3A_2461 = arith.addi %add3A_983, %add3A_2460 : i32
        %sub3A_2462 = arith.constant 1 : i32
        %sub3A_2463 = arith.subi %add3A_2461, %sub3A_2462 : i32
        %mul3A_2464 = arith.constant 4 : i32
        %mul3A_2465 = arith.muli %sub3A_2463, %mul3A_2464 : i32
        %add3A_2466 = arith.addi %mul3A_2, %mul3A_2465 : i32
        %dma_start3A_2467 = arith.constant 0 : i32
        %dma_start3A_2468 = tpu.memref_slice %arg2[%add3A_2466, %dma_start3A_2467] : memref<16384x2048xf32, #tpu.memory_space<hbm>> -> memref<4x2048xf32, #tpu.memory_space<hbm>>
        %dma_start3A_2469 = arith.constant 0 : i32
        %dma_start3A_2470 = tpu.memref_slice %arg2[%add3A_2466, %dma_start3A_2469] : memref<16384x2048xf32, #tpu.memory_space<hbm>> -> memref<4x2048xf32, #tpu.memory_space<hbm>>
        tpu.enqueue_dma source(%dma_start3A_2470 : memref<4x2048xf32, #tpu.memory_space<hbm>>) target(%arg6 : memref<4x2048xf32, #tpu.memory_space<vmem>>) target_semaphore(%arg22 : memref<!tpu.dma_semaphore, #tpu.memory_space<semaphore_mem>>)
      } else {
      }
      %ge3A_1000 = arith.constant 8 : i32
      %ge3A_1001 = arith.cmpi sge, %add3A_983, %ge3A_1000 : i32
      %convert_element_type3A_1002 = arith.extui %ge3A_1001 : i1 to i32
      %cond3A_1003 = arith.constant 0 : i32
      %cond3A_1004 = arith.cmpi ne, %convert_element_type3A_1002, %cond3A_1003 : i32
      scf.if %cond3A_1004 {
        %sub3A_2460 = arith.constant 8 : i32
        %sub3A_2461 = arith.subi %add3A_983, %sub3A_2460 : i32
        %mul3A_2462 = arith.constant 4 : i32
        %mul3A_2463 = arith.muli %sub3A_2461, %mul3A_2462 : i32
        %add3A_2464 = arith.addi %mul3A_2, %mul3A_2463 : i32
        %dma_wait3A_2465 = arith.constant 0 : i32
        %dma_wait3A_2466 = tpu.memref_slice %arg3[%add3A_2464, %dma_wait3A_2465] : memref<16384x128xf32, #tpu.memory_space<hbm>> -> memref<4x128xf32, #tpu.memory_space<hbm>>
        %dma_wait3A_2467 = arith.constant 0 : i32
        %dma_wait3A_2468 = tpu.memref_slice %arg3[%add3A_2464, %dma_wait3A_2467] : memref<16384x128xf32, #tpu.memory_space<hbm>> -> memref<4x128xf32, #tpu.memory_space<hbm>>
        tpu.wait_dma2 semaphore(%arg31 : memref<!tpu.dma_semaphore, #tpu.memory_space<semaphore_mem>>) src(%arg15 : memref<4x128xf32, #tpu.memory_space<vmem>>) dst(%dma_wait3A_2468 : memref<4x128xf32, #tpu.memory_space<hbm>>)
      } else {
      }
      %broadcast_in_dim3A_1005 = arith.constant 0 : i32
      %broadcast_in_dim3A_1006 = vector.broadcast %broadcast_in_dim3A_1005 : i32 to vector<16xi32>
      %add3A_1007 = arith.constant 0 : i32
      %add3A_1008 = vector.broadcast %add3A_1007 : i32 to vector<16xi32>
      %add3A_1009 = arith.addi %mul3A_5, %add3A_1008 : vector<16xi32>
      %gather3A_1010 = tpu.vector_load_idx %arg7[%broadcast_in_dim3A_1006, %add3A_1009] : memref<4x2048xf32, #tpu.memory_space<vmem>>[vector<16xi32>, vector<16xi32>], vector<16xf32>,
      %swap3A_1011 = arith.constant 0 : i32
      %swap3A_1012 = arith.index_cast %swap3A_1011 : i32 to index
      %swap3A_1013 = arith.constant 0 : index
      %swap3A_1014 = tpu.vector_load %arg15[%swap3A_1012, %swap3A_1013] {strides = array<i32>} : memref<4x128xf32, #tpu.memory_space<vmem>>, vector<16xf32>,
      tpu.vector_store %arg15[%swap3A_1012, %swap3A_1013], %gather3A_1010 {strides = array<i32>} : memref<4x128xf32, #tpu.memory_space<vmem>>, vector<16xf32>,
      %add3A_1015 = arith.constant 256 : i32
      %add3A_1016 = vector.broadcast %add3A_1015 : i32 to vector<16xi32>
      %add3A_1017 = arith.addi %mul3A_5, %add3A_1016 : vector<16xi32>
      %gather3A_1018 = tpu.vector_load_idx %arg7[%broadcast_in_dim3A_1006, %add3A_1017] : memref<4x2048xf32, #tpu.memory_space<vmem>>[vector<16xi32>, vector<16xi32>], vector<16xf32>,
      %swap3A_1019 = arith.constant 0 : i32
      %swap3A_1020 = arith.index_cast %swap3A_1019 : i32 to index
      %swap3A_1021 = arith.constant 16 : index
      %swap3A_1022 = tpu.vector_load %arg15[%swap3A_1020, %swap3A_1021] {strides = array<i32>} : memref<4x128xf32, #tpu.memory_space<vmem>>, vector<16xf32>,
      tpu.vector_store %arg15[%swap3A_1020, %swap3A_1021], %gather3A_1018 {strides = array<i32>} : memref<4x128xf32, #tpu.memory_space<vmem>>, vector<16xf32>,
      %add3A_1023 = arith.constant 512 : i32
      %add3A_1024 = vector.broadcast %add3A_1023 : i32 to vector<16xi32>
      %add3A_1025 = arith.addi %mul3A_5, %add3A_1024 : vector<16xi32>
      %gather3A_1026 = tpu.vector_load_idx %arg7[%broadcast_in_dim3A_1006, %add3A_1025] : memref<4x2048xf32, #tpu.memory_space<vmem>>[vector<16xi32>, vector<16xi32>], vector<16xf32>,
      %swap3A_1027 = arith.constant 0 : i32
      %swap3A_1028 = arith.index_cast %swap3A_1027 : i32 to index
      %swap3A_1029 = arith.constant 32 : index
      %swap3A_1030 = tpu.vector_load %arg15[%swap3A_1028, %swap3A_1029] {strides = array<i32>} : memref<4x128xf32, #tpu.memory_space<vmem>>, vector<16xf32>,
      tpu.vector_store %arg15[%swap3A_1028, %swap3A_1029], %gather3A_1026 {strides = array<i32>} : memref<4x128xf32, #tpu.memory_space<vmem>>, vector<16xf32>,
      %add3A_1031 = arith.constant 768 : i32
      %add3A_1032 = vector.broadcast %add3A_1031 : i32 to vector<16xi32>
      %add3A_1033 = arith.addi %mul3A_5, %add3A_1032 : vector<16xi32>
      %gather3A_1034 = tpu.vector_load_idx %arg7[%broadcast_in_dim3A_1006, %add3A_1033] : memref<4x2048xf32, #tpu.memory_space<vmem>>[vector<16xi32>, vector<16xi32>], vector<16xf32>,
      %swap3A_1035 = arith.constant 0 : i32
      %swap3A_1036 = arith.index_cast %swap3A_1035 : i32 to index
      %swap3A_1037 = arith.constant 48 : index
      %swap3A_1038 = tpu.vector_load %arg15[%swap3A_1036, %swap3A_1037] {strides = array<i32>} : memref<4x128xf32, #tpu.memory_space<vmem>>, vector<16xf32>,
      tpu.vector_store %arg15[%swap3A_1036, %swap3A_1037], %gather3A_1034 {strides = array<i32>} : memref<4x128xf32, #tpu.memory_space<vmem>>, vector<16xf32>,
      %add3A_1039 = arith.constant 1024 : i32
      %add3A_1040 = vector.broadcast %add3A_1039 : i32 to vector<16xi32>
      %add3A_1041 = arith.addi %mul3A_5, %add3A_1040 : vector<16xi32>
      %gather3A_1042 = tpu.vector_load_idx %arg7[%broadcast_in_dim3A_1006, %add3A_1041] : memref<4x2048xf32, #tpu.memory_space<vmem>>[vector<16xi32>, vector<16xi32>], vector<16xf32>,
      %swap3A_1043 = arith.constant 0 : i32
      %swap3A_1044 = arith.index_cast %swap3A_1043 : i32 to index
      %swap3A_1045 = arith.constant 64 : index
      %swap3A_1046 = tpu.vector_load %arg15[%swap3A_1044, %swap3A_1045] {strides = array<i32>} : memref<4x128xf32, #tpu.memory_space<vmem>>, vector<16xf32>,
      tpu.vector_store %arg15[%swap3A_1044, %swap3A_1045], %gather3A_1042 {strides = array<i32>} : memref<4x128xf32, #tpu.memory_space<vmem>>, vector<16xf32>,
      %add3A_1047 = arith.constant 1280 : i32
      %add3A_1048 = vector.broadcast %add3A_1047 : i32 to vector<16xi32>
      %add3A_1049 = arith.addi %mul3A_5, %add3A_1048 : vector<16xi32>
      %gather3A_1050 = tpu.vector_load_idx %arg7[%broadcast_in_dim3A_1006, %add3A_1049] : memref<4x2048xf32, #tpu.memory_space<vmem>>[vector<16xi32>, vector<16xi32>], vector<16xf32>,
      %swap3A_1051 = arith.constant 0 : i32
      %swap3A_1052 = arith.index_cast %swap3A_1051 : i32 to index
      %swap3A_1053 = arith.constant 80 : index
      %swap3A_1054 = tpu.vector_load %arg15[%swap3A_1052, %swap3A_1053] {strides = array<i32>} : memref<4x128xf32, #tpu.memory_space<vmem>>, vector<16xf32>,
      tpu.vector_store %arg15[%swap3A_1052, %swap3A_1053], %gather3A_1050 {strides = array<i32>} : memref<4x128xf32, #tpu.memory_space<vmem>>, vector<16xf32>,
      %add3A_1055 = arith.constant 1536 : i32
      %add3A_1056 = vector.broadcast %add3A_1055 : i32 to vector<16xi32>
      %add3A_1057 = arith.addi %mul3A_5, %add3A_1056 : vector<16xi32>
      %gather3A_1058 = tpu.vector_load_idx %arg7[%broadcast_in_dim3A_1006, %add3A_1057] : memref<4x2048xf32, #tpu.memory_space<vmem>>[vector<16xi32>, vector<16xi32>], vector<16xf32>,
      %swap3A_1059 = arith.constant 0 : i32
      %swap3A_1060 = arith.index_cast %swap3A_1059 : i32 to index
      %swap3A_1061 = arith.constant 96 : index
      %swap3A_1062 = tpu.vector_load %arg15[%swap3A_1060, %swap3A_1061] {strides = array<i32>} : memref<4x128xf32, #tpu.memory_space<vmem>>, vector<16xf32>,
      tpu.vector_store %arg15[%swap3A_1060, %swap3A_1061], %gather3A_1058 {strides = array<i32>} : memref<4x128xf32, #tpu.memory_space<vmem>>, vector<16xf32>,
      %add3A_1063 = arith.constant 1792 : i32
      %add3A_1064 = vector.broadcast %add3A_1063 : i32 to vector<16xi32>
      %add3A_1065 = arith.addi %mul3A_5, %add3A_1064 : vector<16xi32>
      %gather3A_1066 = tpu.vector_load_idx %arg7[%broadcast_in_dim3A_1006, %add3A_1065] : memref<4x2048xf32, #tpu.memory_space<vmem>>[vector<16xi32>, vector<16xi32>], vector<16xf32>,
      %swap3A_1067 = arith.constant 0 : i32
      %swap3A_1068 = arith.index_cast %swap3A_1067 : i32 to index
      %swap3A_1069 = arith.constant 112 : index
      %swap3A_1070 = tpu.vector_load %arg15[%swap3A_1068, %swap3A_1069] {strides = array<i32>} : memref<4x128xf32, #tpu.memory_space<vmem>>, vector<16xf32>,
      tpu.vector_store %arg15[%swap3A_1068, %swap3A_1069], %gather3A_1066 {strides = array<i32>} : memref<4x128xf32, #tpu.memory_space<vmem>>, vector<16xf32>,
      %broadcast_in_dim3A_1071 = arith.constant 1 : i32
      %broadcast_in_dim3A_1072 = vector.broadcast %broadcast_in_dim3A_1071 : i32 to vector<16xi32>
      %add3A_1073 = arith.constant 0 : i32
      %add3A_1074 = vector.broadcast %add3A_1073 : i32 to vector<16xi32>
      %add3A_1075 = arith.addi %mul3A_5, %add3A_1074 : vector<16xi32>
      %gather3A_1076 = tpu.vector_load_idx %arg7[%broadcast_in_dim3A_1072, %add3A_1075] : memref<4x2048xf32, #tpu.memory_space<vmem>>[vector<16xi32>, vector<16xi32>], vector<16xf32>,
      %swap3A_1077 = arith.constant 1 : i32
      %swap3A_1078 = arith.index_cast %swap3A_1077 : i32 to index
      %swap3A_1079 = arith.constant 0 : index
      %swap3A_1080 = tpu.vector_load %arg15[%swap3A_1078, %swap3A_1079] {strides = array<i32>} : memref<4x128xf32, #tpu.memory_space<vmem>>, vector<16xf32>,
      tpu.vector_store %arg15[%swap3A_1078, %swap3A_1079], %gather3A_1076 {strides = array<i32>} : memref<4x128xf32, #tpu.memory_space<vmem>>, vector<16xf32>,
      %add3A_1081 = arith.constant 256 : i32
      %add3A_1082 = vector.broadcast %add3A_1081 : i32 to vector<16xi32>
      %add3A_1083 = arith.addi %mul3A_5, %add3A_1082 : vector<16xi32>
      %gather3A_1084 = tpu.vector_load_idx %arg7[%broadcast_in_dim3A_1072, %add3A_1083] : memref<4x2048xf32, #tpu.memory_space<vmem>>[vector<16xi32>, vector<16xi32>], vector<16xf32>,
      %swap3A_1085 = arith.constant 1 : i32
      %swap3A_1086 = arith.index_cast %swap3A_1085 : i32 to index
      %swap3A_1087 = arith.constant 16 : index
      %swap3A_1088 = tpu.vector_load %arg15[%swap3A_1086, %swap3A_1087] {strides = array<i32>} : memref<4x128xf32, #tpu.memory_space<vmem>>, vector<16xf32>,
      tpu.vector_store %arg15[%swap3A_1086, %swap3A_1087], %gather3A_1084 {strides = array<i32>} : memref<4x128xf32, #tpu.memory_space<vmem>>, vector<16xf32>,
      %add3A_1089 = arith.constant 512 : i32
      %add3A_1090 = vector.broadcast %add3A_1089 : i32 to vector<16xi32>
      %add3A_1091 = arith.addi %mul3A_5, %add3A_1090 : vector<16xi32>
      %gather3A_1092 = tpu.vector_load_idx %arg7[%broadcast_in_dim3A_1072, %add3A_1091] : memref<4x2048xf32, #tpu.memory_space<vmem>>[vector<16xi32>, vector<16xi32>], vector<16xf32>,
      %swap3A_1093 = arith.constant 1 : i32
      %swap3A_1094 = arith.index_cast %swap3A_1093 : i32 to index
      %swap3A_1095 = arith.constant 32 : index
      %swap3A_1096 = tpu.vector_load %arg15[%swap3A_1094, %swap3A_1095] {strides = array<i32>} : memref<4x128xf32, #tpu.memory_space<vmem>>, vector<16xf32>,
      tpu.vector_store %arg15[%swap3A_1094, %swap3A_1095], %gather3A_1092 {strides = array<i32>} : memref<4x128xf32, #tpu.memory_space<vmem>>, vector<16xf32>,
      %add3A_1097 = arith.constant 768 : i32
      %add3A_1098 = vector.broadcast %add3A_1097 : i32 to vector<16xi32>
      %add3A_1099 = arith.addi %mul3A_5, %add3A_1098 : vector<16xi32>
      %gather3A_1100 = tpu.vector_load_idx %arg7[%broadcast_in_dim3A_1072, %add3A_1099] : memref<4x2048xf32, #tpu.memory_space<vmem>>[vector<16xi32>, vector<16xi32>], vector<16xf32>,
      %swap3A_1101 = arith.constant 1 : i32
      %swap3A_1102 = arith.index_cast %swap3A_1101 : i32 to index
      %swap3A_1103 = arith.constant 48 : index
      %swap3A_1104 = tpu.vector_load %arg15[%swap3A_1102, %swap3A_1103] {strides = array<i32>} : memref<4x128xf32, #tpu.memory_space<vmem>>, vector<16xf32>,
      tpu.vector_store %arg15[%swap3A_1102, %swap3A_1103], %gather3A_1100 {strides = array<i32>} : memref<4x128xf32, #tpu.memory_space<vmem>>, vector<16xf32>,
      %add3A_1105 = arith.constant 1024 : i32
      %add3A_1106 = vector.broadcast %add3A_1105 : i32 to vector<16xi32>
      %add3A_1107 = arith.addi %mul3A_5, %add3A_1106 : vector<16xi32>
      %gather3A_1108 = tpu.vector_load_idx %arg7[%broadcast_in_dim3A_1072, %add3A_1107] : memref<4x2048xf32, #tpu.memory_space<vmem>>[vector<16xi32>, vector<16xi32>], vector<16xf32>,
      %swap3A_1109 = arith.constant 1 : i32
      %swap3A_1110 = arith.index_cast %swap3A_1109 : i32 to index
      %swap3A_1111 = arith.constant 64 : index
      %swap3A_1112 = tpu.vector_load %arg15[%swap3A_1110, %swap3A_1111] {strides = array<i32>} : memref<4x128xf32, #tpu.memory_space<vmem>>, vector<16xf32>,
      tpu.vector_store %arg15[%swap3A_1110, %swap3A_1111], %gather3A_1108 {strides = array<i32>} : memref<4x128xf32, #tpu.memory_space<vmem>>, vector<16xf32>,
      %add3A_1113 = arith.constant 1280 : i32
      %add3A_1114 = vector.broadcast %add3A_1113 : i32 to vector<16xi32>
      %add3A_1115 = arith.addi %mul3A_5, %add3A_1114 : vector<16xi32>
      %gather3A_1116 = tpu.vector_load_idx %arg7[%broadcast_in_dim3A_1072, %add3A_1115] : memref<4x2048xf32, #tpu.memory_space<vmem>>[vector<16xi32>, vector<16xi32>], vector<16xf32>,
      %swap3A_1117 = arith.constant 1 : i32
      %swap3A_1118 = arith.index_cast %swap3A_1117 : i32 to index
      %swap3A_1119 = arith.constant 80 : index
      %swap3A_1120 = tpu.vector_load %arg15[%swap3A_1118, %swap3A_1119] {strides = array<i32>} : memref<4x128xf32, #tpu.memory_space<vmem>>, vector<16xf32>,
      tpu.vector_store %arg15[%swap3A_1118, %swap3A_1119], %gather3A_1116 {strides = array<i32>} : memref<4x128xf32, #tpu.memory_space<vmem>>, vector<16xf32>,
      %add3A_1121 = arith.constant 1536 : i32
      %add3A_1122 = vector.broadcast %add3A_1121 : i32 to vector<16xi32>
      %add3A_1123 = arith.addi %mul3A_5, %add3A_1122 : vector<16xi32>
      %gather3A_1124 = tpu.vector_load_idx %arg7[%broadcast_in_dim3A_1072, %add3A_1123] : memref<4x2048xf32, #tpu.memory_space<vmem>>[vector<16xi32>, vector<16xi32>], vector<16xf32>,
      %swap3A_1125 = arith.constant 1 : i32
      %swap3A_1126 = arith.index_cast %swap3A_1125 : i32 to index
      %swap3A_1127 = arith.constant 96 : index
      %swap3A_1128 = tpu.vector_load %arg15[%swap3A_1126, %swap3A_1127] {strides = array<i32>} : memref<4x128xf32, #tpu.memory_space<vmem>>, vector<16xf32>,
      tpu.vector_store %arg15[%swap3A_1126, %swap3A_1127], %gather3A_1124 {strides = array<i32>} : memref<4x128xf32, #tpu.memory_space<vmem>>, vector<16xf32>,
      %add3A_1129 = arith.constant 1792 : i32
      %add3A_1130 = vector.broadcast %add3A_1129 : i32 to vector<16xi32>
      %add3A_1131 = arith.addi %mul3A_5, %add3A_1130 : vector<16xi32>
      %gather3A_1132 = tpu.vector_load_idx %arg7[%broadcast_in_dim3A_1072, %add3A_1131] : memref<4x2048xf32, #tpu.memory_space<vmem>>[vector<16xi32>, vector<16xi32>], vector<16xf32>,
      %swap3A_1133 = arith.constant 1 : i32
      %swap3A_1134 = arith.index_cast %swap3A_1133 : i32 to index
      %swap3A_1135 = arith.constant 112 : index
      %swap3A_1136 = tpu.vector_load %arg15[%swap3A_1134, %swap3A_1135] {strides = array<i32>} : memref<4x128xf32, #tpu.memory_space<vmem>>, vector<16xf32>,
      tpu.vector_store %arg15[%swap3A_1134, %swap3A_1135], %gather3A_1132 {strides = array<i32>} : memref<4x128xf32, #tpu.memory_space<vmem>>, vector<16xf32>,
      %broadcast_in_dim3A_1137 = arith.constant 2 : i32
      %broadcast_in_dim3A_1138 = vector.broadcast %broadcast_in_dim3A_1137 : i32 to vector<16xi32>
      %add3A_1139 = arith.constant 0 : i32
      %add3A_1140 = vector.broadcast %add3A_1139 : i32 to vector<16xi32>
      %add3A_1141 = arith.addi %mul3A_5, %add3A_1140 : vector<16xi32>
      %gather3A_1142 = tpu.vector_load_idx %arg7[%broadcast_in_dim3A_1138, %add3A_1141] : memref<4x2048xf32, #tpu.memory_space<vmem>>[vector<16xi32>, vector<16xi32>], vector<16xf32>,
      %swap3A_1143 = arith.constant 2 : i32
      %swap3A_1144 = arith.index_cast %swap3A_1143 : i32 to index
      %swap3A_1145 = arith.constant 0 : index
      %swap3A_1146 = tpu.vector_load %arg15[%swap3A_1144, %swap3A_1145] {strides = array<i32>} : memref<4x128xf32, #tpu.memory_space<vmem>>, vector<16xf32>,
      tpu.vector_store %arg15[%swap3A_1144, %swap3A_1145], %gather3A_1142 {strides = array<i32>} : memref<4x128xf32, #tpu.memory_space<vmem>>, vector<16xf32>,
      %add3A_1147 = arith.constant 256 : i32
      %add3A_1148 = vector.broadcast %add3A_1147 : i32 to vector<16xi32>
      %add3A_1149 = arith.addi %mul3A_5, %add3A_1148 : vector<16xi32>
      %gather3A_1150 = tpu.vector_load_idx %arg7[%broadcast_in_dim3A_1138, %add3A_1149] : memref<4x2048xf32, #tpu.memory_space<vmem>>[vector<16xi32>, vector<16xi32>], vector<16xf32>,
      %swap3A_1151 = arith.constant 2 : i32
      %swap3A_1152 = arith.index_cast %swap3A_1151 : i32 to index
      %swap3A_1153 = arith.constant 16 : index
      %swap3A_1154 = tpu.vector_load %arg15[%swap3A_1152, %swap3A_1153] {strides = array<i32>} : memref<4x128xf32, #tpu.memory_space<vmem>>, vector<16xf32>,
      tpu.vector_store %arg15[%swap3A_1152, %swap3A_1153], %gather3A_1150 {strides = array<i32>} : memref<4x128xf32, #tpu.memory_space<vmem>>, vector<16xf32>,
      %add3A_1155 = arith.constant 512 : i32
      %add3A_1156 = vector.broadcast %add3A_1155 : i32 to vector<16xi32>
      %add3A_1157 = arith.addi %mul3A_5, %add3A_1156 : vector<16xi32>
      %gather3A_1158 = tpu.vector_load_idx %arg7[%broadcast_in_dim3A_1138, %add3A_1157] : memref<4x2048xf32, #tpu.memory_space<vmem>>[vector<16xi32>, vector<16xi32>], vector<16xf32>,
      %swap3A_1159 = arith.constant 2 : i32
      %swap3A_1160 = arith.index_cast %swap3A_1159 : i32 to index
      %swap3A_1161 = arith.constant 32 : index
      %swap3A_1162 = tpu.vector_load %arg15[%swap3A_1160, %swap3A_1161] {strides = array<i32>} : memref<4x128xf32, #tpu.memory_space<vmem>>, vector<16xf32>,
      tpu.vector_store %arg15[%swap3A_1160, %swap3A_1161], %gather3A_1158 {strides = array<i32>} : memref<4x128xf32, #tpu.memory_space<vmem>>, vector<16xf32>,
      %add3A_1163 = arith.constant 768 : i32
      %add3A_1164 = vector.broadcast %add3A_1163 : i32 to vector<16xi32>
      %add3A_1165 = arith.addi %mul3A_5, %add3A_1164 : vector<16xi32>
      %gather3A_1166 = tpu.vector_load_idx %arg7[%broadcast_in_dim3A_1138, %add3A_1165] : memref<4x2048xf32, #tpu.memory_space<vmem>>[vector<16xi32>, vector<16xi32>], vector<16xf32>,
      %swap3A_1167 = arith.constant 2 : i32
      %swap3A_1168 = arith.index_cast %swap3A_1167 : i32 to index
      %swap3A_1169 = arith.constant 48 : index
      %swap3A_1170 = tpu.vector_load %arg15[%swap3A_1168, %swap3A_1169] {strides = array<i32>} : memref<4x128xf32, #tpu.memory_space<vmem>>, vector<16xf32>,
      tpu.vector_store %arg15[%swap3A_1168, %swap3A_1169], %gather3A_1166 {strides = array<i32>} : memref<4x128xf32, #tpu.memory_space<vmem>>, vector<16xf32>,
      %add3A_1171 = arith.constant 1024 : i32
      %add3A_1172 = vector.broadcast %add3A_1171 : i32 to vector<16xi32>
      %add3A_1173 = arith.addi %mul3A_5, %add3A_1172 : vector<16xi32>
      %gather3A_1174 = tpu.vector_load_idx %arg7[%broadcast_in_dim3A_1138, %add3A_1173] : memref<4x2048xf32, #tpu.memory_space<vmem>>[vector<16xi32>, vector<16xi32>], vector<16xf32>,
      %swap3A_1175 = arith.constant 2 : i32
      %swap3A_1176 = arith.index_cast %swap3A_1175 : i32 to index
      %swap3A_1177 = arith.constant 64 : index
      %swap3A_1178 = tpu.vector_load %arg15[%swap3A_1176, %swap3A_1177] {strides = array<i32>} : memref<4x128xf32, #tpu.memory_space<vmem>>, vector<16xf32>,
      tpu.vector_store %arg15[%swap3A_1176, %swap3A_1177], %gather3A_1174 {strides = array<i32>} : memref<4x128xf32, #tpu.memory_space<vmem>>, vector<16xf32>,
      %add3A_1179 = arith.constant 1280 : i32
      %add3A_1180 = vector.broadcast %add3A_1179 : i32 to vector<16xi32>
      %add3A_1181 = arith.addi %mul3A_5, %add3A_1180 : vector<16xi32>
      %gather3A_1182 = tpu.vector_load_idx %arg7[%broadcast_in_dim3A_1138, %add3A_1181] : memref<4x2048xf32, #tpu.memory_space<vmem>>[vector<16xi32>, vector<16xi32>], vector<16xf32>,
      %swap3A_1183 = arith.constant 2 : i32
      %swap3A_1184 = arith.index_cast %swap3A_1183 : i32 to index
      %swap3A_1185 = arith.constant 80 : index
      %swap3A_1186 = tpu.vector_load %arg15[%swap3A_1184, %swap3A_1185] {strides = array<i32>} : memref<4x128xf32, #tpu.memory_space<vmem>>, vector<16xf32>,
      tpu.vector_store %arg15[%swap3A_1184, %swap3A_1185], %gather3A_1182 {strides = array<i32>} : memref<4x128xf32, #tpu.memory_space<vmem>>, vector<16xf32>,
      %add3A_1187 = arith.constant 1536 : i32
      %add3A_1188 = vector.broadcast %add3A_1187 : i32 to vector<16xi32>
      %add3A_1189 = arith.addi %mul3A_5, %add3A_1188 : vector<16xi32>
      %gather3A_1190 = tpu.vector_load_idx %arg7[%broadcast_in_dim3A_1138, %add3A_1189] : memref<4x2048xf32, #tpu.memory_space<vmem>>[vector<16xi32>, vector<16xi32>], vector<16xf32>,
      %swap3A_1191 = arith.constant 2 : i32
      %swap3A_1192 = arith.index_cast %swap3A_1191 : i32 to index
      %swap3A_1193 = arith.constant 96 : index
      %swap3A_1194 = tpu.vector_load %arg15[%swap3A_1192, %swap3A_1193] {strides = array<i32>} : memref<4x128xf32, #tpu.memory_space<vmem>>, vector<16xf32>,
      tpu.vector_store %arg15[%swap3A_1192, %swap3A_1193], %gather3A_1190 {strides = array<i32>} : memref<4x128xf32, #tpu.memory_space<vmem>>, vector<16xf32>,
      %add3A_1195 = arith.constant 1792 : i32
      %add3A_1196 = vector.broadcast %add3A_1195 : i32 to vector<16xi32>
      %add3A_1197 = arith.addi %mul3A_5, %add3A_1196 : vector<16xi32>
      %gather3A_1198 = tpu.vector_load_idx %arg7[%broadcast_in_dim3A_1138, %add3A_1197] : memref<4x2048xf32, #tpu.memory_space<vmem>>[vector<16xi32>, vector<16xi32>], vector<16xf32>,
      %swap3A_1199 = arith.constant 2 : i32
      %swap3A_1200 = arith.index_cast %swap3A_1199 : i32 to index
      %swap3A_1201 = arith.constant 112 : index
      %swap3A_1202 = tpu.vector_load %arg15[%swap3A_1200, %swap3A_1201] {strides = array<i32>} : memref<4x128xf32, #tpu.memory_space<vmem>>, vector<16xf32>,
      tpu.vector_store %arg15[%swap3A_1200, %swap3A_1201], %gather3A_1198 {strides = array<i32>} : memref<4x128xf32, #tpu.memory_space<vmem>>, vector<16xf32>,
      %broadcast_in_dim3A_1203 = arith.constant 3 : i32
      %broadcast_in_dim3A_1204 = vector.broadcast %broadcast_in_dim3A_1203 : i32 to vector<16xi32>
      %add3A_1205 = arith.constant 0 : i32
      %add3A_1206 = vector.broadcast %add3A_1205 : i32 to vector<16xi32>
      %add3A_1207 = arith.addi %mul3A_5, %add3A_1206 : vector<16xi32>
      %gather3A_1208 = tpu.vector_load_idx %arg7[%broadcast_in_dim3A_1204, %add3A_1207] : memref<4x2048xf32, #tpu.memory_space<vmem>>[vector<16xi32>, vector<16xi32>], vector<16xf32>,
      %swap3A_1209 = arith.constant 3 : i32
      %swap3A_1210 = arith.index_cast %swap3A_1209 : i32 to index
      %swap3A_1211 = arith.constant 0 : index
      %swap3A_1212 = tpu.vector_load %arg15[%swap3A_1210, %swap3A_1211] {strides = array<i32>} : memref<4x128xf32, #tpu.memory_space<vmem>>, vector<16xf32>,
      tpu.vector_store %arg15[%swap3A_1210, %swap3A_1211], %gather3A_1208 {strides = array<i32>} : memref<4x128xf32, #tpu.memory_space<vmem>>, vector<16xf32>,
      %add3A_1213 = arith.constant 256 : i32
      %add3A_1214 = vector.broadcast %add3A_1213 : i32 to vector<16xi32>
      %add3A_1215 = arith.addi %mul3A_5, %add3A_1214 : vector<16xi32>
      %gather3A_1216 = tpu.vector_load_idx %arg7[%broadcast_in_dim3A_1204, %add3A_1215] : memref<4x2048xf32, #tpu.memory_space<vmem>>[vector<16xi32>, vector<16xi32>], vector<16xf32>,
      %swap3A_1217 = arith.constant 3 : i32
      %swap3A_1218 = arith.index_cast %swap3A_1217 : i32 to index
      %swap3A_1219 = arith.constant 16 : index
      %swap3A_1220 = tpu.vector_load %arg15[%swap3A_1218, %swap3A_1219] {strides = array<i32>} : memref<4x128xf32, #tpu.memory_space<vmem>>, vector<16xf32>,
      tpu.vector_store %arg15[%swap3A_1218, %swap3A_1219], %gather3A_1216 {strides = array<i32>} : memref<4x128xf32, #tpu.memory_space<vmem>>, vector<16xf32>,
      %add3A_1221 = arith.constant 512 : i32
      %add3A_1222 = vector.broadcast %add3A_1221 : i32 to vector<16xi32>
      %add3A_1223 = arith.addi %mul3A_5, %add3A_1222 : vector<16xi32>
      %gather3A_1224 = tpu.vector_load_idx %arg7[%broadcast_in_dim3A_1204, %add3A_1223] : memref<4x2048xf32, #tpu.memory_space<vmem>>[vector<16xi32>, vector<16xi32>], vector<16xf32>,
      %swap3A_1225 = arith.constant 3 : i32
      %swap3A_1226 = arith.index_cast %swap3A_1225 : i32 to index
      %swap3A_1227 = arith.constant 32 : index
      %swap3A_1228 = tpu.vector_load %arg15[%swap3A_1226, %swap3A_1227] {strides = array<i32>} : memref<4x128xf32, #tpu.memory_space<vmem>>, vector<16xf32>,
      tpu.vector_store %arg15[%swap3A_1226, %swap3A_1227], %gather3A_1224 {strides = array<i32>} : memref<4x128xf32, #tpu.memory_space<vmem>>, vector<16xf32>,
      %add3A_1229 = arith.constant 768 : i32
      %add3A_1230 = vector.broadcast %add3A_1229 : i32 to vector<16xi32>
      %add3A_1231 = arith.addi %mul3A_5, %add3A_1230 : vector<16xi32>
      %gather3A_1232 = tpu.vector_load_idx %arg7[%broadcast_in_dim3A_1204, %add3A_1231] : memref<4x2048xf32, #tpu.memory_space<vmem>>[vector<16xi32>, vector<16xi32>], vector<16xf32>,
      %swap3A_1233 = arith.constant 3 : i32
      %swap3A_1234 = arith.index_cast %swap3A_1233 : i32 to index
      %swap3A_1235 = arith.constant 48 : index
      %swap3A_1236 = tpu.vector_load %arg15[%swap3A_1234, %swap3A_1235] {strides = array<i32>} : memref<4x128xf32, #tpu.memory_space<vmem>>, vector<16xf32>,
      tpu.vector_store %arg15[%swap3A_1234, %swap3A_1235], %gather3A_1232 {strides = array<i32>} : memref<4x128xf32, #tpu.memory_space<vmem>>, vector<16xf32>,
      %add3A_1237 = arith.constant 1024 : i32
      %add3A_1238 = vector.broadcast %add3A_1237 : i32 to vector<16xi32>
      %add3A_1239 = arith.addi %mul3A_5, %add3A_1238 : vector<16xi32>
      %gather3A_1240 = tpu.vector_load_idx %arg7[%broadcast_in_dim3A_1204, %add3A_1239] : memref<4x2048xf32, #tpu.memory_space<vmem>>[vector<16xi32>, vector<16xi32>], vector<16xf32>,
      %swap3A_1241 = arith.constant 3 : i32
      %swap3A_1242 = arith.index_cast %swap3A_1241 : i32 to index
      %swap3A_1243 = arith.constant 64 : index
      %swap3A_1244 = tpu.vector_load %arg15[%swap3A_1242, %swap3A_1243] {strides = array<i32>} : memref<4x128xf32, #tpu.memory_space<vmem>>, vector<16xf32>,
      tpu.vector_store %arg15[%swap3A_1242, %swap3A_1243], %gather3A_1240 {strides = array<i32>} : memref<4x128xf32, #tpu.memory_space<vmem>>, vector<16xf32>,
      %add3A_1245 = arith.constant 1280 : i32
      %add3A_1246 = vector.broadcast %add3A_1245 : i32 to vector<16xi32>
      %add3A_1247 = arith.addi %mul3A_5, %add3A_1246 : vector<16xi32>
      %gather3A_1248 = tpu.vector_load_idx %arg7[%broadcast_in_dim3A_1204, %add3A_1247] : memref<4x2048xf32, #tpu.memory_space<vmem>>[vector<16xi32>, vector<16xi32>], vector<16xf32>,
      %swap3A_1249 = arith.constant 3 : i32
      %swap3A_1250 = arith.index_cast %swap3A_1249 : i32 to index
      %swap3A_1251 = arith.constant 80 : index
      %swap3A_1252 = tpu.vector_load %arg15[%swap3A_1250, %swap3A_1251] {strides = array<i32>} : memref<4x128xf32, #tpu.memory_space<vmem>>, vector<16xf32>,
      tpu.vector_store %arg15[%swap3A_1250, %swap3A_1251], %gather3A_1248 {strides = array<i32>} : memref<4x128xf32, #tpu.memory_space<vmem>>, vector<16xf32>,
      %add3A_1253 = arith.constant 1536 : i32
      %add3A_1254 = vector.broadcast %add3A_1253 : i32 to vector<16xi32>
      %add3A_1255 = arith.addi %mul3A_5, %add3A_1254 : vector<16xi32>
      %gather3A_1256 = tpu.vector_load_idx %arg7[%broadcast_in_dim3A_1204, %add3A_1255] : memref<4x2048xf32, #tpu.memory_space<vmem>>[vector<16xi32>, vector<16xi32>], vector<16xf32>,
      %swap3A_1257 = arith.constant 3 : i32
      %swap3A_1258 = arith.index_cast %swap3A_1257 : i32 to index
      %swap3A_1259 = arith.constant 96 : index
      %swap3A_1260 = tpu.vector_load %arg15[%swap3A_1258, %swap3A_1259] {strides = array<i32>} : memref<4x128xf32, #tpu.memory_space<vmem>>, vector<16xf32>,
      tpu.vector_store %arg15[%swap3A_1258, %swap3A_1259], %gather3A_1256 {strides = array<i32>} : memref<4x128xf32, #tpu.memory_space<vmem>>, vector<16xf32>,
      %add3A_1261 = arith.constant 1792 : i32
      %add3A_1262 = vector.broadcast %add3A_1261 : i32 to vector<16xi32>
      %add3A_1263 = arith.addi %mul3A_5, %add3A_1262 : vector<16xi32>
      %gather3A_1264 = tpu.vector_load_idx %arg7[%broadcast_in_dim3A_1204, %add3A_1263] : memref<4x2048xf32, #tpu.memory_space<vmem>>[vector<16xi32>, vector<16xi32>], vector<16xf32>,
      %swap3A_1265 = arith.constant 3 : i32
      %swap3A_1266 = arith.index_cast %swap3A_1265 : i32 to index
      %swap3A_1267 = arith.constant 112 : index
      %swap3A_1268 = tpu.vector_load %arg15[%swap3A_1266, %swap3A_1267] {strides = array<i32>} : memref<4x128xf32, #tpu.memory_space<vmem>>, vector<16xf32>,
      tpu.vector_store %arg15[%swap3A_1266, %swap3A_1267], %gather3A_1264 {strides = array<i32>} : memref<4x128xf32, #tpu.memory_space<vmem>>, vector<16xf32>,
      %mul3A_1269 = arith.constant 4 : i32
      %mul3A_1270 = arith.muli %add3A_983, %mul3A_1269 : i32
      %add3A_1271 = arith.addi %mul3A_2, %mul3A_1270 : i32
      %dma_start3A_1272 = arith.constant 0 : i32
      %dma_start3A_1273 = tpu.memref_slice %arg3[%add3A_1271, %dma_start3A_1272] : memref<16384x128xf32, #tpu.memory_space<hbm>> -> memref<4x128xf32, #tpu.memory_space<hbm>>
      %dma_start3A_1274 = arith.constant 0 : i32
      %dma_start3A_1275 = tpu.memref_slice %arg3[%add3A_1271, %dma_start3A_1274] : memref<16384x128xf32, #tpu.memory_space<hbm>> -> memref<4x128xf32, #tpu.memory_space<hbm>>
      tpu.enqueue_dma source(%arg15 : memref<4x128xf32, #tpu.memory_space<vmem>>) target(%dma_start3A_1275 : memref<4x128xf32, #tpu.memory_space<hbm>>) target_semaphore(%arg31 : memref<!tpu.dma_semaphore, #tpu.memory_space<semaphore_mem>>)
      %mul3A_1276 = arith.constant 8 : i32
      %mul3A_1277 = arith.muli %scan3A_99, %mul3A_1276 : i32
      %add3A_1278 = arith.constant 4 : i32
      %add3A_1279 = arith.addi %mul3A_1277, %add3A_1278 : i32
      %mul3A_1280 = arith.constant 4 : i32
      %mul3A_1281 = arith.muli %add3A_1279, %mul3A_1280 : i32
      %add3A_1282 = arith.addi %mul3A_2, %mul3A_1281 : i32
      %dma_wait3A_1283 = arith.constant 0 : i32
      %dma_wait3A_1284 = tpu.memref_slice %arg2[%add3A_1282, %dma_wait3A_1283] : memref<16384x2048xf32, #tpu.memory_space<hbm>> -> memref<4x2048xf32, #tpu.memory_space<hbm>>
      %dma_wait3A_1285 = arith.constant 0 : i32
      %dma_wait3A_1286 = tpu.memref_slice %arg2[%add3A_1282, %dma_wait3A_1285] : memref<16384x2048xf32, #tpu.memory_space<hbm>> -> memref<4x2048xf32, #tpu.memory_space<hbm>>
      tpu.wait_dma2 semaphore(%arg24 : memref<!tpu.dma_semaphore, #tpu.memory_space<semaphore_mem>>) src(%dma_wait3A_1286 : memref<4x2048xf32, #tpu.memory_space<hbm>>) dst(%arg8 : memref<4x2048xf32, #tpu.memory_space<vmem>>)
      %add3A_1287 = arith.constant 8 : i32
      %add3A_1288 = arith.addi %add3A_1279, %add3A_1287 : i32
      %sub3A_1289 = arith.constant 1 : i32
      %sub3A_1290 = arith.subi %add3A_1288, %sub3A_1289 : i32
      %lt3A_1291 = arith.constant 128 : i32
      %lt3A_1292 = arith.cmpi slt, %sub3A_1290, %lt3A_1291 : i32
      %convert_element_type3A_1293 = arith.extui %lt3A_1292 : i1 to i32
      %cond3A_1294 = arith.constant 0 : i32
      %cond3A_1295 = arith.cmpi ne, %convert_element_type3A_1293, %cond3A_1294 : i32
      scf.if %cond3A_1295 {
        %add3A_2460 = arith.constant 8 : i32
        %add3A_2461 = arith.addi %add3A_1279, %add3A_2460 : i32
        %sub3A_2462 = arith.constant 1 : i32
        %sub3A_2463 = arith.subi %add3A_2461, %sub3A_2462 : i32
        %mul3A_2464 = arith.constant 4 : i32
        %mul3A_2465 = arith.muli %sub3A_2463, %mul3A_2464 : i32
        %add3A_2466 = arith.addi %mul3A_2, %mul3A_2465 : i32
        %dma_start3A_2467 = arith.constant 0 : i32
        %dma_start3A_2468 = tpu.memref_slice %arg2[%add3A_2466, %dma_start3A_2467] : memref<16384x2048xf32, #tpu.memory_space<hbm>> -> memref<4x2048xf32, #tpu.memory_space<hbm>>
        %dma_start3A_2469 = arith.constant 0 : i32
        %dma_start3A_2470 = tpu.memref_slice %arg2[%add3A_2466, %dma_start3A_2469] : memref<16384x2048xf32, #tpu.memory_space<hbm>> -> memref<4x2048xf32, #tpu.memory_space<hbm>>
        tpu.enqueue_dma source(%dma_start3A_2470 : memref<4x2048xf32, #tpu.memory_space<hbm>>) target(%arg7 : memref<4x2048xf32, #tpu.memory_space<vmem>>) target_semaphore(%arg23 : memref<!tpu.dma_semaphore, #tpu.memory_space<semaphore_mem>>)
      } else {
      }
      %ge3A_1296 = arith.constant 8 : i32
      %ge3A_1297 = arith.cmpi sge, %add3A_1279, %ge3A_1296 : i32
      %convert_element_type3A_1298 = arith.extui %ge3A_1297 : i1 to i32
      %cond3A_1299 = arith.constant 0 : i32
      %cond3A_1300 = arith.cmpi ne, %convert_element_type3A_1298, %cond3A_1299 : i32
      scf.if %cond3A_1300 {
        %sub3A_2460 = arith.constant 8 : i32
        %sub3A_2461 = arith.subi %add3A_1279, %sub3A_2460 : i32
        %mul3A_2462 = arith.constant 4 : i32
        %mul3A_2463 = arith.muli %sub3A_2461, %mul3A_2462 : i32
        %add3A_2464 = arith.addi %mul3A_2, %mul3A_2463 : i32
        %dma_wait3A_2465 = arith.constant 0 : i32
        %dma_wait3A_2466 = tpu.memref_slice %arg3[%add3A_2464, %dma_wait3A_2465] : memref<16384x128xf32, #tpu.memory_space<hbm>> -> memref<4x128xf32, #tpu.memory_space<hbm>>
        %dma_wait3A_2467 = arith.constant 0 : i32
        %dma_wait3A_2468 = tpu.memref_slice %arg3[%add3A_2464, %dma_wait3A_2467] : memref<16384x128xf32, #tpu.memory_space<hbm>> -> memref<4x128xf32, #tpu.memory_space<hbm>>
        tpu.wait_dma2 semaphore(%arg32 : memref<!tpu.dma_semaphore, #tpu.memory_space<semaphore_mem>>) src(%arg16 : memref<4x128xf32, #tpu.memory_space<vmem>>) dst(%dma_wait3A_2468 : memref<4x128xf32, #tpu.memory_space<hbm>>)
      } else {
      }
      %broadcast_in_dim3A_1301 = arith.constant 0 : i32
      %broadcast_in_dim3A_1302 = vector.broadcast %broadcast_in_dim3A_1301 : i32 to vector<16xi32>
      %add3A_1303 = arith.constant 0 : i32
      %add3A_1304 = vector.broadcast %add3A_1303 : i32 to vector<16xi32>
      %add3A_1305 = arith.addi %mul3A_5, %add3A_1304 : vector<16xi32>
      %gather3A_1306 = tpu.vector_load_idx %arg8[%broadcast_in_dim3A_1302, %add3A_1305] : memref<4x2048xf32, #tpu.memory_space<vmem>>[vector<16xi32>, vector<16xi32>], vector<16xf32>,
      %swap3A_1307 = arith.constant 0 : i32
      %swap3A_1308 = arith.index_cast %swap3A_1307 : i32 to index
      %swap3A_1309 = arith.constant 0 : index
      %swap3A_1310 = tpu.vector_load %arg16[%swap3A_1308, %swap3A_1309] {strides = array<i32>} : memref<4x128xf32, #tpu.memory_space<vmem>>, vector<16xf32>,
      tpu.vector_store %arg16[%swap3A_1308, %swap3A_1309], %gather3A_1306 {strides = array<i32>} : memref<4x128xf32, #tpu.memory_space<vmem>>, vector<16xf32>,
      %add3A_1311 = arith.constant 256 : i32
      %add3A_1312 = vector.broadcast %add3A_1311 : i32 to vector<16xi32>
      %add3A_1313 = arith.addi %mul3A_5, %add3A_1312 : vector<16xi32>
      %gather3A_1314 = tpu.vector_load_idx %arg8[%broadcast_in_dim3A_1302, %add3A_1313] : memref<4x2048xf32, #tpu.memory_space<vmem>>[vector<16xi32>, vector<16xi32>], vector<16xf32>,
      %swap3A_1315 = arith.constant 0 : i32
      %swap3A_1316 = arith.index_cast %swap3A_1315 : i32 to index
      %swap3A_1317 = arith.constant 16 : index
      %swap3A_1318 = tpu.vector_load %arg16[%swap3A_1316, %swap3A_1317] {strides = array<i32>} : memref<4x128xf32, #tpu.memory_space<vmem>>, vector<16xf32>,
      tpu.vector_store %arg16[%swap3A_1316, %swap3A_1317], %gather3A_1314 {strides = array<i32>} : memref<4x128xf32, #tpu.memory_space<vmem>>, vector<16xf32>,
      %add3A_1319 = arith.constant 512 : i32
      %add3A_1320 = vector.broadcast %add3A_1319 : i32 to vector<16xi32>
      %add3A_1321 = arith.addi %mul3A_5, %add3A_1320 : vector<16xi32>
      %gather3A_1322 = tpu.vector_load_idx %arg8[%broadcast_in_dim3A_1302, %add3A_1321] : memref<4x2048xf32, #tpu.memory_space<vmem>>[vector<16xi32>, vector<16xi32>], vector<16xf32>,
      %swap3A_1323 = arith.constant 0 : i32
      %swap3A_1324 = arith.index_cast %swap3A_1323 : i32 to index
      %swap3A_1325 = arith.constant 32 : index
      %swap3A_1326 = tpu.vector_load %arg16[%swap3A_1324, %swap3A_1325] {strides = array<i32>} : memref<4x128xf32, #tpu.memory_space<vmem>>, vector<16xf32>,
      tpu.vector_store %arg16[%swap3A_1324, %swap3A_1325], %gather3A_1322 {strides = array<i32>} : memref<4x128xf32, #tpu.memory_space<vmem>>, vector<16xf32>,
      %add3A_1327 = arith.constant 768 : i32
      %add3A_1328 = vector.broadcast %add3A_1327 : i32 to vector<16xi32>
      %add3A_1329 = arith.addi %mul3A_5, %add3A_1328 : vector<16xi32>
      %gather3A_1330 = tpu.vector_load_idx %arg8[%broadcast_in_dim3A_1302, %add3A_1329] : memref<4x2048xf32, #tpu.memory_space<vmem>>[vector<16xi32>, vector<16xi32>], vector<16xf32>,
      %swap3A_1331 = arith.constant 0 : i32
      %swap3A_1332 = arith.index_cast %swap3A_1331 : i32 to index
      %swap3A_1333 = arith.constant 48 : index
      %swap3A_1334 = tpu.vector_load %arg16[%swap3A_1332, %swap3A_1333] {strides = array<i32>} : memref<4x128xf32, #tpu.memory_space<vmem>>, vector<16xf32>,
      tpu.vector_store %arg16[%swap3A_1332, %swap3A_1333], %gather3A_1330 {strides = array<i32>} : memref<4x128xf32, #tpu.memory_space<vmem>>, vector<16xf32>,
      %add3A_1335 = arith.constant 1024 : i32
      %add3A_1336 = vector.broadcast %add3A_1335 : i32 to vector<16xi32>
      %add3A_1337 = arith.addi %mul3A_5, %add3A_1336 : vector<16xi32>
      %gather3A_1338 = tpu.vector_load_idx %arg8[%broadcast_in_dim3A_1302, %add3A_1337] : memref<4x2048xf32, #tpu.memory_space<vmem>>[vector<16xi32>, vector<16xi32>], vector<16xf32>,
      %swap3A_1339 = arith.constant 0 : i32
      %swap3A_1340 = arith.index_cast %swap3A_1339 : i32 to index
      %swap3A_1341 = arith.constant 64 : index
      %swap3A_1342 = tpu.vector_load %arg16[%swap3A_1340, %swap3A_1341] {strides = array<i32>} : memref<4x128xf32, #tpu.memory_space<vmem>>, vector<16xf32>,
      tpu.vector_store %arg16[%swap3A_1340, %swap3A_1341], %gather3A_1338 {strides = array<i32>} : memref<4x128xf32, #tpu.memory_space<vmem>>, vector<16xf32>,
      %add3A_1343 = arith.constant 1280 : i32
      %add3A_1344 = vector.broadcast %add3A_1343 : i32 to vector<16xi32>
      %add3A_1345 = arith.addi %mul3A_5, %add3A_1344 : vector<16xi32>
      %gather3A_1346 = tpu.vector_load_idx %arg8[%broadcast_in_dim3A_1302, %add3A_1345] : memref<4x2048xf32, #tpu.memory_space<vmem>>[vector<16xi32>, vector<16xi32>], vector<16xf32>,
      %swap3A_1347 = arith.constant 0 : i32
      %swap3A_1348 = arith.index_cast %swap3A_1347 : i32 to index
      %swap3A_1349 = arith.constant 80 : index
      %swap3A_1350 = tpu.vector_load %arg16[%swap3A_1348, %swap3A_1349] {strides = array<i32>} : memref<4x128xf32, #tpu.memory_space<vmem>>, vector<16xf32>,
      tpu.vector_store %arg16[%swap3A_1348, %swap3A_1349], %gather3A_1346 {strides = array<i32>} : memref<4x128xf32, #tpu.memory_space<vmem>>, vector<16xf32>,
      %add3A_1351 = arith.constant 1536 : i32
      %add3A_1352 = vector.broadcast %add3A_1351 : i32 to vector<16xi32>
      %add3A_1353 = arith.addi %mul3A_5, %add3A_1352 : vector<16xi32>
      %gather3A_1354 = tpu.vector_load_idx %arg8[%broadcast_in_dim3A_1302, %add3A_1353] : memref<4x2048xf32, #tpu.memory_space<vmem>>[vector<16xi32>, vector<16xi32>], vector<16xf32>,
      %swap3A_1355 = arith.constant 0 : i32
      %swap3A_1356 = arith.index_cast %swap3A_1355 : i32 to index
      %swap3A_1357 = arith.constant 96 : index
      %swap3A_1358 = tpu.vector_load %arg16[%swap3A_1356, %swap3A_1357] {strides = array<i32>} : memref<4x128xf32, #tpu.memory_space<vmem>>, vector<16xf32>,
      tpu.vector_store %arg16[%swap3A_1356, %swap3A_1357], %gather3A_1354 {strides = array<i32>} : memref<4x128xf32, #tpu.memory_space<vmem>>, vector<16xf32>,
      %add3A_1359 = arith.constant 1792 : i32
      %add3A_1360 = vector.broadcast %add3A_1359 : i32 to vector<16xi32>
      %add3A_1361 = arith.addi %mul3A_5, %add3A_1360 : vector<16xi32>
      %gather3A_1362 = tpu.vector_load_idx %arg8[%broadcast_in_dim3A_1302, %add3A_1361] : memref<4x2048xf32, #tpu.memory_space<vmem>>[vector<16xi32>, vector<16xi32>], vector<16xf32>,
      %swap3A_1363 = arith.constant 0 : i32
      %swap3A_1364 = arith.index_cast %swap3A_1363 : i32 to index
      %swap3A_1365 = arith.constant 112 : index
      %swap3A_1366 = tpu.vector_load %arg16[%swap3A_1364, %swap3A_1365] {strides = array<i32>} : memref<4x128xf32, #tpu.memory_space<vmem>>, vector<16xf32>,
      tpu.vector_store %arg16[%swap3A_1364, %swap3A_1365], %gather3A_1362 {strides = array<i32>} : memref<4x128xf32, #tpu.memory_space<vmem>>, vector<16xf32>,
      %broadcast_in_dim3A_1367 = arith.constant 1 : i32
      %broadcast_in_dim3A_1368 = vector.broadcast %broadcast_in_dim3A_1367 : i32 to vector<16xi32>
      %add3A_1369 = arith.constant 0 : i32
      %add3A_1370 = vector.broadcast %add3A_1369 : i32 to vector<16xi32>
      %add3A_1371 = arith.addi %mul3A_5, %add3A_1370 : vector<16xi32>
      %gather3A_1372 = tpu.vector_load_idx %arg8[%broadcast_in_dim3A_1368, %add3A_1371] : memref<4x2048xf32, #tpu.memory_space<vmem>>[vector<16xi32>, vector<16xi32>], vector<16xf32>,
      %swap3A_1373 = arith.constant 1 : i32
      %swap3A_1374 = arith.index_cast %swap3A_1373 : i32 to index
      %swap3A_1375 = arith.constant 0 : index
      %swap3A_1376 = tpu.vector_load %arg16[%swap3A_1374, %swap3A_1375] {strides = array<i32>} : memref<4x128xf32, #tpu.memory_space<vmem>>, vector<16xf32>,
      tpu.vector_store %arg16[%swap3A_1374, %swap3A_1375], %gather3A_1372 {strides = array<i32>} : memref<4x128xf32, #tpu.memory_space<vmem>>, vector<16xf32>,
      %add3A_1377 = arith.constant 256 : i32
      %add3A_1378 = vector.broadcast %add3A_1377 : i32 to vector<16xi32>
      %add3A_1379 = arith.addi %mul3A_5, %add3A_1378 : vector<16xi32>
      %gather3A_1380 = tpu.vector_load_idx %arg8[%broadcast_in_dim3A_1368, %add3A_1379] : memref<4x2048xf32, #tpu.memory_space<vmem>>[vector<16xi32>, vector<16xi32>], vector<16xf32>,
      %swap3A_1381 = arith.constant 1 : i32
      %swap3A_1382 = arith.index_cast %swap3A_1381 : i32 to index
      %swap3A_1383 = arith.constant 16 : index
      %swap3A_1384 = tpu.vector_load %arg16[%swap3A_1382, %swap3A_1383] {strides = array<i32>} : memref<4x128xf32, #tpu.memory_space<vmem>>, vector<16xf32>,
      tpu.vector_store %arg16[%swap3A_1382, %swap3A_1383], %gather3A_1380 {strides = array<i32>} : memref<4x128xf32, #tpu.memory_space<vmem>>, vector<16xf32>,
      %add3A_1385 = arith.constant 512 : i32
      %add3A_1386 = vector.broadcast %add3A_1385 : i32 to vector<16xi32>
      %add3A_1387 = arith.addi %mul3A_5, %add3A_1386 : vector<16xi32>
      %gather3A_1388 = tpu.vector_load_idx %arg8[%broadcast_in_dim3A_1368, %add3A_1387] : memref<4x2048xf32, #tpu.memory_space<vmem>>[vector<16xi32>, vector<16xi32>], vector<16xf32>,
      %swap3A_1389 = arith.constant 1 : i32
      %swap3A_1390 = arith.index_cast %swap3A_1389 : i32 to index
      %swap3A_1391 = arith.constant 32 : index
      %swap3A_1392 = tpu.vector_load %arg16[%swap3A_1390, %swap3A_1391] {strides = array<i32>} : memref<4x128xf32, #tpu.memory_space<vmem>>, vector<16xf32>,
      tpu.vector_store %arg16[%swap3A_1390, %swap3A_1391], %gather3A_1388 {strides = array<i32>} : memref<4x128xf32, #tpu.memory_space<vmem>>, vector<16xf32>,
      %add3A_1393 = arith.constant 768 : i32
      %add3A_1394 = vector.broadcast %add3A_1393 : i32 to vector<16xi32>
      %add3A_1395 = arith.addi %mul3A_5, %add3A_1394 : vector<16xi32>
      %gather3A_1396 = tpu.vector_load_idx %arg8[%broadcast_in_dim3A_1368, %add3A_1395] : memref<4x2048xf32, #tpu.memory_space<vmem>>[vector<16xi32>, vector<16xi32>], vector<16xf32>,
      %swap3A_1397 = arith.constant 1 : i32
      %swap3A_1398 = arith.index_cast %swap3A_1397 : i32 to index
      %swap3A_1399 = arith.constant 48 : index
      %swap3A_1400 = tpu.vector_load %arg16[%swap3A_1398, %swap3A_1399] {strides = array<i32>} : memref<4x128xf32, #tpu.memory_space<vmem>>, vector<16xf32>,
      tpu.vector_store %arg16[%swap3A_1398, %swap3A_1399], %gather3A_1396 {strides = array<i32>} : memref<4x128xf32, #tpu.memory_space<vmem>>, vector<16xf32>,
      %add3A_1401 = arith.constant 1024 : i32
      %add3A_1402 = vector.broadcast %add3A_1401 : i32 to vector<16xi32>
      %add3A_1403 = arith.addi %mul3A_5, %add3A_1402 : vector<16xi32>
      %gather3A_1404 = tpu.vector_load_idx %arg8[%broadcast_in_dim3A_1368, %add3A_1403] : memref<4x2048xf32, #tpu.memory_space<vmem>>[vector<16xi32>, vector<16xi32>], vector<16xf32>,
      %swap3A_1405 = arith.constant 1 : i32
      %swap3A_1406 = arith.index_cast %swap3A_1405 : i32 to index
      %swap3A_1407 = arith.constant 64 : index
      %swap3A_1408 = tpu.vector_load %arg16[%swap3A_1406, %swap3A_1407] {strides = array<i32>} : memref<4x128xf32, #tpu.memory_space<vmem>>, vector<16xf32>,
      tpu.vector_store %arg16[%swap3A_1406, %swap3A_1407], %gather3A_1404 {strides = array<i32>} : memref<4x128xf32, #tpu.memory_space<vmem>>, vector<16xf32>,
      %add3A_1409 = arith.constant 1280 : i32
      %add3A_1410 = vector.broadcast %add3A_1409 : i32 to vector<16xi32>
      %add3A_1411 = arith.addi %mul3A_5, %add3A_1410 : vector<16xi32>
      %gather3A_1412 = tpu.vector_load_idx %arg8[%broadcast_in_dim3A_1368, %add3A_1411] : memref<4x2048xf32, #tpu.memory_space<vmem>>[vector<16xi32>, vector<16xi32>], vector<16xf32>,
      %swap3A_1413 = arith.constant 1 : i32
      %swap3A_1414 = arith.index_cast %swap3A_1413 : i32 to index
      %swap3A_1415 = arith.constant 80 : index
      %swap3A_1416 = tpu.vector_load %arg16[%swap3A_1414, %swap3A_1415] {strides = array<i32>} : memref<4x128xf32, #tpu.memory_space<vmem>>, vector<16xf32>,
      tpu.vector_store %arg16[%swap3A_1414, %swap3A_1415], %gather3A_1412 {strides = array<i32>} : memref<4x128xf32, #tpu.memory_space<vmem>>, vector<16xf32>,
      %add3A_1417 = arith.constant 1536 : i32
      %add3A_1418 = vector.broadcast %add3A_1417 : i32 to vector<16xi32>
      %add3A_1419 = arith.addi %mul3A_5, %add3A_1418 : vector<16xi32>
      %gather3A_1420 = tpu.vector_load_idx %arg8[%broadcast_in_dim3A_1368, %add3A_1419] : memref<4x2048xf32, #tpu.memory_space<vmem>>[vector<16xi32>, vector<16xi32>], vector<16xf32>,
      %swap3A_1421 = arith.constant 1 : i32
      %swap3A_1422 = arith.index_cast %swap3A_1421 : i32 to index
      %swap3A_1423 = arith.constant 96 : index
      %swap3A_1424 = tpu.vector_load %arg16[%swap3A_1422, %swap3A_1423] {strides = array<i32>} : memref<4x128xf32, #tpu.memory_space<vmem>>, vector<16xf32>,
      tpu.vector_store %arg16[%swap3A_1422, %swap3A_1423], %gather3A_1420 {strides = array<i32>} : memref<4x128xf32, #tpu.memory_space<vmem>>, vector<16xf32>,
      %add3A_1425 = arith.constant 1792 : i32
      %add3A_1426 = vector.broadcast %add3A_1425 : i32 to vector<16xi32>
      %add3A_1427 = arith.addi %mul3A_5, %add3A_1426 : vector<16xi32>
      %gather3A_1428 = tpu.vector_load_idx %arg8[%broadcast_in_dim3A_1368, %add3A_1427] : memref<4x2048xf32, #tpu.memory_space<vmem>>[vector<16xi32>, vector<16xi32>], vector<16xf32>,
      %swap3A_1429 = arith.constant 1 : i32
      %swap3A_1430 = arith.index_cast %swap3A_1429 : i32 to index
      %swap3A_1431 = arith.constant 112 : index
      %swap3A_1432 = tpu.vector_load %arg16[%swap3A_1430, %swap3A_1431] {strides = array<i32>} : memref<4x128xf32, #tpu.memory_space<vmem>>, vector<16xf32>,
      tpu.vector_store %arg16[%swap3A_1430, %swap3A_1431], %gather3A_1428 {strides = array<i32>} : memref<4x128xf32, #tpu.memory_space<vmem>>, vector<16xf32>,
      %broadcast_in_dim3A_1433 = arith.constant 2 : i32
      %broadcast_in_dim3A_1434 = vector.broadcast %broadcast_in_dim3A_1433 : i32 to vector<16xi32>
      %add3A_1435 = arith.constant 0 : i32
      %add3A_1436 = vector.broadcast %add3A_1435 : i32 to vector<16xi32>
      %add3A_1437 = arith.addi %mul3A_5, %add3A_1436 : vector<16xi32>
      %gather3A_1438 = tpu.vector_load_idx %arg8[%broadcast_in_dim3A_1434, %add3A_1437] : memref<4x2048xf32, #tpu.memory_space<vmem>>[vector<16xi32>, vector<16xi32>], vector<16xf32>,
      %swap3A_1439 = arith.constant 2 : i32
      %swap3A_1440 = arith.index_cast %swap3A_1439 : i32 to index
      %swap3A_1441 = arith.constant 0 : index
      %swap3A_1442 = tpu.vector_load %arg16[%swap3A_1440, %swap3A_1441] {strides = array<i32>} : memref<4x128xf32, #tpu.memory_space<vmem>>, vector<16xf32>,
      tpu.vector_store %arg16[%swap3A_1440, %swap3A_1441], %gather3A_1438 {strides = array<i32>} : memref<4x128xf32, #tpu.memory_space<vmem>>, vector<16xf32>,
      %add3A_1443 = arith.constant 256 : i32
      %add3A_1444 = vector.broadcast %add3A_1443 : i32 to vector<16xi32>
      %add3A_1445 = arith.addi %mul3A_5, %add3A_1444 : vector<16xi32>
      %gather3A_1446 = tpu.vector_load_idx %arg8[%broadcast_in_dim3A_1434, %add3A_1445] : memref<4x2048xf32, #tpu.memory_space<vmem>>[vector<16xi32>, vector<16xi32>], vector<16xf32>,
      %swap3A_1447 = arith.constant 2 : i32
      %swap3A_1448 = arith.index_cast %swap3A_1447 : i32 to index
      %swap3A_1449 = arith.constant 16 : index
      %swap3A_1450 = tpu.vector_load %arg16[%swap3A_1448, %swap3A_1449] {strides = array<i32>} : memref<4x128xf32, #tpu.memory_space<vmem>>, vector<16xf32>,
      tpu.vector_store %arg16[%swap3A_1448, %swap3A_1449], %gather3A_1446 {strides = array<i32>} : memref<4x128xf32, #tpu.memory_space<vmem>>, vector<16xf32>,
      %add3A_1451 = arith.constant 512 : i32
      %add3A_1452 = vector.broadcast %add3A_1451 : i32 to vector<16xi32>
      %add3A_1453 = arith.addi %mul3A_5, %add3A_1452 : vector<16xi32>
      %gather3A_1454 = tpu.vector_load_idx %arg8[%broadcast_in_dim3A_1434, %add3A_1453] : memref<4x2048xf32, #tpu.memory_space<vmem>>[vector<16xi32>, vector<16xi32>], vector<16xf32>,
      %swap3A_1455 = arith.constant 2 : i32
      %swap3A_1456 = arith.index_cast %swap3A_1455 : i32 to index
      %swap3A_1457 = arith.constant 32 : index
      %swap3A_1458 = tpu.vector_load %arg16[%swap3A_1456, %swap3A_1457] {strides = array<i32>} : memref<4x128xf32, #tpu.memory_space<vmem>>, vector<16xf32>,
      tpu.vector_store %arg16[%swap3A_1456, %swap3A_1457], %gather3A_1454 {strides = array<i32>} : memref<4x128xf32, #tpu.memory_space<vmem>>, vector<16xf32>,
      %add3A_1459 = arith.constant 768 : i32
      %add3A_1460 = vector.broadcast %add3A_1459 : i32 to vector<16xi32>
      %add3A_1461 = arith.addi %mul3A_5, %add3A_1460 : vector<16xi32>
      %gather3A_1462 = tpu.vector_load_idx %arg8[%broadcast_in_dim3A_1434, %add3A_1461] : memref<4x2048xf32, #tpu.memory_space<vmem>>[vector<16xi32>, vector<16xi32>], vector<16xf32>,
      %swap3A_1463 = arith.constant 2 : i32
      %swap3A_1464 = arith.index_cast %swap3A_1463 : i32 to index
      %swap3A_1465 = arith.constant 48 : index
      %swap3A_1466 = tpu.vector_load %arg16[%swap3A_1464, %swap3A_1465] {strides = array<i32>} : memref<4x128xf32, #tpu.memory_space<vmem>>, vector<16xf32>,
      tpu.vector_store %arg16[%swap3A_1464, %swap3A_1465], %gather3A_1462 {strides = array<i32>} : memref<4x128xf32, #tpu.memory_space<vmem>>, vector<16xf32>,
      %add3A_1467 = arith.constant 1024 : i32
      %add3A_1468 = vector.broadcast %add3A_1467 : i32 to vector<16xi32>
      %add3A_1469 = arith.addi %mul3A_5, %add3A_1468 : vector<16xi32>
      %gather3A_1470 = tpu.vector_load_idx %arg8[%broadcast_in_dim3A_1434, %add3A_1469] : memref<4x2048xf32, #tpu.memory_space<vmem>>[vector<16xi32>, vector<16xi32>], vector<16xf32>,
      %swap3A_1471 = arith.constant 2 : i32
      %swap3A_1472 = arith.index_cast %swap3A_1471 : i32 to index
      %swap3A_1473 = arith.constant 64 : index
      %swap3A_1474 = tpu.vector_load %arg16[%swap3A_1472, %swap3A_1473] {strides = array<i32>} : memref<4x128xf32, #tpu.memory_space<vmem>>, vector<16xf32>,
      tpu.vector_store %arg16[%swap3A_1472, %swap3A_1473], %gather3A_1470 {strides = array<i32>} : memref<4x128xf32, #tpu.memory_space<vmem>>, vector<16xf32>,
      %add3A_1475 = arith.constant 1280 : i32
      %add3A_1476 = vector.broadcast %add3A_1475 : i32 to vector<16xi32>
      %add3A_1477 = arith.addi %mul3A_5, %add3A_1476 : vector<16xi32>
      %gather3A_1478 = tpu.vector_load_idx %arg8[%broadcast_in_dim3A_1434, %add3A_1477] : memref<4x2048xf32, #tpu.memory_space<vmem>>[vector<16xi32>, vector<16xi32>], vector<16xf32>,
      %swap3A_1479 = arith.constant 2 : i32
      %swap3A_1480 = arith.index_cast %swap3A_1479 : i32 to index
      %swap3A_1481 = arith.constant 80 : index
      %swap3A_1482 = tpu.vector_load %arg16[%swap3A_1480, %swap3A_1481] {strides = array<i32>} : memref<4x128xf32, #tpu.memory_space<vmem>>, vector<16xf32>,
      tpu.vector_store %arg16[%swap3A_1480, %swap3A_1481], %gather3A_1478 {strides = array<i32>} : memref<4x128xf32, #tpu.memory_space<vmem>>, vector<16xf32>,
      %add3A_1483 = arith.constant 1536 : i32
      %add3A_1484 = vector.broadcast %add3A_1483 : i32 to vector<16xi32>
      %add3A_1485 = arith.addi %mul3A_5, %add3A_1484 : vector<16xi32>
      %gather3A_1486 = tpu.vector_load_idx %arg8[%broadcast_in_dim3A_1434, %add3A_1485] : memref<4x2048xf32, #tpu.memory_space<vmem>>[vector<16xi32>, vector<16xi32>], vector<16xf32>,
      %swap3A_1487 = arith.constant 2 : i32
      %swap3A_1488 = arith.index_cast %swap3A_1487 : i32 to index
      %swap3A_1489 = arith.constant 96 : index
      %swap3A_1490 = tpu.vector_load %arg16[%swap3A_1488, %swap3A_1489] {strides = array<i32>} : memref<4x128xf32, #tpu.memory_space<vmem>>, vector<16xf32>,
      tpu.vector_store %arg16[%swap3A_1488, %swap3A_1489], %gather3A_1486 {strides = array<i32>} : memref<4x128xf32, #tpu.memory_space<vmem>>, vector<16xf32>,
      %add3A_1491 = arith.constant 1792 : i32
      %add3A_1492 = vector.broadcast %add3A_1491 : i32 to vector<16xi32>
      %add3A_1493 = arith.addi %mul3A_5, %add3A_1492 : vector<16xi32>
      %gather3A_1494 = tpu.vector_load_idx %arg8[%broadcast_in_dim3A_1434, %add3A_1493] : memref<4x2048xf32, #tpu.memory_space<vmem>>[vector<16xi32>, vector<16xi32>], vector<16xf32>,
      %swap3A_1495 = arith.constant 2 : i32
      %swap3A_1496 = arith.index_cast %swap3A_1495 : i32 to index
      %swap3A_1497 = arith.constant 112 : index
      %swap3A_1498 = tpu.vector_load %arg16[%swap3A_1496, %swap3A_1497] {strides = array<i32>} : memref<4x128xf32, #tpu.memory_space<vmem>>, vector<16xf32>,
      tpu.vector_store %arg16[%swap3A_1496, %swap3A_1497], %gather3A_1494 {strides = array<i32>} : memref<4x128xf32, #tpu.memory_space<vmem>>, vector<16xf32>,
      %broadcast_in_dim3A_1499 = arith.constant 3 : i32
      %broadcast_in_dim3A_1500 = vector.broadcast %broadcast_in_dim3A_1499 : i32 to vector<16xi32>
      %add3A_1501 = arith.constant 0 : i32
      %add3A_1502 = vector.broadcast %add3A_1501 : i32 to vector<16xi32>
      %add3A_1503 = arith.addi %mul3A_5, %add3A_1502 : vector<16xi32>
      %gather3A_1504 = tpu.vector_load_idx %arg8[%broadcast_in_dim3A_1500, %add3A_1503] : memref<4x2048xf32, #tpu.memory_space<vmem>>[vector<16xi32>, vector<16xi32>], vector<16xf32>,
      %swap3A_1505 = arith.constant 3 : i32
      %swap3A_1506 = arith.index_cast %swap3A_1505 : i32 to index
      %swap3A_1507 = arith.constant 0 : index
      %swap3A_1508 = tpu.vector_load %arg16[%swap3A_1506, %swap3A_1507] {strides = array<i32>} : memref<4x128xf32, #tpu.memory_space<vmem>>, vector<16xf32>,
      tpu.vector_store %arg16[%swap3A_1506, %swap3A_1507], %gather3A_1504 {strides = array<i32>} : memref<4x128xf32, #tpu.memory_space<vmem>>, vector<16xf32>,
      %add3A_1509 = arith.constant 256 : i32
      %add3A_1510 = vector.broadcast %add3A_1509 : i32 to vector<16xi32>
      %add3A_1511 = arith.addi %mul3A_5, %add3A_1510 : vector<16xi32>
      %gather3A_1512 = tpu.vector_load_idx %arg8[%broadcast_in_dim3A_1500, %add3A_1511] : memref<4x2048xf32, #tpu.memory_space<vmem>>[vector<16xi32>, vector<16xi32>], vector<16xf32>,
      %swap3A_1513 = arith.constant 3 : i32
      %swap3A_1514 = arith.index_cast %swap3A_1513 : i32 to index
      %swap3A_1515 = arith.constant 16 : index
      %swap3A_1516 = tpu.vector_load %arg16[%swap3A_1514, %swap3A_1515] {strides = array<i32>} : memref<4x128xf32, #tpu.memory_space<vmem>>, vector<16xf32>,
      tpu.vector_store %arg16[%swap3A_1514, %swap3A_1515], %gather3A_1512 {strides = array<i32>} : memref<4x128xf32, #tpu.memory_space<vmem>>, vector<16xf32>,
      %add3A_1517 = arith.constant 512 : i32
      %add3A_1518 = vector.broadcast %add3A_1517 : i32 to vector<16xi32>
      %add3A_1519 = arith.addi %mul3A_5, %add3A_1518 : vector<16xi32>
      %gather3A_1520 = tpu.vector_load_idx %arg8[%broadcast_in_dim3A_1500, %add3A_1519] : memref<4x2048xf32, #tpu.memory_space<vmem>>[vector<16xi32>, vector<16xi32>], vector<16xf32>,
      %swap3A_1521 = arith.constant 3 : i32
      %swap3A_1522 = arith.index_cast %swap3A_1521 : i32 to index
      %swap3A_1523 = arith.constant 32 : index
      %swap3A_1524 = tpu.vector_load %arg16[%swap3A_1522, %swap3A_1523] {strides = array<i32>} : memref<4x128xf32, #tpu.memory_space<vmem>>, vector<16xf32>,
      tpu.vector_store %arg16[%swap3A_1522, %swap3A_1523], %gather3A_1520 {strides = array<i32>} : memref<4x128xf32, #tpu.memory_space<vmem>>, vector<16xf32>,
      %add3A_1525 = arith.constant 768 : i32
      %add3A_1526 = vector.broadcast %add3A_1525 : i32 to vector<16xi32>
      %add3A_1527 = arith.addi %mul3A_5, %add3A_1526 : vector<16xi32>
      %gather3A_1528 = tpu.vector_load_idx %arg8[%broadcast_in_dim3A_1500, %add3A_1527] : memref<4x2048xf32, #tpu.memory_space<vmem>>[vector<16xi32>, vector<16xi32>], vector<16xf32>,
      %swap3A_1529 = arith.constant 3 : i32
      %swap3A_1530 = arith.index_cast %swap3A_1529 : i32 to index
      %swap3A_1531 = arith.constant 48 : index
      %swap3A_1532 = tpu.vector_load %arg16[%swap3A_1530, %swap3A_1531] {strides = array<i32>} : memref<4x128xf32, #tpu.memory_space<vmem>>, vector<16xf32>,
      tpu.vector_store %arg16[%swap3A_1530, %swap3A_1531], %gather3A_1528 {strides = array<i32>} : memref<4x128xf32, #tpu.memory_space<vmem>>, vector<16xf32>,
      %add3A_1533 = arith.constant 1024 : i32
      %add3A_1534 = vector.broadcast %add3A_1533 : i32 to vector<16xi32>
      %add3A_1535 = arith.addi %mul3A_5, %add3A_1534 : vector<16xi32>
      %gather3A_1536 = tpu.vector_load_idx %arg8[%broadcast_in_dim3A_1500, %add3A_1535] : memref<4x2048xf32, #tpu.memory_space<vmem>>[vector<16xi32>, vector<16xi32>], vector<16xf32>,
      %swap3A_1537 = arith.constant 3 : i32
      %swap3A_1538 = arith.index_cast %swap3A_1537 : i32 to index
      %swap3A_1539 = arith.constant 64 : index
      %swap3A_1540 = tpu.vector_load %arg16[%swap3A_1538, %swap3A_1539] {strides = array<i32>} : memref<4x128xf32, #tpu.memory_space<vmem>>, vector<16xf32>,
      tpu.vector_store %arg16[%swap3A_1538, %swap3A_1539], %gather3A_1536 {strides = array<i32>} : memref<4x128xf32, #tpu.memory_space<vmem>>, vector<16xf32>,
      %add3A_1541 = arith.constant 1280 : i32
      %add3A_1542 = vector.broadcast %add3A_1541 : i32 to vector<16xi32>
      %add3A_1543 = arith.addi %mul3A_5, %add3A_1542 : vector<16xi32>
      %gather3A_1544 = tpu.vector_load_idx %arg8[%broadcast_in_dim3A_1500, %add3A_1543] : memref<4x2048xf32, #tpu.memory_space<vmem>>[vector<16xi32>, vector<16xi32>], vector<16xf32>,
      %swap3A_1545 = arith.constant 3 : i32
      %swap3A_1546 = arith.index_cast %swap3A_1545 : i32 to index
      %swap3A_1547 = arith.constant 80 : index
      %swap3A_1548 = tpu.vector_load %arg16[%swap3A_1546, %swap3A_1547] {strides = array<i32>} : memref<4x128xf32, #tpu.memory_space<vmem>>, vector<16xf32>,
      tpu.vector_store %arg16[%swap3A_1546, %swap3A_1547], %gather3A_1544 {strides = array<i32>} : memref<4x128xf32, #tpu.memory_space<vmem>>, vector<16xf32>,
      %add3A_1549 = arith.constant 1536 : i32
      %add3A_1550 = vector.broadcast %add3A_1549 : i32 to vector<16xi32>
      %add3A_1551 = arith.addi %mul3A_5, %add3A_1550 : vector<16xi32>
      %gather3A_1552 = tpu.vector_load_idx %arg8[%broadcast_in_dim3A_1500, %add3A_1551] : memref<4x2048xf32, #tpu.memory_space<vmem>>[vector<16xi32>, vector<16xi32>], vector<16xf32>,
      %swap3A_1553 = arith.constant 3 : i32
      %swap3A_1554 = arith.index_cast %swap3A_1553 : i32 to index
      %swap3A_1555 = arith.constant 96 : index
      %swap3A_1556 = tpu.vector_load %arg16[%swap3A_1554, %swap3A_1555] {strides = array<i32>} : memref<4x128xf32, #tpu.memory_space<vmem>>, vector<16xf32>,
      tpu.vector_store %arg16[%swap3A_1554, %swap3A_1555], %gather3A_1552 {strides = array<i32>} : memref<4x128xf32, #tpu.memory_space<vmem>>, vector<16xf32>,
      %add3A_1557 = arith.constant 1792 : i32
      %add3A_1558 = vector.broadcast %add3A_1557 : i32 to vector<16xi32>
      %add3A_1559 = arith.addi %mul3A_5, %add3A_1558 : vector<16xi32>
      %gather3A_1560 = tpu.vector_load_idx %arg8[%broadcast_in_dim3A_1500, %add3A_1559] : memref<4x2048xf32, #tpu.memory_space<vmem>>[vector<16xi32>, vector<16xi32>], vector<16xf32>,
      %swap3A_1561 = arith.constant 3 : i32
      %swap3A_1562 = arith.index_cast %swap3A_1561 : i32 to index
      %swap3A_1563 = arith.constant 112 : index
      %swap3A_1564 = tpu.vector_load %arg16[%swap3A_1562, %swap3A_1563] {strides = array<i32>} : memref<4x128xf32, #tpu.memory_space<vmem>>, vector<16xf32>,
      tpu.vector_store %arg16[%swap3A_1562, %swap3A_1563], %gather3A_1560 {strides = array<i32>} : memref<4x128xf32, #tpu.memory_space<vmem>>, vector<16xf32>,
      %mul3A_1565 = arith.constant 4 : i32
      %mul3A_1566 = arith.muli %add3A_1279, %mul3A_1565 : i32
      %add3A_1567 = arith.addi %mul3A_2, %mul3A_1566 : i32
      %dma_start3A_1568 = arith.constant 0 : i32
      %dma_start3A_1569 = tpu.memref_slice %arg3[%add3A_1567, %dma_start3A_1568] : memref<16384x128xf32, #tpu.memory_space<hbm>> -> memref<4x128xf32, #tpu.memory_space<hbm>>
      %dma_start3A_1570 = arith.constant 0 : i32
      %dma_start3A_1571 = tpu.memref_slice %arg3[%add3A_1567, %dma_start3A_1570] : memref<16384x128xf32, #tpu.memory_space<hbm>> -> memref<4x128xf32, #tpu.memory_space<hbm>>
      tpu.enqueue_dma source(%arg16 : memref<4x128xf32, #tpu.memory_space<vmem>>) target(%dma_start3A_1571 : memref<4x128xf32, #tpu.memory_space<hbm>>) target_semaphore(%arg32 : memref<!tpu.dma_semaphore, #tpu.memory_space<semaphore_mem>>)
      %mul3A_1572 = arith.constant 8 : i32
      %mul3A_1573 = arith.muli %scan3A_99, %mul3A_1572 : i32
      %add3A_1574 = arith.constant 5 : i32
      %add3A_1575 = arith.addi %mul3A_1573, %add3A_1574 : i32
      %mul3A_1576 = arith.constant 4 : i32
      %mul3A_1577 = arith.muli %add3A_1575, %mul3A_1576 : i32
      %add3A_1578 = arith.addi %mul3A_2, %mul3A_1577 : i32
      %dma_wait3A_1579 = arith.constant 0 : i32
      %dma_wait3A_1580 = tpu.memref_slice %arg2[%add3A_1578, %dma_wait3A_1579] : memref<16384x2048xf32, #tpu.memory_space<hbm>> -> memref<4x2048xf32, #tpu.memory_space<hbm>>
      %dma_wait3A_1581 = arith.constant 0 : i32
      %dma_wait3A_1582 = tpu.memref_slice %arg2[%add3A_1578, %dma_wait3A_1581] : memref<16384x2048xf32, #tpu.memory_space<hbm>> -> memref<4x2048xf32, #tpu.memory_space<hbm>>
      tpu.wait_dma2 semaphore(%arg25 : memref<!tpu.dma_semaphore, #tpu.memory_space<semaphore_mem>>) src(%dma_wait3A_1582 : memref<4x2048xf32, #tpu.memory_space<hbm>>) dst(%arg9 : memref<4x2048xf32, #tpu.memory_space<vmem>>)
      %add3A_1583 = arith.constant 8 : i32
      %add3A_1584 = arith.addi %add3A_1575, %add3A_1583 : i32
      %sub3A_1585 = arith.constant 1 : i32
      %sub3A_1586 = arith.subi %add3A_1584, %sub3A_1585 : i32
      %lt3A_1587 = arith.constant 128 : i32
      %lt3A_1588 = arith.cmpi slt, %sub3A_1586, %lt3A_1587 : i32
      %convert_element_type3A_1589 = arith.extui %lt3A_1588 : i1 to i32
      %cond3A_1590 = arith.constant 0 : i32
      %cond3A_1591 = arith.cmpi ne, %convert_element_type3A_1589, %cond3A_1590 : i32
      scf.if %cond3A_1591 {
        %add3A_2460 = arith.constant 8 : i32
        %add3A_2461 = arith.addi %add3A_1575, %add3A_2460 : i32
        %sub3A_2462 = arith.constant 1 : i32
        %sub3A_2463 = arith.subi %add3A_2461, %sub3A_2462 : i32
        %mul3A_2464 = arith.constant 4 : i32
        %mul3A_2465 = arith.muli %sub3A_2463, %mul3A_2464 : i32
        %add3A_2466 = arith.addi %mul3A_2, %mul3A_2465 : i32
        %dma_start3A_2467 = arith.constant 0 : i32
        %dma_start3A_2468 = tpu.memref_slice %arg2[%add3A_2466, %dma_start3A_2467] : memref<16384x2048xf32, #tpu.memory_space<hbm>> -> memref<4x2048xf32, #tpu.memory_space<hbm>>
        %dma_start3A_2469 = arith.constant 0 : i32
        %dma_start3A_2470 = tpu.memref_slice %arg2[%add3A_2466, %dma_start3A_2469] : memref<16384x2048xf32, #tpu.memory_space<hbm>> -> memref<4x2048xf32, #tpu.memory_space<hbm>>
        tpu.enqueue_dma source(%dma_start3A_2470 : memref<4x2048xf32, #tpu.memory_space<hbm>>) target(%arg8 : memref<4x2048xf32, #tpu.memory_space<vmem>>) target_semaphore(%arg24 : memref<!tpu.dma_semaphore, #tpu.memory_space<semaphore_mem>>)
      } else {
      }
      %ge3A_1592 = arith.constant 8 : i32
      %ge3A_1593 = arith.cmpi sge, %add3A_1575, %ge3A_1592 : i32
      %convert_element_type3A_1594 = arith.extui %ge3A_1593 : i1 to i32
      %cond3A_1595 = arith.constant 0 : i32
      %cond3A_1596 = arith.cmpi ne, %convert_element_type3A_1594, %cond3A_1595 : i32
      scf.if %cond3A_1596 {
        %sub3A_2460 = arith.constant 8 : i32
        %sub3A_2461 = arith.subi %add3A_1575, %sub3A_2460 : i32
        %mul3A_2462 = arith.constant 4 : i32
        %mul3A_2463 = arith.muli %sub3A_2461, %mul3A_2462 : i32
        %add3A_2464 = arith.addi %mul3A_2, %mul3A_2463 : i32
        %dma_wait3A_2465 = arith.constant 0 : i32
        %dma_wait3A_2466 = tpu.memref_slice %arg3[%add3A_2464, %dma_wait3A_2465] : memref<16384x128xf32, #tpu.memory_space<hbm>> -> memref<4x128xf32, #tpu.memory_space<hbm>>
        %dma_wait3A_2467 = arith.constant 0 : i32
        %dma_wait3A_2468 = tpu.memref_slice %arg3[%add3A_2464, %dma_wait3A_2467] : memref<16384x128xf32, #tpu.memory_space<hbm>> -> memref<4x128xf32, #tpu.memory_space<hbm>>
        tpu.wait_dma2 semaphore(%arg33 : memref<!tpu.dma_semaphore, #tpu.memory_space<semaphore_mem>>) src(%arg17 : memref<4x128xf32, #tpu.memory_space<vmem>>) dst(%dma_wait3A_2468 : memref<4x128xf32, #tpu.memory_space<hbm>>)
      } else {
      }
      %broadcast_in_dim3A_1597 = arith.constant 0 : i32
      %broadcast_in_dim3A_1598 = vector.broadcast %broadcast_in_dim3A_1597 : i32 to vector<16xi32>
      %add3A_1599 = arith.constant 0 : i32
      %add3A_1600 = vector.broadcast %add3A_1599 : i32 to vector<16xi32>
      %add3A_1601 = arith.addi %mul3A_5, %add3A_1600 : vector<16xi32>
      %gather3A_1602 = tpu.vector_load_idx %arg9[%broadcast_in_dim3A_1598, %add3A_1601] : memref<4x2048xf32, #tpu.memory_space<vmem>>[vector<16xi32>, vector<16xi32>], vector<16xf32>,
      %swap3A_1603 = arith.constant 0 : i32
      %swap3A_1604 = arith.index_cast %swap3A_1603 : i32 to index
      %swap3A_1605 = arith.constant 0 : index
      %swap3A_1606 = tpu.vector_load %arg17[%swap3A_1604, %swap3A_1605] {strides = array<i32>} : memref<4x128xf32, #tpu.memory_space<vmem>>, vector<16xf32>,
      tpu.vector_store %arg17[%swap3A_1604, %swap3A_1605], %gather3A_1602 {strides = array<i32>} : memref<4x128xf32, #tpu.memory_space<vmem>>, vector<16xf32>,
      %add3A_1607 = arith.constant 256 : i32
      %add3A_1608 = vector.broadcast %add3A_1607 : i32 to vector<16xi32>
      %add3A_1609 = arith.addi %mul3A_5, %add3A_1608 : vector<16xi32>
      %gather3A_1610 = tpu.vector_load_idx %arg9[%broadcast_in_dim3A_1598, %add3A_1609] : memref<4x2048xf32, #tpu.memory_space<vmem>>[vector<16xi32>, vector<16xi32>], vector<16xf32>,
      %swap3A_1611 = arith.constant 0 : i32
      %swap3A_1612 = arith.index_cast %swap3A_1611 : i32 to index
      %swap3A_1613 = arith.constant 16 : index
      %swap3A_1614 = tpu.vector_load %arg17[%swap3A_1612, %swap3A_1613] {strides = array<i32>} : memref<4x128xf32, #tpu.memory_space<vmem>>, vector<16xf32>,
      tpu.vector_store %arg17[%swap3A_1612, %swap3A_1613], %gather3A_1610 {strides = array<i32>} : memref<4x128xf32, #tpu.memory_space<vmem>>, vector<16xf32>,
      %add3A_1615 = arith.constant 512 : i32
      %add3A_1616 = vector.broadcast %add3A_1615 : i32 to vector<16xi32>
      %add3A_1617 = arith.addi %mul3A_5, %add3A_1616 : vector<16xi32>
      %gather3A_1618 = tpu.vector_load_idx %arg9[%broadcast_in_dim3A_1598, %add3A_1617] : memref<4x2048xf32, #tpu.memory_space<vmem>>[vector<16xi32>, vector<16xi32>], vector<16xf32>,
      %swap3A_1619 = arith.constant 0 : i32
      %swap3A_1620 = arith.index_cast %swap3A_1619 : i32 to index
      %swap3A_1621 = arith.constant 32 : index
      %swap3A_1622 = tpu.vector_load %arg17[%swap3A_1620, %swap3A_1621] {strides = array<i32>} : memref<4x128xf32, #tpu.memory_space<vmem>>, vector<16xf32>,
      tpu.vector_store %arg17[%swap3A_1620, %swap3A_1621], %gather3A_1618 {strides = array<i32>} : memref<4x128xf32, #tpu.memory_space<vmem>>, vector<16xf32>,
      %add3A_1623 = arith.constant 768 : i32
      %add3A_1624 = vector.broadcast %add3A_1623 : i32 to vector<16xi32>
      %add3A_1625 = arith.addi %mul3A_5, %add3A_1624 : vector<16xi32>
      %gather3A_1626 = tpu.vector_load_idx %arg9[%broadcast_in_dim3A_1598, %add3A_1625] : memref<4x2048xf32, #tpu.memory_space<vmem>>[vector<16xi32>, vector<16xi32>], vector<16xf32>,
      %swap3A_1627 = arith.constant 0 : i32
      %swap3A_1628 = arith.index_cast %swap3A_1627 : i32 to index
      %swap3A_1629 = arith.constant 48 : index
      %swap3A_1630 = tpu.vector_load %arg17[%swap3A_1628, %swap3A_1629] {strides = array<i32>} : memref<4x128xf32, #tpu.memory_space<vmem>>, vector<16xf32>,
      tpu.vector_store %arg17[%swap3A_1628, %swap3A_1629], %gather3A_1626 {strides = array<i32>} : memref<4x128xf32, #tpu.memory_space<vmem>>, vector<16xf32>,
      %add3A_1631 = arith.constant 1024 : i32
      %add3A_1632 = vector.broadcast %add3A_1631 : i32 to vector<16xi32>
      %add3A_1633 = arith.addi %mul3A_5, %add3A_1632 : vector<16xi32>
      %gather3A_1634 = tpu.vector_load_idx %arg9[%broadcast_in_dim3A_1598, %add3A_1633] : memref<4x2048xf32, #tpu.memory_space<vmem>>[vector<16xi32>, vector<16xi32>], vector<16xf32>,
      %swap3A_1635 = arith.constant 0 : i32
      %swap3A_1636 = arith.index_cast %swap3A_1635 : i32 to index
      %swap3A_1637 = arith.constant 64 : index
      %swap3A_1638 = tpu.vector_load %arg17[%swap3A_1636, %swap3A_1637] {strides = array<i32>} : memref<4x128xf32, #tpu.memory_space<vmem>>, vector<16xf32>,
      tpu.vector_store %arg17[%swap3A_1636, %swap3A_1637], %gather3A_1634 {strides = array<i32>} : memref<4x128xf32, #tpu.memory_space<vmem>>, vector<16xf32>,
      %add3A_1639 = arith.constant 1280 : i32
      %add3A_1640 = vector.broadcast %add3A_1639 : i32 to vector<16xi32>
      %add3A_1641 = arith.addi %mul3A_5, %add3A_1640 : vector<16xi32>
      %gather3A_1642 = tpu.vector_load_idx %arg9[%broadcast_in_dim3A_1598, %add3A_1641] : memref<4x2048xf32, #tpu.memory_space<vmem>>[vector<16xi32>, vector<16xi32>], vector<16xf32>,
      %swap3A_1643 = arith.constant 0 : i32
      %swap3A_1644 = arith.index_cast %swap3A_1643 : i32 to index
      %swap3A_1645 = arith.constant 80 : index
      %swap3A_1646 = tpu.vector_load %arg17[%swap3A_1644, %swap3A_1645] {strides = array<i32>} : memref<4x128xf32, #tpu.memory_space<vmem>>, vector<16xf32>,
      tpu.vector_store %arg17[%swap3A_1644, %swap3A_1645], %gather3A_1642 {strides = array<i32>} : memref<4x128xf32, #tpu.memory_space<vmem>>, vector<16xf32>,
      %add3A_1647 = arith.constant 1536 : i32
      %add3A_1648 = vector.broadcast %add3A_1647 : i32 to vector<16xi32>
      %add3A_1649 = arith.addi %mul3A_5, %add3A_1648 : vector<16xi32>
      %gather3A_1650 = tpu.vector_load_idx %arg9[%broadcast_in_dim3A_1598, %add3A_1649] : memref<4x2048xf32, #tpu.memory_space<vmem>>[vector<16xi32>, vector<16xi32>], vector<16xf32>,
      %swap3A_1651 = arith.constant 0 : i32
      %swap3A_1652 = arith.index_cast %swap3A_1651 : i32 to index
      %swap3A_1653 = arith.constant 96 : index
      %swap3A_1654 = tpu.vector_load %arg17[%swap3A_1652, %swap3A_1653] {strides = array<i32>} : memref<4x128xf32, #tpu.memory_space<vmem>>, vector<16xf32>,
      tpu.vector_store %arg17[%swap3A_1652, %swap3A_1653], %gather3A_1650 {strides = array<i32>} : memref<4x128xf32, #tpu.memory_space<vmem>>, vector<16xf32>,
      %add3A_1655 = arith.constant 1792 : i32
      %add3A_1656 = vector.broadcast %add3A_1655 : i32 to vector<16xi32>
      %add3A_1657 = arith.addi %mul3A_5, %add3A_1656 : vector<16xi32>
      %gather3A_1658 = tpu.vector_load_idx %arg9[%broadcast_in_dim3A_1598, %add3A_1657] : memref<4x2048xf32, #tpu.memory_space<vmem>>[vector<16xi32>, vector<16xi32>], vector<16xf32>,
      %swap3A_1659 = arith.constant 0 : i32
      %swap3A_1660 = arith.index_cast %swap3A_1659 : i32 to index
      %swap3A_1661 = arith.constant 112 : index
      %swap3A_1662 = tpu.vector_load %arg17[%swap3A_1660, %swap3A_1661] {strides = array<i32>} : memref<4x128xf32, #tpu.memory_space<vmem>>, vector<16xf32>,
      tpu.vector_store %arg17[%swap3A_1660, %swap3A_1661], %gather3A_1658 {strides = array<i32>} : memref<4x128xf32, #tpu.memory_space<vmem>>, vector<16xf32>,
      %broadcast_in_dim3A_1663 = arith.constant 1 : i32
      %broadcast_in_dim3A_1664 = vector.broadcast %broadcast_in_dim3A_1663 : i32 to vector<16xi32>
      %add3A_1665 = arith.constant 0 : i32
      %add3A_1666 = vector.broadcast %add3A_1665 : i32 to vector<16xi32>
      %add3A_1667 = arith.addi %mul3A_5, %add3A_1666 : vector<16xi32>
      %gather3A_1668 = tpu.vector_load_idx %arg9[%broadcast_in_dim3A_1664, %add3A_1667] : memref<4x2048xf32, #tpu.memory_space<vmem>>[vector<16xi32>, vector<16xi32>], vector<16xf32>,
      %swap3A_1669 = arith.constant 1 : i32
      %swap3A_1670 = arith.index_cast %swap3A_1669 : i32 to index
      %swap3A_1671 = arith.constant 0 : index
      %swap3A_1672 = tpu.vector_load %arg17[%swap3A_1670, %swap3A_1671] {strides = array<i32>} : memref<4x128xf32, #tpu.memory_space<vmem>>, vector<16xf32>,
      tpu.vector_store %arg17[%swap3A_1670, %swap3A_1671], %gather3A_1668 {strides = array<i32>} : memref<4x128xf32, #tpu.memory_space<vmem>>, vector<16xf32>,
      %add3A_1673 = arith.constant 256 : i32
      %add3A_1674 = vector.broadcast %add3A_1673 : i32 to vector<16xi32>
      %add3A_1675 = arith.addi %mul3A_5, %add3A_1674 : vector<16xi32>
      %gather3A_1676 = tpu.vector_load_idx %arg9[%broadcast_in_dim3A_1664, %add3A_1675] : memref<4x2048xf32, #tpu.memory_space<vmem>>[vector<16xi32>, vector<16xi32>], vector<16xf32>,
      %swap3A_1677 = arith.constant 1 : i32
      %swap3A_1678 = arith.index_cast %swap3A_1677 : i32 to index
      %swap3A_1679 = arith.constant 16 : index
      %swap3A_1680 = tpu.vector_load %arg17[%swap3A_1678, %swap3A_1679] {strides = array<i32>} : memref<4x128xf32, #tpu.memory_space<vmem>>, vector<16xf32>,
      tpu.vector_store %arg17[%swap3A_1678, %swap3A_1679], %gather3A_1676 {strides = array<i32>} : memref<4x128xf32, #tpu.memory_space<vmem>>, vector<16xf32>,
      %add3A_1681 = arith.constant 512 : i32
      %add3A_1682 = vector.broadcast %add3A_1681 : i32 to vector<16xi32>
      %add3A_1683 = arith.addi %mul3A_5, %add3A_1682 : vector<16xi32>
      %gather3A_1684 = tpu.vector_load_idx %arg9[%broadcast_in_dim3A_1664, %add3A_1683] : memref<4x2048xf32, #tpu.memory_space<vmem>>[vector<16xi32>, vector<16xi32>], vector<16xf32>,
      %swap3A_1685 = arith.constant 1 : i32
      %swap3A_1686 = arith.index_cast %swap3A_1685 : i32 to index
      %swap3A_1687 = arith.constant 32 : index
      %swap3A_1688 = tpu.vector_load %arg17[%swap3A_1686, %swap3A_1687] {strides = array<i32>} : memref<4x128xf32, #tpu.memory_space<vmem>>, vector<16xf32>,
      tpu.vector_store %arg17[%swap3A_1686, %swap3A_1687], %gather3A_1684 {strides = array<i32>} : memref<4x128xf32, #tpu.memory_space<vmem>>, vector<16xf32>,
      %add3A_1689 = arith.constant 768 : i32
      %add3A_1690 = vector.broadcast %add3A_1689 : i32 to vector<16xi32>
      %add3A_1691 = arith.addi %mul3A_5, %add3A_1690 : vector<16xi32>
      %gather3A_1692 = tpu.vector_load_idx %arg9[%broadcast_in_dim3A_1664, %add3A_1691] : memref<4x2048xf32, #tpu.memory_space<vmem>>[vector<16xi32>, vector<16xi32>], vector<16xf32>,
      %swap3A_1693 = arith.constant 1 : i32
      %swap3A_1694 = arith.index_cast %swap3A_1693 : i32 to index
      %swap3A_1695 = arith.constant 48 : index
      %swap3A_1696 = tpu.vector_load %arg17[%swap3A_1694, %swap3A_1695] {strides = array<i32>} : memref<4x128xf32, #tpu.memory_space<vmem>>, vector<16xf32>,
      tpu.vector_store %arg17[%swap3A_1694, %swap3A_1695], %gather3A_1692 {strides = array<i32>} : memref<4x128xf32, #tpu.memory_space<vmem>>, vector<16xf32>,
      %add3A_1697 = arith.constant 1024 : i32
      %add3A_1698 = vector.broadcast %add3A_1697 : i32 to vector<16xi32>
      %add3A_1699 = arith.addi %mul3A_5, %add3A_1698 : vector<16xi32>
      %gather3A_1700 = tpu.vector_load_idx %arg9[%broadcast_in_dim3A_1664, %add3A_1699] : memref<4x2048xf32, #tpu.memory_space<vmem>>[vector<16xi32>, vector<16xi32>], vector<16xf32>,
      %swap3A_1701 = arith.constant 1 : i32
      %swap3A_1702 = arith.index_cast %swap3A_1701 : i32 to index
      %swap3A_1703 = arith.constant 64 : index
      %swap3A_1704 = tpu.vector_load %arg17[%swap3A_1702, %swap3A_1703] {strides = array<i32>} : memref<4x128xf32, #tpu.memory_space<vmem>>, vector<16xf32>,
      tpu.vector_store %arg17[%swap3A_1702, %swap3A_1703], %gather3A_1700 {strides = array<i32>} : memref<4x128xf32, #tpu.memory_space<vmem>>, vector<16xf32>,
      %add3A_1705 = arith.constant 1280 : i32
      %add3A_1706 = vector.broadcast %add3A_1705 : i32 to vector<16xi32>
      %add3A_1707 = arith.addi %mul3A_5, %add3A_1706 : vector<16xi32>
      %gather3A_1708 = tpu.vector_load_idx %arg9[%broadcast_in_dim3A_1664, %add3A_1707] : memref<4x2048xf32, #tpu.memory_space<vmem>>[vector<16xi32>, vector<16xi32>], vector<16xf32>,
      %swap3A_1709 = arith.constant 1 : i32
      %swap3A_1710 = arith.index_cast %swap3A_1709 : i32 to index
      %swap3A_1711 = arith.constant 80 : index
      %swap3A_1712 = tpu.vector_load %arg17[%swap3A_1710, %swap3A_1711] {strides = array<i32>} : memref<4x128xf32, #tpu.memory_space<vmem>>, vector<16xf32>,
      tpu.vector_store %arg17[%swap3A_1710, %swap3A_1711], %gather3A_1708 {strides = array<i32>} : memref<4x128xf32, #tpu.memory_space<vmem>>, vector<16xf32>,
      %add3A_1713 = arith.constant 1536 : i32
      %add3A_1714 = vector.broadcast %add3A_1713 : i32 to vector<16xi32>
      %add3A_1715 = arith.addi %mul3A_5, %add3A_1714 : vector<16xi32>
      %gather3A_1716 = tpu.vector_load_idx %arg9[%broadcast_in_dim3A_1664, %add3A_1715] : memref<4x2048xf32, #tpu.memory_space<vmem>>[vector<16xi32>, vector<16xi32>], vector<16xf32>,
      %swap3A_1717 = arith.constant 1 : i32
      %swap3A_1718 = arith.index_cast %swap3A_1717 : i32 to index
      %swap3A_1719 = arith.constant 96 : index
      %swap3A_1720 = tpu.vector_load %arg17[%swap3A_1718, %swap3A_1719] {strides = array<i32>} : memref<4x128xf32, #tpu.memory_space<vmem>>, vector<16xf32>,
      tpu.vector_store %arg17[%swap3A_1718, %swap3A_1719], %gather3A_1716 {strides = array<i32>} : memref<4x128xf32, #tpu.memory_space<vmem>>, vector<16xf32>,
      %add3A_1721 = arith.constant 1792 : i32
      %add3A_1722 = vector.broadcast %add3A_1721 : i32 to vector<16xi32>
      %add3A_1723 = arith.addi %mul3A_5, %add3A_1722 : vector<16xi32>
      %gather3A_1724 = tpu.vector_load_idx %arg9[%broadcast_in_dim3A_1664, %add3A_1723] : memref<4x2048xf32, #tpu.memory_space<vmem>>[vector<16xi32>, vector<16xi32>], vector<16xf32>,
      %swap3A_1725 = arith.constant 1 : i32
      %swap3A_1726 = arith.index_cast %swap3A_1725 : i32 to index
      %swap3A_1727 = arith.constant 112 : index
      %swap3A_1728 = tpu.vector_load %arg17[%swap3A_1726, %swap3A_1727] {strides = array<i32>} : memref<4x128xf32, #tpu.memory_space<vmem>>, vector<16xf32>,
      tpu.vector_store %arg17[%swap3A_1726, %swap3A_1727], %gather3A_1724 {strides = array<i32>} : memref<4x128xf32, #tpu.memory_space<vmem>>, vector<16xf32>,
      %broadcast_in_dim3A_1729 = arith.constant 2 : i32
      %broadcast_in_dim3A_1730 = vector.broadcast %broadcast_in_dim3A_1729 : i32 to vector<16xi32>
      %add3A_1731 = arith.constant 0 : i32
      %add3A_1732 = vector.broadcast %add3A_1731 : i32 to vector<16xi32>
      %add3A_1733 = arith.addi %mul3A_5, %add3A_1732 : vector<16xi32>
      %gather3A_1734 = tpu.vector_load_idx %arg9[%broadcast_in_dim3A_1730, %add3A_1733] : memref<4x2048xf32, #tpu.memory_space<vmem>>[vector<16xi32>, vector<16xi32>], vector<16xf32>,
      %swap3A_1735 = arith.constant 2 : i32
      %swap3A_1736 = arith.index_cast %swap3A_1735 : i32 to index
      %swap3A_1737 = arith.constant 0 : index
      %swap3A_1738 = tpu.vector_load %arg17[%swap3A_1736, %swap3A_1737] {strides = array<i32>} : memref<4x128xf32, #tpu.memory_space<vmem>>, vector<16xf32>,
      tpu.vector_store %arg17[%swap3A_1736, %swap3A_1737], %gather3A_1734 {strides = array<i32>} : memref<4x128xf32, #tpu.memory_space<vmem>>, vector<16xf32>,
      %add3A_1739 = arith.constant 256 : i32
      %add3A_1740 = vector.broadcast %add3A_1739 : i32 to vector<16xi32>
      %add3A_1741 = arith.addi %mul3A_5, %add3A_1740 : vector<16xi32>
      %gather3A_1742 = tpu.vector_load_idx %arg9[%broadcast_in_dim3A_1730, %add3A_1741] : memref<4x2048xf32, #tpu.memory_space<vmem>>[vector<16xi32>, vector<16xi32>], vector<16xf32>,
      %swap3A_1743 = arith.constant 2 : i32
      %swap3A_1744 = arith.index_cast %swap3A_1743 : i32 to index
      %swap3A_1745 = arith.constant 16 : index
      %swap3A_1746 = tpu.vector_load %arg17[%swap3A_1744, %swap3A_1745] {strides = array<i32>} : memref<4x128xf32, #tpu.memory_space<vmem>>, vector<16xf32>,
      tpu.vector_store %arg17[%swap3A_1744, %swap3A_1745], %gather3A_1742 {strides = array<i32>} : memref<4x128xf32, #tpu.memory_space<vmem>>, vector<16xf32>,
      %add3A_1747 = arith.constant 512 : i32
      %add3A_1748 = vector.broadcast %add3A_1747 : i32 to vector<16xi32>
      %add3A_1749 = arith.addi %mul3A_5, %add3A_1748 : vector<16xi32>
      %gather3A_1750 = tpu.vector_load_idx %arg9[%broadcast_in_dim3A_1730, %add3A_1749] : memref<4x2048xf32, #tpu.memory_space<vmem>>[vector<16xi32>, vector<16xi32>], vector<16xf32>,
      %swap3A_1751 = arith.constant 2 : i32
      %swap3A_1752 = arith.index_cast %swap3A_1751 : i32 to index
      %swap3A_1753 = arith.constant 32 : index
      %swap3A_1754 = tpu.vector_load %arg17[%swap3A_1752, %swap3A_1753] {strides = array<i32>} : memref<4x128xf32, #tpu.memory_space<vmem>>, vector<16xf32>,
      tpu.vector_store %arg17[%swap3A_1752, %swap3A_1753], %gather3A_1750 {strides = array<i32>} : memref<4x128xf32, #tpu.memory_space<vmem>>, vector<16xf32>,
      %add3A_1755 = arith.constant 768 : i32
      %add3A_1756 = vector.broadcast %add3A_1755 : i32 to vector<16xi32>
      %add3A_1757 = arith.addi %mul3A_5, %add3A_1756 : vector<16xi32>
      %gather3A_1758 = tpu.vector_load_idx %arg9[%broadcast_in_dim3A_1730, %add3A_1757] : memref<4x2048xf32, #tpu.memory_space<vmem>>[vector<16xi32>, vector<16xi32>], vector<16xf32>,
      %swap3A_1759 = arith.constant 2 : i32
      %swap3A_1760 = arith.index_cast %swap3A_1759 : i32 to index
      %swap3A_1761 = arith.constant 48 : index
      %swap3A_1762 = tpu.vector_load %arg17[%swap3A_1760, %swap3A_1761] {strides = array<i32>} : memref<4x128xf32, #tpu.memory_space<vmem>>, vector<16xf32>,
      tpu.vector_store %arg17[%swap3A_1760, %swap3A_1761], %gather3A_1758 {strides = array<i32>} : memref<4x128xf32, #tpu.memory_space<vmem>>, vector<16xf32>,
      %add3A_1763 = arith.constant 1024 : i32
      %add3A_1764 = vector.broadcast %add3A_1763 : i32 to vector<16xi32>
      %add3A_1765 = arith.addi %mul3A_5, %add3A_1764 : vector<16xi32>
      %gather3A_1766 = tpu.vector_load_idx %arg9[%broadcast_in_dim3A_1730, %add3A_1765] : memref<4x2048xf32, #tpu.memory_space<vmem>>[vector<16xi32>, vector<16xi32>], vector<16xf32>,
      %swap3A_1767 = arith.constant 2 : i32
      %swap3A_1768 = arith.index_cast %swap3A_1767 : i32 to index
      %swap3A_1769 = arith.constant 64 : index
      %swap3A_1770 = tpu.vector_load %arg17[%swap3A_1768, %swap3A_1769] {strides = array<i32>} : memref<4x128xf32, #tpu.memory_space<vmem>>, vector<16xf32>,
      tpu.vector_store %arg17[%swap3A_1768, %swap3A_1769], %gather3A_1766 {strides = array<i32>} : memref<4x128xf32, #tpu.memory_space<vmem>>, vector<16xf32>,
      %add3A_1771 = arith.constant 1280 : i32
      %add3A_1772 = vector.broadcast %add3A_1771 : i32 to vector<16xi32>
      %add3A_1773 = arith.addi %mul3A_5, %add3A_1772 : vector<16xi32>
      %gather3A_1774 = tpu.vector_load_idx %arg9[%broadcast_in_dim3A_1730, %add3A_1773] : memref<4x2048xf32, #tpu.memory_space<vmem>>[vector<16xi32>, vector<16xi32>], vector<16xf32>,
      %swap3A_1775 = arith.constant 2 : i32
      %swap3A_1776 = arith.index_cast %swap3A_1775 : i32 to index
      %swap3A_1777 = arith.constant 80 : index
      %swap3A_1778 = tpu.vector_load %arg17[%swap3A_1776, %swap3A_1777] {strides = array<i32>} : memref<4x128xf32, #tpu.memory_space<vmem>>, vector<16xf32>,
      tpu.vector_store %arg17[%swap3A_1776, %swap3A_1777], %gather3A_1774 {strides = array<i32>} : memref<4x128xf32, #tpu.memory_space<vmem>>, vector<16xf32>,
      %add3A_1779 = arith.constant 1536 : i32
      %add3A_1780 = vector.broadcast %add3A_1779 : i32 to vector<16xi32>
      %add3A_1781 = arith.addi %mul3A_5, %add3A_1780 : vector<16xi32>
      %gather3A_1782 = tpu.vector_load_idx %arg9[%broadcast_in_dim3A_1730, %add3A_1781] : memref<4x2048xf32, #tpu.memory_space<vmem>>[vector<16xi32>, vector<16xi32>], vector<16xf32>,
      %swap3A_1783 = arith.constant 2 : i32
      %swap3A_1784 = arith.index_cast %swap3A_1783 : i32 to index
      %swap3A_1785 = arith.constant 96 : index
      %swap3A_1786 = tpu.vector_load %arg17[%swap3A_1784, %swap3A_1785] {strides = array<i32>} : memref<4x128xf32, #tpu.memory_space<vmem>>, vector<16xf32>,
      tpu.vector_store %arg17[%swap3A_1784, %swap3A_1785], %gather3A_1782 {strides = array<i32>} : memref<4x128xf32, #tpu.memory_space<vmem>>, vector<16xf32>,
      %add3A_1787 = arith.constant 1792 : i32
      %add3A_1788 = vector.broadcast %add3A_1787 : i32 to vector<16xi32>
      %add3A_1789 = arith.addi %mul3A_5, %add3A_1788 : vector<16xi32>
      %gather3A_1790 = tpu.vector_load_idx %arg9[%broadcast_in_dim3A_1730, %add3A_1789] : memref<4x2048xf32, #tpu.memory_space<vmem>>[vector<16xi32>, vector<16xi32>], vector<16xf32>,
      %swap3A_1791 = arith.constant 2 : i32
      %swap3A_1792 = arith.index_cast %swap3A_1791 : i32 to index
      %swap3A_1793 = arith.constant 112 : index
      %swap3A_1794 = tpu.vector_load %arg17[%swap3A_1792, %swap3A_1793] {strides = array<i32>} : memref<4x128xf32, #tpu.memory_space<vmem>>, vector<16xf32>,
      tpu.vector_store %arg17[%swap3A_1792, %swap3A_1793], %gather3A_1790 {strides = array<i32>} : memref<4x128xf32, #tpu.memory_space<vmem>>, vector<16xf32>,
      %broadcast_in_dim3A_1795 = arith.constant 3 : i32
      %broadcast_in_dim3A_1796 = vector.broadcast %broadcast_in_dim3A_1795 : i32 to vector<16xi32>
      %add3A_1797 = arith.constant 0 : i32
      %add3A_1798 = vector.broadcast %add3A_1797 : i32 to vector<16xi32>
      %add3A_1799 = arith.addi %mul3A_5, %add3A_1798 : vector<16xi32>
      %gather3A_1800 = tpu.vector_load_idx %arg9[%broadcast_in_dim3A_1796, %add3A_1799] : memref<4x2048xf32, #tpu.memory_space<vmem>>[vector<16xi32>, vector<16xi32>], vector<16xf32>,
      %swap3A_1801 = arith.constant 3 : i32
      %swap3A_1802 = arith.index_cast %swap3A_1801 : i32 to index
      %swap3A_1803 = arith.constant 0 : index
      %swap3A_1804 = tpu.vector_load %arg17[%swap3A_1802, %swap3A_1803] {strides = array<i32>} : memref<4x128xf32, #tpu.memory_space<vmem>>, vector<16xf32>,
      tpu.vector_store %arg17[%swap3A_1802, %swap3A_1803], %gather3A_1800 {strides = array<i32>} : memref<4x128xf32, #tpu.memory_space<vmem>>, vector<16xf32>,
      %add3A_1805 = arith.constant 256 : i32
      %add3A_1806 = vector.broadcast %add3A_1805 : i32 to vector<16xi32>
      %add3A_1807 = arith.addi %mul3A_5, %add3A_1806 : vector<16xi32>
      %gather3A_1808 = tpu.vector_load_idx %arg9[%broadcast_in_dim3A_1796, %add3A_1807] : memref<4x2048xf32, #tpu.memory_space<vmem>>[vector<16xi32>, vector<16xi32>], vector<16xf32>,
      %swap3A_1809 = arith.constant 3 : i32
      %swap3A_1810 = arith.index_cast %swap3A_1809 : i32 to index
      %swap3A_1811 = arith.constant 16 : index
      %swap3A_1812 = tpu.vector_load %arg17[%swap3A_1810, %swap3A_1811] {strides = array<i32>} : memref<4x128xf32, #tpu.memory_space<vmem>>, vector<16xf32>,
      tpu.vector_store %arg17[%swap3A_1810, %swap3A_1811], %gather3A_1808 {strides = array<i32>} : memref<4x128xf32, #tpu.memory_space<vmem>>, vector<16xf32>,
      %add3A_1813 = arith.constant 512 : i32
      %add3A_1814 = vector.broadcast %add3A_1813 : i32 to vector<16xi32>
      %add3A_1815 = arith.addi %mul3A_5, %add3A_1814 : vector<16xi32>
      %gather3A_1816 = tpu.vector_load_idx %arg9[%broadcast_in_dim3A_1796, %add3A_1815] : memref<4x2048xf32, #tpu.memory_space<vmem>>[vector<16xi32>, vector<16xi32>], vector<16xf32>,
      %swap3A_1817 = arith.constant 3 : i32
      %swap3A_1818 = arith.index_cast %swap3A_1817 : i32 to index
      %swap3A_1819 = arith.constant 32 : index
      %swap3A_1820 = tpu.vector_load %arg17[%swap3A_1818, %swap3A_1819] {strides = array<i32>} : memref<4x128xf32, #tpu.memory_space<vmem>>, vector<16xf32>,
      tpu.vector_store %arg17[%swap3A_1818, %swap3A_1819], %gather3A_1816 {strides = array<i32>} : memref<4x128xf32, #tpu.memory_space<vmem>>, vector<16xf32>,
      %add3A_1821 = arith.constant 768 : i32
      %add3A_1822 = vector.broadcast %add3A_1821 : i32 to vector<16xi32>
      %add3A_1823 = arith.addi %mul3A_5, %add3A_1822 : vector<16xi32>
      %gather3A_1824 = tpu.vector_load_idx %arg9[%broadcast_in_dim3A_1796, %add3A_1823] : memref<4x2048xf32, #tpu.memory_space<vmem>>[vector<16xi32>, vector<16xi32>], vector<16xf32>,
      %swap3A_1825 = arith.constant 3 : i32
      %swap3A_1826 = arith.index_cast %swap3A_1825 : i32 to index
      %swap3A_1827 = arith.constant 48 : index
      %swap3A_1828 = tpu.vector_load %arg17[%swap3A_1826, %swap3A_1827] {strides = array<i32>} : memref<4x128xf32, #tpu.memory_space<vmem>>, vector<16xf32>,
      tpu.vector_store %arg17[%swap3A_1826, %swap3A_1827], %gather3A_1824 {strides = array<i32>} : memref<4x128xf32, #tpu.memory_space<vmem>>, vector<16xf32>,
      %add3A_1829 = arith.constant 1024 : i32
      %add3A_1830 = vector.broadcast %add3A_1829 : i32 to vector<16xi32>
      %add3A_1831 = arith.addi %mul3A_5, %add3A_1830 : vector<16xi32>
      %gather3A_1832 = tpu.vector_load_idx %arg9[%broadcast_in_dim3A_1796, %add3A_1831] : memref<4x2048xf32, #tpu.memory_space<vmem>>[vector<16xi32>, vector<16xi32>], vector<16xf32>,
      %swap3A_1833 = arith.constant 3 : i32
      %swap3A_1834 = arith.index_cast %swap3A_1833 : i32 to index
      %swap3A_1835 = arith.constant 64 : index
      %swap3A_1836 = tpu.vector_load %arg17[%swap3A_1834, %swap3A_1835] {strides = array<i32>} : memref<4x128xf32, #tpu.memory_space<vmem>>, vector<16xf32>,
      tpu.vector_store %arg17[%swap3A_1834, %swap3A_1835], %gather3A_1832 {strides = array<i32>} : memref<4x128xf32, #tpu.memory_space<vmem>>, vector<16xf32>,
      %add3A_1837 = arith.constant 1280 : i32
      %add3A_1838 = vector.broadcast %add3A_1837 : i32 to vector<16xi32>
      %add3A_1839 = arith.addi %mul3A_5, %add3A_1838 : vector<16xi32>
      %gather3A_1840 = tpu.vector_load_idx %arg9[%broadcast_in_dim3A_1796, %add3A_1839] : memref<4x2048xf32, #tpu.memory_space<vmem>>[vector<16xi32>, vector<16xi32>], vector<16xf32>,
      %swap3A_1841 = arith.constant 3 : i32
      %swap3A_1842 = arith.index_cast %swap3A_1841 : i32 to index
      %swap3A_1843 = arith.constant 80 : index
      %swap3A_1844 = tpu.vector_load %arg17[%swap3A_1842, %swap3A_1843] {strides = array<i32>} : memref<4x128xf32, #tpu.memory_space<vmem>>, vector<16xf32>,
      tpu.vector_store %arg17[%swap3A_1842, %swap3A_1843], %gather3A_1840 {strides = array<i32>} : memref<4x128xf32, #tpu.memory_space<vmem>>, vector<16xf32>,
      %add3A_1845 = arith.constant 1536 : i32
      %add3A_1846 = vector.broadcast %add3A_1845 : i32 to vector<16xi32>
      %add3A_1847 = arith.addi %mul3A_5, %add3A_1846 : vector<16xi32>
      %gather3A_1848 = tpu.vector_load_idx %arg9[%broadcast_in_dim3A_1796, %add3A_1847] : memref<4x2048xf32, #tpu.memory_space<vmem>>[vector<16xi32>, vector<16xi32>], vector<16xf32>,
      %swap3A_1849 = arith.constant 3 : i32
      %swap3A_1850 = arith.index_cast %swap3A_1849 : i32 to index
      %swap3A_1851 = arith.constant 96 : index
      %swap3A_1852 = tpu.vector_load %arg17[%swap3A_1850, %swap3A_1851] {strides = array<i32>} : memref<4x128xf32, #tpu.memory_space<vmem>>, vector<16xf32>,
      tpu.vector_store %arg17[%swap3A_1850, %swap3A_1851], %gather3A_1848 {strides = array<i32>} : memref<4x128xf32, #tpu.memory_space<vmem>>, vector<16xf32>,
      %add3A_1853 = arith.constant 1792 : i32
      %add3A_1854 = vector.broadcast %add3A_1853 : i32 to vector<16xi32>
      %add3A_1855 = arith.addi %mul3A_5, %add3A_1854 : vector<16xi32>
      %gather3A_1856 = tpu.vector_load_idx %arg9[%broadcast_in_dim3A_1796, %add3A_1855] : memref<4x2048xf32, #tpu.memory_space<vmem>>[vector<16xi32>, vector<16xi32>], vector<16xf32>,
      %swap3A_1857 = arith.constant 3 : i32
      %swap3A_1858 = arith.index_cast %swap3A_1857 : i32 to index
      %swap3A_1859 = arith.constant 112 : index
      %swap3A_1860 = tpu.vector_load %arg17[%swap3A_1858, %swap3A_1859] {strides = array<i32>} : memref<4x128xf32, #tpu.memory_space<vmem>>, vector<16xf32>,
      tpu.vector_store %arg17[%swap3A_1858, %swap3A_1859], %gather3A_1856 {strides = array<i32>} : memref<4x128xf32, #tpu.memory_space<vmem>>, vector<16xf32>,
      %mul3A_1861 = arith.constant 4 : i32
      %mul3A_1862 = arith.muli %add3A_1575, %mul3A_1861 : i32
      %add3A_1863 = arith.addi %mul3A_2, %mul3A_1862 : i32
      %dma_start3A_1864 = arith.constant 0 : i32
      %dma_start3A_1865 = tpu.memref_slice %arg3[%add3A_1863, %dma_start3A_1864] : memref<16384x128xf32, #tpu.memory_space<hbm>> -> memref<4x128xf32, #tpu.memory_space<hbm>>
      %dma_start3A_1866 = arith.constant 0 : i32
      %dma_start3A_1867 = tpu.memref_slice %arg3[%add3A_1863, %dma_start3A_1866] : memref<16384x128xf32, #tpu.memory_space<hbm>> -> memref<4x128xf32, #tpu.memory_space<hbm>>
      tpu.enqueue_dma source(%arg17 : memref<4x128xf32, #tpu.memory_space<vmem>>) target(%dma_start3A_1867 : memref<4x128xf32, #tpu.memory_space<hbm>>) target_semaphore(%arg33 : memref<!tpu.dma_semaphore, #tpu.memory_space<semaphore_mem>>)
      %mul3A_1868 = arith.constant 8 : i32
      %mul3A_1869 = arith.muli %scan3A_99, %mul3A_1868 : i32
      %add3A_1870 = arith.constant 6 : i32
      %add3A_1871 = arith.addi %mul3A_1869, %add3A_1870 : i32
      %mul3A_1872 = arith.constant 4 : i32
      %mul3A_1873 = arith.muli %add3A_1871, %mul3A_1872 : i32
      %add3A_1874 = arith.addi %mul3A_2, %mul3A_1873 : i32
      %dma_wait3A_1875 = arith.constant 0 : i32
      %dma_wait3A_1876 = tpu.memref_slice %arg2[%add3A_1874, %dma_wait3A_1875] : memref<16384x2048xf32, #tpu.memory_space<hbm>> -> memref<4x2048xf32, #tpu.memory_space<hbm>>
      %dma_wait3A_1877 = arith.constant 0 : i32
      %dma_wait3A_1878 = tpu.memref_slice %arg2[%add3A_1874, %dma_wait3A_1877] : memref<16384x2048xf32, #tpu.memory_space<hbm>> -> memref<4x2048xf32, #tpu.memory_space<hbm>>
      tpu.wait_dma2 semaphore(%arg26 : memref<!tpu.dma_semaphore, #tpu.memory_space<semaphore_mem>>) src(%dma_wait3A_1878 : memref<4x2048xf32, #tpu.memory_space<hbm>>) dst(%arg10 : memref<4x2048xf32, #tpu.memory_space<vmem>>)
      %add3A_1879 = arith.constant 8 : i32
      %add3A_1880 = arith.addi %add3A_1871, %add3A_1879 : i32
      %sub3A_1881 = arith.constant 1 : i32
      %sub3A_1882 = arith.subi %add3A_1880, %sub3A_1881 : i32
      %lt3A_1883 = arith.constant 128 : i32
      %lt3A_1884 = arith.cmpi slt, %sub3A_1882, %lt3A_1883 : i32
      %convert_element_type3A_1885 = arith.extui %lt3A_1884 : i1 to i32
      %cond3A_1886 = arith.constant 0 : i32
      %cond3A_1887 = arith.cmpi ne, %convert_element_type3A_1885, %cond3A_1886 : i32
      scf.if %cond3A_1887 {
        %add3A_2460 = arith.constant 8 : i32
        %add3A_2461 = arith.addi %add3A_1871, %add3A_2460 : i32
        %sub3A_2462 = arith.constant 1 : i32
        %sub3A_2463 = arith.subi %add3A_2461, %sub3A_2462 : i32
        %mul3A_2464 = arith.constant 4 : i32
        %mul3A_2465 = arith.muli %sub3A_2463, %mul3A_2464 : i32
        %add3A_2466 = arith.addi %mul3A_2, %mul3A_2465 : i32
        %dma_start3A_2467 = arith.constant 0 : i32
        %dma_start3A_2468 = tpu.memref_slice %arg2[%add3A_2466, %dma_start3A_2467] : memref<16384x2048xf32, #tpu.memory_space<hbm>> -> memref<4x2048xf32, #tpu.memory_space<hbm>>
        %dma_start3A_2469 = arith.constant 0 : i32
        %dma_start3A_2470 = tpu.memref_slice %arg2[%add3A_2466, %dma_start3A_2469] : memref<16384x2048xf32, #tpu.memory_space<hbm>> -> memref<4x2048xf32, #tpu.memory_space<hbm>>
        tpu.enqueue_dma source(%dma_start3A_2470 : memref<4x2048xf32, #tpu.memory_space<hbm>>) target(%arg9 : memref<4x2048xf32, #tpu.memory_space<vmem>>) target_semaphore(%arg25 : memref<!tpu.dma_semaphore, #tpu.memory_space<semaphore_mem>>)
      } else {
      }
      %ge3A_1888 = arith.constant 8 : i32
      %ge3A_1889 = arith.cmpi sge, %add3A_1871, %ge3A_1888 : i32
      %convert_element_type3A_1890 = arith.extui %ge3A_1889 : i1 to i32
      %cond3A_1891 = arith.constant 0 : i32
      %cond3A_1892 = arith.cmpi ne, %convert_element_type3A_1890, %cond3A_1891 : i32
      scf.if %cond3A_1892 {
        %sub3A_2460 = arith.constant 8 : i32
        %sub3A_2461 = arith.subi %add3A_1871, %sub3A_2460 : i32
        %mul3A_2462 = arith.constant 4 : i32
        %mul3A_2463 = arith.muli %sub3A_2461, %mul3A_2462 : i32
        %add3A_2464 = arith.addi %mul3A_2, %mul3A_2463 : i32
        %dma_wait3A_2465 = arith.constant 0 : i32
        %dma_wait3A_2466 = tpu.memref_slice %arg3[%add3A_2464, %dma_wait3A_2465] : memref<16384x128xf32, #tpu.memory_space<hbm>> -> memref<4x128xf32, #tpu.memory_space<hbm>>
        %dma_wait3A_2467 = arith.constant 0 : i32
        %dma_wait3A_2468 = tpu.memref_slice %arg3[%add3A_2464, %dma_wait3A_2467] : memref<16384x128xf32, #tpu.memory_space<hbm>> -> memref<4x128xf32, #tpu.memory_space<hbm>>
        tpu.wait_dma2 semaphore(%arg34 : memref<!tpu.dma_semaphore, #tpu.memory_space<semaphore_mem>>) src(%arg18 : memref<4x128xf32, #tpu.memory_space<vmem>>) dst(%dma_wait3A_2468 : memref<4x128xf32, #tpu.memory_space<hbm>>)
      } else {
      }
      %broadcast_in_dim3A_1893 = arith.constant 0 : i32
      %broadcast_in_dim3A_1894 = vector.broadcast %broadcast_in_dim3A_1893 : i32 to vector<16xi32>
      %add3A_1895 = arith.constant 0 : i32
      %add3A_1896 = vector.broadcast %add3A_1895 : i32 to vector<16xi32>
      %add3A_1897 = arith.addi %mul3A_5, %add3A_1896 : vector<16xi32>
      %gather3A_1898 = tpu.vector_load_idx %arg10[%broadcast_in_dim3A_1894, %add3A_1897] : memref<4x2048xf32, #tpu.memory_space<vmem>>[vector<16xi32>, vector<16xi32>], vector<16xf32>,
      %swap3A_1899 = arith.constant 0 : i32
      %swap3A_1900 = arith.index_cast %swap3A_1899 : i32 to index
      %swap3A_1901 = arith.constant 0 : index
      %swap3A_1902 = tpu.vector_load %arg18[%swap3A_1900, %swap3A_1901] {strides = array<i32>} : memref<4x128xf32, #tpu.memory_space<vmem>>, vector<16xf32>,
      tpu.vector_store %arg18[%swap3A_1900, %swap3A_1901], %gather3A_1898 {strides = array<i32>} : memref<4x128xf32, #tpu.memory_space<vmem>>, vector<16xf32>,
      %add3A_1903 = arith.constant 256 : i32
      %add3A_1904 = vector.broadcast %add3A_1903 : i32 to vector<16xi32>
      %add3A_1905 = arith.addi %mul3A_5, %add3A_1904 : vector<16xi32>
      %gather3A_1906 = tpu.vector_load_idx %arg10[%broadcast_in_dim3A_1894, %add3A_1905] : memref<4x2048xf32, #tpu.memory_space<vmem>>[vector<16xi32>, vector<16xi32>], vector<16xf32>,
      %swap3A_1907 = arith.constant 0 : i32
      %swap3A_1908 = arith.index_cast %swap3A_1907 : i32 to index
      %swap3A_1909 = arith.constant 16 : index
      %swap3A_1910 = tpu.vector_load %arg18[%swap3A_1908, %swap3A_1909] {strides = array<i32>} : memref<4x128xf32, #tpu.memory_space<vmem>>, vector<16xf32>,
      tpu.vector_store %arg18[%swap3A_1908, %swap3A_1909], %gather3A_1906 {strides = array<i32>} : memref<4x128xf32, #tpu.memory_space<vmem>>, vector<16xf32>,
      %add3A_1911 = arith.constant 512 : i32
      %add3A_1912 = vector.broadcast %add3A_1911 : i32 to vector<16xi32>
      %add3A_1913 = arith.addi %mul3A_5, %add3A_1912 : vector<16xi32>
      %gather3A_1914 = tpu.vector_load_idx %arg10[%broadcast_in_dim3A_1894, %add3A_1913] : memref<4x2048xf32, #tpu.memory_space<vmem>>[vector<16xi32>, vector<16xi32>], vector<16xf32>,
      %swap3A_1915 = arith.constant 0 : i32
      %swap3A_1916 = arith.index_cast %swap3A_1915 : i32 to index
      %swap3A_1917 = arith.constant 32 : index
      %swap3A_1918 = tpu.vector_load %arg18[%swap3A_1916, %swap3A_1917] {strides = array<i32>} : memref<4x128xf32, #tpu.memory_space<vmem>>, vector<16xf32>,
      tpu.vector_store %arg18[%swap3A_1916, %swap3A_1917], %gather3A_1914 {strides = array<i32>} : memref<4x128xf32, #tpu.memory_space<vmem>>, vector<16xf32>,
      %add3A_1919 = arith.constant 768 : i32
      %add3A_1920 = vector.broadcast %add3A_1919 : i32 to vector<16xi32>
      %add3A_1921 = arith.addi %mul3A_5, %add3A_1920 : vector<16xi32>
      %gather3A_1922 = tpu.vector_load_idx %arg10[%broadcast_in_dim3A_1894, %add3A_1921] : memref<4x2048xf32, #tpu.memory_space<vmem>>[vector<16xi32>, vector<16xi32>], vector<16xf32>,
      %swap3A_1923 = arith.constant 0 : i32
      %swap3A_1924 = arith.index_cast %swap3A_1923 : i32 to index
      %swap3A_1925 = arith.constant 48 : index
      %swap3A_1926 = tpu.vector_load %arg18[%swap3A_1924, %swap3A_1925] {strides = array<i32>} : memref<4x128xf32, #tpu.memory_space<vmem>>, vector<16xf32>,
      tpu.vector_store %arg18[%swap3A_1924, %swap3A_1925], %gather3A_1922 {strides = array<i32>} : memref<4x128xf32, #tpu.memory_space<vmem>>, vector<16xf32>,
      %add3A_1927 = arith.constant 1024 : i32
      %add3A_1928 = vector.broadcast %add3A_1927 : i32 to vector<16xi32>
      %add3A_1929 = arith.addi %mul3A_5, %add3A_1928 : vector<16xi32>
      %gather3A_1930 = tpu.vector_load_idx %arg10[%broadcast_in_dim3A_1894, %add3A_1929] : memref<4x2048xf32, #tpu.memory_space<vmem>>[vector<16xi32>, vector<16xi32>], vector<16xf32>,
      %swap3A_1931 = arith.constant 0 : i32
      %swap3A_1932 = arith.index_cast %swap3A_1931 : i32 to index
      %swap3A_1933 = arith.constant 64 : index
      %swap3A_1934 = tpu.vector_load %arg18[%swap3A_1932, %swap3A_1933] {strides = array<i32>} : memref<4x128xf32, #tpu.memory_space<vmem>>, vector<16xf32>,
      tpu.vector_store %arg18[%swap3A_1932, %swap3A_1933], %gather3A_1930 {strides = array<i32>} : memref<4x128xf32, #tpu.memory_space<vmem>>, vector<16xf32>,
      %add3A_1935 = arith.constant 1280 : i32
      %add3A_1936 = vector.broadcast %add3A_1935 : i32 to vector<16xi32>
      %add3A_1937 = arith.addi %mul3A_5, %add3A_1936 : vector<16xi32>
      %gather3A_1938 = tpu.vector_load_idx %arg10[%broadcast_in_dim3A_1894, %add3A_1937] : memref<4x2048xf32, #tpu.memory_space<vmem>>[vector<16xi32>, vector<16xi32>], vector<16xf32>,
      %swap3A_1939 = arith.constant 0 : i32
      %swap3A_1940 = arith.index_cast %swap3A_1939 : i32 to index
      %swap3A_1941 = arith.constant 80 : index
      %swap3A_1942 = tpu.vector_load %arg18[%swap3A_1940, %swap3A_1941] {strides = array<i32>} : memref<4x128xf32, #tpu.memory_space<vmem>>, vector<16xf32>,
      tpu.vector_store %arg18[%swap3A_1940, %swap3A_1941], %gather3A_1938 {strides = array<i32>} : memref<4x128xf32, #tpu.memory_space<vmem>>, vector<16xf32>,
      %add3A_1943 = arith.constant 1536 : i32
      %add3A_1944 = vector.broadcast %add3A_1943 : i32 to vector<16xi32>
      %add3A_1945 = arith.addi %mul3A_5, %add3A_1944 : vector<16xi32>
      %gather3A_1946 = tpu.vector_load_idx %arg10[%broadcast_in_dim3A_1894, %add3A_1945] : memref<4x2048xf32, #tpu.memory_space<vmem>>[vector<16xi32>, vector<16xi32>], vector<16xf32>,
      %swap3A_1947 = arith.constant 0 : i32
      %swap3A_1948 = arith.index_cast %swap3A_1947 : i32 to index
      %swap3A_1949 = arith.constant 96 : index
      %swap3A_1950 = tpu.vector_load %arg18[%swap3A_1948, %swap3A_1949] {strides = array<i32>} : memref<4x128xf32, #tpu.memory_space<vmem>>, vector<16xf32>,
      tpu.vector_store %arg18[%swap3A_1948, %swap3A_1949], %gather3A_1946 {strides = array<i32>} : memref<4x128xf32, #tpu.memory_space<vmem>>, vector<16xf32>,
      %add3A_1951 = arith.constant 1792 : i32
      %add3A_1952 = vector.broadcast %add3A_1951 : i32 to vector<16xi32>
      %add3A_1953 = arith.addi %mul3A_5, %add3A_1952 : vector<16xi32>
      %gather3A_1954 = tpu.vector_load_idx %arg10[%broadcast_in_dim3A_1894, %add3A_1953] : memref<4x2048xf32, #tpu.memory_space<vmem>>[vector<16xi32>, vector<16xi32>], vector<16xf32>,
      %swap3A_1955 = arith.constant 0 : i32
      %swap3A_1956 = arith.index_cast %swap3A_1955 : i32 to index
      %swap3A_1957 = arith.constant 112 : index
      %swap3A_1958 = tpu.vector_load %arg18[%swap3A_1956, %swap3A_1957] {strides = array<i32>} : memref<4x128xf32, #tpu.memory_space<vmem>>, vector<16xf32>,
      tpu.vector_store %arg18[%swap3A_1956, %swap3A_1957], %gather3A_1954 {strides = array<i32>} : memref<4x128xf32, #tpu.memory_space<vmem>>, vector<16xf32>,
      %broadcast_in_dim3A_1959 = arith.constant 1 : i32
      %broadcast_in_dim3A_1960 = vector.broadcast %broadcast_in_dim3A_1959 : i32 to vector<16xi32>
      %add3A_1961 = arith.constant 0 : i32
      %add3A_1962 = vector.broadcast %add3A_1961 : i32 to vector<16xi32>
      %add3A_1963 = arith.addi %mul3A_5, %add3A_1962 : vector<16xi32>
      %gather3A_1964 = tpu.vector_load_idx %arg10[%broadcast_in_dim3A_1960, %add3A_1963] : memref<4x2048xf32, #tpu.memory_space<vmem>>[vector<16xi32>, vector<16xi32>], vector<16xf32>,
      %swap3A_1965 = arith.constant 1 : i32
      %swap3A_1966 = arith.index_cast %swap3A_1965 : i32 to index
      %swap3A_1967 = arith.constant 0 : index
      %swap3A_1968 = tpu.vector_load %arg18[%swap3A_1966, %swap3A_1967] {strides = array<i32>} : memref<4x128xf32, #tpu.memory_space<vmem>>, vector<16xf32>,
      tpu.vector_store %arg18[%swap3A_1966, %swap3A_1967], %gather3A_1964 {strides = array<i32>} : memref<4x128xf32, #tpu.memory_space<vmem>>, vector<16xf32>,
      %add3A_1969 = arith.constant 256 : i32
      %add3A_1970 = vector.broadcast %add3A_1969 : i32 to vector<16xi32>
      %add3A_1971 = arith.addi %mul3A_5, %add3A_1970 : vector<16xi32>
      %gather3A_1972 = tpu.vector_load_idx %arg10[%broadcast_in_dim3A_1960, %add3A_1971] : memref<4x2048xf32, #tpu.memory_space<vmem>>[vector<16xi32>, vector<16xi32>], vector<16xf32>,
      %swap3A_1973 = arith.constant 1 : i32
      %swap3A_1974 = arith.index_cast %swap3A_1973 : i32 to index
      %swap3A_1975 = arith.constant 16 : index
      %swap3A_1976 = tpu.vector_load %arg18[%swap3A_1974, %swap3A_1975] {strides = array<i32>} : memref<4x128xf32, #tpu.memory_space<vmem>>, vector<16xf32>,
      tpu.vector_store %arg18[%swap3A_1974, %swap3A_1975], %gather3A_1972 {strides = array<i32>} : memref<4x128xf32, #tpu.memory_space<vmem>>, vector<16xf32>,
      %add3A_1977 = arith.constant 512 : i32
      %add3A_1978 = vector.broadcast %add3A_1977 : i32 to vector<16xi32>
      %add3A_1979 = arith.addi %mul3A_5, %add3A_1978 : vector<16xi32>
      %gather3A_1980 = tpu.vector_load_idx %arg10[%broadcast_in_dim3A_1960, %add3A_1979] : memref<4x2048xf32, #tpu.memory_space<vmem>>[vector<16xi32>, vector<16xi32>], vector<16xf32>,
      %swap3A_1981 = arith.constant 1 : i32
      %swap3A_1982 = arith.index_cast %swap3A_1981 : i32 to index
      %swap3A_1983 = arith.constant 32 : index
      %swap3A_1984 = tpu.vector_load %arg18[%swap3A_1982, %swap3A_1983] {strides = array<i32>} : memref<4x128xf32, #tpu.memory_space<vmem>>, vector<16xf32>,
      tpu.vector_store %arg18[%swap3A_1982, %swap3A_1983], %gather3A_1980 {strides = array<i32>} : memref<4x128xf32, #tpu.memory_space<vmem>>, vector<16xf32>,
      %add3A_1985 = arith.constant 768 : i32
      %add3A_1986 = vector.broadcast %add3A_1985 : i32 to vector<16xi32>
      %add3A_1987 = arith.addi %mul3A_5, %add3A_1986 : vector<16xi32>
      %gather3A_1988 = tpu.vector_load_idx %arg10[%broadcast_in_dim3A_1960, %add3A_1987] : memref<4x2048xf32, #tpu.memory_space<vmem>>[vector<16xi32>, vector<16xi32>], vector<16xf32>,
      %swap3A_1989 = arith.constant 1 : i32
      %swap3A_1990 = arith.index_cast %swap3A_1989 : i32 to index
      %swap3A_1991 = arith.constant 48 : index
      %swap3A_1992 = tpu.vector_load %arg18[%swap3A_1990, %swap3A_1991] {strides = array<i32>} : memref<4x128xf32, #tpu.memory_space<vmem>>, vector<16xf32>,
      tpu.vector_store %arg18[%swap3A_1990, %swap3A_1991], %gather3A_1988 {strides = array<i32>} : memref<4x128xf32, #tpu.memory_space<vmem>>, vector<16xf32>,
      %add3A_1993 = arith.constant 1024 : i32
      %add3A_1994 = vector.broadcast %add3A_1993 : i32 to vector<16xi32>
      %add3A_1995 = arith.addi %mul3A_5, %add3A_1994 : vector<16xi32>
      %gather3A_1996 = tpu.vector_load_idx %arg10[%broadcast_in_dim3A_1960, %add3A_1995] : memref<4x2048xf32, #tpu.memory_space<vmem>>[vector<16xi32>, vector<16xi32>], vector<16xf32>,
      %swap3A_1997 = arith.constant 1 : i32
      %swap3A_1998 = arith.index_cast %swap3A_1997 : i32 to index
      %swap3A_1999 = arith.constant 64 : index
      %swap3A_2000 = tpu.vector_load %arg18[%swap3A_1998, %swap3A_1999] {strides = array<i32>} : memref<4x128xf32, #tpu.memory_space<vmem>>, vector<16xf32>,
      tpu.vector_store %arg18[%swap3A_1998, %swap3A_1999], %gather3A_1996 {strides = array<i32>} : memref<4x128xf32, #tpu.memory_space<vmem>>, vector<16xf32>,
      %add3A_2001 = arith.constant 1280 : i32
      %add3A_2002 = vector.broadcast %add3A_2001 : i32 to vector<16xi32>
      %add3A_2003 = arith.addi %mul3A_5, %add3A_2002 : vector<16xi32>
      %gather3A_2004 = tpu.vector_load_idx %arg10[%broadcast_in_dim3A_1960, %add3A_2003] : memref<4x2048xf32, #tpu.memory_space<vmem>>[vector<16xi32>, vector<16xi32>], vector<16xf32>,
      %swap3A_2005 = arith.constant 1 : i32
      %swap3A_2006 = arith.index_cast %swap3A_2005 : i32 to index
      %swap3A_2007 = arith.constant 80 : index
      %swap3A_2008 = tpu.vector_load %arg18[%swap3A_2006, %swap3A_2007] {strides = array<i32>} : memref<4x128xf32, #tpu.memory_space<vmem>>, vector<16xf32>,
      tpu.vector_store %arg18[%swap3A_2006, %swap3A_2007], %gather3A_2004 {strides = array<i32>} : memref<4x128xf32, #tpu.memory_space<vmem>>, vector<16xf32>,
      %add3A_2009 = arith.constant 1536 : i32
      %add3A_2010 = vector.broadcast %add3A_2009 : i32 to vector<16xi32>
      %add3A_2011 = arith.addi %mul3A_5, %add3A_2010 : vector<16xi32>
      %gather3A_2012 = tpu.vector_load_idx %arg10[%broadcast_in_dim3A_1960, %add3A_2011] : memref<4x2048xf32, #tpu.memory_space<vmem>>[vector<16xi32>, vector<16xi32>], vector<16xf32>,
      %swap3A_2013 = arith.constant 1 : i32
      %swap3A_2014 = arith.index_cast %swap3A_2013 : i32 to index
      %swap3A_2015 = arith.constant 96 : index
      %swap3A_2016 = tpu.vector_load %arg18[%swap3A_2014, %swap3A_2015] {strides = array<i32>} : memref<4x128xf32, #tpu.memory_space<vmem>>, vector<16xf32>,
      tpu.vector_store %arg18[%swap3A_2014, %swap3A_2015], %gather3A_2012 {strides = array<i32>} : memref<4x128xf32, #tpu.memory_space<vmem>>, vector<16xf32>,
      %add3A_2017 = arith.constant 1792 : i32
      %add3A_2018 = vector.broadcast %add3A_2017 : i32 to vector<16xi32>
      %add3A_2019 = arith.addi %mul3A_5, %add3A_2018 : vector<16xi32>
      %gather3A_2020 = tpu.vector_load_idx %arg10[%broadcast_in_dim3A_1960, %add3A_2019] : memref<4x2048xf32, #tpu.memory_space<vmem>>[vector<16xi32>, vector<16xi32>], vector<16xf32>,
      %swap3A_2021 = arith.constant 1 : i32
      %swap3A_2022 = arith.index_cast %swap3A_2021 : i32 to index
      %swap3A_2023 = arith.constant 112 : index
      %swap3A_2024 = tpu.vector_load %arg18[%swap3A_2022, %swap3A_2023] {strides = array<i32>} : memref<4x128xf32, #tpu.memory_space<vmem>>, vector<16xf32>,
      tpu.vector_store %arg18[%swap3A_2022, %swap3A_2023], %gather3A_2020 {strides = array<i32>} : memref<4x128xf32, #tpu.memory_space<vmem>>, vector<16xf32>,
      %broadcast_in_dim3A_2025 = arith.constant 2 : i32
      %broadcast_in_dim3A_2026 = vector.broadcast %broadcast_in_dim3A_2025 : i32 to vector<16xi32>
      %add3A_2027 = arith.constant 0 : i32
      %add3A_2028 = vector.broadcast %add3A_2027 : i32 to vector<16xi32>
      %add3A_2029 = arith.addi %mul3A_5, %add3A_2028 : vector<16xi32>
      %gather3A_2030 = tpu.vector_load_idx %arg10[%broadcast_in_dim3A_2026, %add3A_2029] : memref<4x2048xf32, #tpu.memory_space<vmem>>[vector<16xi32>, vector<16xi32>], vector<16xf32>,
      %swap3A_2031 = arith.constant 2 : i32
      %swap3A_2032 = arith.index_cast %swap3A_2031 : i32 to index
      %swap3A_2033 = arith.constant 0 : index
      %swap3A_2034 = tpu.vector_load %arg18[%swap3A_2032, %swap3A_2033] {strides = array<i32>} : memref<4x128xf32, #tpu.memory_space<vmem>>, vector<16xf32>,
      tpu.vector_store %arg18[%swap3A_2032, %swap3A_2033], %gather3A_2030 {strides = array<i32>} : memref<4x128xf32, #tpu.memory_space<vmem>>, vector<16xf32>,
      %add3A_2035 = arith.constant 256 : i32
      %add3A_2036 = vector.broadcast %add3A_2035 : i32 to vector<16xi32>
      %add3A_2037 = arith.addi %mul3A_5, %add3A_2036 : vector<16xi32>
      %gather3A_2038 = tpu.vector_load_idx %arg10[%broadcast_in_dim3A_2026, %add3A_2037] : memref<4x2048xf32, #tpu.memory_space<vmem>>[vector<16xi32>, vector<16xi32>], vector<16xf32>,
      %swap3A_2039 = arith.constant 2 : i32
      %swap3A_2040 = arith.index_cast %swap3A_2039 : i32 to index
      %swap3A_2041 = arith.constant 16 : index
      %swap3A_2042 = tpu.vector_load %arg18[%swap3A_2040, %swap3A_2041] {strides = array<i32>} : memref<4x128xf32, #tpu.memory_space<vmem>>, vector<16xf32>,
      tpu.vector_store %arg18[%swap3A_2040, %swap3A_2041], %gather3A_2038 {strides = array<i32>} : memref<4x128xf32, #tpu.memory_space<vmem>>, vector<16xf32>,
      %add3A_2043 = arith.constant 512 : i32
      %add3A_2044 = vector.broadcast %add3A_2043 : i32 to vector<16xi32>
      %add3A_2045 = arith.addi %mul3A_5, %add3A_2044 : vector<16xi32>
      %gather3A_2046 = tpu.vector_load_idx %arg10[%broadcast_in_dim3A_2026, %add3A_2045] : memref<4x2048xf32, #tpu.memory_space<vmem>>[vector<16xi32>, vector<16xi32>], vector<16xf32>,
      %swap3A_2047 = arith.constant 2 : i32
      %swap3A_2048 = arith.index_cast %swap3A_2047 : i32 to index
      %swap3A_2049 = arith.constant 32 : index
      %swap3A_2050 = tpu.vector_load %arg18[%swap3A_2048, %swap3A_2049] {strides = array<i32>} : memref<4x128xf32, #tpu.memory_space<vmem>>, vector<16xf32>,
      tpu.vector_store %arg18[%swap3A_2048, %swap3A_2049], %gather3A_2046 {strides = array<i32>} : memref<4x128xf32, #tpu.memory_space<vmem>>, vector<16xf32>,
      %add3A_2051 = arith.constant 768 : i32
      %add3A_2052 = vector.broadcast %add3A_2051 : i32 to vector<16xi32>
      %add3A_2053 = arith.addi %mul3A_5, %add3A_2052 : vector<16xi32>
      %gather3A_2054 = tpu.vector_load_idx %arg10[%broadcast_in_dim3A_2026, %add3A_2053] : memref<4x2048xf32, #tpu.memory_space<vmem>>[vector<16xi32>, vector<16xi32>], vector<16xf32>,
      %swap3A_2055 = arith.constant 2 : i32
      %swap3A_2056 = arith.index_cast %swap3A_2055 : i32 to index
      %swap3A_2057 = arith.constant 48 : index
      %swap3A_2058 = tpu.vector_load %arg18[%swap3A_2056, %swap3A_2057] {strides = array<i32>} : memref<4x128xf32, #tpu.memory_space<vmem>>, vector<16xf32>,
      tpu.vector_store %arg18[%swap3A_2056, %swap3A_2057], %gather3A_2054 {strides = array<i32>} : memref<4x128xf32, #tpu.memory_space<vmem>>, vector<16xf32>,
      %add3A_2059 = arith.constant 1024 : i32
      %add3A_2060 = vector.broadcast %add3A_2059 : i32 to vector<16xi32>
      %add3A_2061 = arith.addi %mul3A_5, %add3A_2060 : vector<16xi32>
      %gather3A_2062 = tpu.vector_load_idx %arg10[%broadcast_in_dim3A_2026, %add3A_2061] : memref<4x2048xf32, #tpu.memory_space<vmem>>[vector<16xi32>, vector<16xi32>], vector<16xf32>,
      %swap3A_2063 = arith.constant 2 : i32
      %swap3A_2064 = arith.index_cast %swap3A_2063 : i32 to index
      %swap3A_2065 = arith.constant 64 : index
      %swap3A_2066 = tpu.vector_load %arg18[%swap3A_2064, %swap3A_2065] {strides = array<i32>} : memref<4x128xf32, #tpu.memory_space<vmem>>, vector<16xf32>,
      tpu.vector_store %arg18[%swap3A_2064, %swap3A_2065], %gather3A_2062 {strides = array<i32>} : memref<4x128xf32, #tpu.memory_space<vmem>>, vector<16xf32>,
      %add3A_2067 = arith.constant 1280 : i32
      %add3A_2068 = vector.broadcast %add3A_2067 : i32 to vector<16xi32>
      %add3A_2069 = arith.addi %mul3A_5, %add3A_2068 : vector<16xi32>
      %gather3A_2070 = tpu.vector_load_idx %arg10[%broadcast_in_dim3A_2026, %add3A_2069] : memref<4x2048xf32, #tpu.memory_space<vmem>>[vector<16xi32>, vector<16xi32>], vector<16xf32>,
      %swap3A_2071 = arith.constant 2 : i32
      %swap3A_2072 = arith.index_cast %swap3A_2071 : i32 to index
      %swap3A_2073 = arith.constant 80 : index
      %swap3A_2074 = tpu.vector_load %arg18[%swap3A_2072, %swap3A_2073] {strides = array<i32>} : memref<4x128xf32, #tpu.memory_space<vmem>>, vector<16xf32>,
      tpu.vector_store %arg18[%swap3A_2072, %swap3A_2073], %gather3A_2070 {strides = array<i32>} : memref<4x128xf32, #tpu.memory_space<vmem>>, vector<16xf32>,
      %add3A_2075 = arith.constant 1536 : i32
      %add3A_2076 = vector.broadcast %add3A_2075 : i32 to vector<16xi32>
      %add3A_2077 = arith.addi %mul3A_5, %add3A_2076 : vector<16xi32>
      %gather3A_2078 = tpu.vector_load_idx %arg10[%broadcast_in_dim3A_2026, %add3A_2077] : memref<4x2048xf32, #tpu.memory_space<vmem>>[vector<16xi32>, vector<16xi32>], vector<16xf32>,
      %swap3A_2079 = arith.constant 2 : i32
      %swap3A_2080 = arith.index_cast %swap3A_2079 : i32 to index
      %swap3A_2081 = arith.constant 96 : index
      %swap3A_2082 = tpu.vector_load %arg18[%swap3A_2080, %swap3A_2081] {strides = array<i32>} : memref<4x128xf32, #tpu.memory_space<vmem>>, vector<16xf32>,
      tpu.vector_store %arg18[%swap3A_2080, %swap3A_2081], %gather3A_2078 {strides = array<i32>} : memref<4x128xf32, #tpu.memory_space<vmem>>, vector<16xf32>,
      %add3A_2083 = arith.constant 1792 : i32
      %add3A_2084 = vector.broadcast %add3A_2083 : i32 to vector<16xi32>
      %add3A_2085 = arith.addi %mul3A_5, %add3A_2084 : vector<16xi32>
      %gather3A_2086 = tpu.vector_load_idx %arg10[%broadcast_in_dim3A_2026, %add3A_2085] : memref<4x2048xf32, #tpu.memory_space<vmem>>[vector<16xi32>, vector<16xi32>], vector<16xf32>,
      %swap3A_2087 = arith.constant 2 : i32
      %swap3A_2088 = arith.index_cast %swap3A_2087 : i32 to index
      %swap3A_2089 = arith.constant 112 : index
      %swap3A_2090 = tpu.vector_load %arg18[%swap3A_2088, %swap3A_2089] {strides = array<i32>} : memref<4x128xf32, #tpu.memory_space<vmem>>, vector<16xf32>,
      tpu.vector_store %arg18[%swap3A_2088, %swap3A_2089], %gather3A_2086 {strides = array<i32>} : memref<4x128xf32, #tpu.memory_space<vmem>>, vector<16xf32>,
      %broadcast_in_dim3A_2091 = arith.constant 3 : i32
      %broadcast_in_dim3A_2092 = vector.broadcast %broadcast_in_dim3A_2091 : i32 to vector<16xi32>
      %add3A_2093 = arith.constant 0 : i32
      %add3A_2094 = vector.broadcast %add3A_2093 : i32 to vector<16xi32>
      %add3A_2095 = arith.addi %mul3A_5, %add3A_2094 : vector<16xi32>
      %gather3A_2096 = tpu.vector_load_idx %arg10[%broadcast_in_dim3A_2092, %add3A_2095] : memref<4x2048xf32, #tpu.memory_space<vmem>>[vector<16xi32>, vector<16xi32>], vector<16xf32>,
      %swap3A_2097 = arith.constant 3 : i32
      %swap3A_2098 = arith.index_cast %swap3A_2097 : i32 to index
      %swap3A_2099 = arith.constant 0 : index
      %swap3A_2100 = tpu.vector_load %arg18[%swap3A_2098, %swap3A_2099] {strides = array<i32>} : memref<4x128xf32, #tpu.memory_space<vmem>>, vector<16xf32>,
      tpu.vector_store %arg18[%swap3A_2098, %swap3A_2099], %gather3A_2096 {strides = array<i32>} : memref<4x128xf32, #tpu.memory_space<vmem>>, vector<16xf32>,
      %add3A_2101 = arith.constant 256 : i32
      %add3A_2102 = vector.broadcast %add3A_2101 : i32 to vector<16xi32>
      %add3A_2103 = arith.addi %mul3A_5, %add3A_2102 : vector<16xi32>
      %gather3A_2104 = tpu.vector_load_idx %arg10[%broadcast_in_dim3A_2092, %add3A_2103] : memref<4x2048xf32, #tpu.memory_space<vmem>>[vector<16xi32>, vector<16xi32>], vector<16xf32>,
      %swap3A_2105 = arith.constant 3 : i32
      %swap3A_2106 = arith.index_cast %swap3A_2105 : i32 to index
      %swap3A_2107 = arith.constant 16 : index
      %swap3A_2108 = tpu.vector_load %arg18[%swap3A_2106, %swap3A_2107] {strides = array<i32>} : memref<4x128xf32, #tpu.memory_space<vmem>>, vector<16xf32>,
      tpu.vector_store %arg18[%swap3A_2106, %swap3A_2107], %gather3A_2104 {strides = array<i32>} : memref<4x128xf32, #tpu.memory_space<vmem>>, vector<16xf32>,
      %add3A_2109 = arith.constant 512 : i32
      %add3A_2110 = vector.broadcast %add3A_2109 : i32 to vector<16xi32>
      %add3A_2111 = arith.addi %mul3A_5, %add3A_2110 : vector<16xi32>
      %gather3A_2112 = tpu.vector_load_idx %arg10[%broadcast_in_dim3A_2092, %add3A_2111] : memref<4x2048xf32, #tpu.memory_space<vmem>>[vector<16xi32>, vector<16xi32>], vector<16xf32>,
      %swap3A_2113 = arith.constant 3 : i32
      %swap3A_2114 = arith.index_cast %swap3A_2113 : i32 to index
      %swap3A_2115 = arith.constant 32 : index
      %swap3A_2116 = tpu.vector_load %arg18[%swap3A_2114, %swap3A_2115] {strides = array<i32>} : memref<4x128xf32, #tpu.memory_space<vmem>>, vector<16xf32>,
      tpu.vector_store %arg18[%swap3A_2114, %swap3A_2115], %gather3A_2112 {strides = array<i32>} : memref<4x128xf32, #tpu.memory_space<vmem>>, vector<16xf32>,
      %add3A_2117 = arith.constant 768 : i32
      %add3A_2118 = vector.broadcast %add3A_2117 : i32 to vector<16xi32>
      %add3A_2119 = arith.addi %mul3A_5, %add3A_2118 : vector<16xi32>
      %gather3A_2120 = tpu.vector_load_idx %arg10[%broadcast_in_dim3A_2092, %add3A_2119] : memref<4x2048xf32, #tpu.memory_space<vmem>>[vector<16xi32>, vector<16xi32>], vector<16xf32>,
      %swap3A_2121 = arith.constant 3 : i32
      %swap3A_2122 = arith.index_cast %swap3A_2121 : i32 to index
      %swap3A_2123 = arith.constant 48 : index
      %swap3A_2124 = tpu.vector_load %arg18[%swap3A_2122, %swap3A_2123] {strides = array<i32>} : memref<4x128xf32, #tpu.memory_space<vmem>>, vector<16xf32>,
      tpu.vector_store %arg18[%swap3A_2122, %swap3A_2123], %gather3A_2120 {strides = array<i32>} : memref<4x128xf32, #tpu.memory_space<vmem>>, vector<16xf32>,
      %add3A_2125 = arith.constant 1024 : i32
      %add3A_2126 = vector.broadcast %add3A_2125 : i32 to vector<16xi32>
      %add3A_2127 = arith.addi %mul3A_5, %add3A_2126 : vector<16xi32>
      %gather3A_2128 = tpu.vector_load_idx %arg10[%broadcast_in_dim3A_2092, %add3A_2127] : memref<4x2048xf32, #tpu.memory_space<vmem>>[vector<16xi32>, vector<16xi32>], vector<16xf32>,
      %swap3A_2129 = arith.constant 3 : i32
      %swap3A_2130 = arith.index_cast %swap3A_2129 : i32 to index
      %swap3A_2131 = arith.constant 64 : index
      %swap3A_2132 = tpu.vector_load %arg18[%swap3A_2130, %swap3A_2131] {strides = array<i32>} : memref<4x128xf32, #tpu.memory_space<vmem>>, vector<16xf32>,
      tpu.vector_store %arg18[%swap3A_2130, %swap3A_2131], %gather3A_2128 {strides = array<i32>} : memref<4x128xf32, #tpu.memory_space<vmem>>, vector<16xf32>,
      %add3A_2133 = arith.constant 1280 : i32
      %add3A_2134 = vector.broadcast %add3A_2133 : i32 to vector<16xi32>
      %add3A_2135 = arith.addi %mul3A_5, %add3A_2134 : vector<16xi32>
      %gather3A_2136 = tpu.vector_load_idx %arg10[%broadcast_in_dim3A_2092, %add3A_2135] : memref<4x2048xf32, #tpu.memory_space<vmem>>[vector<16xi32>, vector<16xi32>], vector<16xf32>,
      %swap3A_2137 = arith.constant 3 : i32
      %swap3A_2138 = arith.index_cast %swap3A_2137 : i32 to index
      %swap3A_2139 = arith.constant 80 : index
      %swap3A_2140 = tpu.vector_load %arg18[%swap3A_2138, %swap3A_2139] {strides = array<i32>} : memref<4x128xf32, #tpu.memory_space<vmem>>, vector<16xf32>,
      tpu.vector_store %arg18[%swap3A_2138, %swap3A_2139], %gather3A_2136 {strides = array<i32>} : memref<4x128xf32, #tpu.memory_space<vmem>>, vector<16xf32>,
      %add3A_2141 = arith.constant 1536 : i32
      %add3A_2142 = vector.broadcast %add3A_2141 : i32 to vector<16xi32>
      %add3A_2143 = arith.addi %mul3A_5, %add3A_2142 : vector<16xi32>
      %gather3A_2144 = tpu.vector_load_idx %arg10[%broadcast_in_dim3A_2092, %add3A_2143] : memref<4x2048xf32, #tpu.memory_space<vmem>>[vector<16xi32>, vector<16xi32>], vector<16xf32>,
      %swap3A_2145 = arith.constant 3 : i32
      %swap3A_2146 = arith.index_cast %swap3A_2145 : i32 to index
      %swap3A_2147 = arith.constant 96 : index
      %swap3A_2148 = tpu.vector_load %arg18[%swap3A_2146, %swap3A_2147] {strides = array<i32>} : memref<4x128xf32, #tpu.memory_space<vmem>>, vector<16xf32>,
      tpu.vector_store %arg18[%swap3A_2146, %swap3A_2147], %gather3A_2144 {strides = array<i32>} : memref<4x128xf32, #tpu.memory_space<vmem>>, vector<16xf32>,
      %add3A_2149 = arith.constant 1792 : i32
      %add3A_2150 = vector.broadcast %add3A_2149 : i32 to vector<16xi32>
      %add3A_2151 = arith.addi %mul3A_5, %add3A_2150 : vector<16xi32>
      %gather3A_2152 = tpu.vector_load_idx %arg10[%broadcast_in_dim3A_2092, %add3A_2151] : memref<4x2048xf32, #tpu.memory_space<vmem>>[vector<16xi32>, vector<16xi32>], vector<16xf32>,
      %swap3A_2153 = arith.constant 3 : i32
      %swap3A_2154 = arith.index_cast %swap3A_2153 : i32 to index
      %swap3A_2155 = arith.constant 112 : index
      %swap3A_2156 = tpu.vector_load %arg18[%swap3A_2154, %swap3A_2155] {strides = array<i32>} : memref<4x128xf32, #tpu.memory_space<vmem>>, vector<16xf32>,
      tpu.vector_store %arg18[%swap3A_2154, %swap3A_2155], %gather3A_2152 {strides = array<i32>} : memref<4x128xf32, #tpu.memory_space<vmem>>, vector<16xf32>,
      %mul3A_2157 = arith.constant 4 : i32
      %mul3A_2158 = arith.muli %add3A_1871, %mul3A_2157 : i32
      %add3A_2159 = arith.addi %mul3A_2, %mul3A_2158 : i32
      %dma_start3A_2160 = arith.constant 0 : i32
      %dma_start3A_2161 = tpu.memref_slice %arg3[%add3A_2159, %dma_start3A_2160] : memref<16384x128xf32, #tpu.memory_space<hbm>> -> memref<4x128xf32, #tpu.memory_space<hbm>>
      %dma_start3A_2162 = arith.constant 0 : i32
      %dma_start3A_2163 = tpu.memref_slice %arg3[%add3A_2159, %dma_start3A_2162] : memref<16384x128xf32, #tpu.memory_space<hbm>> -> memref<4x128xf32, #tpu.memory_space<hbm>>
      tpu.enqueue_dma source(%arg18 : memref<4x128xf32, #tpu.memory_space<vmem>>) target(%dma_start3A_2163 : memref<4x128xf32, #tpu.memory_space<hbm>>) target_semaphore(%arg34 : memref<!tpu.dma_semaphore, #tpu.memory_space<semaphore_mem>>)
      %mul3A_2164 = arith.constant 8 : i32
      %mul3A_2165 = arith.muli %scan3A_99, %mul3A_2164 : i32
      %add3A_2166 = arith.constant 7 : i32
      %add3A_2167 = arith.addi %mul3A_2165, %add3A_2166 : i32
      %mul3A_2168 = arith.constant 4 : i32
      %mul3A_2169 = arith.muli %add3A_2167, %mul3A_2168 : i32
      %add3A_2170 = arith.addi %mul3A_2, %mul3A_2169 : i32
      %dma_wait3A_2171 = arith.constant 0 : i32
      %dma_wait3A_2172 = tpu.memref_slice %arg2[%add3A_2170, %dma_wait3A_2171] : memref<16384x2048xf32, #tpu.memory_space<hbm>> -> memref<4x2048xf32, #tpu.memory_space<hbm>>
      %dma_wait3A_2173 = arith.constant 0 : i32
      %dma_wait3A_2174 = tpu.memref_slice %arg2[%add3A_2170, %dma_wait3A_2173] : memref<16384x2048xf32, #tpu.memory_space<hbm>> -> memref<4x2048xf32, #tpu.memory_space<hbm>>
      tpu.wait_dma2 semaphore(%arg27 : memref<!tpu.dma_semaphore, #tpu.memory_space<semaphore_mem>>) src(%dma_wait3A_2174 : memref<4x2048xf32, #tpu.memory_space<hbm>>) dst(%arg11 : memref<4x2048xf32, #tpu.memory_space<vmem>>)
      %add3A_2175 = arith.constant 8 : i32
      %add3A_2176 = arith.addi %add3A_2167, %add3A_2175 : i32
      %sub3A_2177 = arith.constant 1 : i32
      %sub3A_2178 = arith.subi %add3A_2176, %sub3A_2177 : i32
      %lt3A_2179 = arith.constant 128 : i32
      %lt3A_2180 = arith.cmpi slt, %sub3A_2178, %lt3A_2179 : i32
      %convert_element_type3A_2181 = arith.extui %lt3A_2180 : i1 to i32
      %cond3A_2182 = arith.constant 0 : i32
      %cond3A_2183 = arith.cmpi ne, %convert_element_type3A_2181, %cond3A_2182 : i32
      scf.if %cond3A_2183 {
        %add3A_2460 = arith.constant 8 : i32
        %add3A_2461 = arith.addi %add3A_2167, %add3A_2460 : i32
        %sub3A_2462 = arith.constant 1 : i32
        %sub3A_2463 = arith.subi %add3A_2461, %sub3A_2462 : i32
        %mul3A_2464 = arith.constant 4 : i32
        %mul3A_2465 = arith.muli %sub3A_2463, %mul3A_2464 : i32
        %add3A_2466 = arith.addi %mul3A_2, %mul3A_2465 : i32
        %dma_start3A_2467 = arith.constant 0 : i32
        %dma_start3A_2468 = tpu.memref_slice %arg2[%add3A_2466, %dma_start3A_2467] : memref<16384x2048xf32, #tpu.memory_space<hbm>> -> memref<4x2048xf32, #tpu.memory_space<hbm>>
        %dma_start3A_2469 = arith.constant 0 : i32
        %dma_start3A_2470 = tpu.memref_slice %arg2[%add3A_2466, %dma_start3A_2469] : memref<16384x2048xf32, #tpu.memory_space<hbm>> -> memref<4x2048xf32, #tpu.memory_space<hbm>>
        tpu.enqueue_dma source(%dma_start3A_2470 : memref<4x2048xf32, #tpu.memory_space<hbm>>) target(%arg10 : memref<4x2048xf32, #tpu.memory_space<vmem>>) target_semaphore(%arg26 : memref<!tpu.dma_semaphore, #tpu.memory_space<semaphore_mem>>)
      } else {
      }
      %ge3A_2184 = arith.constant 8 : i32
      %ge3A_2185 = arith.cmpi sge, %add3A_2167, %ge3A_2184 : i32
      %convert_element_type3A_2186 = arith.extui %ge3A_2185 : i1 to i32
      %cond3A_2187 = arith.constant 0 : i32
      %cond3A_2188 = arith.cmpi ne, %convert_element_type3A_2186, %cond3A_2187 : i32
      scf.if %cond3A_2188 {
        %sub3A_2460 = arith.constant 8 : i32
        %sub3A_2461 = arith.subi %add3A_2167, %sub3A_2460 : i32
        %mul3A_2462 = arith.constant 4 : i32
        %mul3A_2463 = arith.muli %sub3A_2461, %mul3A_2462 : i32
        %add3A_2464 = arith.addi %mul3A_2, %mul3A_2463 : i32
        %dma_wait3A_2465 = arith.constant 0 : i32
        %dma_wait3A_2466 = tpu.memref_slice %arg3[%add3A_2464, %dma_wait3A_2465] : memref<16384x128xf32, #tpu.memory_space<hbm>> -> memref<4x128xf32, #tpu.memory_space<hbm>>
        %dma_wait3A_2467 = arith.constant 0 : i32
        %dma_wait3A_2468 = tpu.memref_slice %arg3[%add3A_2464, %dma_wait3A_2467] : memref<16384x128xf32, #tpu.memory_space<hbm>> -> memref<4x128xf32, #tpu.memory_space<hbm>>
        tpu.wait_dma2 semaphore(%arg35 : memref<!tpu.dma_semaphore, #tpu.memory_space<semaphore_mem>>) src(%arg19 : memref<4x128xf32, #tpu.memory_space<vmem>>) dst(%dma_wait3A_2468 : memref<4x128xf32, #tpu.memory_space<hbm>>)
      } else {
      }
      %broadcast_in_dim3A_2189 = arith.constant 0 : i32
      %broadcast_in_dim3A_2190 = vector.broadcast %broadcast_in_dim3A_2189 : i32 to vector<16xi32>
      %add3A_2191 = arith.constant 0 : i32
      %add3A_2192 = vector.broadcast %add3A_2191 : i32 to vector<16xi32>
      %add3A_2193 = arith.addi %mul3A_5, %add3A_2192 : vector<16xi32>
      %gather3A_2194 = tpu.vector_load_idx %arg11[%broadcast_in_dim3A_2190, %add3A_2193] : memref<4x2048xf32, #tpu.memory_space<vmem>>[vector<16xi32>, vector<16xi32>], vector<16xf32>,
      %swap3A_2195 = arith.constant 0 : i32
      %swap3A_2196 = arith.index_cast %swap3A_2195 : i32 to index
      %swap3A_2197 = arith.constant 0 : index
      %swap3A_2198 = tpu.vector_load %arg19[%swap3A_2196, %swap3A_2197] {strides = array<i32>} : memref<4x128xf32, #tpu.memory_space<vmem>>, vector<16xf32>,
      tpu.vector_store %arg19[%swap3A_2196, %swap3A_2197], %gather3A_2194 {strides = array<i32>} : memref<4x128xf32, #tpu.memory_space<vmem>>, vector<16xf32>,
      %add3A_2199 = arith.constant 256 : i32
      %add3A_2200 = vector.broadcast %add3A_2199 : i32 to vector<16xi32>
      %add3A_2201 = arith.addi %mul3A_5, %add3A_2200 : vector<16xi32>
      %gather3A_2202 = tpu.vector_load_idx %arg11[%broadcast_in_dim3A_2190, %add3A_2201] : memref<4x2048xf32, #tpu.memory_space<vmem>>[vector<16xi32>, vector<16xi32>], vector<16xf32>,
      %swap3A_2203 = arith.constant 0 : i32
      %swap3A_2204 = arith.index_cast %swap3A_2203 : i32 to index
      %swap3A_2205 = arith.constant 16 : index
      %swap3A_2206 = tpu.vector_load %arg19[%swap3A_2204, %swap3A_2205] {strides = array<i32>} : memref<4x128xf32, #tpu.memory_space<vmem>>, vector<16xf32>,
      tpu.vector_store %arg19[%swap3A_2204, %swap3A_2205], %gather3A_2202 {strides = array<i32>} : memref<4x128xf32, #tpu.memory_space<vmem>>, vector<16xf32>,
      %add3A_2207 = arith.constant 512 : i32
      %add3A_2208 = vector.broadcast %add3A_2207 : i32 to vector<16xi32>
      %add3A_2209 = arith.addi %mul3A_5, %add3A_2208 : vector<16xi32>
      %gather3A_2210 = tpu.vector_load_idx %arg11[%broadcast_in_dim3A_2190, %add3A_2209] : memref<4x2048xf32, #tpu.memory_space<vmem>>[vector<16xi32>, vector<16xi32>], vector<16xf32>,
      %swap3A_2211 = arith.constant 0 : i32
      %swap3A_2212 = arith.index_cast %swap3A_2211 : i32 to index
      %swap3A_2213 = arith.constant 32 : index
      %swap3A_2214 = tpu.vector_load %arg19[%swap3A_2212, %swap3A_2213] {strides = array<i32>} : memref<4x128xf32, #tpu.memory_space<vmem>>, vector<16xf32>,
      tpu.vector_store %arg19[%swap3A_2212, %swap3A_2213], %gather3A_2210 {strides = array<i32>} : memref<4x128xf32, #tpu.memory_space<vmem>>, vector<16xf32>,
      %add3A_2215 = arith.constant 768 : i32
      %add3A_2216 = vector.broadcast %add3A_2215 : i32 to vector<16xi32>
      %add3A_2217 = arith.addi %mul3A_5, %add3A_2216 : vector<16xi32>
      %gather3A_2218 = tpu.vector_load_idx %arg11[%broadcast_in_dim3A_2190, %add3A_2217] : memref<4x2048xf32, #tpu.memory_space<vmem>>[vector<16xi32>, vector<16xi32>], vector<16xf32>,
      %swap3A_2219 = arith.constant 0 : i32
      %swap3A_2220 = arith.index_cast %swap3A_2219 : i32 to index
      %swap3A_2221 = arith.constant 48 : index
      %swap3A_2222 = tpu.vector_load %arg19[%swap3A_2220, %swap3A_2221] {strides = array<i32>} : memref<4x128xf32, #tpu.memory_space<vmem>>, vector<16xf32>,
      tpu.vector_store %arg19[%swap3A_2220, %swap3A_2221], %gather3A_2218 {strides = array<i32>} : memref<4x128xf32, #tpu.memory_space<vmem>>, vector<16xf32>,
      %add3A_2223 = arith.constant 1024 : i32
      %add3A_2224 = vector.broadcast %add3A_2223 : i32 to vector<16xi32>
      %add3A_2225 = arith.addi %mul3A_5, %add3A_2224 : vector<16xi32>
      %gather3A_2226 = tpu.vector_load_idx %arg11[%broadcast_in_dim3A_2190, %add3A_2225] : memref<4x2048xf32, #tpu.memory_space<vmem>>[vector<16xi32>, vector<16xi32>], vector<16xf32>,
      %swap3A_2227 = arith.constant 0 : i32
      %swap3A_2228 = arith.index_cast %swap3A_2227 : i32 to index
      %swap3A_2229 = arith.constant 64 : index
      %swap3A_2230 = tpu.vector_load %arg19[%swap3A_2228, %swap3A_2229] {strides = array<i32>} : memref<4x128xf32, #tpu.memory_space<vmem>>, vector<16xf32>,
      tpu.vector_store %arg19[%swap3A_2228, %swap3A_2229], %gather3A_2226 {strides = array<i32>} : memref<4x128xf32, #tpu.memory_space<vmem>>, vector<16xf32>,
      %add3A_2231 = arith.constant 1280 : i32
      %add3A_2232 = vector.broadcast %add3A_2231 : i32 to vector<16xi32>
      %add3A_2233 = arith.addi %mul3A_5, %add3A_2232 : vector<16xi32>
      %gather3A_2234 = tpu.vector_load_idx %arg11[%broadcast_in_dim3A_2190, %add3A_2233] : memref<4x2048xf32, #tpu.memory_space<vmem>>[vector<16xi32>, vector<16xi32>], vector<16xf32>,
      %swap3A_2235 = arith.constant 0 : i32
      %swap3A_2236 = arith.index_cast %swap3A_2235 : i32 to index
      %swap3A_2237 = arith.constant 80 : index
      %swap3A_2238 = tpu.vector_load %arg19[%swap3A_2236, %swap3A_2237] {strides = array<i32>} : memref<4x128xf32, #tpu.memory_space<vmem>>, vector<16xf32>,
      tpu.vector_store %arg19[%swap3A_2236, %swap3A_2237], %gather3A_2234 {strides = array<i32>} : memref<4x128xf32, #tpu.memory_space<vmem>>, vector<16xf32>,
      %add3A_2239 = arith.constant 1536 : i32
      %add3A_2240 = vector.broadcast %add3A_2239 : i32 to vector<16xi32>
      %add3A_2241 = arith.addi %mul3A_5, %add3A_2240 : vector<16xi32>
      %gather3A_2242 = tpu.vector_load_idx %arg11[%broadcast_in_dim3A_2190, %add3A_2241] : memref<4x2048xf32, #tpu.memory_space<vmem>>[vector<16xi32>, vector<16xi32>], vector<16xf32>,
      %swap3A_2243 = arith.constant 0 : i32
      %swap3A_2244 = arith.index_cast %swap3A_2243 : i32 to index
      %swap3A_2245 = arith.constant 96 : index
      %swap3A_2246 = tpu.vector_load %arg19[%swap3A_2244, %swap3A_2245] {strides = array<i32>} : memref<4x128xf32, #tpu.memory_space<vmem>>, vector<16xf32>,
      tpu.vector_store %arg19[%swap3A_2244, %swap3A_2245], %gather3A_2242 {strides = array<i32>} : memref<4x128xf32, #tpu.memory_space<vmem>>, vector<16xf32>,
      %add3A_2247 = arith.constant 1792 : i32
      %add3A_2248 = vector.broadcast %add3A_2247 : i32 to vector<16xi32>
      %add3A_2249 = arith.addi %mul3A_5, %add3A_2248 : vector<16xi32>
      %gather3A_2250 = tpu.vector_load_idx %arg11[%broadcast_in_dim3A_2190, %add3A_2249] : memref<4x2048xf32, #tpu.memory_space<vmem>>[vector<16xi32>, vector<16xi32>], vector<16xf32>,
      %swap3A_2251 = arith.constant 0 : i32
      %swap3A_2252 = arith.index_cast %swap3A_2251 : i32 to index
      %swap3A_2253 = arith.constant 112 : index
      %swap3A_2254 = tpu.vector_load %arg19[%swap3A_2252, %swap3A_2253] {strides = array<i32>} : memref<4x128xf32, #tpu.memory_space<vmem>>, vector<16xf32>,
      tpu.vector_store %arg19[%swap3A_2252, %swap3A_2253], %gather3A_2250 {strides = array<i32>} : memref<4x128xf32, #tpu.memory_space<vmem>>, vector<16xf32>,
      %broadcast_in_dim3A_2255 = arith.constant 1 : i32
      %broadcast_in_dim3A_2256 = vector.broadcast %broadcast_in_dim3A_2255 : i32 to vector<16xi32>
      %add3A_2257 = arith.constant 0 : i32
      %add3A_2258 = vector.broadcast %add3A_2257 : i32 to vector<16xi32>
      %add3A_2259 = arith.addi %mul3A_5, %add3A_2258 : vector<16xi32>
      %gather3A_2260 = tpu.vector_load_idx %arg11[%broadcast_in_dim3A_2256, %add3A_2259] : memref<4x2048xf32, #tpu.memory_space<vmem>>[vector<16xi32>, vector<16xi32>], vector<16xf32>,
      %swap3A_2261 = arith.constant 1 : i32
      %swap3A_2262 = arith.index_cast %swap3A_2261 : i32 to index
      %swap3A_2263 = arith.constant 0 : index
      %swap3A_2264 = tpu.vector_load %arg19[%swap3A_2262, %swap3A_2263] {strides = array<i32>} : memref<4x128xf32, #tpu.memory_space<vmem>>, vector<16xf32>,
      tpu.vector_store %arg19[%swap3A_2262, %swap3A_2263], %gather3A_2260 {strides = array<i32>} : memref<4x128xf32, #tpu.memory_space<vmem>>, vector<16xf32>,
      %add3A_2265 = arith.constant 256 : i32
      %add3A_2266 = vector.broadcast %add3A_2265 : i32 to vector<16xi32>
      %add3A_2267 = arith.addi %mul3A_5, %add3A_2266 : vector<16xi32>
      %gather3A_2268 = tpu.vector_load_idx %arg11[%broadcast_in_dim3A_2256, %add3A_2267] : memref<4x2048xf32, #tpu.memory_space<vmem>>[vector<16xi32>, vector<16xi32>], vector<16xf32>,
      %swap3A_2269 = arith.constant 1 : i32
      %swap3A_2270 = arith.index_cast %swap3A_2269 : i32 to index
      %swap3A_2271 = arith.constant 16 : index
      %swap3A_2272 = tpu.vector_load %arg19[%swap3A_2270, %swap3A_2271] {strides = array<i32>} : memref<4x128xf32, #tpu.memory_space<vmem>>, vector<16xf32>,
      tpu.vector_store %arg19[%swap3A_2270, %swap3A_2271], %gather3A_2268 {strides = array<i32>} : memref<4x128xf32, #tpu.memory_space<vmem>>, vector<16xf32>,
      %add3A_2273 = arith.constant 512 : i32
      %add3A_2274 = vector.broadcast %add3A_2273 : i32 to vector<16xi32>
      %add3A_2275 = arith.addi %mul3A_5, %add3A_2274 : vector<16xi32>
      %gather3A_2276 = tpu.vector_load_idx %arg11[%broadcast_in_dim3A_2256, %add3A_2275] : memref<4x2048xf32, #tpu.memory_space<vmem>>[vector<16xi32>, vector<16xi32>], vector<16xf32>,
      %swap3A_2277 = arith.constant 1 : i32
      %swap3A_2278 = arith.index_cast %swap3A_2277 : i32 to index
      %swap3A_2279 = arith.constant 32 : index
      %swap3A_2280 = tpu.vector_load %arg19[%swap3A_2278, %swap3A_2279] {strides = array<i32>} : memref<4x128xf32, #tpu.memory_space<vmem>>, vector<16xf32>,
      tpu.vector_store %arg19[%swap3A_2278, %swap3A_2279], %gather3A_2276 {strides = array<i32>} : memref<4x128xf32, #tpu.memory_space<vmem>>, vector<16xf32>,
      %add3A_2281 = arith.constant 768 : i32
      %add3A_2282 = vector.broadcast %add3A_2281 : i32 to vector<16xi32>
      %add3A_2283 = arith.addi %mul3A_5, %add3A_2282 : vector<16xi32>
      %gather3A_2284 = tpu.vector_load_idx %arg11[%broadcast_in_dim3A_2256, %add3A_2283] : memref<4x2048xf32, #tpu.memory_space<vmem>>[vector<16xi32>, vector<16xi32>], vector<16xf32>,
      %swap3A_2285 = arith.constant 1 : i32
      %swap3A_2286 = arith.index_cast %swap3A_2285 : i32 to index
      %swap3A_2287 = arith.constant 48 : index
      %swap3A_2288 = tpu.vector_load %arg19[%swap3A_2286, %swap3A_2287] {strides = array<i32>} : memref<4x128xf32, #tpu.memory_space<vmem>>, vector<16xf32>,
      tpu.vector_store %arg19[%swap3A_2286, %swap3A_2287], %gather3A_2284 {strides = array<i32>} : memref<4x128xf32, #tpu.memory_space<vmem>>, vector<16xf32>,
      %add3A_2289 = arith.constant 1024 : i32
      %add3A_2290 = vector.broadcast %add3A_2289 : i32 to vector<16xi32>
      %add3A_2291 = arith.addi %mul3A_5, %add3A_2290 : vector<16xi32>
      %gather3A_2292 = tpu.vector_load_idx %arg11[%broadcast_in_dim3A_2256, %add3A_2291] : memref<4x2048xf32, #tpu.memory_space<vmem>>[vector<16xi32>, vector<16xi32>], vector<16xf32>,
      %swap3A_2293 = arith.constant 1 : i32
      %swap3A_2294 = arith.index_cast %swap3A_2293 : i32 to index
      %swap3A_2295 = arith.constant 64 : index
      %swap3A_2296 = tpu.vector_load %arg19[%swap3A_2294, %swap3A_2295] {strides = array<i32>} : memref<4x128xf32, #tpu.memory_space<vmem>>, vector<16xf32>,
      tpu.vector_store %arg19[%swap3A_2294, %swap3A_2295], %gather3A_2292 {strides = array<i32>} : memref<4x128xf32, #tpu.memory_space<vmem>>, vector<16xf32>,
      %add3A_2297 = arith.constant 1280 : i32
      %add3A_2298 = vector.broadcast %add3A_2297 : i32 to vector<16xi32>
      %add3A_2299 = arith.addi %mul3A_5, %add3A_2298 : vector<16xi32>
      %gather3A_2300 = tpu.vector_load_idx %arg11[%broadcast_in_dim3A_2256, %add3A_2299] : memref<4x2048xf32, #tpu.memory_space<vmem>>[vector<16xi32>, vector<16xi32>], vector<16xf32>,
      %swap3A_2301 = arith.constant 1 : i32
      %swap3A_2302 = arith.index_cast %swap3A_2301 : i32 to index
      %swap3A_2303 = arith.constant 80 : index
      %swap3A_2304 = tpu.vector_load %arg19[%swap3A_2302, %swap3A_2303] {strides = array<i32>} : memref<4x128xf32, #tpu.memory_space<vmem>>, vector<16xf32>,
      tpu.vector_store %arg19[%swap3A_2302, %swap3A_2303], %gather3A_2300 {strides = array<i32>} : memref<4x128xf32, #tpu.memory_space<vmem>>, vector<16xf32>,
      %add3A_2305 = arith.constant 1536 : i32
      %add3A_2306 = vector.broadcast %add3A_2305 : i32 to vector<16xi32>
      %add3A_2307 = arith.addi %mul3A_5, %add3A_2306 : vector<16xi32>
      %gather3A_2308 = tpu.vector_load_idx %arg11[%broadcast_in_dim3A_2256, %add3A_2307] : memref<4x2048xf32, #tpu.memory_space<vmem>>[vector<16xi32>, vector<16xi32>], vector<16xf32>,
      %swap3A_2309 = arith.constant 1 : i32
      %swap3A_2310 = arith.index_cast %swap3A_2309 : i32 to index
      %swap3A_2311 = arith.constant 96 : index
      %swap3A_2312 = tpu.vector_load %arg19[%swap3A_2310, %swap3A_2311] {strides = array<i32>} : memref<4x128xf32, #tpu.memory_space<vmem>>, vector<16xf32>,
      tpu.vector_store %arg19[%swap3A_2310, %swap3A_2311], %gather3A_2308 {strides = array<i32>} : memref<4x128xf32, #tpu.memory_space<vmem>>, vector<16xf32>,
      %add3A_2313 = arith.constant 1792 : i32
      %add3A_2314 = vector.broadcast %add3A_2313 : i32 to vector<16xi32>
      %add3A_2315 = arith.addi %mul3A_5, %add3A_2314 : vector<16xi32>
      %gather3A_2316 = tpu.vector_load_idx %arg11[%broadcast_in_dim3A_2256, %add3A_2315] : memref<4x2048xf32, #tpu.memory_space<vmem>>[vector<16xi32>, vector<16xi32>], vector<16xf32>,
      %swap3A_2317 = arith.constant 1 : i32
      %swap3A_2318 = arith.index_cast %swap3A_2317 : i32 to index
      %swap3A_2319 = arith.constant 112 : index
      %swap3A_2320 = tpu.vector_load %arg19[%swap3A_2318, %swap3A_2319] {strides = array<i32>} : memref<4x128xf32, #tpu.memory_space<vmem>>, vector<16xf32>,
      tpu.vector_store %arg19[%swap3A_2318, %swap3A_2319], %gather3A_2316 {strides = array<i32>} : memref<4x128xf32, #tpu.memory_space<vmem>>, vector<16xf32>,
      %broadcast_in_dim3A_2321 = arith.constant 2 : i32
      %broadcast_in_dim3A_2322 = vector.broadcast %broadcast_in_dim3A_2321 : i32 to vector<16xi32>
      %add3A_2323 = arith.constant 0 : i32
      %add3A_2324 = vector.broadcast %add3A_2323 : i32 to vector<16xi32>
      %add3A_2325 = arith.addi %mul3A_5, %add3A_2324 : vector<16xi32>
      %gather3A_2326 = tpu.vector_load_idx %arg11[%broadcast_in_dim3A_2322, %add3A_2325] : memref<4x2048xf32, #tpu.memory_space<vmem>>[vector<16xi32>, vector<16xi32>], vector<16xf32>,
      %swap3A_2327 = arith.constant 2 : i32
      %swap3A_2328 = arith.index_cast %swap3A_2327 : i32 to index
      %swap3A_2329 = arith.constant 0 : index
      %swap3A_2330 = tpu.vector_load %arg19[%swap3A_2328, %swap3A_2329] {strides = array<i32>} : memref<4x128xf32, #tpu.memory_space<vmem>>, vector<16xf32>,
      tpu.vector_store %arg19[%swap3A_2328, %swap3A_2329], %gather3A_2326 {strides = array<i32>} : memref<4x128xf32, #tpu.memory_space<vmem>>, vector<16xf32>,
      %add3A_2331 = arith.constant 256 : i32
      %add3A_2332 = vector.broadcast %add3A_2331 : i32 to vector<16xi32>
      %add3A_2333 = arith.addi %mul3A_5, %add3A_2332 : vector<16xi32>
      %gather3A_2334 = tpu.vector_load_idx %arg11[%broadcast_in_dim3A_2322, %add3A_2333] : memref<4x2048xf32, #tpu.memory_space<vmem>>[vector<16xi32>, vector<16xi32>], vector<16xf32>,
      %swap3A_2335 = arith.constant 2 : i32
      %swap3A_2336 = arith.index_cast %swap3A_2335 : i32 to index
      %swap3A_2337 = arith.constant 16 : index
      %swap3A_2338 = tpu.vector_load %arg19[%swap3A_2336, %swap3A_2337] {strides = array<i32>} : memref<4x128xf32, #tpu.memory_space<vmem>>, vector<16xf32>,
      tpu.vector_store %arg19[%swap3A_2336, %swap3A_2337], %gather3A_2334 {strides = array<i32>} : memref<4x128xf32, #tpu.memory_space<vmem>>, vector<16xf32>,
      %add3A_2339 = arith.constant 512 : i32
      %add3A_2340 = vector.broadcast %add3A_2339 : i32 to vector<16xi32>
      %add3A_2341 = arith.addi %mul3A_5, %add3A_2340 : vector<16xi32>
      %gather3A_2342 = tpu.vector_load_idx %arg11[%broadcast_in_dim3A_2322, %add3A_2341] : memref<4x2048xf32, #tpu.memory_space<vmem>>[vector<16xi32>, vector<16xi32>], vector<16xf32>,
      %swap3A_2343 = arith.constant 2 : i32
      %swap3A_2344 = arith.index_cast %swap3A_2343 : i32 to index
      %swap3A_2345 = arith.constant 32 : index
      %swap3A_2346 = tpu.vector_load %arg19[%swap3A_2344, %swap3A_2345] {strides = array<i32>} : memref<4x128xf32, #tpu.memory_space<vmem>>, vector<16xf32>,
      tpu.vector_store %arg19[%swap3A_2344, %swap3A_2345], %gather3A_2342 {strides = array<i32>} : memref<4x128xf32, #tpu.memory_space<vmem>>, vector<16xf32>,
      %add3A_2347 = arith.constant 768 : i32
      %add3A_2348 = vector.broadcast %add3A_2347 : i32 to vector<16xi32>
      %add3A_2349 = arith.addi %mul3A_5, %add3A_2348 : vector<16xi32>
      %gather3A_2350 = tpu.vector_load_idx %arg11[%broadcast_in_dim3A_2322, %add3A_2349] : memref<4x2048xf32, #tpu.memory_space<vmem>>[vector<16xi32>, vector<16xi32>], vector<16xf32>,
      %swap3A_2351 = arith.constant 2 : i32
      %swap3A_2352 = arith.index_cast %swap3A_2351 : i32 to index
      %swap3A_2353 = arith.constant 48 : index
      %swap3A_2354 = tpu.vector_load %arg19[%swap3A_2352, %swap3A_2353] {strides = array<i32>} : memref<4x128xf32, #tpu.memory_space<vmem>>, vector<16xf32>,
      tpu.vector_store %arg19[%swap3A_2352, %swap3A_2353], %gather3A_2350 {strides = array<i32>} : memref<4x128xf32, #tpu.memory_space<vmem>>, vector<16xf32>,
      %add3A_2355 = arith.constant 1024 : i32
      %add3A_2356 = vector.broadcast %add3A_2355 : i32 to vector<16xi32>
      %add3A_2357 = arith.addi %mul3A_5, %add3A_2356 : vector<16xi32>
      %gather3A_2358 = tpu.vector_load_idx %arg11[%broadcast_in_dim3A_2322, %add3A_2357] : memref<4x2048xf32, #tpu.memory_space<vmem>>[vector<16xi32>, vector<16xi32>], vector<16xf32>,
      %swap3A_2359 = arith.constant 2 : i32
      %swap3A_2360 = arith.index_cast %swap3A_2359 : i32 to index
      %swap3A_2361 = arith.constant 64 : index
      %swap3A_2362 = tpu.vector_load %arg19[%swap3A_2360, %swap3A_2361] {strides = array<i32>} : memref<4x128xf32, #tpu.memory_space<vmem>>, vector<16xf32>,
      tpu.vector_store %arg19[%swap3A_2360, %swap3A_2361], %gather3A_2358 {strides = array<i32>} : memref<4x128xf32, #tpu.memory_space<vmem>>, vector<16xf32>,
      %add3A_2363 = arith.constant 1280 : i32
      %add3A_2364 = vector.broadcast %add3A_2363 : i32 to vector<16xi32>
      %add3A_2365 = arith.addi %mul3A_5, %add3A_2364 : vector<16xi32>
      %gather3A_2366 = tpu.vector_load_idx %arg11[%broadcast_in_dim3A_2322, %add3A_2365] : memref<4x2048xf32, #tpu.memory_space<vmem>>[vector<16xi32>, vector<16xi32>], vector<16xf32>,
      %swap3A_2367 = arith.constant 2 : i32
      %swap3A_2368 = arith.index_cast %swap3A_2367 : i32 to index
      %swap3A_2369 = arith.constant 80 : index
      %swap3A_2370 = tpu.vector_load %arg19[%swap3A_2368, %swap3A_2369] {strides = array<i32>} : memref<4x128xf32, #tpu.memory_space<vmem>>, vector<16xf32>,
      tpu.vector_store %arg19[%swap3A_2368, %swap3A_2369], %gather3A_2366 {strides = array<i32>} : memref<4x128xf32, #tpu.memory_space<vmem>>, vector<16xf32>,
      %add3A_2371 = arith.constant 1536 : i32
      %add3A_2372 = vector.broadcast %add3A_2371 : i32 to vector<16xi32>
      %add3A_2373 = arith.addi %mul3A_5, %add3A_2372 : vector<16xi32>
      %gather3A_2374 = tpu.vector_load_idx %arg11[%broadcast_in_dim3A_2322, %add3A_2373] : memref<4x2048xf32, #tpu.memory_space<vmem>>[vector<16xi32>, vector<16xi32>], vector<16xf32>,
      %swap3A_2375 = arith.constant 2 : i32
      %swap3A_2376 = arith.index_cast %swap3A_2375 : i32 to index
      %swap3A_2377 = arith.constant 96 : index
      %swap3A_2378 = tpu.vector_load %arg19[%swap3A_2376, %swap3A_2377] {strides = array<i32>} : memref<4x128xf32, #tpu.memory_space<vmem>>, vector<16xf32>,
      tpu.vector_store %arg19[%swap3A_2376, %swap3A_2377], %gather3A_2374 {strides = array<i32>} : memref<4x128xf32, #tpu.memory_space<vmem>>, vector<16xf32>,
      %add3A_2379 = arith.constant 1792 : i32
      %add3A_2380 = vector.broadcast %add3A_2379 : i32 to vector<16xi32>
      %add3A_2381 = arith.addi %mul3A_5, %add3A_2380 : vector<16xi32>
      %gather3A_2382 = tpu.vector_load_idx %arg11[%broadcast_in_dim3A_2322, %add3A_2381] : memref<4x2048xf32, #tpu.memory_space<vmem>>[vector<16xi32>, vector<16xi32>], vector<16xf32>,
      %swap3A_2383 = arith.constant 2 : i32
      %swap3A_2384 = arith.index_cast %swap3A_2383 : i32 to index
      %swap3A_2385 = arith.constant 112 : index
      %swap3A_2386 = tpu.vector_load %arg19[%swap3A_2384, %swap3A_2385] {strides = array<i32>} : memref<4x128xf32, #tpu.memory_space<vmem>>, vector<16xf32>,
      tpu.vector_store %arg19[%swap3A_2384, %swap3A_2385], %gather3A_2382 {strides = array<i32>} : memref<4x128xf32, #tpu.memory_space<vmem>>, vector<16xf32>,
      %broadcast_in_dim3A_2387 = arith.constant 3 : i32
      %broadcast_in_dim3A_2388 = vector.broadcast %broadcast_in_dim3A_2387 : i32 to vector<16xi32>
      %add3A_2389 = arith.constant 0 : i32
      %add3A_2390 = vector.broadcast %add3A_2389 : i32 to vector<16xi32>
      %add3A_2391 = arith.addi %mul3A_5, %add3A_2390 : vector<16xi32>
      %gather3A_2392 = tpu.vector_load_idx %arg11[%broadcast_in_dim3A_2388, %add3A_2391] : memref<4x2048xf32, #tpu.memory_space<vmem>>[vector<16xi32>, vector<16xi32>], vector<16xf32>,
      %swap3A_2393 = arith.constant 3 : i32
      %swap3A_2394 = arith.index_cast %swap3A_2393 : i32 to index
      %swap3A_2395 = arith.constant 0 : index
      %swap3A_2396 = tpu.vector_load %arg19[%swap3A_2394, %swap3A_2395] {strides = array<i32>} : memref<4x128xf32, #tpu.memory_space<vmem>>, vector<16xf32>,
      tpu.vector_store %arg19[%swap3A_2394, %swap3A_2395], %gather3A_2392 {strides = array<i32>} : memref<4x128xf32, #tpu.memory_space<vmem>>, vector<16xf32>,
      %add3A_2397 = arith.constant 256 : i32
      %add3A_2398 = vector.broadcast %add3A_2397 : i32 to vector<16xi32>
      %add3A_2399 = arith.addi %mul3A_5, %add3A_2398 : vector<16xi32>
      %gather3A_2400 = tpu.vector_load_idx %arg11[%broadcast_in_dim3A_2388, %add3A_2399] : memref<4x2048xf32, #tpu.memory_space<vmem>>[vector<16xi32>, vector<16xi32>], vector<16xf32>,
      %swap3A_2401 = arith.constant 3 : i32
      %swap3A_2402 = arith.index_cast %swap3A_2401 : i32 to index
      %swap3A_2403 = arith.constant 16 : index
      %swap3A_2404 = tpu.vector_load %arg19[%swap3A_2402, %swap3A_2403] {strides = array<i32>} : memref<4x128xf32, #tpu.memory_space<vmem>>, vector<16xf32>,
      tpu.vector_store %arg19[%swap3A_2402, %swap3A_2403], %gather3A_2400 {strides = array<i32>} : memref<4x128xf32, #tpu.memory_space<vmem>>, vector<16xf32>,
      %add3A_2405 = arith.constant 512 : i32
      %add3A_2406 = vector.broadcast %add3A_2405 : i32 to vector<16xi32>
      %add3A_2407 = arith.addi %mul3A_5, %add3A_2406 : vector<16xi32>
      %gather3A_2408 = tpu.vector_load_idx %arg11[%broadcast_in_dim3A_2388, %add3A_2407] : memref<4x2048xf32, #tpu.memory_space<vmem>>[vector<16xi32>, vector<16xi32>], vector<16xf32>,
      %swap3A_2409 = arith.constant 3 : i32
      %swap3A_2410 = arith.index_cast %swap3A_2409 : i32 to index
      %swap3A_2411 = arith.constant 32 : index
      %swap3A_2412 = tpu.vector_load %arg19[%swap3A_2410, %swap3A_2411] {strides = array<i32>} : memref<4x128xf32, #tpu.memory_space<vmem>>, vector<16xf32>,
      tpu.vector_store %arg19[%swap3A_2410, %swap3A_2411], %gather3A_2408 {strides = array<i32>} : memref<4x128xf32, #tpu.memory_space<vmem>>, vector<16xf32>,
      %add3A_2413 = arith.constant 768 : i32
      %add3A_2414 = vector.broadcast %add3A_2413 : i32 to vector<16xi32>
      %add3A_2415 = arith.addi %mul3A_5, %add3A_2414 : vector<16xi32>
      %gather3A_2416 = tpu.vector_load_idx %arg11[%broadcast_in_dim3A_2388, %add3A_2415] : memref<4x2048xf32, #tpu.memory_space<vmem>>[vector<16xi32>, vector<16xi32>], vector<16xf32>,
      %swap3A_2417 = arith.constant 3 : i32
      %swap3A_2418 = arith.index_cast %swap3A_2417 : i32 to index
      %swap3A_2419 = arith.constant 48 : index
      %swap3A_2420 = tpu.vector_load %arg19[%swap3A_2418, %swap3A_2419] {strides = array<i32>} : memref<4x128xf32, #tpu.memory_space<vmem>>, vector<16xf32>,
      tpu.vector_store %arg19[%swap3A_2418, %swap3A_2419], %gather3A_2416 {strides = array<i32>} : memref<4x128xf32, #tpu.memory_space<vmem>>, vector<16xf32>,
      %add3A_2421 = arith.constant 1024 : i32
      %add3A_2422 = vector.broadcast %add3A_2421 : i32 to vector<16xi32>
      %add3A_2423 = arith.addi %mul3A_5, %add3A_2422 : vector<16xi32>
      %gather3A_2424 = tpu.vector_load_idx %arg11[%broadcast_in_dim3A_2388, %add3A_2423] : memref<4x2048xf32, #tpu.memory_space<vmem>>[vector<16xi32>, vector<16xi32>], vector<16xf32>,
      %swap3A_2425 = arith.constant 3 : i32
      %swap3A_2426 = arith.index_cast %swap3A_2425 : i32 to index
      %swap3A_2427 = arith.constant 64 : index
      %swap3A_2428 = tpu.vector_load %arg19[%swap3A_2426, %swap3A_2427] {strides = array<i32>} : memref<4x128xf32, #tpu.memory_space<vmem>>, vector<16xf32>,
      tpu.vector_store %arg19[%swap3A_2426, %swap3A_2427], %gather3A_2424 {strides = array<i32>} : memref<4x128xf32, #tpu.memory_space<vmem>>, vector<16xf32>,
      %add3A_2429 = arith.constant 1280 : i32
      %add3A_2430 = vector.broadcast %add3A_2429 : i32 to vector<16xi32>
      %add3A_2431 = arith.addi %mul3A_5, %add3A_2430 : vector<16xi32>
      %gather3A_2432 = tpu.vector_load_idx %arg11[%broadcast_in_dim3A_2388, %add3A_2431] : memref<4x2048xf32, #tpu.memory_space<vmem>>[vector<16xi32>, vector<16xi32>], vector<16xf32>,
      %swap3A_2433 = arith.constant 3 : i32
      %swap3A_2434 = arith.index_cast %swap3A_2433 : i32 to index
      %swap3A_2435 = arith.constant 80 : index
      %swap3A_2436 = tpu.vector_load %arg19[%swap3A_2434, %swap3A_2435] {strides = array<i32>} : memref<4x128xf32, #tpu.memory_space<vmem>>, vector<16xf32>,
      tpu.vector_store %arg19[%swap3A_2434, %swap3A_2435], %gather3A_2432 {strides = array<i32>} : memref<4x128xf32, #tpu.memory_space<vmem>>, vector<16xf32>,
      %add3A_2437 = arith.constant 1536 : i32
      %add3A_2438 = vector.broadcast %add3A_2437 : i32 to vector<16xi32>
      %add3A_2439 = arith.addi %mul3A_5, %add3A_2438 : vector<16xi32>
      %gather3A_2440 = tpu.vector_load_idx %arg11[%broadcast_in_dim3A_2388, %add3A_2439] : memref<4x2048xf32, #tpu.memory_space<vmem>>[vector<16xi32>, vector<16xi32>], vector<16xf32>,
      %swap3A_2441 = arith.constant 3 : i32
      %swap3A_2442 = arith.index_cast %swap3A_2441 : i32 to index
      %swap3A_2443 = arith.constant 96 : index
      %swap3A_2444 = tpu.vector_load %arg19[%swap3A_2442, %swap3A_2443] {strides = array<i32>} : memref<4x128xf32, #tpu.memory_space<vmem>>, vector<16xf32>,
      tpu.vector_store %arg19[%swap3A_2442, %swap3A_2443], %gather3A_2440 {strides = array<i32>} : memref<4x128xf32, #tpu.memory_space<vmem>>, vector<16xf32>,
      %add3A_2445 = arith.constant 1792 : i32
      %add3A_2446 = vector.broadcast %add3A_2445 : i32 to vector<16xi32>
      %add3A_2447 = arith.addi %mul3A_5, %add3A_2446 : vector<16xi32>
      %gather3A_2448 = tpu.vector_load_idx %arg11[%broadcast_in_dim3A_2388, %add3A_2447] : memref<4x2048xf32, #tpu.memory_space<vmem>>[vector<16xi32>, vector<16xi32>], vector<16xf32>,
      %swap3A_2449 = arith.constant 3 : i32
      %swap3A_2450 = arith.index_cast %swap3A_2449 : i32 to index
      %swap3A_2451 = arith.constant 112 : index
      %swap3A_2452 = tpu.vector_load %arg19[%swap3A_2450, %swap3A_2451] {strides = array<i32>} : memref<4x128xf32, #tpu.memory_space<vmem>>, vector<16xf32>,
      tpu.vector_store %arg19[%swap3A_2450, %swap3A_2451], %gather3A_2448 {strides = array<i32>} : memref<4x128xf32, #tpu.memory_space<vmem>>, vector<16xf32>,
      %mul3A_2453 = arith.constant 4 : i32
      %mul3A_2454 = arith.muli %add3A_2167, %mul3A_2453 : i32
      %add3A_2455 = arith.addi %mul3A_2, %mul3A_2454 : i32
      %dma_start3A_2456 = arith.constant 0 : i32
      %dma_start3A_2457 = tpu.memref_slice %arg3[%add3A_2455, %dma_start3A_2456] : memref<16384x128xf32, #tpu.memory_space<hbm>> -> memref<4x128xf32, #tpu.memory_space<hbm>>
      %dma_start3A_2458 = arith.constant 0 : i32
      %dma_start3A_2459 = tpu.memref_slice %arg3[%add3A_2455, %dma_start3A_2458] : memref<16384x128xf32, #tpu.memory_space<hbm>> -> memref<4x128xf32, #tpu.memory_space<hbm>>
      tpu.enqueue_dma source(%arg19 : memref<4x128xf32, #tpu.memory_space<vmem>>) target(%dma_start3A_2459 : memref<4x128xf32, #tpu.memory_space<hbm>>) target_semaphore(%arg35 : memref<!tpu.dma_semaphore, #tpu.memory_space<semaphore_mem>>)
    }
    %scan3A_51 = arith.constant 16 : i32
    %add3A_52 = arith.constant 480 : i32
    %add3A_53 = arith.addi %mul3A_2, %add3A_52 : i32
    %dma_wait3A = arith.constant 0 : i32
    %dma_wait3A_54 = tpu.memref_slice %arg3[%add3A_53, %dma_wait3A] : memref<16384x128xf32, #tpu.memory_space<hbm>> -> memref<4x128xf32, #tpu.memory_space<hbm>>
    %dma_wait3A_55 = arith.constant 0 : i32
    %dma_wait3A_56 = tpu.memref_slice %arg3[%add3A_53, %dma_wait3A_55] : memref<16384x128xf32, #tpu.memory_space<hbm>> -> memref<4x128xf32, #tpu.memory_space<hbm>>
    tpu.wait_dma2 semaphore(%arg28 : memref<!tpu.dma_semaphore, #tpu.memory_space<semaphore_mem>>) src(%arg12 : memref<4x128xf32, #tpu.memory_space<vmem>>) dst(%dma_wait3A_56 : memref<4x128xf32, #tpu.memory_space<hbm>>)
    %add3A_57 = arith.constant 484 : i32
    %add3A_58 = arith.addi %mul3A_2, %add3A_57 : i32
    %dma_wait3A_59 = arith.constant 0 : i32
    %dma_wait3A_60 = tpu.memref_slice %arg3[%add3A_58, %dma_wait3A_59] : memref<16384x128xf32, #tpu.memory_space<hbm>> -> memref<4x128xf32, #tpu.memory_space<hbm>>
    %dma_wait3A_61 = arith.constant 0 : i32
    %dma_wait3A_62 = tpu.memref_slice %arg3[%add3A_58, %dma_wait3A_61] : memref<16384x128xf32, #tpu.memory_space<hbm>> -> memref<4x128xf32, #tpu.memory_space<hbm>>
    tpu.wait_dma2 semaphore(%arg29 : memref<!tpu.dma_semaphore, #tpu.memory_space<semaphore_mem>>) src(%arg13 : memref<4x128xf32, #tpu.memory_space<vmem>>) dst(%dma_wait3A_62 : memref<4x128xf32, #tpu.memory_space<hbm>>)
    %add3A_63 = arith.constant 488 : i32
    %add3A_64 = arith.addi %mul3A_2, %add3A_63 : i32
    %dma_wait3A_65 = arith.constant 0 : i32
    %dma_wait3A_66 = tpu.memref_slice %arg3[%add3A_64, %dma_wait3A_65] : memref<16384x128xf32, #tpu.memory_space<hbm>> -> memref<4x128xf32, #tpu.memory_space<hbm>>
    %dma_wait3A_67 = arith.constant 0 : i32
    %dma_wait3A_68 = tpu.memref_slice %arg3[%add3A_64, %dma_wait3A_67] : memref<16384x128xf32, #tpu.memory_space<hbm>> -> memref<4x128xf32, #tpu.memory_space<hbm>>
    tpu.wait_dma2 semaphore(%arg30 : memref<!tpu.dma_semaphore, #tpu.memory_space<semaphore_mem>>) src(%arg14 : memref<4x128xf32, #tpu.memory_space<vmem>>) dst(%dma_wait3A_68 : memref<4x128xf32, #tpu.memory_space<hbm>>)
    %add3A_69 = arith.constant 492 : i32
    %add3A_70 = arith.addi %mul3A_2, %add3A_69 : i32
    %dma_wait3A_71 = arith.constant 0 : i32
    %dma_wait3A_72 = tpu.memref_slice %arg3[%add3A_70, %dma_wait3A_71] : memref<16384x128xf32, #tpu.memory_space<hbm>> -> memref<4x128xf32, #tpu.memory_space<hbm>>
    %dma_wait3A_73 = arith.constant 0 : i32
    %dma_wait3A_74 = tpu.memref_slice %arg3[%add3A_70, %dma_wait3A_73] : memref<16384x128xf32, #tpu.memory_space<hbm>> -> memref<4x128xf32, #tpu.memory_space<hbm>>
    tpu.wait_dma2 semaphore(%arg31 : memref<!tpu.dma_semaphore, #tpu.memory_space<semaphore_mem>>) src(%arg15 : memref<4x128xf32, #tpu.memory_space<vmem>>) dst(%dma_wait3A_74 : memref<4x128xf32, #tpu.memory_space<hbm>>)
    %add3A_75 = arith.constant 496 : i32
    %add3A_76 = arith.addi %mul3A_2, %add3A_75 : i32
    %dma_wait3A_77 = arith.constant 0 : i32
    %dma_wait3A_78 = tpu.memref_slice %arg3[%add3A_76, %dma_wait3A_77] : memref<16384x128xf32, #tpu.memory_space<hbm>> -> memref<4x128xf32, #tpu.memory_space<hbm>>
    %dma_wait3A_79 = arith.constant 0 : i32
    %dma_wait3A_80 = tpu.memref_slice %arg3[%add3A_76, %dma_wait3A_79] : memref<16384x128xf32, #tpu.memory_space<hbm>> -> memref<4x128xf32, #tpu.memory_space<hbm>>
    tpu.wait_dma2 semaphore(%arg32 : memref<!tpu.dma_semaphore, #tpu.memory_space<semaphore_mem>>) src(%arg16 : memref<4x128xf32, #tpu.memory_space<vmem>>) dst(%dma_wait3A_80 : memref<4x128xf32, #tpu.memory_space<hbm>>)
    %add3A_81 = arith.constant 500 : i32
    %add3A_82 = arith.addi %mul3A_2, %add3A_81 : i32
    %dma_wait3A_83 = arith.constant 0 : i32
    %dma_wait3A_84 = tpu.memref_slice %arg3[%add3A_82, %dma_wait3A_83] : memref<16384x128xf32, #tpu.memory_space<hbm>> -> memref<4x128xf32, #tpu.memory_space<hbm>>
    %dma_wait3A_85 = arith.constant 0 : i32
    %dma_wait3A_86 = tpu.memref_slice %arg3[%add3A_82, %dma_wait3A_85] : memref<16384x128xf32, #tpu.memory_space<hbm>> -> memref<4x128xf32, #tpu.memory_space<hbm>>
    tpu.wait_dma2 semaphore(%arg33 : memref<!tpu.dma_semaphore, #tpu.memory_space<semaphore_mem>>) src(%arg17 : memref<4x128xf32, #tpu.memory_space<vmem>>) dst(%dma_wait3A_86 : memref<4x128xf32, #tpu.memory_space<hbm>>)
    %add3A_87 = arith.constant 504 : i32
    %add3A_88 = arith.addi %mul3A_2, %add3A_87 : i32
    %dma_wait3A_89 = arith.constant 0 : i32
    %dma_wait3A_90 = tpu.memref_slice %arg3[%add3A_88, %dma_wait3A_89] : memref<16384x128xf32, #tpu.memory_space<hbm>> -> memref<4x128xf32, #tpu.memory_space<hbm>>
    %dma_wait3A_91 = arith.constant 0 : i32
    %dma_wait3A_92 = tpu.memref_slice %arg3[%add3A_88, %dma_wait3A_91] : memref<16384x128xf32, #tpu.memory_space<hbm>> -> memref<4x128xf32, #tpu.memory_space<hbm>>
    tpu.wait_dma2 semaphore(%arg34 : memref<!tpu.dma_semaphore, #tpu.memory_space<semaphore_mem>>) src(%arg18 : memref<4x128xf32, #tpu.memory_space<vmem>>) dst(%dma_wait3A_92 : memref<4x128xf32, #tpu.memory_space<hbm>>)
    %add3A_93 = arith.constant 508 : i32
    %add3A_94 = arith.addi %mul3A_2, %add3A_93 : i32
    %dma_wait3A_95 = arith.constant 0 : i32
    %dma_wait3A_96 = tpu.memref_slice %arg3[%add3A_94, %dma_wait3A_95] : memref<16384x128xf32, #tpu.memory_space<hbm>> -> memref<4x128xf32, #tpu.memory_space<hbm>>
    %dma_wait3A_97 = arith.constant 0 : i32
    %dma_wait3A_98 = tpu.memref_slice %arg3[%add3A_94, %dma_wait3A_97] : memref<16384x128xf32, #tpu.memory_space<hbm>> -> memref<4x128xf32, #tpu.memory_space<hbm>>
    tpu.wait_dma2 semaphore(%arg35 : memref<!tpu.dma_semaphore, #tpu.memory_space<semaphore_mem>>) src(%arg19 : memref<4x128xf32, #tpu.memory_space<vmem>>) dst(%dma_wait3A_98 : memref<4x128xf32, #tpu.memory_space<hbm>>)
    return
  }
}

</mosaic_0001>

<sc_bundles>
// kernel: kernel.3.cloned.1.call-start
scs
__scs_entry_jumppad:
0x0: {  	(pc) =	sbr.rel $0x88, $3  }
0x1: {  	(tag) =	ssettag $0x0;
	lr =	simm.s32 $0x1  }
0x2: {  	[smem:$0x3FA0] =	sst lr;
	_ =	strace $0xD0000000  }
0x3: {  	_ = 	snop  }
0x4: {  	_ = 	snop  }
0x5: {  	_ = 	snop  }
0x6: {  	_ = 	snop  }
0x7: {  	_ = 	snop  }
__scs_overlays_trampoline_lowered:
0x8: {  	[smem:$0x3FAF] =	sst s0  }
0x9: {  	[smem:$0x3FB0] =	sst s1  }
0xa: {  	[smem:$0x3FB1] =	sst s2  }
0xb: {  	[smem:$0x3FB2] =	sst s3  }
0xc: {  	[smem:$0x3FB3] =	sst s4  }
0xd: {  	[smem:$0x3FB4] =	sst s5  }
0xe: {  	[smem:$0x3FB5] =	sst s6  }
0xf: {  	[smem:$0x3FB6] =	sst s7  }
0x10: {  	[smem:$0x3FB7] =	sst s8  }
0x11: {  	[smem:$0x3FB8] =	sst s9;
	s0 =	simm.s32 @!p0 $0x0  }
0x12: {  	s1 =	sld [smem:$0x3F9E];
	s0 =	simm.s32 @p0 $0x1  }
0x13: {  	[smem:$0x3FB9] =	sst s0;
	s0 =	simm.s32 @!p1 $0x0  }
0x14: {  	s2 =	sld [smem:$0x3F9D];
	s0 =	simm.s32 @p1 $0x1  }
0x15: {  	[smem:$0x3FBA] =	sst s0;
	s0 =	simm.s32 @!p2 $0x0  }
0x16: {  	s3 =	sld [smem:$0x3FDB];
	s0 =	simm.s32 @p2 $0x1  }
0x17: {  	s4 =	simm.s32 $0x1BF5;
	[smem:$0x3FBC] =	sst s0  }
0x18: {  	s0 =	sld [smem:$0x3F9F];
	_ =	swait.ge [sflag:s4], $0x0  }
0x19: {  	s7 =	sld [smem:$0x3FA0]  }
0x1a: {  	s8 =	sadd.s32 $0xFFFFE003, lr  }
0x1b: {  	s9 =	sadd.s32 $0xFFFFFEF7, lr;
	s5 =	simm.s32 $0xFFFFFFFF;
	p2 =	slt.u32 s8, $0xFFFFF086  }
0x1c: {  	p1 =	slt.u32 s9, $0xF7A;
	s5 =	simm.s32 @!p2 $0x0  }
0x1d: {  	s5 =	simm.s32 @p1 $0x1;
	p0 =	seq.s32 s7, s2  }
0x1e: {  	s7 =	smul.u32 @!p0 $0xF7A, s2;
	p2 =	seq.s32 @!p0 s5, $0x0  }
0x1f: {  	s9 =	smul.u32 $0xF7A, s1;
	s8 =	simm.s32 @!p0 $0x1BF5;
	p2 =	por !p2, p0  }
0x20: {  	[sflag:s8] =	ssyncset.s32 @!p0 $0xFFFFF086;
	s6 =	sadd.s32 @!p0 s3, s7;
	s7 =	simm.s32 @!p0 $0x108  }
0x21: {  	s3 =	sadd.s32 s3, s9;
	s6 =	sadd.s32 @!p0 $0x88, s6;
	s7 =	simm.s32 @p2 $0x1082  }
0x22: {  	[simem:s7], [sflag:s8] =	dma.local @!p0 [hbm:s6], $0xF7A  }
0x23: {  	s9 =	sor.u32 $0xD0000000, s2;
	s6 =	simm.s32 $0x108;
	_ =	swait.ge @!p0 [sflag:s8], $0x0  }
0x24: {  	s3 =	sadd.s32 $0x88, s3;
	s6 =	simm.s32 @!p1 $0x1082;
	[sflag:s4] =	ssyncset.s32 $0xFFFFF086  }
0x25: {  	[simem:s6], [sflag:s4] =	dma.local [hbm:s3], $0xF7A  }
0x26: {  	[smem:$0x3FA0] =	sst s1;
	(tag) =	ssettag s2;
	_ =	strace s9  }
0x27: {  	s1 =	sld [smem:$0x3FB0]  }
0x28: {  	s2 =	sld [smem:$0x3FB1]  }
0x29: {  	s4 =	sld [smem:$0x3FB3]  }
0x2a: {  	p0 =	seq.s32 s5, $0x0;
	s5 =	sld [smem:$0x3FB4]  }
0x2b: {  	s6 =	sld [smem:$0x3FB5]  }
0x2c: {  	s7 =	sld [smem:$0x3FB6]  }
0x2d: {  	s3 =	simm.s32 $0x108;
	s8 =	sld [smem:$0x3FB7]  }
0x2e: {  	s3 =	simm.s32 @!p0 $0x1082;
	s9 =	sld [smem:$0x3FB8]  }
0x2f: {  	lr =	sadd.s32 s0, s3;
	s0 =	sld [smem:$0x3FAF]  }
0x30: {  	s3 =	sld [smem:$0x3FB2]  }
0x31: {  	[smem:$0x3FBB] =	sst s10  }
0x32: {  	s10 =	sld [smem:$0x3FB9];
	_ =	sdelay $0x3  }
0x33: {  	p0 =	seq.s32 s10, $0x1;
	s10 =	sld [smem:$0x3FBB];
	_ =	sdelay $0x3  }
0x34: {  	[smem:$0x3FBB] =	sst s10  }
0x35: {  	s10 =	sld [smem:$0x3FBA];
	_ =	sdelay $0x3  }
0x36: {  	p1 =	seq.s32 s10, $0x1;
	s10 =	sld [smem:$0x3FBB];
	_ =	sdelay $0x3  }
0x37: {  	[smem:$0x3FBB] =	sst s10  }
0x38: {  	s10 =	sld [smem:$0x3FBC]  }
0x39: {  	_ = 	snop;
	(pc) =	sbr.ind lr, $3  }
0x3a: {  	_ = 	snop  }
0x3b: {  	_ = 	snop  }
0x3c: {  	p2 =	seq.s32 s10, $0x1;
	s10 =	sld [smem:$0x3FBB]  }
0x3d: {  	_ =	shalt  }
0x3e: {  	_ =	shalt  }
0x3f: {  	_ =	shalt  }
0x40: {  	_ =	shalt  }
0x41: {  	_ =	shalt  }
0x42: {  	_ =	shalt  }
0x43: {  	_ =	shalt  }
0x44: {  	_ =	shalt  }
0x45: {  	_ =	shalt  }
0x46: {  	_ =	shalt  }
0x47: {  	_ =	shalt  }
0x48: {  	_ =	shalt  }
0x49: {  	_ =	shalt  }
0x4a: {  	_ =	shalt  }
0x4b: {  	_ =	shalt  }
0x4c: {  	_ =	shalt  }
0x4d: {  	_ =	shalt  }
0x4e: {  	_ =	shalt  }
0x4f: {  	_ =	shalt  }
0x50: {  	_ =	shalt  }
0x51: {  	_ =	shalt  }
0x52: {  	_ =	shalt  }
0x53: {  	_ =	shalt  }
0x54: {  	_ =	shalt  }
0x55: {  	_ =	shalt  }
0x56: {  	_ =	shalt  }
0x57: {  	_ =	shalt  }
0x58: {  	_ =	shalt  }
0x59: {  	_ =	shalt  }
0x5a: {  	_ =	shalt  }
0x5b: {  	_ =	shalt  }
0x5c: {  	_ =	shalt  }
0x5d: {  	_ =	shalt  }
0x5e: {  	_ =	shalt  }
0x5f: {  	_ =	shalt  }
0x60: {  	_ =	shalt  }
0x61: {  	_ =	shalt  }
0x62: {  	_ =	shalt  }
0x63: {  	_ =	shalt  }
0x64: {  	_ =	shalt  }
0x65: {  	_ =	shalt  }
0x66: {  	_ =	shalt  }
0x67: {  	_ =	shalt  }
0x68: {  	_ =	shalt  }
0x69: {  	_ =	shalt  }
0x6a: {  	_ =	shalt  }
0x6b: {  	_ =	shalt  }
0x6c: {  	_ =	shalt  }
0x6d: {  	_ =	shalt  }
0x6e: {  	_ =	shalt  }
0x6f: {  	_ =	shalt  }
0x70: {  	_ =	shalt  }
0x71: {  	_ =	shalt  }
0x72: {  	_ =	shalt  }
0x73: {  	_ =	shalt  }
0x74: {  	_ =	shalt  }
0x75: {  	_ =	shalt  }
0x76: {  	_ =	shalt  }
0x77: {  	_ =	shalt  }
0x78: {  	_ =	shalt  }
0x79: {  	_ =	shalt  }
0x7a: {  	_ =	shalt  }
0x7b: {  	_ =	shalt  }
0x7c: {  	_ =	shalt  }
0x7d: {  	_ =	shalt  }
0x7e: {  	_ =	shalt  }
0x7f: {  	_ =	shalt  }
0x80: {  	_ =	shalt  }
0x81: {  	_ =	shalt  }
0x82: {  	_ =	shalt  }
0x83: {  	_ =	shalt  }
0x84: {  	_ =	shalt  }
0x85: {  	_ =	shalt  }
0x86: {  	_ =	shalt  }
0x87: {  	_ =	shalt  }
.Lfunc_end0:
.L_simem_size_0:
called_computation_lowered:
.L_overlay_start_0:
0x88: {  	s2 =	sld [smem:$0x3FD9]  }
0x89: {  	s3 =	sld [smem:$0x3FFE];
	_ =	sdelay $0x1  }
0x8a: {  	s1 =	srdreg.scid  }
0x8b: {  	s0 =	sand.u32 $0x1, s1  }
0x8c: {  	s18 =	sshll.u32 s0, $0xA;
	s2 =	sadd.s32 s3, s2  }
0x8d: {  	s2 =	sadd.s32 s2, s18  }
0x8e: {  	[smem:$0x3FC7] =	sst s2  }
0x8f: {  	_ = 	snop  }
0x90: {  	s2 =	sld [smem:$0x3FC9]  }
0x91: {  	s19 =	sld [smem:$0x3FD0];
	(tm) =	ssettm $0x1  }
0x92: {  	s4 =	sld [smem:$0x3FFB];
	_ =	sdelay $0x3  }
0x93: {  	_ =	strace s4  }
0x94: {  	s4 =	sld [smem:$0x3FFC];
	_ =	sdelay $0x3  }
0x95: {  	_ =	strace s4  }
0x96: {  	s4 =	sld [smem:$0x3FFD];
	_ =	sdelay $0x3  }
0x97: {  	_ =	strace s4  }
0x98: {  	_ =	strace $0x8FFFFFFF  }
0x99: {  	s20 =	sld [smem:$0x3FDB];
	_ =	sdelay $0x1  }
0x9a: {  	s5 =	simm.s32 $_scs_section_size  }
0x9b: {  	s6 =	simm.s32 $_size__tile_overlayer_lowered;
	s7 =	simm.s32 $_tile_overlayer_lowered  }
0x9c: {  	s23 =	simm.s32 $0x1BFF;
	s22 =	sshll.u32 s7, $0x1;
	s4 =	sadd.s32 s5, s20  }
0x9d: {  	s8 =	simm.s32 $0x0;
	s21 =	sshll.u32 s6, $0x1;
	s6 =	sadd.s32 s22, s4  }
0x9e: {  	[timem:s8], [sflag:s23] =	dma.local [hbm:s6], s21  }
0x9f: {  	_ =	swait.ge [sflag:s23], s21  }
0xa0: {  	s5 =	ssub.s32 $0x0, s21;
	[sflag:s23] =	ssyncset.done $0x0  }
0xa1: {  	[sflag:s23] =	ssyncadd.s32 s5;
	_ =	sdelay $0x1  }
0xa2: {  	s24 =	simm.s32 $0x1B8B  }
0xa3: {  	_ =	swait.ge [sflag:s24], $0x1  }
0xa4: {  	[sflag:s24] =	ssyncset.done $0x0  }
0xa5: {  	s25 =	simm.s32 $0x1B8E;
	[sflag:s24] =	ssyncadd.s32 $0xFFFFFFFF  }
0xa6: {  	s26 =	simm.s32 $execute0_lowered;
	[smem:$0x3FD2] =	sst s25  }
0xa7: {  	s5 =	sshll.u32 s26, $0x1;
	_ =	strace $0x80000046;
	[dreg:$0x1] =	wrdreg $0xFFFFFFFF  }
0xa8: {  	s28 =	simm.s32 $_size_execute0_lowered;
	s4 =	sadd.s32 s4, s5;
	[dreg:$0x0] =	wrdreg $0x0  }
0xa9: {  	s5 =	sshll.u32 s28, $0x1;
	[dreg:$0x2] =	wrdreg s4  }
0xaa: {  	[dreg:$0x3] =	wrdreg s5  }
0xab: {  	[dreg:$0x4] =	wrdreg $0xC0  }
0xac: {  	_ =	task [dreg:s8], $0x5FFFF  }
0xad: {  	[dreg:$0x1] =	wrdreg $0xFFFFFFFF  }
0xae: {  	[dreg:$0x0] =	wrdreg $0x60  }
0xaf: {  	[dreg:$0x2] =	wrdreg s2  }
0xb0: {  	[dreg:$0x3] =	wrdreg s19  }
0xb1: {  	[dreg:$0x4] =	wrdreg $0x9  }
0xb2: {  	_ =	task.clear_ibuf [dreg:s8], $0x5FFFF;
	_ =	strace $0x90000046  }
0xb3: {  	s29 =	simm.s32 $0x9;
	_ =	strace $0x80000048  }
0xb4: {  	_ =	swait.ge [sflag:s29], $0x1  }
0xb5: {  	[sflag:s29] =	ssyncadd.s32 $0xFFFFFFFF  }
0xb6: {  	_ =	strace $0x90000048  }
0xb7: {  	_ =	sfence  }
0xb8: {  	s30 =	sld [smem:$0x0];
	_ =	sdelay $0x2  }
0xb9: {  	s31 =	sshll.u32 s1, $0xD;
	s1 =	sshrl.u32 s1, $0x2  }
0xba: {  	s3 =	sand.u32 $0x4000, s31;
	s1 =	sadd.s32 s1, s30  }
0xbb: {  	s0 =	sor.u32 s3, s0;
	s1 =	sshll.u32 s1, $0x11  }
0xbc: {  	s0 =	sor.u32 s1, s0  }
0xbd: {  	s0 =	sadd.s32 $0x8F2B, s0  }
0xbe: {  	[sflag:s0] =	ssyncadd.remote.s32 $0x1  }
0xbf: {  	_ =	sfence.sel $0xFFFF  }
0xc0: {  	[dreg:$0x0] =	wrdreg $0xFFFFFFFF;
	(pc) =	sbr.abs _section_cstart, $3  }
0xc1: {  	[dreg:$0x1] =	wrdreg $0xFFFFFFFF  }
0xc2: {  	_ =	task.clear_ibuf [dreg:s8], $0x2FFFF;
	_ =	strace $0x9FFFFFFF  }
0xc3: {  	(tm) =	ssettm $0x7FFFFFFF  }
tec
execute0_lowered:
.L_overlay_start_1:
0x0: {  	(tag) =	ssettag $0x1  }
0x1: {  	v0 =	vimm.s32 $0x30201000;
	vm0 =	vcmask $0xF00;
	v1 =	vimm.s32 $0x70605040  }
0x2: {  	vm4 =	vcmask $0x1F10;
	v2 =	vimm.s32 $0x670;
	v3 =	vimm.s32 $0xB0A09080  }
0x3: {  	vm2 =	vcmask $0x300;
	v4 =	vimm.s32 $0xF0E0D0C0;
	vm3 =	vcmask $0x704  }
0x4: {  	vm1 =	vcmask $0xB08;
	vm14 =	vcmask $0xF0C;
	v5 =	vimm.s32 $0x1270  }
0x5: {  	v6 =	vimm.s32 $0x1670;
	v7 =	vimm.s32 $0x1A70;
	v8 =	vimm.s32 $0x1E70  }
0x6: {  	v9 =	vimm.s32 $0x6F0;
	v10 =	vimm.s32 $0xAF0;
	v11 =	vimm.s32 $0xEF0  }
0x7: {  	v12 =	vimm.s32 $0x12F0;
	v13 =	vimm.s32 $0x16F0;
	v14 =	vimm.s32 $0x1AF0  }
0x8: {  	v15 =	vimm.s32 $0x1EF0;
	v16 =	vimm.s32 $0x370;
	v17 =	vimm.s32 $0x770  }
0x9: {  	v18 =	vimm.s32 $0xB70;
	v19 =	vimm.s32 $0xF70;
	v20 =	vimm.s32 $0x1370  }
0xa: {  	v21 =	vimm.s32 $0x1770;
	v22 =	vimm.s32 $0x1B70;
	v23 =	vimm.s32 $0x1F70  }
0xb: {  	v24 =	vimm.s32 $0x3F0;
	v25 =	vimm.s32 $0x7F0;
	v26 =	vimm.s32 $0xBF0  }
0xc: {  	v27 =	vimm.s32 $0xFF0;
	v28 =	vimm.s32 $0x13F0;
	v29 =	vimm.s32 $0x17F0  }
0xd: {  	v30 =	vimm.s32 $0x1BF0;
	v31 =	vimm.s32 $0x1FF0;
	vm15 =	vcmask $0x1310  }
0xe: {  	vm6 =	vcmask $0x1714;
	vm7 =	vcmask $0x1B18;
	vm8 =	vcmask $0x2320  }
0xf: {  	vm9 =	vcmask $0x1F1C;
	vm10 =	vcmask $0x2724;
	vm11 =	vcmask $0x2B28  }
0x10: {  	vm12 =	vcmask $0x2F2C;
	vm13 =	vcmask $0x3330;
	v0 =	vunpack.c.0.s8.s32 v0  }
0x11: {  	v1 =	vunpack.c.0.s8.s32 v1;
	v3 =	vunpack.c.0.s8.s32 v3;
	v2 =	vsel vm2, $0x400, v2  }
0x12: {  	v4 =	vunpack.c.0.s8.s32 v4;
	v5 =	vsel vm2, $0x1000, v5;
	v6 =	vsel vm2, $0x1400, v6  }
0x13: {  	v7 =	vsel vm2, $0x1800, v7;
	v8 =	vsel vm2, $0x1C00, v8;
	v9 =	vsel vm2, $0x480, v9  }
0x14: {  	v10 =	vsel vm2, $0x880, v10;
	v11 =	vsel vm2, $0xC80, v11;
	v12 =	vsel vm2, $0x1080, v12  }
0x15: {  	v13 =	vsel vm2, $0x1480, v13;
	v14 =	vsel vm2, $0x1880, v14;
	v15 =	vsel vm2, $0x1C80, v15  }
0x16: {  	v16 =	vsel vm2, $0x100, v16;
	v17 =	vsel vm2, $0x500, v17;
	v18 =	vsel vm2, $0x900, v18  }
0x17: {  	v19 =	vsel vm2, $0xD00, v19;
	v20 =	vsel vm2, $0x1100, v20;
	v21 =	vsel vm2, $0x1500, v21  }
0x18: {  	v22 =	vsel vm2, $0x1900, v22;
	v23 =	vsel vm2, $0x1D00, v23;
	v24 =	vsel vm2, $0x180, v24  }
0x19: {  	v25 =	vsel vm2, $0x580, v25;
	v26 =	vsel vm2, $0x980, v26;
	v27 =	vsel vm2, $0xD80, v27  }
0x1a: {  	v28 =	vsel vm2, $0x1180, v28;
	v29 =	vsel vm2, $0x1580, v29;
	v30 =	vsel vm2, $0x1980, v30  }
0x1b: {  	v31 =	vsel vm2, $0x1D80, v31;
	v5 =	vsel vm3, $0x1010, v5;
	v6 =	vsel vm3, $0x1410, v6  }
0x1c: {  	v7 =	vsel vm3, $0x1810, v7;
	v8 =	vsel vm3, $0x1C10, v8;
	v9 =	vsel vm3, $0x490, v9  }
0x1d: {  	v10 =	vsel vm3, $0x890, v10;
	v11 =	vsel vm3, $0xC90, v11;
	v12 =	vsel vm3, $0x1090, v12  }
0x1e: {  	v13 =	vsel vm3, $0x1490, v13;
	v14 =	vsel vm3, $0x1890, v14;
	v15 =	vsel vm3, $0x1C90, v15  }
0x1f: {  	v16 =	vsel vm3, $0x110, v16;
	v17 =	vsel vm3, $0x510, v17;
	v18 =	vsel vm3, $0x910, v18  }
0x20: {  	v19 =	vsel vm3, $0xD10, v19;
	v20 =	vsel vm3, $0x1110, v20;
	v21 =	vsel vm3, $0x1510, v21  }
0x21: {  	v22 =	vsel vm3, $0x1910, v22;
	v23 =	vsel vm3, $0x1D10, v23;
	v24 =	vsel vm3, $0x190, v24  }
0x22: {  	v25 =	vsel vm3, $0x590, v25;
	v26 =	vsel vm3, $0x990, v26;
	v27 =	vsel vm3, $0xD90, v27  }
0x23: {  	v28 =	vsel vm3, $0x1190, v28;
	v29 =	vsel vm3, $0x1590, v29;
	v30 =	vsel vm3, $0x1990, v30  }
0x24: {  	v31 =	vsel vm3, $0x1D90, v31;
	v0 =	vnsel vm0, $0x270, v0;
	v5 =	vsel vm1, $0x1020, v5  }
0x25: {  	v6 =	vsel vm1, $0x1420, v6;
	v7 =	vsel vm1, $0x1820, v7;
	v8 =	vsel vm1, $0x1C20, v8  }
0x26: {  	v9 =	vsel vm1, $0x4A0, v9;
	v10 =	vsel vm1, $0x8A0, v10;
	v11 =	vsel vm1, $0xCA0, v11  }
0x27: {  	v12 =	vsel vm1, $0x10A0, v12;
	v13 =	vsel vm1, $0x14A0, v13;
	v14 =	vsel vm1, $0x18A0, v14  }
0x28: {  	v15 =	vsel vm1, $0x1CA0, v15;
	v16 =	vsel vm1, $0x120, v16;
	v17 =	vsel vm1, $0x520, v17  }
0x29: {  	v18 =	vsel vm1, $0x920, v18;
	v19 =	vsel vm1, $0xD20, v19;
	v20 =	vsel vm1, $0x1120, v20  }
0x2a: {  	v21 =	vsel vm1, $0x1520, v21;
	v22 =	vsel vm1, $0x1920, v22;
	v23 =	vsel vm1, $0x1D20, v23  }
0x2b: {  	v24 =	vsel vm1, $0x1A0, v24;
	v25 =	vsel vm1, $0x5A0, v25;
	v26 =	vsel vm1, $0x9A0, v26  }
0x2c: {  	v27 =	vsel vm1, $0xDA0, v27;
	v28 =	vsel vm1, $0x11A0, v28;
	v29 =	vsel vm1, $0x15A0, v29  }
0x2d: {  	v30 =	vsel vm1, $0x19A0, v30;
	v31 =	vsel vm1, $0x1DA0, v31;
	v1 =	vsel vm4, v1, v0  }
0x2e: {  	v0 =	vsel vm3, $0x410, v2;
	v2 =	vand.u32 $0xFF, v3;
	v3 =	vand.u32 $0xFF, v4  }
0x2f: {  	v5 =	vsel vm14, $0x1030, v5;
	v6 =	vsel vm14, $0x1430, v6;
	v7 =	vsel vm14, $0x1830, v7  }
0x30: {  	v8 =	vsel vm14, $0x1C30, v8;
	v9 =	vsel vm14, $0x4B0, v9;
	v10 =	vsel vm14, $0x8B0, v10  }
0x31: {  	v11 =	vsel vm14, $0xCB0, v11;
	v12 =	vsel vm14, $0x10B0, v12;
	v13 =	vsel vm14, $0x14B0, v13  }
0x32: {  	v14 =	vsel vm14, $0x18B0, v14;
	v15 =	vsel vm14, $0x1CB0, v15;
	v16 =	vsel vm14, $0x130, v16  }
0x33: {  	v17 =	vsel vm14, $0x530, v17;
	v18 =	vsel vm14, $0x930, v18;
	v19 =	vsel vm14, $0xD30, v19  }
0x34: {  	v20 =	vsel vm14, $0x1130, v20;
	v21 =	vsel vm14, $0x1530, v21;
	v22 =	vsel vm14, $0x1930, v22  }
0x35: {  	v23 =	vsel vm14, $0x1D30, v23;
	v24 =	vsel vm14, $0x1B0, v24;
	v25 =	vsel vm14, $0x5B0, v25  }
0x36: {  	v26 =	vsel vm14, $0x9B0, v26;
	v27 =	vsel vm14, $0xDB0, v27;
	v28 =	vsel vm14, $0x11B0, v28  }
0x37: {  	v29 =	vsel vm14, $0x15B0, v29;
	v30 =	vsel vm14, $0x19B0, v30;
	v31 =	vsel vm14, $0x1DB0, v31  }
0x38: {  	v2 =	vnsel vm0, $0x2F0, v2;
	v4 =	vsel vm1, $0x420, v0;
	v5 =	vsel vm15, $0x1040, v5  }
0x39: {  	v6 =	vsel vm15, $0x1440, v6;
	v7 =	vsel vm15, $0x1840, v7;
	v8 =	vsel vm15, $0x1C40, v8  }
0x3a: {  	v9 =	vsel vm15, $0x4C0, v9;
	v10 =	vsel vm15, $0x8C0, v10;
	v11 =	vsel vm15, $0xCC0, v11  }
0x3b: {  	v12 =	vsel vm15, $0x10C0, v12;
	v13 =	vsel vm15, $0x14C0, v13;
	v14 =	vsel vm15, $0x18C0, v14  }
0x3c: {  	v15 =	vsel vm15, $0x1CC0, v15;
	v16 =	vsel vm15, $0x140, v16;
	v17 =	vsel vm15, $0x540, v17  }
0x3d: {  	v18 =	vsel vm15, $0x940, v18;
	v19 =	vsel vm15, $0xD40, v19;
	v20 =	vsel vm15, $0x1140, v20  }
0x3e: {  	v21 =	vsel vm15, $0x1540, v21;
	v22 =	vsel vm15, $0x1940, v22;
	v23 =	vsel vm15, $0x1D40, v23  }
0x3f: {  	v24 =	vsel vm15, $0x1C0, v24;
	v25 =	vsel vm15, $0x5C0, v25;
	v26 =	vsel vm15, $0x9C0, v26  }
0x40: {  	v27 =	vsel vm15, $0xDC0, v27;
	v28 =	vsel vm15, $0x11C0, v28;
	v29 =	vsel vm15, $0x15C0, v29  }
0x41: {  	v30 =	vsel vm15, $0x19C0, v30;
	v31 =	vsel vm15, $0x1DC0, v31;
	v1 =	vsel vm8, $0x200, v1  }
0x42: {  	v0 =	vsel vm4, v3, v2;
	v2 =	vsel vm14, $0x430, v4;
	v3 =	vimm.s32 $0xA70  }
0x43: {  	v4 =	vimm.s32 $0xE70;
	v5 =	vsel vm6, $0x1050, v5;
	v6 =	vsel vm6, $0x1450, v6  }
0x44: {  	v7 =	vsel vm6, $0x1850, v7;
	v8 =	vsel vm6, $0x1C50, v8;
	v9 =	vsel vm6, $0x4D0, v9  }
0x45: {  	v10 =	vsel vm6, $0x8D0, v10;
	v11 =	vsel vm6, $0xCD0, v11;
	v12 =	vsel vm6, $0x10D0, v12  }
0x46: {  	v13 =	vsel vm6, $0x14D0, v13;
	v14 =	vsel vm6, $0x18D0, v14;
	v15 =	vsel vm6, $0x1CD0, v15  }
0x47: {  	v16 =	vsel vm6, $0x150, v16;
	v17 =	vsel vm6, $0x550, v17;
	v18 =	vsel vm6, $0x950, v18  }
0x48: {  	v19 =	vsel vm6, $0xD50, v19;
	v20 =	vsel vm6, $0x1150, v20;
	v21 =	vsel vm6, $0x1550, v21  }
0x49: {  	v22 =	vsel vm6, $0x1950, v22;
	v23 =	vsel vm6, $0x1D50, v23;
	v24 =	vsel vm6, $0x1D0, v24  }
0x4a: {  	v25 =	vsel vm6, $0x5D0, v25;
	v26 =	vsel vm6, $0x9D0, v26;
	v27 =	vsel vm6, $0xDD0, v27  }
0x4b: {  	v28 =	vsel vm6, $0x11D0, v28;
	v29 =	vsel vm6, $0x15D0, v29;
	v30 =	vsel vm6, $0x19D0, v30  }
0x4c: {  	v31 =	vsel vm6, $0x1DD0, v31;
	v1 =	vsel vm10, $0x210, v1;
	v3 =	vsel vm2, $0x800, v3  }
0x4d: {  	v4 =	vsel vm2, $0xC00, v4;
	v2 =	vsel vm15, $0x440, v2;
	v5 =	vsel vm7, $0x1060, v5  }
0x4e: {  	v6 =	vsel vm7, $0x1460, v6;
	v7 =	vsel vm7, $0x1860, v7;
	v8 =	vsel vm7, $0x1C60, v8  }
0x4f: {  	v9 =	vsel vm7, $0x4E0, v9;
	v10 =	vsel vm7, $0x8E0, v10;
	v11 =	vsel vm7, $0xCE0, v11  }
0x50: {  	v12 =	vsel vm7, $0x10E0, v12;
	v13 =	vsel vm7, $0x14E0, v13;
	v14 =	vsel vm7, $0x18E0, v14  }
0x51: {  	v15 =	vsel vm7, $0x1CE0, v15;
	v16 =	vsel vm7, $0x160, v16;
	v17 =	vsel vm7, $0x560, v17  }
0x52: {  	v18 =	vsel vm7, $0x960, v18;
	v19 =	vsel vm7, $0xD60, v19;
	v20 =	vsel vm7, $0x1160, v20  }
0x53: {  	v21 =	vsel vm7, $0x1560, v21;
	v22 =	vsel vm7, $0x1960, v22;
	v23 =	vsel vm7, $0x1D60, v23  }
0x54: {  	v24 =	vsel vm7, $0x1E0, v24;
	v25 =	vsel vm7, $0x5E0, v25;
	v26 =	vsel vm7, $0x9E0, v26  }
0x55: {  	v27 =	vsel vm7, $0xDE0, v27;
	v28 =	vsel vm7, $0x11E0, v28;
	v29 =	vsel vm7, $0x15E0, v29  }
0x56: {  	v30 =	vsel vm7, $0x19E0, v30;
	v31 =	vsel vm7, $0x1DE0, v31;
	v0 =	vsel vm8, $0x280, v0  }
0x57: {  	v1 =	vsel vm11, $0x220, v1;
	v3 =	vsel vm3, $0x810, v3;
	v4 =	vsel vm3, $0xC10, v4  }
0x58: {  	v2 =	vsel vm6, $0x450, v2;
	v5 =	vsel vm9, $0x1070, v5;
	v6 =	vsel vm9, $0x1470, v6  }
0x59: {  	v7 =	vsel vm9, $0x1870, v7;
	v8 =	vsel vm9, $0x1C70, v8;
	v9 =	vsel vm9, $0x4F0, v9  }
0x5a: {  	v10 =	vsel vm9, $0x8F0, v10;
	v11 =	vsel vm9, $0xCF0, v11;
	v12 =	vsel vm9, $0x10F0, v12  }
0x5b: {  	v13 =	vsel vm9, $0x14F0, v13;
	v14 =	vsel vm9, $0x18F0, v14;
	v15 =	vsel vm9, $0x1CF0, v15  }
0x5c: {  	v16 =	vsel vm9, $0x170, v16;
	v17 =	vsel vm9, $0x570, v17;
	v18 =	vsel vm9, $0x970, v18  }
0x5d: {  	v19 =	vsel vm9, $0xD70, v19;
	v20 =	vsel vm9, $0x1170, v20;
	v21 =	vsel vm9, $0x1570, v21  }
0x5e: {  	v22 =	vsel vm9, $0x1970, v22;
	v23 =	vsel vm9, $0x1D70, v23;
	v24 =	vsel vm9, $0x1F0, v24  }
0x5f: {  	v25 =	vsel vm9, $0x5F0, v25;
	v26 =	vsel vm9, $0x9F0, v26;
	v27 =	vsel vm9, $0xDF0, v27  }
0x60: {  	v28 =	vsel vm9, $0x11F0, v28;
	v29 =	vsel vm9, $0x15F0, v29;
	v30 =	vsel vm9, $0x19F0, v30  }
0x61: {  	v31 =	vsel vm9, $0x1DF0, v31;
	v0 =	vsel vm10, $0x290, v0;
	v1 =	vsel vm12, $0x230, v1  }
0x62: {  	v3 =	vsel vm1, $0x820, v3;
	v4 =	vsel vm1, $0xC20, v4;
	v2 =	vsel vm7, $0x460, v2  }
0x63: {  	v5 =	vsel vm8, $0x1200, v5;
	v6 =	vsel vm8, $0x1600, v6;
	v7 =	vsel vm8, $0x1A00, v7  }
0x64: {  	v8 =	vsel vm8, $0x1E00, v8;
	v9 =	vsel vm8, $0x680, v9;
	v10 =	vsel vm8, $0xA80, v10  }
0x65: {  	v11 =	vsel vm8, $0xE80, v11;
	v12 =	vsel vm8, $0x1280, v12;
	v13 =	vsel vm8, $0x1680, v13  }
0x66: {  	v14 =	vsel vm8, $0x1A80, v14;
	v15 =	vsel vm8, $0x1E80, v15;
	v16 =	vsel vm8, $0x300, v16  }
0x67: {  	v17 =	vsel vm8, $0x700, v17;
	v18 =	vsel vm8, $0xB00, v18;
	v19 =	vsel vm8, $0xF00, v19  }
0x68: {  	v20 =	vsel vm8, $0x1300, v20;
	v21 =	vsel vm8, $0x1700, v21;
	v22 =	vsel vm8, $0x1B00, v22  }
0x69: {  	v23 =	vsel vm8, $0x1F00, v23;
	v24 =	vsel vm8, $0x380, v24;
	v25 =	vsel vm8, $0x780, v25  }
0x6a: {  	v26 =	vsel vm8, $0xB80, v26;
	v27 =	vsel vm8, $0xF80, v27;
	v28 =	vsel vm8, $0x1380, v28  }
0x6b: {  	v29 =	vsel vm8, $0x1780, v29;
	v30 =	vsel vm8, $0x1B80, v30;
	v31 =	vsel vm8, $0x1F80, v31  }
0x6c: {  	v0 =	vsel vm11, $0x2A0, v0;
	v1 =	vsel vm13, $0x240, v1;
	v3 =	vsel vm14, $0x830, v3  }
0x6d: {  	v4 =	vsel vm14, $0xC30, v4;
	v2 =	vsel vm9, $0x470, v2;
	v5 =	vsel vm10, $0x1210, v5  }
0x6e: {  	v6 =	vsel vm10, $0x1610, v6;
	v7 =	vsel vm10, $0x1A10, v7;
	v8 =	vsel vm10, $0x1E10, v8  }
0x6f: {  	v9 =	vsel vm10, $0x690, v9;
	v10 =	vsel vm10, $0xA90, v10;
	v11 =	vsel vm10, $0xE90, v11  }
0x70: {  	v12 =	vsel vm10, $0x1290, v12;
	v13 =	vsel vm10, $0x1690, v13;
	v14 =	vsel vm10, $0x1A90, v14  }
0x71: {  	v15 =	vsel vm10, $0x1E90, v15;
	v16 =	vsel vm10, $0x310, v16;
	v17 =	vsel vm10, $0x710, v17  }
0x72: {  	v18 =	vsel vm10, $0xB10, v18;
	v19 =	vsel vm10, $0xF10, v19;
	v20 =	vsel vm10, $0x1310, v20  }
0x73: {  	v21 =	vsel vm10, $0x1710, v21;
	v22 =	vsel vm10, $0x1B10, v22;
	v23 =	vsel vm10, $0x1F10, v23  }
0x74: {  	v24 =	vsel vm10, $0x390, v24;
	v25 =	vsel vm10, $0x790, v25;
	v26 =	vsel vm10, $0xB90, v26  }
0x75: {  	v27 =	vsel vm10, $0xF90, v27;
	v28 =	vsel vm10, $0x1390, v28;
	v29 =	vsel vm10, $0x1790, v29  }
0x76: {  	v30 =	vsel vm10, $0x1B90, v30;
	v31 =	vsel vm10, $0x1F90, v31;
	v0 =	vsel vm12, $0x2B0, v0  }
0x77: {  	vm14 =	vcmask $0x3734;
	v3 =	vsel vm15, $0x840, v3;
	v4 =	vsel vm15, $0xC40, v4  }
0x78: {  	v2 =	vsel vm8, $0x600, v2;
	v5 =	vsel vm11, $0x1220, v5;
	v6 =	vsel vm11, $0x1620, v6  }
0x79: {  	v7 =	vsel vm11, $0x1A20, v7;
	v8 =	vsel vm11, $0x1E20, v8;
	v9 =	vsel vm11, $0x6A0, v9  }
0x7a: {  	v10 =	vsel vm11, $0xAA0, v10;
	v11 =	vsel vm11, $0xEA0, v11;
	v12 =	vsel vm11, $0x12A0, v12  }
0x7b: {  	v13 =	vsel vm11, $0x16A0, v13;
	v14 =	vsel vm11, $0x1AA0, v14;
	v15 =	vsel vm11, $0x1EA0, v15  }
0x7c: {  	v16 =	vsel vm11, $0x320, v16;
	v17 =	vsel vm11, $0x720, v17;
	v18 =	vsel vm11, $0xB20, v18  }
0x7d: {  	v19 =	vsel vm11, $0xF20, v19;
	v20 =	vsel vm11, $0x1320, v20;
	v21 =	vsel vm11, $0x1720, v21  }
0x7e: {  	v22 =	vsel vm11, $0x1B20, v22;
	v23 =	vsel vm11, $0x1F20, v23;
	v24 =	vsel vm11, $0x3A0, v24  }
0x7f: {  	v25 =	vsel vm11, $0x7A0, v25;
	v26 =	vsel vm11, $0xBA0, v26;
	v27 =	vsel vm11, $0xFA0, v27  }
0x80: {  	v28 =	vsel vm11, $0x13A0, v28;
	v29 =	vsel vm11, $0x17A0, v29;
	v30 =	vsel vm11, $0x1BA0, v30  }
0x81: {  	v31 =	vsel vm11, $0x1FA0, v31;
	v1 =	vsel vm14, $0x250, v1;
	v0 =	vsel vm13, $0x2C0, v0  }
0x82: {  	vm15 =	vcmask $0x3B38;
	v3 =	vsel vm6, $0x850, v3;
	v4 =	vsel vm6, $0xC50, v4  }
0x83: {  	v2 =	vsel vm10, $0x610, v2;
	v5 =	vsel vm12, $0x1230, v5;
	v6 =	vsel vm12, $0x1630, v6  }
0x84: {  	v7 =	vsel vm12, $0x1A30, v7;
	v8 =	vsel vm12, $0x1E30, v8;
	v9 =	vsel vm12, $0x6B0, v9  }
0x85: {  	v10 =	vsel vm12, $0xAB0, v10;
	v11 =	vsel vm12, $0xEB0, v11;
	v12 =	vsel vm12, $0x12B0, v12  }
0x86: {  	v13 =	vsel vm12, $0x16B0, v13;
	v14 =	vsel vm12, $0x1AB0, v14;
	v15 =	vsel vm12, $0x1EB0, v15  }
0x87: {  	v16 =	vsel vm12, $0x330, v16;
	v17 =	vsel vm12, $0x730, v17;
	v18 =	vsel vm12, $0xB30, v18  }
0x88: {  	v19 =	vsel vm12, $0xF30, v19;
	v20 =	vsel vm12, $0x1330, v20;
	v21 =	vsel vm12, $0x1730, v21  }
0x89: {  	v22 =	vsel vm12, $0x1B30, v22;
	v23 =	vsel vm12, $0x1F30, v23;
	v24 =	vsel vm12, $0x3B0, v24  }
0x8a: {  	v25 =	vsel vm12, $0x7B0, v25;
	v26 =	vsel vm12, $0xBB0, v26;
	v27 =	vsel vm12, $0xFB0, v27  }
0x8b: {  	v28 =	vsel vm12, $0x13B0, v28;
	v29 =	vsel vm12, $0x17B0, v29;
	v30 =	vsel vm12, $0x1BB0, v30  }
0x8c: {  	v31 =	vsel vm12, $0x1FB0, v31;
	v32 =	vsel vm14, $0x2D0, v0;
	v0 =	vsel vm15, $0x260, v1  }
0x8d: {  	v3 =	vsel vm7, $0x860, v3;
	v4 =	vsel vm7, $0xC60, v4;
	v2 =	vsel vm11, $0x620, v2  }
0x8e: {  	v5 =	vsel vm13, $0x1240, v5;
	v6 =	vsel vm13, $0x1640, v6;
	v7 =	vsel vm13, $0x1A40, v7  }
0x8f: {  	v8 =	vsel vm13, $0x1E40, v8;
	v9 =	vsel vm13, $0x6C0, v9;
	v10 =	vsel vm13, $0xAC0, v10  }
0x90: {  	v11 =	vsel vm13, $0xEC0, v11;
	v12 =	vsel vm13, $0x12C0, v12;
	v13 =	vsel vm13, $0x16C0, v13  }
0x91: {  	v14 =	vsel vm13, $0x1AC0, v14;
	v15 =	vsel vm13, $0x1EC0, v15;
	v16 =	vsel vm13, $0x340, v16  }
0x92: {  	v17 =	vsel vm13, $0x740, v17;
	v18 =	vsel vm13, $0xB40, v18;
	v19 =	vsel vm13, $0xF40, v19  }
0x93: {  	v20 =	vsel vm13, $0x1340, v20;
	v21 =	vsel vm13, $0x1740, v21;
	v22 =	vsel vm13, $0x1B40, v22  }
0x94: {  	v23 =	vsel vm13, $0x1F40, v23;
	v24 =	vsel vm13, $0x3C0, v24;
	v25 =	vsel vm13, $0x7C0, v25  }
0x95: {  	v26 =	vsel vm13, $0xBC0, v26;
	v27 =	vsel vm13, $0xFC0, v27;
	v28 =	vsel vm13, $0x13C0, v28  }
0x96: {  	v29 =	vsel vm13, $0x17C0, v29;
	v30 =	vsel vm13, $0x1BC0, v30;
	v31 =	vsel vm13, $0x1FC0, v31  }
0x97: {  	v3 =	vsel vm9, $0x870, v3;
	v4 =	vsel vm9, $0xC70, v4;
	v2 =	vsel vm12, $0x630, v2  }
0x98: {  	v5 =	vsel vm14, $0x1250, v5;
	v6 =	vsel vm14, $0x1650, v6;
	v7 =	vsel vm14, $0x1A50, v7  }
0x99: {  	v8 =	vsel vm14, $0x1E50, v8;
	v9 =	vsel vm14, $0x6D0, v9;
	v10 =	vsel vm14, $0xAD0, v10  }
0x9a: {  	v11 =	vsel vm14, $0xED0, v11;
	v12 =	vsel vm14, $0x12D0, v12;
	v13 =	vsel vm14, $0x16D0, v13  }
0x9b: {  	s0 =	rddreg [dreg:$0x0];
	v14 =	vsel vm14, $0x1AD0, v14;
	v15 =	vsel vm14, $0x1ED0, v15;
	v16 =	vsel vm14, $0x350, v16  }
0x9c: {  	s1 =	rddreg [dreg:$0x1];
	s3 =	srdreg.scid;
	s2 =	simm.s32 $0x0;
	v17 =	vsel vm14, $0x750, v17;
	v18 =	vsel vm14, $0xB50, v18;
	v19 =	vsel vm14, $0xF50, v19  }
0x9d: {  	s9 =	stileid.u32;
	s15 =	simm.s32 $0x2000;
	s16 =	simm.s32 $0x4000;
	v20 =	vsel vm14, $0x1350, v20;
	v21 =	vsel vm14, $0x1750, v21;
	v22 =	vsel vm14, $0x1B50, v22  }
0x9e: {  	s17 =	simm.s32 $0x6000;
	s18 =	simm.s32 $0x8000;
	s19 =	simm.s32 $0xA000;
	v23 =	vsel vm14, $0x1F50, v23;
	v24 =	vsel vm14, $0x3D0, v24;
	v25 =	vsel vm14, $0x7D0, v25  }
0x9f: {  	s20 =	simm.s32 $0xC000;
	s29 =	simm.s32 $0x4;
	s31 =	simm.s32 $0x5;
	v26 =	vsel vm14, $0xBD0, v26;
	v27 =	vsel vm14, $0xFD0, v27;
	v28 =	vsel vm14, $0x13D0, v28  }
0xa0: {  	s10 =	simm.s32 $0xA;
	s12 =	simm.s32 $0xB;
	s28 =	simm.s32 $0x10;
	v29 =	vsel vm14, $0x17D0, v29;
	v30 =	vsel vm14, $0x1BD0, v30;
	v31 =	vsel vm14, $0x1FD0, v31  }
0xa1: {  	s3 =	sand.u32 $0x1, s3;
	s5 =	sshll.u32 s9, $0x12;
	[smem:$0x7FF] =	sst s2;
	v3 =	vsel vm8, $0xA00, v3;
	v4 =	vsel vm8, $0xE00, v4;
	v2 =	vsel vm13, $0x640, v2  }
0xa2: {  	s26 =	sshll.u32 s9, $0xE;
	s4 =	ssub.s32 $0x2, s3;
	s6 =	sshll.u32 s3, $0x11;
	v9 =	vsel vm15, $0x6E0, v9;
	v10 =	vsel vm15, $0xAE0, v10;
	v11 =	vsel vm15, $0xEE0, v11  }
0xa3: {  	s1 =	sadd.s32 s26, s1;
	s3 =	sshll.u32 s3, $0xD;
	s8 =	sor.u32 s6, s5;
	v12 =	vsel vm15, $0x12E0, v12;
	v13 =	vsel vm15, $0x16E0, v13;
	v14 =	vsel vm15, $0x1AE0, v14  }
0xa4: {  	s9 =	simm.s32 $0xD;
	s1 =	sadd.s32 s3, s1;
	s8 =	sadd.s32 s0, s8;
	v15 =	vsel vm15, $0x1EE0, v15;
	v16 =	vsel vm15, $0x360, v16;
	v17 =	vsel vm15, $0x760, v17  }
0xa5: {  	_ =	strace $0x80000047;
	s30 =	sadd.s32 $0x100, s1;
	[dreg:$0x3] =	wrdreg s8;
	v18 =	vsel vm15, $0xB60, v18;
	v19 =	vsel vm15, $0xF60, v19;
	v20 =	vsel vm15, $0x1360, v20  }
0xa6: {  	s26 =	simm.s32 $0x3;
	s21 =	sadd.s32 $0x40, s8;
	[dreg:$0xb] =	wrdreg s30;
	v21 =	vsel vm15, $0x1760, v21;
	v22 =	vsel vm15, $0x1B60, v22;
	v23 =	vsel vm15, $0x1F60, v23  }
0xa7: {  	s7 =	sshrl.u32 s4, $0x1;
	s22 =	sadd.s32 $0x800, s8;
	[dreg:$0x4] =	wrdreg s21;
	v24 =	vsel vm15, $0x3E0, v24;
	v25 =	vsel vm15, $0x7E0, v25;
	v26 =	vsel vm15, $0xBE0, v26  }
0xa8: {  	s3 =	simm.s32 $0xC;
	s23 =	sadd.s32 $0x840, s8;
	[dreg:$0x5] =	wrdreg s22;
	v27 =	vsel vm15, $0xFE0, v27;
	v28 =	vsel vm15, $0x13E0, v28;
	v3 =	vsel vm10, $0xA10, v3  }
0xa9: {  	s4 =	ssub.s32 s4, s7;
	s24 =	sadd.s32 $0x1000, s8;
	[dreg:$0x6] =	wrdreg s23;
	v29 =	vsel vm15, $0x17E0, v29;
	v4 =	vsel vm10, $0xE10, v4;
	v3 =	vsel vm11, $0xA20, v3  }
0xaa: {  	s0 =	sadd.s32 s5, s0;
	s25 =	sadd.s32 $0x1040, s8;
	[dreg:$0x7] =	wrdreg s24;
	v30 =	vsel vm15, $0x1BE0, v30;
	v4 =	vsel vm11, $0xE20, v4;
	v3 =	vsel vm12, $0xA30, v3  }
0xab: {  	s1 =	simm.s32 $0x6;
	s8 =	sadd.s32 $0x1800, s8;
	[dreg:$0x8] =	wrdreg s25;
	v31 =	vsel vm15, $0x1FE0, v31;
	v4 =	vsel vm12, $0xE30, v4;
	v3 =	vsel vm13, $0xA40, v3  }
0xac: {  	s5 =	simm.s32 $0x7;
	s4 =	smax.u32 s4, $0x1;
	[dreg:$0x9] =	wrdreg s8;
	v2 =	vsel vm14, $0x650, v2;
	v4 =	vsel vm13, $0xE40, v4;
	v3 =	vsel vm14, $0xA50, v3  }
0xad: {  	s7 =	simm.s32 $0x8;
	s11 =	sadd.s32 s6, s0;
	[dreg:$0xa] =	wrdreg s4;
	v1 =	vsel vm15, $0x660, v2;
	v4 =	vsel vm14, $0xE50, v4;
	v2 =	vsel vm15, $0xA60, v3  }
0xae: {  	s21 =	simm.s32 $0x1;
	s22 =	simm.s32 $0xE000;
	s24 =	simm.s32 $0x2;
	v3 =	vsel vm15, $0xE60, v4;
	v4 =	vsel vm15, $0x1260, v5;
	v5 =	vsel vm15, $0x1660, v6  }
0xaf: {  	s23 =	simm.s32 $0xE;
	s25 =	simm.s32 $0xF;
	s4 =	simm.s32 $0x0;
	v6 =	vsel vm15, $0x1A60, v7;
	v7 =	vsel vm15, $0x1E60, v8;
	v8 =	vsel vm15, $0x2E0, v32  }
.LBB2_1:
0xb0: {  	[dreg:$0xc] =	wrdreg s4  }
0xb1: {  	s0 =	rddreg [dreg:$0x3]  }
0xb2: {  	s4 =	simm.s32 $0x200;
	s6 =	simm.s32 $0x400;
	s8 =	rddreg [dreg:$0x4]  }
0xb3: {  	[tilespmem:s2], [sflag:$0x1] =	stream.strided.gather [hbm4b:s0+s4], $0x2000, s6, s4, $0x38;
	[tilespmem:$0x11000] =	vst v63  }
0xb4: {  	s13 =	rddreg [dreg:$0x5]  }
0xb5: {  	[tilespmem:s15], [sflag:$0x2] =	stream.strided.gather [hbm4b:s8+s4], $0x2000, s6, s4, $0x38;
	[tilespmem:$0x11000] =	vst v63  }
0xb6: {  	s14 =	rddreg [dreg:$0x6]  }
0xb7: {  	[tilespmem:s16], [sflag:$0x3] =	stream.strided.gather [hbm4b:s13+s4], $0x2000, s6, s4, $0x38;
	[tilespmem:$0x11000] =	vst v63  }
0xb8: {  	s30 =	rddreg [dreg:$0xb]  }
0xb9: {  	[tilespmem:s17], [sflag:$0x4] =	stream.strided.gather [hbm4b:s14+s4], $0x2000, s6, s4, $0x38;
	[tilespmem:$0x11000] =	vst v63  }
0xba: {  	s8 =	rddreg [dreg:$0x7]  }
0xbb: {  	[tilespmem:s18], [sflag:$0x5] =	stream.strided.gather [hbm4b:s8+s4], $0x2000, s6, s4, $0x38;
	[tilespmem:$0x11000] =	vst v63  }
0xbc: {  	s13 =	rddreg [dreg:$0x8]  }
0xbd: {  	[tilespmem:s19], [sflag:$0x6] =	stream.strided.gather [hbm4b:s13+s4], $0x2000, s6, s4, $0x38;
	[tilespmem:$0x11000] =	vst v63  }
0xbe: {  	s0 =	simm.s32 $0x0;
	s14 =	rddreg [dreg:$0x9]  }
0xbf: {  	[tilespmem:s20], [sflag:$0x7] =	stream.strided.gather [hbm4b:s14+s4], $0x2000, s6, s4, $0x38;
	[tilespmem:$0x11000] =	vst v63  }
.LBB2_2:
0xc0: {  	_ =	swait.ge [sflag:s21], $0x2000;
	s4 =	sadd.s32 s0, s11  }
0xc1: {  	s6 =	simm.s32 $0x200;
	s8 =	simm.s32 $0x400;
	[sflag:s21] =	ssyncset.done $0x0  }
0xc2: {  	p0 =	seq.s32 s0, $0x0;
	s4 =	sadd.s32 $0x1840, s4;
	[sflag:s21] =	ssyncadd.s32 $0xFFFFE000  }
0xc3: {  	[tilespmem:s22], [sflag:$0x8] =	stream.strided.gather [hbm4b:s4+s6], $0x2000, s8, s6, $0x38;
	[tilespmem:$0x11000] =	vst v63  }
0xc4: {  	s4 =	simm.s32 @!p0 $0x9  }
0xc5: {  	_ =	swait.ge @!p0 [sflag:s4], $0x200  }
0xc6: {  	[sflag:s4] =	ssyncset.done @!p0 $0x0  }
0xc7: {  	[sflag:s4] =	ssyncadd.s32 @!p0 $0xFFFFFE00  }
0xc8: {  	v32 =	vld.idx.msk [tilespmem:v0+s2+$0x0], $0xffff;
	_ =	sdelay $0x4  }
0xc9: {  	[tilespmem:$0x10000] =	vst v32  }
0xca: {  	v32 =	vld.idx.msk [tilespmem:v1+s2+$0x0], $0xffff;
	_ =	sdelay $0x4  }
0xcb: {  	[tilespmem:$0x10010] =	vst v32  }
0xcc: {  	v32 =	vld.idx.msk [tilespmem:v2+s2+$0x0], $0xffff;
	_ =	sdelay $0x4  }
0xcd: {  	[tilespmem:$0x10020] =	vst v32  }
0xce: {  	v32 =	vld.idx.msk [tilespmem:v3+s2+$0x0], $0xffff;
	_ =	sdelay $0x4  }
0xcf: {  	[tilespmem:$0x10030] =	vst v32  }
0xd0: {  	v32 =	vld.idx.msk [tilespmem:v4+s2+$0x0], $0xffff;
	_ =	sdelay $0x4  }
0xd1: {  	[tilespmem:$0x10040] =	vst v32  }
0xd2: {  	v32 =	vld.idx.msk [tilespmem:v5+s2+$0x0], $0xffff;
	_ =	sdelay $0x4  }
0xd3: {  	[tilespmem:$0x10050] =	vst v32  }
0xd4: {  	v32 =	vld.idx.msk [tilespmem:v6+s2+$0x0], $0xffff;
	_ =	sdelay $0x4  }
0xd5: {  	[tilespmem:$0x10060] =	vst v32  }
0xd6: {  	v32 =	vld.idx.msk [tilespmem:v7+s2+$0x0], $0xffff;
	_ =	sdelay $0x4  }
0xd7: {  	[tilespmem:$0x10070] =	vst v32  }
0xd8: {  	v32 =	vld.idx.msk [tilespmem:v8+s2+$0x0], $0xffff;
	_ =	sdelay $0x4  }
0xd9: {  	[tilespmem:$0x10080] =	vst v32  }
0xda: {  	v32 =	vld.idx.msk [tilespmem:v9+s2+$0x0], $0xffff;
	_ =	sdelay $0x4  }
0xdb: {  	[tilespmem:$0x10090] =	vst v32  }
0xdc: {  	v32 =	vld.idx.msk [tilespmem:v10+s2+$0x0], $0xffff;
	_ =	sdelay $0x4  }
0xdd: {  	[tilespmem:$0x100A0] =	vst v32  }
0xde: {  	v32 =	vld.idx.msk [tilespmem:v11+s2+$0x0], $0xffff;
	_ =	sdelay $0x4  }
0xdf: {  	[tilespmem:$0x100B0] =	vst v32  }
0xe0: {  	v32 =	vld.idx.msk [tilespmem:v12+s2+$0x0], $0xffff;
	_ =	sdelay $0x4  }
0xe1: {  	[tilespmem:$0x100C0] =	vst v32  }
0xe2: {  	v32 =	vld.idx.msk [tilespmem:v13+s2+$0x0], $0xffff;
	_ =	sdelay $0x4  }
0xe3: {  	[tilespmem:$0x100D0] =	vst v32  }
0xe4: {  	v32 =	vld.idx.msk [tilespmem:v14+s2+$0x0], $0xffff;
	_ =	sdelay $0x4  }
0xe5: {  	[tilespmem:$0x100E0] =	vst v32  }
0xe6: {  	v32 =	vld.idx.msk [tilespmem:v15+s2+$0x0], $0xffff;
	_ =	sdelay $0x4  }
0xe7: {  	[tilespmem:$0x100F0] =	vst v32  }
0xe8: {  	v32 =	vld.idx.msk [tilespmem:v16+s2+$0x0], $0xffff;
	_ =	sdelay $0x4  }
0xe9: {  	[tilespmem:$0x10100] =	vst v32  }
0xea: {  	v32 =	vld.idx.msk [tilespmem:v17+s2+$0x0], $0xffff;
	_ =	sdelay $0x4  }
0xeb: {  	[tilespmem:$0x10110] =	vst v32  }
0xec: {  	v32 =	vld.idx.msk [tilespmem:v18+s2+$0x0], $0xffff;
	_ =	sdelay $0x4  }
0xed: {  	[tilespmem:$0x10120] =	vst v32  }
0xee: {  	v32 =	vld.idx.msk [tilespmem:v19+s2+$0x0], $0xffff;
	_ =	sdelay $0x4  }
0xef: {  	[tilespmem:$0x10130] =	vst v32  }
0xf0: {  	v32 =	vld.idx.msk [tilespmem:v20+s2+$0x0], $0xffff;
	_ =	sdelay $0x4  }
0xf1: {  	[tilespmem:$0x10140] =	vst v32  }
0xf2: {  	v32 =	vld.idx.msk [tilespmem:v21+s2+$0x0], $0xffff;
	_ =	sdelay $0x4  }
0xf3: {  	[tilespmem:$0x10150] =	vst v32  }
0xf4: {  	v32 =	vld.idx.msk [tilespmem:v22+s2+$0x0], $0xffff;
	_ =	sdelay $0x4  }
0xf5: {  	[tilespmem:$0x10160] =	vst v32  }
0xf6: {  	v32 =	vld.idx.msk [tilespmem:v23+s2+$0x0], $0xffff;
	_ =	sdelay $0x4  }
0xf7: {  	[tilespmem:$0x10170] =	vst v32  }
0xf8: {  	v32 =	vld.idx.msk [tilespmem:v24+s2+$0x0], $0xffff;
	_ =	sdelay $0x4  }
0xf9: {  	[tilespmem:$0x10180] =	vst v32  }
0xfa: {  	v32 =	vld.idx.msk [tilespmem:v25+s2+$0x0], $0xffff;
	_ =	sdelay $0x4  }
0xfb: {  	[tilespmem:$0x10190] =	vst v32  }
0xfc: {  	v32 =	vld.idx.msk [tilespmem:v26+s2+$0x0], $0xffff;
	_ =	sdelay $0x4  }
0xfd: {  	[tilespmem:$0x101A0] =	vst v32  }
0xfe: {  	v32 =	vld.idx.msk [tilespmem:v27+s2+$0x0], $0xffff;
	_ =	sdelay $0x4  }
0xff: {  	[tilespmem:$0x101B0] =	vst v32  }
0x100: {  	v32 =	vld.idx.msk [tilespmem:v28+s2+$0x0], $0xffff;
	_ =	sdelay $0x4  }
0x101: {  	[tilespmem:$0x101C0] =	vst v32  }
0x102: {  	v32 =	vld.idx.msk [tilespmem:v29+s2+$0x0], $0xffff;
	_ =	sdelay $0x4  }
0x103: {  	[tilespmem:$0x101D0] =	vst v32  }
0x104: {  	v32 =	vld.idx.msk [tilespmem:v30+s2+$0x0], $0xffff;
	_ =	sdelay $0x4  }
0x105: {  	[tilespmem:$0x101E0] =	vst v32  }
0x106: {  	v32 =	vld.idx.msk [tilespmem:v31+s2+$0x0], $0xffff;
	_ =	sdelay $0x3  }
0x107: {  	p0 =	seq.s32 s0, $0x1E000  }
0x108: {  	s6 =	sadd.s32 $0xFFFFFF00, s30;
	s8 =	simm.s32 $0x10000;
	s4 =	sadd.s32 @!p0 s0, s11;
	[tilespmem:$0x101F0] =	vst v32  }
0x109: {  	[hbm4b:s6+s2] =	stream.linear.scatter [tilespmem:s8], [sflag:$0x9], $0x200, $0x38;
	[tilespmem:$0x11000] =	vst v63  }
0x10a: {  	p1 =	seq.s32 @!p0 s0, $0x0;
	s14 =	simm.s32 @!p0 $0x0;
	_ =	swait.ge [sflag:s24], $0x2000  }
0x10b: {  	s13 =	sadd.s32 @!p0 $0x2000, s4;
	p1 =	por p0, !p1;
	[sflag:s24] =	ssyncset.done $0x0  }
0x10c: {  	s6 =	simm.s32 @!p0 $0x200;
	s8 =	simm.s32 @!p0 $0x400;
	[sflag:s24] =	ssyncadd.s32 $0xFFFFE000  }
0x10d: {  	[tilespmem:s14], [sflag:$0x1] =	stream.strided.gather @!p0 [hbm4b:s13+s6], $0x2000, s8, s6, $0x38;
	[tilespmem:$0x11000] =	vst v63  }
0x10e: {  	_ =	swait.ge @p1 [sflag:s10], $0x200  }
0x10f: {  	[sflag:s10] =	ssyncset.done @p1 $0x0  }
0x110: {  	[sflag:s10] =	ssyncadd.s32 @p1 $0xFFFFFE00  }
0x111: {  	v57 =	vld.idx.msk [tilespmem:v0+s15+$0x0], $0xffff;
	_ =	sdelay $0x4  }
0x112: {  	[tilespmem:$0x10200] =	vst v57  }
0x113: {  	v32 =	vld.idx.msk [tilespmem:v1+s15+$0x0], $0xffff;
	_ =	sdelay $0x4  }
0x114: {  	[tilespmem:$0x10210] =	vst v32  }
0x115: {  	v32 =	vld.idx.msk [tilespmem:v2+s15+$0x0], $0xffff;
	_ =	sdelay $0x4  }
0x116: {  	[tilespmem:$0x10220] =	vst v32  }
0x117: {  	v32 =	vld.idx.msk [tilespmem:v3+s15+$0x0], $0xffff;
	_ =	sdelay $0x4  }
0x118: {  	[tilespmem:$0x10230] =	vst v32  }
0x119: {  	v32 =	vld.idx.msk [tilespmem:v4+s15+$0x0], $0xffff;
	_ =	sdelay $0x4  }
0x11a: {  	[tilespmem:$0x10240] =	vst v32  }
0x11b: {  	v32 =	vld.idx.msk [tilespmem:v5+s15+$0x0], $0xffff;
	_ =	sdelay $0x4  }
0x11c: {  	[tilespmem:$0x10250] =	vst v32  }
0x11d: {  	v32 =	vld.idx.msk [tilespmem:v6+s15+$0x0], $0xffff;
	_ =	sdelay $0x4  }
0x11e: {  	[tilespmem:$0x10260] =	vst v32  }
0x11f: {  	v32 =	vld.idx.msk [tilespmem:v7+s15+$0x0], $0xffff;
	_ =	sdelay $0x4  }
0x120: {  	[tilespmem:$0x10270] =	vst v32  }
0x121: {  	v32 =	vld.idx.msk [tilespmem:v8+s15+$0x0], $0xffff;
	_ =	sdelay $0x4  }
0x122: {  	[tilespmem:$0x10280] =	vst v32  }
0x123: {  	v32 =	vld.idx.msk [tilespmem:v9+s15+$0x0], $0xffff;
	_ =	sdelay $0x4  }
0x124: {  	[tilespmem:$0x10290] =	vst v32  }
0x125: {  	v32 =	vld.idx.msk [tilespmem:v10+s15+$0x0], $0xffff;
	_ =	sdelay $0x4  }
0x126: {  	[tilespmem:$0x102A0] =	vst v32  }
0x127: {  	v32 =	vld.idx.msk [tilespmem:v11+s15+$0x0], $0xffff;
	_ =	sdelay $0x4  }
0x128: {  	[tilespmem:$0x102B0] =	vst v32  }
0x129: {  	v32 =	vld.idx.msk [tilespmem:v12+s15+$0x0], $0xffff;
	_ =	sdelay $0x4  }
0x12a: {  	[tilespmem:$0x102C0] =	vst v32  }
0x12b: {  	v32 =	vld.idx.msk [tilespmem:v13+s15+$0x0], $0xffff;
	_ =	sdelay $0x4  }
0x12c: {  	[tilespmem:$0x102D0] =	vst v32  }
0x12d: {  	v32 =	vld.idx.msk [tilespmem:v14+s15+$0x0], $0xffff;
	_ =	sdelay $0x4  }
0x12e: {  	[tilespmem:$0x102E0] =	vst v32  }
0x12f: {  	v32 =	vld.idx.msk [tilespmem:v15+s15+$0x0], $0xffff;
	_ =	sdelay $0x4  }
0x130: {  	[tilespmem:$0x102F0] =	vst v32  }
0x131: {  	v32 =	vld.idx.msk [tilespmem:v16+s15+$0x0], $0xffff;
	_ =	sdelay $0x4  }
0x132: {  	[tilespmem:$0x10300] =	vst v32  }
0x133: {  	v32 =	vld.idx.msk [tilespmem:v17+s15+$0x0], $0xffff;
	_ =	sdelay $0x4  }
0x134: {  	[tilespmem:$0x10310] =	vst v32  }
0x135: {  	v32 =	vld.idx.msk [tilespmem:v18+s15+$0x0], $0xffff;
	_ =	sdelay $0x4  }
0x136: {  	[tilespmem:$0x10320] =	vst v32  }
0x137: {  	v32 =	vld.idx.msk [tilespmem:v19+s15+$0x0], $0xffff;
	_ =	sdelay $0x4  }
0x138: {  	[tilespmem:$0x10330] =	vst v32  }
0x139: {  	v32 =	vld.idx.msk [tilespmem:v20+s15+$0x0], $0xffff;
	_ =	sdelay $0x4  }
0x13a: {  	[tilespmem:$0x10340] =	vst v32  }
0x13b: {  	v32 =	vld.idx.msk [tilespmem:v21+s15+$0x0], $0xffff;
	_ =	sdelay $0x4  }
0x13c: {  	[tilespmem:$0x10350] =	vst v32  }
0x13d: {  	v32 =	vld.idx.msk [tilespmem:v22+s15+$0x0], $0xffff;
	_ =	sdelay $0x4  }
0x13e: {  	[tilespmem:$0x10360] =	vst v32  }
0x13f: {  	v32 =	vld.idx.msk [tilespmem:v23+s15+$0x0], $0xffff;
	_ =	sdelay $0x4  }
0x140: {  	[tilespmem:$0x10370] =	vst v32  }
0x141: {  	v32 =	vld.idx.msk [tilespmem:v24+s15+$0x0], $0xffff;
	_ =	sdelay $0x4  }
0x142: {  	[tilespmem:$0x10380] =	vst v32  }
0x143: {  	v32 =	vld.idx.msk [tilespmem:v25+s15+$0x0], $0xffff;
	_ =	sdelay $0x4  }
0x144: {  	[tilespmem:$0x10390] =	vst v32  }
0x145: {  	v32 =	vld.idx.msk [tilespmem:v26+s15+$0x0], $0xffff;
	_ =	sdelay $0x4  }
0x146: {  	[tilespmem:$0x103A0] =	vst v32  }
0x147: {  	v32 =	vld.idx.msk [tilespmem:v27+s15+$0x0], $0xffff;
	_ =	sdelay $0x4  }
0x148: {  	[tilespmem:$0x103B0] =	vst v32  }
0x149: {  	v32 =	vld.idx.msk [tilespmem:v28+s15+$0x0], $0xffff;
	_ =	sdelay $0x4  }
0x14a: {  	[tilespmem:$0x103C0] =	vst v32  }
0x14b: {  	v32 =	vld.idx.msk [tilespmem:v29+s15+$0x0], $0xffff;
	_ =	sdelay $0x4  }
0x14c: {  	[tilespmem:$0x103D0] =	vst v32  }
0x14d: {  	v32 =	vld.idx.msk [tilespmem:v30+s15+$0x0], $0xffff;
	_ =	sdelay $0x4  }
0x14e: {  	[tilespmem:$0x103E0] =	vst v32  }
0x14f: {  	v32 =	vld.idx.msk [tilespmem:v31+s15+$0x0], $0xffff;
	_ =	sdelay $0x4  }
0x150: {  	s13 =	sadd.s32 $0xFFFFFF40, s30;
	s14 =	simm.s32 $0x10200;
	[tilespmem:$0x103F0] =	vst v32  }
0x151: {  	[hbm4b:s13+s2] =	stream.linear.scatter [tilespmem:s14], [sflag:$0xA], $0x200, $0x38;
	[tilespmem:$0x11000] =	vst v63  }
0x152: {  	_ =	swait.ge [sflag:s26], $0x2000  }
0x153: {  	[sflag:s26] =	ssyncset.done $0x0  }
0x154: {  	s13 =	sadd.s32 @!p0 $0x2040, s4;
	s14 =	simm.s32 @!p0 $0x2000;
	[sflag:s26] =	ssyncadd.s32 $0xFFFFE000  }
0x155: {  	[tilespmem:s14], [sflag:$0x2] =	stream.strided.gather @!p0 [hbm4b:s13+s6], $0x2000, s8, s6, $0x38;
	[tilespmem:$0x11000] =	vst v63  }
0x156: {  	_ =	swait.ge @p1 [sflag:s12], $0x200  }
0x157: {  	[sflag:s12] =	ssyncset.done @p1 $0x0  }
0x158: {  	[sflag:s12] =	ssyncadd.s32 @p1 $0xFFFFFE00  }
0x159: {  	v58 =	vld.idx.msk [tilespmem:v0+s16+$0x0], $0xffff;
	_ =	sdelay $0x4  }
0x15a: {  	[tilespmem:$0x10400] =	vst v58  }
0x15b: {  	v32 =	vld.idx.msk [tilespmem:v1+s16+$0x0], $0xffff;
	_ =	sdelay $0x4  }
0x15c: {  	[tilespmem:$0x10410] =	vst v32  }
0x15d: {  	v32 =	vld.idx.msk [tilespmem:v2+s16+$0x0], $0xffff;
	_ =	sdelay $0x4  }
0x15e: {  	[tilespmem:$0x10420] =	vst v32  }
0x15f: {  	v32 =	vld.idx.msk [tilespmem:v3+s16+$0x0], $0xffff;
	_ =	sdelay $0x4  }
0x160: {  	[tilespmem:$0x10430] =	vst v32  }
0x161: {  	v32 =	vld.idx.msk [tilespmem:v4+s16+$0x0], $0xffff;
	_ =	sdelay $0x4  }
0x162: {  	[tilespmem:$0x10440] =	vst v32  }
0x163: {  	v32 =	vld.idx.msk [tilespmem:v5+s16+$0x0], $0xffff;
	_ =	sdelay $0x4  }
0x164: {  	[tilespmem:$0x10450] =	vst v32  }
0x165: {  	v32 =	vld.idx.msk [tilespmem:v6+s16+$0x0], $0xffff;
	_ =	sdelay $0x4  }
0x166: {  	[tilespmem:$0x10460] =	vst v32  }
0x167: {  	v32 =	vld.idx.msk [tilespmem:v7+s16+$0x0], $0xffff;
	_ =	sdelay $0x4  }
0x168: {  	[tilespmem:$0x10470] =	vst v32  }
0x169: {  	v32 =	vld.idx.msk [tilespmem:v8+s16+$0x0], $0xffff;
	_ =	sdelay $0x4  }
0x16a: {  	[tilespmem:$0x10480] =	vst v32  }
0x16b: {  	v32 =	vld.idx.msk [tilespmem:v9+s16+$0x0], $0xffff;
	_ =	sdelay $0x4  }
0x16c: {  	[tilespmem:$0x10490] =	vst v32  }
0x16d: {  	v32 =	vld.idx.msk [tilespmem:v10+s16+$0x0], $0xffff;
	_ =	sdelay $0x4  }
0x16e: {  	[tilespmem:$0x104A0] =	vst v32  }
0x16f: {  	v32 =	vld.idx.msk [tilespmem:v11+s16+$0x0], $0xffff;
	_ =	sdelay $0x4  }
0x170: {  	[tilespmem:$0x104B0] =	vst v32  }
0x171: {  	v32 =	vld.idx.msk [tilespmem:v12+s16+$0x0], $0xffff;
	_ =	sdelay $0x4  }
0x172: {  	[tilespmem:$0x104C0] =	vst v32  }
0x173: {  	v32 =	vld.idx.msk [tilespmem:v13+s16+$0x0], $0xffff;
	_ =	sdelay $0x4  }
0x174: {  	[tilespmem:$0x104D0] =	vst v32  }
0x175: {  	v32 =	vld.idx.msk [tilespmem:v14+s16+$0x0], $0xffff;
	_ =	sdelay $0x4  }
0x176: {  	[tilespmem:$0x104E0] =	vst v32  }
0x177: {  	v32 =	vld.idx.msk [tilespmem:v15+s16+$0x0], $0xffff;
	_ =	sdelay $0x4  }
0x178: {  	[tilespmem:$0x104F0] =	vst v32  }
0x179: {  	v32 =	vld.idx.msk [tilespmem:v16+s16+$0x0], $0xffff;
	_ =	sdelay $0x4  }
0x17a: {  	[tilespmem:$0x10500] =	vst v32  }
0x17b: {  	v32 =	vld.idx.msk [tilespmem:v17+s16+$0x0], $0xffff;
	_ =	sdelay $0x4  }
0x17c: {  	[tilespmem:$0x10510] =	vst v32  }
0x17d: {  	v32 =	vld.idx.msk [tilespmem:v18+s16+$0x0], $0xffff;
	_ =	sdelay $0x4  }
0x17e: {  	[tilespmem:$0x10520] =	vst v32  }
0x17f: {  	v32 =	vld.idx.msk [tilespmem:v19+s16+$0x0], $0xffff;
	_ =	sdelay $0x4  }
0x180: {  	[tilespmem:$0x10530] =	vst v32  }
0x181: {  	v32 =	vld.idx.msk [tilespmem:v20+s16+$0x0], $0xffff;
	_ =	sdelay $0x4  }
0x182: {  	[tilespmem:$0x10540] =	vst v32  }
0x183: {  	v32 =	vld.idx.msk [tilespmem:v21+s16+$0x0], $0xffff;
	_ =	sdelay $0x4  }
0x184: {  	[tilespmem:$0x10550] =	vst v32  }
0x185: {  	v32 =	vld.idx.msk [tilespmem:v22+s16+$0x0], $0xffff;
	_ =	sdelay $0x4  }
0x186: {  	[tilespmem:$0x10560] =	vst v32  }
0x187: {  	v32 =	vld.idx.msk [tilespmem:v23+s16+$0x0], $0xffff;
	_ =	sdelay $0x4  }
0x188: {  	[tilespmem:$0x10570] =	vst v32  }
0x189: {  	v32 =	vld.idx.msk [tilespmem:v24+s16+$0x0], $0xffff;
	_ =	sdelay $0x4  }
0x18a: {  	[tilespmem:$0x10580] =	vst v32  }
0x18b: {  	v32 =	vld.idx.msk [tilespmem:v25+s16+$0x0], $0xffff;
	_ =	sdelay $0x4  }
0x18c: {  	[tilespmem:$0x10590] =	vst v32  }
0x18d: {  	v32 =	vld.idx.msk [tilespmem:v26+s16+$0x0], $0xffff;
	_ =	sdelay $0x4  }
0x18e: {  	[tilespmem:$0x105A0] =	vst v32  }
0x18f: {  	v32 =	vld.idx.msk [tilespmem:v27+s16+$0x0], $0xffff;
	_ =	sdelay $0x4  }
0x190: {  	[tilespmem:$0x105B0] =	vst v32  }
0x191: {  	v32 =	vld.idx.msk [tilespmem:v28+s16+$0x0], $0xffff;
	_ =	sdelay $0x4  }
0x192: {  	[tilespmem:$0x105C0] =	vst v32  }
0x193: {  	v32 =	vld.idx.msk [tilespmem:v29+s16+$0x0], $0xffff;
	_ =	sdelay $0x4  }
0x194: {  	[tilespmem:$0x105D0] =	vst v32  }
0x195: {  	v32 =	vld.idx.msk [tilespmem:v30+s16+$0x0], $0xffff;
	_ =	sdelay $0x4  }
0x196: {  	[tilespmem:$0x105E0] =	vst v32  }
0x197: {  	v32 =	vld.idx.msk [tilespmem:v31+s16+$0x0], $0xffff;
	_ =	sdelay $0x4  }
0x198: {  	s13 =	sadd.s32 $0xFFFFFF80, s30;
	s14 =	simm.s32 $0x10400;
	[tilespmem:$0x105F0] =	vst v32  }
0x199: {  	[hbm4b:s13+s2] =	stream.linear.scatter [tilespmem:s14], [sflag:$0xB], $0x200, $0x38;
	[tilespmem:$0x11000] =	vst v63  }
0x19a: {  	_ =	swait.ge [sflag:s29], $0x2000  }
0x19b: {  	s6 =	simm.s32 @!p0 $0x200;
	s8 =	simm.s32 @!p0 $0x400;
	[sflag:s29] =	ssyncset.done $0x0  }
0x19c: {  	s13 =	sadd.s32 @!p0 $0x2800, s4;
	s14 =	simm.s32 @!p0 $0x4000;
	[sflag:s29] =	ssyncadd.s32 $0xFFFFE000  }
0x19d: {  	[tilespmem:s14], [sflag:$0x3] =	stream.strided.gather @!p0 [hbm4b:s13+s6], $0x2000, s8, s6, $0x38;
	[tilespmem:$0x11000] =	vst v63  }
0x19e: {  	_ =	swait.ge @p1 [sflag:s3], $0x200  }
0x19f: {  	[sflag:s3] =	ssyncset.done @p1 $0x0  }
0x1a0: {  	[sflag:s3] =	ssyncadd.s32 @p1 $0xFFFFFE00  }
0x1a1: {  	v59 =	vld.idx.msk [tilespmem:v0+s17+$0x0], $0xffff;
	_ =	sdelay $0x4  }
0x1a2: {  	[tilespmem:$0x10600] =	vst v59  }
0x1a3: {  	v32 =	vld.idx.msk [tilespmem:v1+s17+$0x0], $0xffff;
	_ =	sdelay $0x4  }
0x1a4: {  	[tilespmem:$0x10610] =	vst v32  }
0x1a5: {  	v32 =	vld.idx.msk [tilespmem:v2+s17+$0x0], $0xffff;
	_ =	sdelay $0x4  }
0x1a6: {  	[tilespmem:$0x10620] =	vst v32  }
0x1a7: {  	v32 =	vld.idx.msk [tilespmem:v3+s17+$0x0], $0xffff;
	_ =	sdelay $0x4  }
0x1a8: {  	[tilespmem:$0x10630] =	vst v32  }
0x1a9: {  	v32 =	vld.idx.msk [tilespmem:v4+s17+$0x0], $0xffff;
	_ =	sdelay $0x4  }
0x1aa: {  	[tilespmem:$0x10640] =	vst v32  }
0x1ab: {  	v32 =	vld.idx.msk [tilespmem:v5+s17+$0x0], $0xffff;
	_ =	sdelay $0x4  }
0x1ac: {  	[tilespmem:$0x10650] =	vst v32  }
0x1ad: {  	v32 =	vld.idx.msk [tilespmem:v6+s17+$0x0], $0xffff;
	_ =	sdelay $0x4  }
0x1ae: {  	[tilespmem:$0x10660] =	vst v32  }
0x1af: {  	v32 =	vld.idx.msk [tilespmem:v7+s17+$0x0], $0xffff;
	_ =	sdelay $0x4  }
0x1b0: {  	[tilespmem:$0x10670] =	vst v32  }
0x1b1: {  	v32 =	vld.idx.msk [tilespmem:v8+s17+$0x0], $0xffff;
	_ =	sdelay $0x4  }
0x1b2: {  	[tilespmem:$0x10680] =	vst v32  }
0x1b3: {  	v32 =	vld.idx.msk [tilespmem:v9+s17+$0x0], $0xffff;
	_ =	sdelay $0x4  }
0x1b4: {  	[tilespmem:$0x10690] =	vst v32  }
0x1b5: {  	v32 =	vld.idx.msk [tilespmem:v10+s17+$0x0], $0xffff;
	_ =	sdelay $0x4  }
0x1b6: {  	[tilespmem:$0x106A0] =	vst v32  }
0x1b7: {  	v32 =	vld.idx.msk [tilespmem:v11+s17+$0x0], $0xffff;
	_ =	sdelay $0x4  }
0x1b8: {  	[tilespmem:$0x106B0] =	vst v32  }
0x1b9: {  	v32 =	vld.idx.msk [tilespmem:v12+s17+$0x0], $0xffff;
	_ =	sdelay $0x4  }
0x1ba: {  	[tilespmem:$0x106C0] =	vst v32  }
0x1bb: {  	v32 =	vld.idx.msk [tilespmem:v13+s17+$0x0], $0xffff;
	_ =	sdelay $0x4  }
0x1bc: {  	[tilespmem:$0x106D0] =	vst v32  }
0x1bd: {  	v32 =	vld.idx.msk [tilespmem:v14+s17+$0x0], $0xffff;
	_ =	sdelay $0x4  }
0x1be: {  	[tilespmem:$0x106E0] =	vst v32  }
0x1bf: {  	v32 =	vld.idx.msk [tilespmem:v15+s17+$0x0], $0xffff;
	_ =	sdelay $0x4  }
0x1c0: {  	[tilespmem:$0x106F0] =	vst v32  }
0x1c1: {  	v32 =	vld.idx.msk [tilespmem:v16+s17+$0x0], $0xffff;
	_ =	sdelay $0x4  }
0x1c2: {  	[tilespmem:$0x10700] =	vst v32  }
0x1c3: {  	v32 =	vld.idx.msk [tilespmem:v17+s17+$0x0], $0xffff;
	_ =	sdelay $0x4  }
0x1c4: {  	[tilespmem:$0x10710] =	vst v32  }
0x1c5: {  	v32 =	vld.idx.msk [tilespmem:v18+s17+$0x0], $0xffff;
	_ =	sdelay $0x4  }
0x1c6: {  	[tilespmem:$0x10720] =	vst v32  }
0x1c7: {  	v32 =	vld.idx.msk [tilespmem:v19+s17+$0x0], $0xffff;
	_ =	sdelay $0x4  }
0x1c8: {  	[tilespmem:$0x10730] =	vst v32  }
0x1c9: {  	v32 =	vld.idx.msk [tilespmem:v20+s17+$0x0], $0xffff;
	_ =	sdelay $0x4  }
0x1ca: {  	[tilespmem:$0x10740] =	vst v32  }
0x1cb: {  	v32 =	vld.idx.msk [tilespmem:v21+s17+$0x0], $0xffff;
	_ =	sdelay $0x4  }
0x1cc: {  	[tilespmem:$0x10750] =	vst v32  }
0x1cd: {  	v32 =	vld.idx.msk [tilespmem:v22+s17+$0x0], $0xffff;
	_ =	sdelay $0x4  }
0x1ce: {  	[tilespmem:$0x10760] =	vst v32  }
0x1cf: {  	v32 =	vld.idx.msk [tilespmem:v23+s17+$0x0], $0xffff;
	_ =	sdelay $0x4  }
0x1d0: {  	[tilespmem:$0x10770] =	vst v32  }
0x1d1: {  	v32 =	vld.idx.msk [tilespmem:v24+s17+$0x0], $0xffff;
	_ =	sdelay $0x4  }
0x1d2: {  	[tilespmem:$0x10780] =	vst v32  }
0x1d3: {  	v32 =	vld.idx.msk [tilespmem:v25+s17+$0x0], $0xffff;
	_ =	sdelay $0x4  }
0x1d4: {  	[tilespmem:$0x10790] =	vst v32  }
0x1d5: {  	v32 =	vld.idx.msk [tilespmem:v26+s17+$0x0], $0xffff;
	_ =	sdelay $0x4  }
0x1d6: {  	[tilespmem:$0x107A0] =	vst v32  }
0x1d7: {  	v32 =	vld.idx.msk [tilespmem:v27+s17+$0x0], $0xffff;
	_ =	sdelay $0x4  }
0x1d8: {  	[tilespmem:$0x107B0] =	vst v32  }
0x1d9: {  	v32 =	vld.idx.msk [tilespmem:v28+s17+$0x0], $0xffff;
	_ =	sdelay $0x4  }
0x1da: {  	[tilespmem:$0x107C0] =	vst v32  }
0x1db: {  	v32 =	vld.idx.msk [tilespmem:v29+s17+$0x0], $0xffff;
	_ =	sdelay $0x4  }
0x1dc: {  	[tilespmem:$0x107D0] =	vst v32  }
0x1dd: {  	v32 =	vld.idx.msk [tilespmem:v30+s17+$0x0], $0xffff;
	_ =	sdelay $0x4  }
0x1de: {  	[tilespmem:$0x107E0] =	vst v32  }
0x1df: {  	v32 =	vld.idx.msk [tilespmem:v31+s17+$0x0], $0xffff;
	_ =	sdelay $0x4  }
0x1e0: {  	s13 =	sadd.s32 $0xFFFFFFC0, s30;
	s14 =	simm.s32 $0x10600;
	[tilespmem:$0x107F0] =	vst v32  }
0x1e1: {  	[hbm4b:s13+s2] =	stream.linear.scatter [tilespmem:s14], [sflag:$0xC], $0x200, $0x38;
	[tilespmem:$0x11000] =	vst v63  }
0x1e2: {  	_ =	swait.ge [sflag:s31], $0x2000  }
0x1e3: {  	[sflag:s31] =	ssyncset.done $0x0  }
0x1e4: {  	s13 =	sadd.s32 @!p0 $0x2840, s4;
	s14 =	simm.s32 @!p0 $0x6000;
	[sflag:s31] =	ssyncadd.s32 $0xFFFFE000  }
0x1e5: {  	[tilespmem:s14], [sflag:$0x4] =	stream.strided.gather @!p0 [hbm4b:s13+s6], $0x2000, s8, s6, $0x38;
	[tilespmem:$0x11000] =	vst v63  }
0x1e6: {  	_ =	swait.ge @p1 [sflag:s9], $0x200  }
0x1e7: {  	[sflag:s9] =	ssyncset.done @p1 $0x0  }
0x1e8: {  	[sflag:s9] =	ssyncadd.s32 @p1 $0xFFFFFE00  }
0x1e9: {  	v60 =	vld.idx.msk [tilespmem:v0+s18+$0x0], $0xffff;
	_ =	sdelay $0x4  }
0x1ea: {  	[tilespmem:$0x10800] =	vst v60  }
0x1eb: {  	v32 =	vld.idx.msk [tilespmem:v1+s18+$0x0], $0xffff;
	_ =	sdelay $0x4  }
0x1ec: {  	[tilespmem:$0x10810] =	vst v32  }
0x1ed: {  	v32 =	vld.idx.msk [tilespmem:v2+s18+$0x0], $0xffff;
	_ =	sdelay $0x4  }
0x1ee: {  	[tilespmem:$0x10820] =	vst v32  }
0x1ef: {  	v32 =	vld.idx.msk [tilespmem:v3+s18+$0x0], $0xffff;
	_ =	sdelay $0x4  }
0x1f0: {  	[tilespmem:$0x10830] =	vst v32  }
0x1f1: {  	v32 =	vld.idx.msk [tilespmem:v4+s18+$0x0], $0xffff;
	_ =	sdelay $0x4  }
0x1f2: {  	[tilespmem:$0x10840] =	vst v32  }
0x1f3: {  	v32 =	vld.idx.msk [tilespmem:v5+s18+$0x0], $0xffff;
	_ =	sdelay $0x4  }
0x1f4: {  	[tilespmem:$0x10850] =	vst v32  }
0x1f5: {  	v32 =	vld.idx.msk [tilespmem:v6+s18+$0x0], $0xffff;
	_ =	sdelay $0x4  }
0x1f6: {  	[tilespmem:$0x10860] =	vst v32  }
0x1f7: {  	v32 =	vld.idx.msk [tilespmem:v7+s18+$0x0], $0xffff;
	_ =	sdelay $0x4  }
0x1f8: {  	[tilespmem:$0x10870] =	vst v32  }
0x1f9: {  	v32 =	vld.idx.msk [tilespmem:v8+s18+$0x0], $0xffff;
	_ =	sdelay $0x4  }
0x1fa: {  	[tilespmem:$0x10880] =	vst v32  }
0x1fb: {  	v32 =	vld.idx.msk [tilespmem:v9+s18+$0x0], $0xffff;
	_ =	sdelay $0x4  }
0x1fc: {  	[tilespmem:$0x10890] =	vst v32  }
0x1fd: {  	v32 =	vld.idx.msk [tilespmem:v10+s18+$0x0], $0xffff;
	_ =	sdelay $0x4  }
0x1fe: {  	[tilespmem:$0x108A0] =	vst v32  }
0x1ff: {  	v32 =	vld.idx.msk [tilespmem:v11+s18+$0x0], $0xffff;
	_ =	sdelay $0x4  }
0x200: {  	[tilespmem:$0x108B0] =	vst v32  }
0x201: {  	v32 =	vld.idx.msk [tilespmem:v12+s18+$0x0], $0xffff;
	_ =	sdelay $0x4  }
0x202: {  	[tilespmem:$0x108C0] =	vst v32  }
0x203: {  	v32 =	vld.idx.msk [tilespmem:v13+s18+$0x0], $0xffff;
	_ =	sdelay $0x4  }
0x204: {  	[tilespmem:$0x108D0] =	vst v32  }
0x205: {  	v32 =	vld.idx.msk [tilespmem:v14+s18+$0x0], $0xffff;
	_ =	sdelay $0x4  }
0x206: {  	[tilespmem:$0x108E0] =	vst v32  }
0x207: {  	v32 =	vld.idx.msk [tilespmem:v15+s18+$0x0], $0xffff;
	_ =	sdelay $0x4  }
0x208: {  	[tilespmem:$0x108F0] =	vst v32  }
0x209: {  	v32 =	vld.idx.msk [tilespmem:v16+s18+$0x0], $0xffff;
	_ =	sdelay $0x4  }
0x20a: {  	[tilespmem:$0x10900] =	vst v32  }
0x20b: {  	v32 =	vld.idx.msk [tilespmem:v17+s18+$0x0], $0xffff;
	_ =	sdelay $0x4  }
0x20c: {  	[tilespmem:$0x10910] =	vst v32  }
0x20d: {  	v32 =	vld.idx.msk [tilespmem:v18+s18+$0x0], $0xffff;
	_ =	sdelay $0x4  }
0x20e: {  	[tilespmem:$0x10920] =	vst v32  }
0x20f: {  	v32 =	vld.idx.msk [tilespmem:v19+s18+$0x0], $0xffff;
	_ =	sdelay $0x4  }
0x210: {  	[tilespmem:$0x10930] =	vst v32  }
0x211: {  	v32 =	vld.idx.msk [tilespmem:v20+s18+$0x0], $0xffff;
	_ =	sdelay $0x4  }
0x212: {  	[tilespmem:$0x10940] =	vst v32  }
0x213: {  	v32 =	vld.idx.msk [tilespmem:v21+s18+$0x0], $0xffff;
	_ =	sdelay $0x4  }
0x214: {  	[tilespmem:$0x10950] =	vst v32  }
0x215: {  	v32 =	vld.idx.msk [tilespmem:v22+s18+$0x0], $0xffff;
	_ =	sdelay $0x4  }
0x216: {  	[tilespmem:$0x10960] =	vst v32  }
0x217: {  	v32 =	vld.idx.msk [tilespmem:v23+s18+$0x0], $0xffff;
	_ =	sdelay $0x4  }
0x218: {  	[tilespmem:$0x10970] =	vst v32  }
0x219: {  	v32 =	vld.idx.msk [tilespmem:v24+s18+$0x0], $0xffff;
	_ =	sdelay $0x4  }
0x21a: {  	[tilespmem:$0x10980] =	vst v32  }
0x21b: {  	v32 =	vld.idx.msk [tilespmem:v25+s18+$0x0], $0xffff;
	_ =	sdelay $0x4  }
0x21c: {  	[tilespmem:$0x10990] =	vst v32  }
0x21d: {  	v32 =	vld.idx.msk [tilespmem:v26+s18+$0x0], $0xffff;
	_ =	sdelay $0x4  }
0x21e: {  	[tilespmem:$0x109A0] =	vst v32  }
0x21f: {  	v32 =	vld.idx.msk [tilespmem:v27+s18+$0x0], $0xffff;
	_ =	sdelay $0x4  }
0x220: {  	[tilespmem:$0x109B0] =	vst v32  }
0x221: {  	v32 =	vld.idx.msk [tilespmem:v28+s18+$0x0], $0xffff;
	_ =	sdelay $0x4  }
0x222: {  	[tilespmem:$0x109C0] =	vst v32  }
0x223: {  	v32 =	vld.idx.msk [tilespmem:v29+s18+$0x0], $0xffff;
	_ =	sdelay $0x4  }
0x224: {  	[tilespmem:$0x109D0] =	vst v32  }
0x225: {  	v32 =	vld.idx.msk [tilespmem:v30+s18+$0x0], $0xffff;
	_ =	sdelay $0x4  }
0x226: {  	[tilespmem:$0x109E0] =	vst v32  }
0x227: {  	v32 =	vld.idx.msk [tilespmem:v31+s18+$0x0], $0xffff;
	_ =	sdelay $0x4  }
0x228: {  	s8 =	simm.s32 $0x10800;
	[tilespmem:$0x109F0] =	vst v32  }
0x229: {  	[hbm4b:s30+s2] =	stream.linear.scatter [tilespmem:s8], [sflag:$0xD], $0x200, $0x38;
	[tilespmem:$0x11000] =	vst v63  }
0x22a: {  	_ =	swait.ge [sflag:s1], $0x2000  }
0x22b: {  	s13 =	sadd.s32 @!p0 $0x3000, s4;
	s6 =	simm.s32 @!p0 $0x200;
	[sflag:s1] =	ssyncset.done $0x0  }
0x22c: {  	s14 =	simm.s32 @!p0 $0x8000;
	s8 =	simm.s32 @!p0 $0x400;
	[sflag:s1] =	ssyncadd.s32 $0xFFFFE000  }
0x22d: {  	[tilespmem:s14], [sflag:$0x5] =	stream.strided.gather @!p0 [hbm4b:s13+s6], $0x2000, s8, s6, $0x38;
	[tilespmem:$0x11000] =	vst v63  }
0x22e: {  	_ =	swait.ge @p1 [sflag:s23], $0x200  }
0x22f: {  	[sflag:s23] =	ssyncset.done @p1 $0x0  }
0x230: {  	[sflag:s23] =	ssyncadd.s32 @p1 $0xFFFFFE00  }
0x231: {  	v61 =	vld.idx.msk [tilespmem:v0+s19+$0x0], $0xffff;
	_ =	sdelay $0x4  }
0x232: {  	[tilespmem:$0x10A00] =	vst v61  }
0x233: {  	v32 =	vld.idx.msk [tilespmem:v1+s19+$0x0], $0xffff;
	_ =	sdelay $0x4  }
0x234: {  	[tilespmem:$0x10A10] =	vst v32  }
0x235: {  	v32 =	vld.idx.msk [tilespmem:v2+s19+$0x0], $0xffff;
	_ =	sdelay $0x4  }
0x236: {  	[tilespmem:$0x10A20] =	vst v32  }
0x237: {  	v32 =	vld.idx.msk [tilespmem:v3+s19+$0x0], $0xffff;
	_ =	sdelay $0x4  }
0x238: {  	[tilespmem:$0x10A30] =	vst v32  }
0x239: {  	v32 =	vld.idx.msk [tilespmem:v4+s19+$0x0], $0xffff;
	_ =	sdelay $0x4  }
0x23a: {  	[tilespmem:$0x10A40] =	vst v32  }
0x23b: {  	v32 =	vld.idx.msk [tilespmem:v5+s19+$0x0], $0xffff;
	_ =	sdelay $0x4  }
0x23c: {  	[tilespmem:$0x10A50] =	vst v32  }
0x23d: {  	v32 =	vld.idx.msk [tilespmem:v6+s19+$0x0], $0xffff;
	_ =	sdelay $0x4  }
0x23e: {  	[tilespmem:$0x10A60] =	vst v32  }
0x23f: {  	v32 =	vld.idx.msk [tilespmem:v7+s19+$0x0], $0xffff;
	_ =	sdelay $0x4  }
0x240: {  	[tilespmem:$0x10A70] =	vst v32  }
0x241: {  	v32 =	vld.idx.msk [tilespmem:v8+s19+$0x0], $0xffff;
	_ =	sdelay $0x4  }
0x242: {  	[tilespmem:$0x10A80] =	vst v32  }
0x243: {  	v32 =	vld.idx.msk [tilespmem:v9+s19+$0x0], $0xffff;
	_ =	sdelay $0x4  }
0x244: {  	[tilespmem:$0x10A90] =	vst v32  }
0x245: {  	v32 =	vld.idx.msk [tilespmem:v10+s19+$0x0], $0xffff;
	_ =	sdelay $0x4  }
0x246: {  	[tilespmem:$0x10AA0] =	vst v32  }
0x247: {  	v32 =	vld.idx.msk [tilespmem:v11+s19+$0x0], $0xffff;
	_ =	sdelay $0x4  }
0x248: {  	[tilespmem:$0x10AB0] =	vst v32  }
0x249: {  	v32 =	vld.idx.msk [tilespmem:v12+s19+$0x0], $0xffff;
	_ =	sdelay $0x4  }
0x24a: {  	[tilespmem:$0x10AC0] =	vst v32  }
0x24b: {  	v32 =	vld.idx.msk [tilespmem:v13+s19+$0x0], $0xffff;
	_ =	sdelay $0x4  }
0x24c: {  	[tilespmem:$0x10AD0] =	vst v32  }
0x24d: {  	v32 =	vld.idx.msk [tilespmem:v14+s19+$0x0], $0xffff;
	_ =	sdelay $0x4  }
0x24e: {  	[tilespmem:$0x10AE0] =	vst v32  }
0x24f: {  	v32 =	vld.idx.msk [tilespmem:v15+s19+$0x0], $0xffff;
	_ =	sdelay $0x4  }
0x250: {  	[tilespmem:$0x10AF0] =	vst v32  }
0x251: {  	v32 =	vld.idx.msk [tilespmem:v16+s19+$0x0], $0xffff;
	_ =	sdelay $0x4  }
0x252: {  	[tilespmem:$0x10B00] =	vst v32  }
0x253: {  	v32 =	vld.idx.msk [tilespmem:v17+s19+$0x0], $0xffff;
	_ =	sdelay $0x4  }
0x254: {  	[tilespmem:$0x10B10] =	vst v32  }
0x255: {  	v32 =	vld.idx.msk [tilespmem:v18+s19+$0x0], $0xffff;
	_ =	sdelay $0x4  }
0x256: {  	[tilespmem:$0x10B20] =	vst v32  }
0x257: {  	v32 =	vld.idx.msk [tilespmem:v19+s19+$0x0], $0xffff;
	_ =	sdelay $0x4  }
0x258: {  	[tilespmem:$0x10B30] =	vst v32  }
0x259: {  	v32 =	vld.idx.msk [tilespmem:v20+s19+$0x0], $0xffff;
	_ =	sdelay $0x4  }
0x25a: {  	[tilespmem:$0x10B40] =	vst v32  }
0x25b: {  	v32 =	vld.idx.msk [tilespmem:v21+s19+$0x0], $0xffff;
	_ =	sdelay $0x4  }
0x25c: {  	[tilespmem:$0x10B50] =	vst v32  }
0x25d: {  	v32 =	vld.idx.msk [tilespmem:v22+s19+$0x0], $0xffff;
	_ =	sdelay $0x4  }
0x25e: {  	[tilespmem:$0x10B60] =	vst v32  }
0x25f: {  	v32 =	vld.idx.msk [tilespmem:v23+s19+$0x0], $0xffff;
	_ =	sdelay $0x4  }
0x260: {  	[tilespmem:$0x10B70] =	vst v32  }
0x261: {  	v32 =	vld.idx.msk [tilespmem:v24+s19+$0x0], $0xffff;
	_ =	sdelay $0x4  }
0x262: {  	[tilespmem:$0x10B80] =	vst v32  }
0x263: {  	v32 =	vld.idx.msk [tilespmem:v25+s19+$0x0], $0xffff;
	_ =	sdelay $0x4  }
0x264: {  	[tilespmem:$0x10B90] =	vst v32  }
0x265: {  	v32 =	vld.idx.msk [tilespmem:v26+s19+$0x0], $0xffff;
	_ =	sdelay $0x4  }
0x266: {  	[tilespmem:$0x10BA0] =	vst v32  }
0x267: {  	v32 =	vld.idx.msk [tilespmem:v27+s19+$0x0], $0xffff;
	_ =	sdelay $0x4  }
0x268: {  	[tilespmem:$0x10BB0] =	vst v32  }
0x269: {  	v32 =	vld.idx.msk [tilespmem:v28+s19+$0x0], $0xffff;
	_ =	sdelay $0x4  }
0x26a: {  	[tilespmem:$0x10BC0] =	vst v32  }
0x26b: {  	v32 =	vld.idx.msk [tilespmem:v29+s19+$0x0], $0xffff;
	_ =	sdelay $0x4  }
0x26c: {  	[tilespmem:$0x10BD0] =	vst v32  }
0x26d: {  	v32 =	vld.idx.msk [tilespmem:v30+s19+$0x0], $0xffff;
	_ =	sdelay $0x4  }
0x26e: {  	[tilespmem:$0x10BE0] =	vst v32  }
0x26f: {  	v32 =	vld.idx.msk [tilespmem:v31+s19+$0x0], $0xffff;
	_ =	sdelay $0x4  }
0x270: {  	s13 =	sadd.s32 $0x40, s30;
	s14 =	simm.s32 $0x10A00;
	[tilespmem:$0x10BF0] =	vst v32  }
0x271: {  	[hbm4b:s13+s2] =	stream.linear.scatter [tilespmem:s14], [sflag:$0xE], $0x200, $0x38;
	[tilespmem:$0x11000] =	vst v63  }
0x272: {  	_ =	swait.ge [sflag:s5], $0x2000  }
0x273: {  	[sflag:s5] =	ssyncset.done $0x0  }
0x274: {  	s13 =	sadd.s32 @!p0 $0x3040, s4;
	s14 =	simm.s32 @!p0 $0xA000;
	[sflag:s5] =	ssyncadd.s32 $0xFFFFE000  }
0x275: {  	[tilespmem:s14], [sflag:$0x6] =	stream.strided.gather @!p0 [hbm4b:s13+s6], $0x2000, s8, s6, $0x38;
	[tilespmem:$0x11000] =	vst v63  }
0x276: {  	_ =	swait.ge @p1 [sflag:s25], $0x200  }
0x277: {  	[sflag:s25] =	ssyncset.done @p1 $0x0  }
0x278: {  	[sflag:s25] =	ssyncadd.s32 @p1 $0xFFFFFE00  }
0x279: {  	v62 =	vld.idx.msk [tilespmem:v0+s20+$0x0], $0xffff;
	_ =	sdelay $0x4  }
0x27a: {  	[tilespmem:$0x10C00] =	vst v62  }
0x27b: {  	v32 =	vld.idx.msk [tilespmem:v1+s20+$0x0], $0xffff;
	_ =	sdelay $0x4  }
0x27c: {  	[tilespmem:$0x10C10] =	vst v32  }
0x27d: {  	v32 =	vld.idx.msk [tilespmem:v2+s20+$0x0], $0xffff;
	_ =	sdelay $0x4  }
0x27e: {  	[tilespmem:$0x10C20] =	vst v32  }
0x27f: {  	v32 =	vld.idx.msk [tilespmem:v3+s20+$0x0], $0xffff;
	_ =	sdelay $0x4  }
0x280: {  	[tilespmem:$0x10C30] =	vst v32  }
0x281: {  	v32 =	vld.idx.msk [tilespmem:v4+s20+$0x0], $0xffff;
	_ =	sdelay $0x4  }
0x282: {  	[tilespmem:$0x10C40] =	vst v32  }
0x283: {  	v32 =	vld.idx.msk [tilespmem:v5+s20+$0x0], $0xffff;
	_ =	sdelay $0x4  }
0x284: {  	[tilespmem:$0x10C50] =	vst v32  }
0x285: {  	v32 =	vld.idx.msk [tilespmem:v6+s20+$0x0], $0xffff;
	_ =	sdelay $0x4  }
0x286: {  	[tilespmem:$0x10C60] =	vst v32  }
0x287: {  	v32 =	vld.idx.msk [tilespmem:v7+s20+$0x0], $0xffff;
	_ =	sdelay $0x4  }
0x288: {  	[tilespmem:$0x10C70] =	vst v32  }
0x289: {  	v32 =	vld.idx.msk [tilespmem:v8+s20+$0x0], $0xffff;
	_ =	sdelay $0x4  }
0x28a: {  	[tilespmem:$0x10C80] =	vst v32  }
0x28b: {  	v32 =	vld.idx.msk [tilespmem:v9+s20+$0x0], $0xffff;
	_ =	sdelay $0x4  }
0x28c: {  	[tilespmem:$0x10C90] =	vst v32  }
0x28d: {  	v32 =	vld.idx.msk [tilespmem:v10+s20+$0x0], $0xffff;
	_ =	sdelay $0x4  }
0x28e: {  	[tilespmem:$0x10CA0] =	vst v32  }
0x28f: {  	v32 =	vld.idx.msk [tilespmem:v11+s20+$0x0], $0xffff;
	_ =	sdelay $0x4  }
0x290: {  	[tilespmem:$0x10CB0] =	vst v32  }
0x291: {  	v32 =	vld.idx.msk [tilespmem:v12+s20+$0x0], $0xffff;
	_ =	sdelay $0x4  }
0x292: {  	[tilespmem:$0x10CC0] =	vst v32  }
0x293: {  	v32 =	vld.idx.msk [tilespmem:v13+s20+$0x0], $0xffff;
	_ =	sdelay $0x4  }
0x294: {  	[tilespmem:$0x10CD0] =	vst v32  }
0x295: {  	v32 =	vld.idx.msk [tilespmem:v14+s20+$0x0], $0xffff;
	_ =	sdelay $0x4  }
0x296: {  	[tilespmem:$0x10CE0] =	vst v32  }
0x297: {  	v32 =	vld.idx.msk [tilespmem:v15+s20+$0x0], $0xffff;
	_ =	sdelay $0x4  }
0x298: {  	[tilespmem:$0x10CF0] =	vst v32  }
0x299: {  	v32 =	vld.idx.msk [tilespmem:v16+s20+$0x0], $0xffff;
	_ =	sdelay $0x4  }
0x29a: {  	[tilespmem:$0x10D00] =	vst v32  }
0x29b: {  	v32 =	vld.idx.msk [tilespmem:v17+s20+$0x0], $0xffff;
	_ =	sdelay $0x4  }
0x29c: {  	[tilespmem:$0x10D10] =	vst v32  }
0x29d: {  	v32 =	vld.idx.msk [tilespmem:v18+s20+$0x0], $0xffff;
	_ =	sdelay $0x4  }
0x29e: {  	[tilespmem:$0x10D20] =	vst v32  }
0x29f: {  	v32 =	vld.idx.msk [tilespmem:v19+s20+$0x0], $0xffff;
	_ =	sdelay $0x4  }
0x2a0: {  	[tilespmem:$0x10D30] =	vst v32  }
0x2a1: {  	v32 =	vld.idx.msk [tilespmem:v20+s20+$0x0], $0xffff;
	_ =	sdelay $0x4  }
0x2a2: {  	[tilespmem:$0x10D40] =	vst v32  }
0x2a3: {  	v32 =	vld.idx.msk [tilespmem:v21+s20+$0x0], $0xffff;
	_ =	sdelay $0x4  }
0x2a4: {  	[tilespmem:$0x10D50] =	vst v32  }
0x2a5: {  	v32 =	vld.idx.msk [tilespmem:v22+s20+$0x0], $0xffff;
	_ =	sdelay $0x4  }
0x2a6: {  	[tilespmem:$0x10D60] =	vst v32  }
0x2a7: {  	v32 =	vld.idx.msk [tilespmem:v23+s20+$0x0], $0xffff;
	_ =	sdelay $0x4  }
0x2a8: {  	[tilespmem:$0x10D70] =	vst v32  }
0x2a9: {  	v32 =	vld.idx.msk [tilespmem:v24+s20+$0x0], $0xffff;
	_ =	sdelay $0x4  }
0x2aa: {  	[tilespmem:$0x10D80] =	vst v32  }
0x2ab: {  	v32 =	vld.idx.msk [tilespmem:v25+s20+$0x0], $0xffff;
	_ =	sdelay $0x4  }
0x2ac: {  	[tilespmem:$0x10D90] =	vst v32  }
0x2ad: {  	v32 =	vld.idx.msk [tilespmem:v26+s20+$0x0], $0xffff;
	_ =	sdelay $0x4  }
0x2ae: {  	[tilespmem:$0x10DA0] =	vst v32  }
0x2af: {  	v32 =	vld.idx.msk [tilespmem:v27+s20+$0x0], $0xffff;
	_ =	sdelay $0x4  }
0x2b0: {  	[tilespmem:$0x10DB0] =	vst v32  }
0x2b1: {  	v32 =	vld.idx.msk [tilespmem:v28+s20+$0x0], $0xffff;
	_ =	sdelay $0x4  }
0x2b2: {  	[tilespmem:$0x10DC0] =	vst v32  }
0x2b3: {  	v32 =	vld.idx.msk [tilespmem:v29+s20+$0x0], $0xffff;
	_ =	sdelay $0x4  }
0x2b4: {  	[tilespmem:$0x10DD0] =	vst v32  }
0x2b5: {  	v32 =	vld.idx.msk [tilespmem:v30+s20+$0x0], $0xffff;
	_ =	sdelay $0x4  }
0x2b6: {  	[tilespmem:$0x10DE0] =	vst v32  }
0x2b7: {  	v32 =	vld.idx.msk [tilespmem:v31+s20+$0x0], $0xffff;
	_ =	sdelay $0x4  }
0x2b8: {  	s13 =	sadd.s32 $0x80, s30;
	s14 =	simm.s32 $0x10C00;
	[tilespmem:$0x10DF0] =	vst v32  }
0x2b9: {  	[hbm4b:s13+s2] =	stream.linear.scatter [tilespmem:s14], [sflag:$0xF], $0x200, $0x38;
	[tilespmem:$0x11000] =	vst v63  }
0x2ba: {  	_ =	swait.ge [sflag:s7], $0x2000  }
0x2bb: {  	s4 =	sadd.s32 @!p0 $0x3800, s4;
	s6 =	simm.s32 @!p0 $0x200;
	[sflag:s7] =	ssyncset.done $0x0  }
0x2bc: {  	s8 =	simm.s32 @!p0 $0x400;
	s13 =	simm.s32 @!p0 $0xC000;
	[sflag:s7] =	ssyncadd.s32 $0xFFFFE000  }
0x2bd: {  	[tilespmem:s13], [sflag:$0x7] =	stream.strided.gather @!p0 [hbm4b:s4+s6], $0x2000, s8, s6, $0x38;
	[tilespmem:$0x11000] =	vst v63  }
0x2be: {  	_ =	swait.ge @p1 [sflag:s28], $0x200  }
0x2bf: {  	[sflag:s28] =	ssyncset.done @p1 $0x0  }
0x2c0: {  	[sflag:s28] =	ssyncadd.s32 @p1 $0xFFFFFE00  }
0x2c1: {  	v63 =	vld.idx.msk [tilespmem:v0+s22+$0x0], $0xffff;
	_ =	sdelay $0x4  }
0x2c2: {  	[tilespmem:$0x10E00] =	vst v63  }
0x2c3: {  	v32 =	vld.idx.msk [tilespmem:v1+s22+$0x0], $0xffff;
	_ =	sdelay $0x4  }
0x2c4: {  	[tilespmem:$0x10E10] =	vst v32  }
0x2c5: {  	v32 =	vld.idx.msk [tilespmem:v2+s22+$0x0], $0xffff;
	_ =	sdelay $0x4  }
0x2c6: {  	[tilespmem:$0x10E20] =	vst v32  }
0x2c7: {  	v32 =	vld.idx.msk [tilespmem:v3+s22+$0x0], $0xffff;
	_ =	sdelay $0x4  }
0x2c8: {  	[tilespmem:$0x10E30] =	vst v32  }
0x2c9: {  	v32 =	vld.idx.msk [tilespmem:v4+s22+$0x0], $0xffff;
	_ =	sdelay $0x4  }
0x2ca: {  	[tilespmem:$0x10E40] =	vst v32  }
0x2cb: {  	v32 =	vld.idx.msk [tilespmem:v5+s22+$0x0], $0xffff;
	_ =	sdelay $0x4  }
0x2cc: {  	[tilespmem:$0x10E50] =	vst v32  }
0x2cd: {  	v32 =	vld.idx.msk [tilespmem:v6+s22+$0x0], $0xffff;
	_ =	sdelay $0x4  }
0x2ce: {  	[tilespmem:$0x10E60] =	vst v32  }
0x2cf: {  	v32 =	vld.idx.msk [tilespmem:v7+s22+$0x0], $0xffff;
	_ =	sdelay $0x4  }
0x2d0: {  	[tilespmem:$0x10E70] =	vst v32  }
0x2d1: {  	v32 =	vld.idx.msk [tilespmem:v8+s22+$0x0], $0xffff;
	_ =	sdelay $0x4  }
0x2d2: {  	[tilespmem:$0x10E80] =	vst v32  }
0x2d3: {  	v32 =	vld.idx.msk [tilespmem:v9+s22+$0x0], $0xffff;
	_ =	sdelay $0x4  }
0x2d4: {  	[tilespmem:$0x10E90] =	vst v32  }
0x2d5: {  	v32 =	vld.idx.msk [tilespmem:v10+s22+$0x0], $0xffff;
	_ =	sdelay $0x4  }
0x2d6: {  	[tilespmem:$0x10EA0] =	vst v32  }
0x2d7: {  	v32 =	vld.idx.msk [tilespmem:v11+s22+$0x0], $0xffff;
	_ =	sdelay $0x4  }
0x2d8: {  	[tilespmem:$0x10EB0] =	vst v32  }
0x2d9: {  	v32 =	vld.idx.msk [tilespmem:v12+s22+$0x0], $0xffff;
	_ =	sdelay $0x4  }
0x2da: {  	[tilespmem:$0x10EC0] =	vst v32  }
0x2db: {  	v32 =	vld.idx.msk [tilespmem:v13+s22+$0x0], $0xffff;
	_ =	sdelay $0x4  }
0x2dc: {  	[tilespmem:$0x10ED0] =	vst v32  }
0x2dd: {  	v32 =	vld.idx.msk [tilespmem:v14+s22+$0x0], $0xffff;
	_ =	sdelay $0x4  }
0x2de: {  	[tilespmem:$0x10EE0] =	vst v32  }
0x2df: {  	v32 =	vld.idx.msk [tilespmem:v15+s22+$0x0], $0xffff;
	_ =	sdelay $0x4  }
0x2e0: {  	[tilespmem:$0x10EF0] =	vst v32  }
0x2e1: {  	v32 =	vld.idx.msk [tilespmem:v16+s22+$0x0], $0xffff;
	_ =	sdelay $0x4  }
0x2e2: {  	[tilespmem:$0x10F00] =	vst v32  }
0x2e3: {  	v32 =	vld.idx.msk [tilespmem:v17+s22+$0x0], $0xffff;
	_ =	sdelay $0x4  }
0x2e4: {  	[tilespmem:$0x10F10] =	vst v32  }
0x2e5: {  	v32 =	vld.idx.msk [tilespmem:v18+s22+$0x0], $0xffff;
	_ =	sdelay $0x4  }
0x2e6: {  	[tilespmem:$0x10F20] =	vst v32  }
0x2e7: {  	v32 =	vld.idx.msk [tilespmem:v19+s22+$0x0], $0xffff;
	_ =	sdelay $0x4  }
0x2e8: {  	[tilespmem:$0x10F30] =	vst v32  }
0x2e9: {  	v32 =	vld.idx.msk [tilespmem:v20+s22+$0x0], $0xffff;
	_ =	sdelay $0x4  }
0x2ea: {  	[tilespmem:$0x10F40] =	vst v32  }
0x2eb: {  	v32 =	vld.idx.msk [tilespmem:v21+s22+$0x0], $0xffff;
	_ =	sdelay $0x4  }
0x2ec: {  	[tilespmem:$0x10F50] =	vst v32  }
0x2ed: {  	v32 =	vld.idx.msk [tilespmem:v22+s22+$0x0], $0xffff;
	_ =	sdelay $0x4  }
0x2ee: {  	[tilespmem:$0x10F60] =	vst v32  }
0x2ef: {  	v32 =	vld.idx.msk [tilespmem:v23+s22+$0x0], $0xffff;
	_ =	sdelay $0x4  }
0x2f0: {  	[tilespmem:$0x10F70] =	vst v32  }
0x2f1: {  	v32 =	vld.idx.msk [tilespmem:v24+s22+$0x0], $0xffff;
	_ =	sdelay $0x4  }
0x2f2: {  	[tilespmem:$0x10F80] =	vst v32  }
0x2f3: {  	v32 =	vld.idx.msk [tilespmem:v25+s22+$0x0], $0xffff;
	_ =	sdelay $0x4  }
0x2f4: {  	[tilespmem:$0x10F90] =	vst v32  }
0x2f5: {  	v32 =	vld.idx.msk [tilespmem:v26+s22+$0x0], $0xffff;
	_ =	sdelay $0x4  }
0x2f6: {  	[tilespmem:$0x10FA0] =	vst v32  }
0x2f7: {  	v32 =	vld.idx.msk [tilespmem:v27+s22+$0x0], $0xffff;
	_ =	sdelay $0x4  }
0x2f8: {  	[tilespmem:$0x10FB0] =	vst v32  }
0x2f9: {  	v32 =	vld.idx.msk [tilespmem:v28+s22+$0x0], $0xffff;
	_ =	sdelay $0x4  }
0x2fa: {  	[tilespmem:$0x10FC0] =	vst v32  }
0x2fb: {  	v32 =	vld.idx.msk [tilespmem:v29+s22+$0x0], $0xffff;
	_ =	sdelay $0x4  }
0x2fc: {  	[tilespmem:$0x10FD0] =	vst v32  }
0x2fd: {  	v32 =	vld.idx.msk [tilespmem:v30+s22+$0x0], $0xffff;
	_ =	sdelay $0x4  }
0x2fe: {  	[tilespmem:$0x10FE0] =	vst v32  }
0x2ff: {  	s0 =	sadd.s32 $0x2000, s0;
	v32 =	vld.idx.msk [tilespmem:v31+s22+$0x0], $0xffff  }
0x300: {  	p0 =	sne.s32 s0, $0x20000  }
.Ltmp0:
0x301: {  	_ = 	snop;
	(pc) =	sbr.rel @p0 .LBB2_2-.Ltmp0, $3  }
0x302: {  	_ =	sdelay $0x1  }
0x303: {  	s14 =	simm.s32 $0x10E00;
	s13 =	sadd.s32 $0xC0, s30;
	s30 =	sadd.s32 $0x200, s30;
	[tilespmem:$0x10FF0] =	vst v32  }
0x304: {  	[hbm4b:s13+s2] =	stream.linear.scatter [tilespmem:s14], [sflag:$0x10], $0x200, $0x38;
	[tilespmem:$0x11000] =	vst v63  }
0x305: {  	s0 =	simm.s32 $0x9  }
0x306: {  	_ =	swait.ge [sflag:s0], $0x200  }
0x307: {  	[sflag:s0] =	ssyncset.done $0x0  }
0x308: {  	[sflag:s0] =	ssyncadd.s32 $0xFFFFFE00  }
0x309: {  	_ =	swait.ge [sflag:s10], $0x200  }
0x30a: {  	[sflag:s10] =	ssyncset.done $0x0  }
0x30b: {  	[sflag:s10] =	ssyncadd.s32 $0xFFFFFE00  }
0x30c: {  	_ =	swait.ge [sflag:s12], $0x200  }
0x30d: {  	[sflag:s12] =	ssyncset.done $0x0  }
0x30e: {  	[sflag:s12] =	ssyncadd.s32 $0xFFFFFE00  }
0x30f: {  	_ =	swait.ge [sflag:s3], $0x200  }
0x310: {  	[sflag:s3] =	ssyncset.done $0x0  }
0x311: {  	[sflag:s3] =	ssyncadd.s32 $0xFFFFFE00  }
0x312: {  	_ =	swait.ge [sflag:s9], $0x200  }
0x313: {  	[sflag:s9] =	ssyncset.done $0x0  }
0x314: {  	[sflag:s9] =	ssyncadd.s32 $0xFFFFFE00  }
0x315: {  	_ =	swait.ge [sflag:s23], $0x200  }
0x316: {  	[sflag:s23] =	ssyncset.done $0x0  }
0x317: {  	[sflag:s23] =	ssyncadd.s32 $0xFFFFFE00  }
0x318: {  	_ =	swait.ge [sflag:s25], $0x200  }
0x319: {  	[sflag:s25] =	ssyncset.done $0x0  }
0x31a: {  	[sflag:s25] =	ssyncadd.s32 $0xFFFFFE00  }
0x31b: {  	_ =	swait.ge [sflag:s28], $0x200  }
0x31c: {  	s4 =	rddreg [dreg:$0xc]  }
0x31d: {  	s30 =	rddreg [dreg:$0xa];
	s4 =	sadd.s32 $0x1, s4  }
0x31e: {  	p0 =	sne.s32 s4, s30  }
.Ltmp1:
0x31f: {  	_ = 	snop;
	(pc) =	sbr.rel @p0 .LBB2_1-.Ltmp1, $3  }
0x320: {  	_ =	sdelay $0x1  }
0x321: {  	[sflag:s28] =	ssyncset.done $0x0  }
0x322: {  	[sflag:s28] =	ssyncadd.s32 $0xFFFFFE00  }
0x323: {  	_ =	sfence.sel $0x180000  }
0x324: {  	[bflag:$0x0] =	sbarrier.arrive $0xFFFF  }
0x325: {  	_ =	strace $0x90000047  }
0x326: {  	s0 =	stileid.u32;
	[bflag:$0x2] =	sbarrier.arrive $0xFFFF  }
0x327: {  	p0 =	sne.s32 s0, $0x0;
	s0 =	rddreg [dreg:$0x2]  }
0x328: {  	s0 =	sadd.s32 @!p0 $0x100000, s0  }
0x329: {  	[sflag:s0] =	ssyncadd.tile.s32 @!p0 $0x1;
	_ =	shalt  }
.Lfunc_end2:
_tile_overlayer_lowered:
.L_overlay_start_2:
0x32a: {  	(tag) =	ssettag $0x2  }
0x32b: {  	s0 =	rddreg [dreg:$0x0];
	s2 =	stileid.u32  }
0x32c: {  	s1 =	rddreg [dreg:$0x1];
	p0 =	sne.s32 s2, $0x0  }
0x32d: {  	s3 =	rddreg [dreg:$0x2];
	[bflag:$0x3] =	sbarrier.arrive $0xFFFF;
	s2 =	simm.s32 @!p0 $0x1C11  }
0x32e: {  	[timem:s3], [sflag:s2] =	dma.local @!p0 [hbm:s0], s1  }
0x32f: {  	s0 =	simm.s32 @!p0 $0x11  }
0x330: {  	_ =	swait.ge @!p0 [sflag:s0], s1  }
0x331: {  	s1 =	ssub.s32 @!p0 $0x0, s1;
	[sflag:s0] =	ssyncset.done @!p0 $0x0  }
0x332: {  	[sflag:s0] =	ssyncadd.s32 @!p0 s1  }
0x333: {  	[bflag:$0x3] =	sbarrier.arrive $0xFFFF  }
0x334: {  	_ =	shalt  }

</sc_bundles>
